<compile_context>
chip_gen: v7x
topology: tpu7x:2x2x1
jax: 0.10.2.dev20260603
libtpu: 0.0.44.dev20260713+nightly
codegen_flags: <defaults>
</compile_context>

<pallas_src>
import jax
import jax.numpy as jnp
from jax import lax
from jax.experimental import pallas as pl
from jax.experimental.pallas import tpu as pltpu
from jax.experimental.pallas import tpu_sc as plsc

N = 10000
E = 320000
D = 128
NC, NS = 2, 16
NW = NC * NS
EPW = E // NW
CH = 40
NCHUNK = EPW // CH
NBUF = 5
ROWS_PT = 624
TAIL0 = ROWS_PT * NS
TAILN = N - TAIL0
ALIGN = 128
ALEN = EPW + ALIGN - 16

_sc_mesh = plsc.VectorSubcoreMesh(core_axis_name="c", subcore_axis_name="s")


def _deg_body(edge_hbm, hist_hbm, idx_v, hist_v, isem):
    c = lax.axis_index("c")
    s = lax.axis_index("s")
    wid = c * NS + s
    base = wid * EPW
    abase = (base // ALIGN) * ALIGN
    shift = base - abase
    cp = pltpu.async_copy(edge_hbm.at[:, pl.ds(abase, ALEN)], idx_v, isem)

    zeros16 = jnp.zeros((16,), jnp.float32)

    @pl.loop(0, N // 16)
    def _zero(i):
        hist_v[pl.ds(i * 16, 16)] = zeros16

    cp.wait()

    ones16 = jnp.ones((16,), jnp.float32)

    @pl.loop(0, EPW // 16)
    def _acc(i):
        idx = idx_v[1, pl.ds(shift + i * 16, 16)]
        plsc.addupdate_scatter(hist_v, [idx], ones16)

    pltpu.sync_copy(hist_v, hist_hbm.at[wid])


_deg_kernel = pl.kernel(
    _deg_body,
    out_type=jax.ShapeDtypeStruct((NW, N), jnp.float32),
    mesh=_sc_mesh,
    compiler_params=pltpu.CompilerParams(needs_layout_passes=False),
    scratch_types=[
        pltpu.VMEM((2, ALEN), jnp.int32),
        pltpu.VMEM((N,), jnp.float32),
        pltpu.SemaphoreType.DMA,
    ],
)


def _gs_body(yw_hbm, edge_hbm, parts_hbm,
             acc, idx_v, buf0, buf1, buf2, buf3, buf4,
             gsem0, gsem1, gsem2, gsem3, gsem4):
    c = lax.axis_index("c")
    s = lax.axis_index("s")
    wid = c * NS + s
    base = wid * EPW
    abase = (base // ALIGN) * ALIGN
    shift = base - abase
    pltpu.sync_copy(edge_hbm.at[:, pl.ds(abase, ALEN)], idx_v)
    src_v = idx_v.at[0]
    dst_v = idx_v.at[1]

    bufs = (buf0, buf1, buf2, buf3, buf4)
    gsems = (gsem0, gsem1, gsem2, gsem3, gsem4)

    zero16 = jnp.zeros((16,), jnp.float32)

    @pl.loop(0, CH)
    def _z(r):
        for f in range(D // 16):
            buf0[r, pl.ds(f * 16, 16)] = zero16

    row0 = s * ROWS_PT
    NZ = ROWS_PT // CH
    REM = ROWS_PT - NZ * CH

    @pl.loop(0, NZ)
    def _zi(i):
        pltpu.sync_copy(buf0, acc.at[pl.ds(row0 + i * CH, CH)])

    pltpu.sync_copy(buf0.at[pl.ds(0, REM)],
                    acc.at[pl.ds(row0 + NZ * CH, REM)])

    @pl.when(s == NS - 1)
    def _():
        pltpu.sync_copy(buf0.at[pl.ds(0, TAILN)],
                        acc.at[pl.ds(TAIL0, TAILN)])

    for b in range(NBUF):
        pltpu.async_copy(yw_hbm.at[src_v.at[pl.ds(shift + b * CH, CH)]],
                         bufs[b], gsems[b])

    plsc.subcore_barrier()

    @pl.loop(0, NCHUNK, step=NBUF)
    def _main(j):
        for b in range(NBUF):
            k = j + b
            pltpu.make_async_copy(
                yw_hbm.at[src_v.at[pl.ds(shift + k * CH, CH)]],
                bufs[b], gsems[b]).wait()
            pltpu.sync_copy(bufs[b],
                            acc.at[dst_v.at[pl.ds(shift + k * CH, CH)]],
                            add=True)

            @pl.when(k + NBUF < NCHUNK)
            def _():
                pltpu.async_copy(
                    yw_hbm.at[src_v.at[pl.ds(shift + (k + NBUF) * CH, CH)]],
                    bufs[b], gsems[b])

    plsc.subcore_barrier()
    pltpu.sync_copy(acc.at[pl.ds(row0, ROWS_PT)],
                    parts_hbm.at[c, pl.ds(row0, ROWS_PT)])

    @pl.when(s == NS - 1)
    def _():
        pltpu.sync_copy(acc.at[pl.ds(TAIL0, TAILN)],
                        parts_hbm.at[c, pl.ds(TAIL0, TAILN)])


_gs_kernel = pl.kernel(
    _gs_body,
    out_type=jax.ShapeDtypeStruct((NC, N, D), jnp.float32),
    mesh=_sc_mesh,
    compiler_params=pltpu.CompilerParams(use_tc_tiling_on_sc=False),
    scratch_types=[
        pltpu.VMEM_SHARED((N, D), jnp.float32),
        pltpu.VMEM((2, ALEN), jnp.int32),
        pltpu.VMEM((CH, D), jnp.float32),
        pltpu.VMEM((CH, D), jnp.float32),
        pltpu.VMEM((CH, D), jnp.float32),
        pltpu.VMEM((CH, D), jnp.float32),
        pltpu.VMEM((CH, D), jnp.float32),
        pltpu.SemaphoreType.DMA,
        pltpu.SemaphoreType.DMA,
        pltpu.SemaphoreType.DMA,
        pltpu.SemaphoreType.DMA,
        pltpu.SemaphoreType.DMA,
    ],
)


_RB = 2000


def _mm0_body(x_ref, w_ref, out_ref):
    out_ref[...] = jnp.dot(x_ref[...], w_ref[...],
                           preferred_element_type=jnp.float32)


def _mm0_kernel(x, W):
    grid = (N // _RB,)
    return pl.pallas_call(
        _mm0_body,
        grid=grid,
        in_specs=[
            pl.BlockSpec((_RB, D), lambda i: (i, 0)),
            pl.BlockSpec((D, D), lambda i: (0, 0)),
        ],
        out_specs=pl.BlockSpec((_RB, D), lambda i: (i, 0)),
        out_shape=jax.ShapeDtypeStruct((N, D), jnp.float32),
    )(x, W)


def _scale_body(hist_ref, xw_ref, dis_ref, yw_ref):
    deg = 1.0 + jnp.sum(hist_ref[...], axis=0)
    dis = lax.rsqrt(deg)[:, None]
    dis_ref[...] = dis
    yw_ref[...] = dis * xw_ref[...]


def _scale_kernel(hist, xw):
    return pl.pallas_call(
        _scale_body,
        out_shape=[
            jax.ShapeDtypeStruct((N, 1), jnp.float32),
            jax.ShapeDtypeStruct((N, D), jnp.float32),
        ],
    )(hist, xw)


def _mid_body(p_ref, yw_ref, dis_ref, b_ref, w_ref, out_ref):
    dis = dis_ref[...]
    t = dis * (p_ref[0] + p_ref[1] + yw_ref[...]) + b_ref[...]
    t = jnp.maximum(t, 0.0)
    tw = jnp.dot(t, w_ref[...], preferred_element_type=jnp.float32)
    out_ref[...] = dis * tw


def _mid_kernel(parts, yw, dis, b, W):
    grid = (N // _RB,)
    return pl.pallas_call(
        _mid_body,
        grid=grid,
        in_specs=[
            pl.BlockSpec((NC, _RB, D), lambda i: (0, i, 0)),
            pl.BlockSpec((_RB, D), lambda i: (i, 0)),
            pl.BlockSpec((_RB, 1), lambda i: (i, 0)),
            pl.BlockSpec((1, D), lambda i: (0, 0)),
            pl.BlockSpec((D, D), lambda i: (0, 0)),
        ],
        out_specs=pl.BlockSpec((_RB, D), lambda i: (i, 0)),
        out_shape=jax.ShapeDtypeStruct((N, D), jnp.float32),
    )(parts, yw, dis, b, W)


def _final_body(p_ref, yw_ref, dis_ref, b_ref, out_ref):
    out_ref[...] = (dis_ref[...] * (p_ref[0] + p_ref[1] + yw_ref[...])
                    + b_ref[...])


def _final_kernel(parts, yw, dis, b):
    grid = (N // _RB,)
    return pl.pallas_call(
        _final_body,
        grid=grid,
        in_specs=[
            pl.BlockSpec((NC, _RB, D), lambda i: (0, i, 0)),
            pl.BlockSpec((_RB, D), lambda i: (i, 0)),
            pl.BlockSpec((_RB, 1), lambda i: (i, 0)),
            pl.BlockSpec((1, D), lambda i: (0, 0)),
        ],
        out_specs=pl.BlockSpec((_RB, D), lambda i: (i, 0)),
        out_shape=jax.ShapeDtypeStruct((N, D), jnp.float32),
    )(parts, yw, dis, b)


def kernel(x, edge_index, W0, b0, W1, b1, W2, b2, W3, b3, W4, b4):
    hist = _deg_kernel(edge_index)
    xw0 = _mm0_kernel(x, W0)
    dis, yw = _scale_kernel(hist, xw0)

    bs = [b0.reshape(1, D), b1.reshape(1, D), b2.reshape(1, D),
          b3.reshape(1, D), b4.reshape(1, D)]
    Ws = [W0, W1, W2, W3, W4]
    for l in range(4):
        parts = _gs_kernel(yw, edge_index)
        yw = _mid_kernel(parts, yw, dis, bs[l], Ws[l + 1])
    parts = _gs_kernel(yw, edge_index)
    return _final_kernel(parts, yw, dis, bs[4])

# --- scband reference (transcript-rebuilt; emitter-appended) ---
"""Pipeline reference for scband-gnnmodel-20229295964421 (READ-ONLY COPY).

The authoritative reference and input builder live on the scoring server;
editing this copy changes nothing except your own understanding.
"""

import jax, jax.numpy as jnp
import numpy as np

N = 10000
E = 320000
DIMS = [128, 128, 128, 128, 128, 128]  # feature_dim -> hidden x4 -> output


def setup_inputs(seed: int = 0) -> dict:
    key = jax.random.key(seed)
    ks = jax.random.split(key, 2 + 2 * 5)
    inp = {}
    inp['x'] = jax.random.normal(ks[0], (N, DIMS[0]), dtype=jnp.float32)
    inp['edge_index'] = jax.random.randint(ks[1], (2, E), 0, N, dtype=jnp.int32)
    for i in range(5):
        fan_in = DIMS[i]
        inp[f'W{i}'] = jax.random.normal(ks[2 + 2 * i], (DIMS[i], DIMS[i + 1]), dtype=jnp.float32) * (1.0 / np.sqrt(fan_in))
        inp[f'b{i}'] = jnp.zeros((DIMS[i + 1],), dtype=jnp.float32)
    return inp


def gcn_conv(x, src, dst, W, b):
    # PyG GCNConv: add self-loops, symmetric deg^{-1/2} normalization, then linear + bias
    n = x.shape[0]
    deg = jnp.zeros((n,), dtype=x.dtype).at[dst].add(1.0)
    deg_inv_sqrt = jnp.where(deg > 0, 1.0 / jnp.sqrt(deg), 0.0)
    norm = deg_inv_sqrt[src] * deg_inv_sqrt[dst]
    xw = x @ W
    msg = jnp.take(xw, src, axis=0) * norm[:, None]
    out = jnp.zeros((n, xw.shape[1]), dtype=x.dtype).at[dst].add(msg)
    return out + b


def reference(x, edge_index, W0, b0, W1, b1, W2, b2, W3, b3, W4, b4):
    n = x.shape[0]
    loop = jnp.arange(n, dtype=edge_index.dtype)
    src = jnp.concatenate([edge_index[0], loop])
    dst = jnp.concatenate([edge_index[1], loop])
    Ws = [W0, W1, W2, W3, W4]
    bs = [b0, b1, b2, b3, b4]
    h = x
    for i in range(4):
        h = gcn_conv(h, src, dst, Ws[i], bs[i])
        h = jax.nn.relu(h)
        # dropout is identity in eval mode (F.dropout with training=False)
    h = gcn_conv(h, src, dst, Ws[4], bs[4])
    return h

if __name__ == "__main__":
    import jax
    _d = setup_inputs()
    print(jax.jit(kernel)(*tuple(_d.values())))

</pallas_src>

<mosaic_0001>
#map = affine_map<(d0, d1) -> (0, 0)>
#map1 = affine_map<(d0, d1) -> (0, 0, 0)>
module attributes {stable_mosaic.version = 14 : i64} {
  func.func @_gs_body(%arg0: i32, %arg1: i32, %arg2: memref<10000x128xf32, #tpu.memory_space<hbm>>, %arg3: memref<2x320000xi32, #tpu.memory_space<hbm>>, %arg4: memref<2x10000x128xf32, #tpu.memory_space<hbm>>, %arg5: memref<10000x128xf32, #tpu.memory_space<vmem_shared>>, %arg6: memref<2x10112xi32, #tpu.memory_space<vmem>>, %arg7: memref<40x128xf32, #tpu.memory_space<vmem>>, %arg8: memref<40x128xf32, #tpu.memory_space<vmem>>, %arg9: memref<40x128xf32, #tpu.memory_space<vmem>>, %arg10: memref<40x128xf32, #tpu.memory_space<vmem>>, %arg11: memref<40x128xf32, #tpu.memory_space<vmem>>, %arg12: memref<!tpu.dma_semaphore, #tpu.memory_space<semaphore_mem>>, %arg13: memref<!tpu.dma_semaphore, #tpu.memory_space<semaphore_mem>>, %arg14: memref<!tpu.dma_semaphore, #tpu.memory_space<semaphore_mem>>, %arg15: memref<!tpu.dma_semaphore, #tpu.memory_space<semaphore_mem>>, %arg16: memref<!tpu.dma_semaphore, #tpu.memory_space<semaphore_mem>>) attributes {dimension_semantics = [#tpu.dimension_semantics<core_parallel>, #tpu.dimension_semantics<subcore_parallel>], iteration_bounds = array<i64: 2, 16>, scalar_prefetch = 0 : i64, scratch_operands = 12 : i64, tpu.core_type = #tpu.core_type<sc_vector_subcore>, window_params = [{transform_indices = #map}, {transform_indices = #map}, {transform_indices = #map1}]} {
    %mul3A = arith.constant 16 : i32
    %mul3A_0 = arith.muli %arg0, %mul3A : i32
    %add3A = arith.addi %mul3A_0, %arg1 : i32
    %mul3A_1 = arith.constant 10000 : i32
    %mul3A_2 = arith.muli %add3A, %mul3A_1 : i32
    %jit3A = arith.constant 128 : i32
    %div3A = arith.divsi %mul3A_2, %jit3A : i32
    %sign3A = arith.constant 0 : i32
    %sign3A_3 = arith.cmpi sgt, %mul3A_2, %sign3A : i32
    %sign3A_4 = arith.extui %sign3A_3 : i1 to i32
    %sign3A_5 = arith.constant 0 : i32
    %sign3A_6 = arith.cmpi slt, %mul3A_2, %sign3A_5 : i32
    %sign3A_7 = arith.extui %sign3A_6 : i1 to i32
    %sign3A_8 = arith.subi %sign3A_4, %sign3A_7 : i32
    %sign3A_9 = arith.constant 0 : i32
    %sign3A_10 = arith.cmpi sgt, %jit3A, %sign3A_9 : i32
    %sign3A_11 = arith.extui %sign3A_10 : i1 to i32
    %sign3A_12 = arith.constant 0 : i32
    %sign3A_13 = arith.cmpi slt, %jit3A, %sign3A_12 : i32
    %sign3A_14 = arith.extui %sign3A_13 : i1 to i32
    %sign3A_15 = arith.subi %sign3A_11, %sign3A_14 : i32
    %ne3A = arith.cmpi ne, %sign3A_8, %sign3A_15 : i32
    %rem3A = arith.remsi %mul3A_2, %jit3A : i32
    %ne3A_16 = arith.constant 0 : i32
    %ne3A_17 = arith.cmpi ne, %rem3A, %ne3A_16 : i32
    %and3A = arith.andi %ne3A, %ne3A_17 : i1
    %sub3A = arith.constant 1 : i32
    %sub3A_18 = arith.subi %div3A, %sub3A : i32
    %select_n3A = arith.select %and3A, %sub3A_18, %div3A : i32
    %mul3A_19 = arith.constant 128 : i32
    %mul3A_20 = arith.muli %select_n3A, %mul3A_19 : i32
    %sub3A_21 = arith.subi %mul3A_2, %mul3A_20 : i32
    "tpu.region"() ({
      %run_scoped3A = tpu.sem_alloc : memref<!tpu.dma_semaphore, #tpu.memory_space<semaphore_mem>>
      %dma_start3A_100 = arith.constant 0 : i32
      %dma_start3A_101 = tpu.memref_slice %arg3[%dma_start3A_100, %mul3A_20] : memref<2x320000xi32, #tpu.memory_space<hbm>> -> memref<2x10112xi32, #tpu.memory_space<hbm>>
      %dma_start3A_102 = arith.constant 0 : i32
      %dma_start3A_103 = tpu.memref_slice %arg3[%dma_start3A_102, %mul3A_20] : memref<2x320000xi32, #tpu.memory_space<hbm>> -> memref<2x10112xi32, #tpu.memory_space<hbm>>
      tpu.enqueue_dma source(%dma_start3A_103 : memref<2x10112xi32, #tpu.memory_space<hbm>>) target(%arg6 : memref<2x10112xi32, #tpu.memory_space<vmem>>) target_semaphore(%run_scoped3A : memref<!tpu.dma_semaphore, #tpu.memory_space<semaphore_mem>>)
      %dma_wait3A = arith.constant 0 : i32
      %dma_wait3A_104 = tpu.memref_slice %arg3[%dma_wait3A, %mul3A_20] : memref<2x320000xi32, #tpu.memory_space<hbm>> -> memref<2x10112xi32, #tpu.memory_space<hbm>>
      %dma_wait3A_105 = arith.constant 0 : i32
      %dma_wait3A_106 = tpu.memref_slice %arg3[%dma_wait3A_105, %mul3A_20] : memref<2x320000xi32, #tpu.memory_space<hbm>> -> memref<2x10112xi32, #tpu.memory_space<hbm>>
      tpu.wait_dma2 semaphore(%run_scoped3A : memref<!tpu.dma_semaphore, #tpu.memory_space<semaphore_mem>>) src(%dma_wait3A_106 : memref<2x10112xi32, #tpu.memory_space<hbm>>) dst(%arg6 : memref<2x10112xi32, #tpu.memory_space<vmem>>)
      tpu.yield
    }) : () -> ()
    %broadcast_in_dim3A = arith.constant 0.000000e+00 : f32
    %broadcast_in_dim3A_22 = vector.broadcast %broadcast_in_dim3A : f32 to vector<16xf32>
    %scan3A = arith.constant 0 : i32
    %scan3A_23 = arith.constant 40 : i32
    %scan3A_24 = arith.addi %scan3A, %scan3A_23 : i32
    %scan3A_25 = arith.constant 1 : i32
    scf.for %scan3A_100 = %scan3A to %scan3A_24 step %scan3A_25  : i32 {
      %mul3A_101 = arith.constant 1 : i32
      %mul3A_102 = arith.muli %scan3A_100, %mul3A_101 : i32
      %add3A_103 = arith.constant 0 : i32
      %add3A_104 = arith.addi %add3A_103, %mul3A_102 : i32
      %swap3A = arith.index_cast %add3A_104 : i32 to index
      %swap3A_105 = arith.constant 0 : index
      %swap3A_106 = tpu.vector_load %arg7[%swap3A, %swap3A_105] {strides = array<i32>} : memref<40x128xf32, #tpu.memory_space<vmem>>, vector<1x16xf32>,
      %swap3A_107 = vector.shape_cast %swap3A_106 : vector<1x16xf32> to vector<16xf32>
      %swap3A_108 = vector.shape_cast %broadcast_in_dim3A_22 : vector<16xf32> to vector<1x16xf32>
      tpu.vector_store %arg7[%swap3A, %swap3A_105], %swap3A_108 {strides = array<i32>} : memref<40x128xf32, #tpu.memory_space<vmem>>, vector<1x16xf32>,
      %swap3A_109 = arith.index_cast %add3A_104 : i32 to index
      %swap3A_110 = arith.constant 16 : index
      %swap3A_111 = tpu.vector_load %arg7[%swap3A_109, %swap3A_110] {strides = array<i32>} : memref<40x128xf32, #tpu.memory_space<vmem>>, vector<1x16xf32>,
      %swap3A_112 = vector.shape_cast %swap3A_111 : vector<1x16xf32> to vector<16xf32>
      %swap3A_113 = vector.shape_cast %broadcast_in_dim3A_22 : vector<16xf32> to vector<1x16xf32>
      tpu.vector_store %arg7[%swap3A_109, %swap3A_110], %swap3A_113 {strides = array<i32>} : memref<40x128xf32, #tpu.memory_space<vmem>>, vector<1x16xf32>,
      %swap3A_114 = arith.index_cast %add3A_104 : i32 to index
      %swap3A_115 = arith.constant 32 : index
      %swap3A_116 = tpu.vector_load %arg7[%swap3A_114, %swap3A_115] {strides = array<i32>} : memref<40x128xf32, #tpu.memory_space<vmem>>, vector<1x16xf32>,
      %swap3A_117 = vector.shape_cast %swap3A_116 : vector<1x16xf32> to vector<16xf32>
      %swap3A_118 = vector.shape_cast %broadcast_in_dim3A_22 : vector<16xf32> to vector<1x16xf32>
      tpu.vector_store %arg7[%swap3A_114, %swap3A_115], %swap3A_118 {strides = array<i32>} : memref<40x128xf32, #tpu.memory_space<vmem>>, vector<1x16xf32>,
      %swap3A_119 = arith.index_cast %add3A_104 : i32 to index
      %swap3A_120 = arith.constant 48 : index
      %swap3A_121 = tpu.vector_load %arg7[%swap3A_119, %swap3A_120] {strides = array<i32>} : memref<40x128xf32, #tpu.memory_space<vmem>>, vector<1x16xf32>,
      %swap3A_122 = vector.shape_cast %swap3A_121 : vector<1x16xf32> to vector<16xf32>
      %swap3A_123 = vector.shape_cast %broadcast_in_dim3A_22 : vector<16xf32> to vector<1x16xf32>
      tpu.vector_store %arg7[%swap3A_119, %swap3A_120], %swap3A_123 {strides = array<i32>} : memref<40x128xf32, #tpu.memory_space<vmem>>, vector<1x16xf32>,
      %swap3A_124 = arith.index_cast %add3A_104 : i32 to index
      %swap3A_125 = arith.constant 64 : index
      %swap3A_126 = tpu.vector_load %arg7[%swap3A_124, %swap3A_125] {strides = array<i32>} : memref<40x128xf32, #tpu.memory_space<vmem>>, vector<1x16xf32>,
      %swap3A_127 = vector.shape_cast %swap3A_126 : vector<1x16xf32> to vector<16xf32>
      %swap3A_128 = vector.shape_cast %broadcast_in_dim3A_22 : vector<16xf32> to vector<1x16xf32>
      tpu.vector_store %arg7[%swap3A_124, %swap3A_125], %swap3A_128 {strides = array<i32>} : memref<40x128xf32, #tpu.memory_space<vmem>>, vector<1x16xf32>,
      %swap3A_129 = arith.index_cast %add3A_104 : i32 to index
      %swap3A_130 = arith.constant 80 : index
      %swap3A_131 = tpu.vector_load %arg7[%swap3A_129, %swap3A_130] {strides = array<i32>} : memref<40x128xf32, #tpu.memory_space<vmem>>, vector<1x16xf32>,
      %swap3A_132 = vector.shape_cast %swap3A_131 : vector<1x16xf32> to vector<16xf32>
      %swap3A_133 = vector.shape_cast %broadcast_in_dim3A_22 : vector<16xf32> to vector<1x16xf32>
      tpu.vector_store %arg7[%swap3A_129, %swap3A_130], %swap3A_133 {strides = array<i32>} : memref<40x128xf32, #tpu.memory_space<vmem>>, vector<1x16xf32>,
      %swap3A_134 = arith.index_cast %add3A_104 : i32 to index
      %swap3A_135 = arith.constant 96 : index
      %swap3A_136 = tpu.vector_load %arg7[%swap3A_134, %swap3A_135] {strides = array<i32>} : memref<40x128xf32, #tpu.memory_space<vmem>>, vector<1x16xf32>,
      %swap3A_137 = vector.shape_cast %swap3A_136 : vector<1x16xf32> to vector<16xf32>
      %swap3A_138 = vector.shape_cast %broadcast_in_dim3A_22 : vector<16xf32> to vector<1x16xf32>
      tpu.vector_store %arg7[%swap3A_134, %swap3A_135], %swap3A_138 {strides = array<i32>} : memref<40x128xf32, #tpu.memory_space<vmem>>, vector<1x16xf32>,
      %swap3A_139 = arith.index_cast %add3A_104 : i32 to index
      %swap3A_140 = arith.constant 112 : index
      %swap3A_141 = tpu.vector_load %arg7[%swap3A_139, %swap3A_140] {strides = array<i32>} : memref<40x128xf32, #tpu.memory_space<vmem>>, vector<1x16xf32>,
      %swap3A_142 = vector.shape_cast %swap3A_141 : vector<1x16xf32> to vector<16xf32>
      %swap3A_143 = vector.shape_cast %broadcast_in_dim3A_22 : vector<16xf32> to vector<1x16xf32>
      tpu.vector_store %arg7[%swap3A_139, %swap3A_140], %swap3A_143 {strides = array<i32>} : memref<40x128xf32, #tpu.memory_space<vmem>>, vector<1x16xf32>,
    }
    %scan3A_26 = arith.constant 40 : i32
    %mul3A_27 = arith.constant 624 : i32
    %mul3A_28 = arith.muli %arg1, %mul3A_27 : i32
    %scan3A_29 = arith.constant 0 : i32
    %scan3A_30 = arith.constant 15 : i32
    %scan3A_31 = arith.addi %scan3A_29, %scan3A_30 : i32
    %scan3A_32 = arith.constant 1 : i32
    scf.for %scan3A_100 = %scan3A_29 to %scan3A_31 step %scan3A_32  : i32 {
      %mul3A_101 = arith.constant 1 : i32
      %mul3A_102 = arith.muli %scan3A_100, %mul3A_101 : i32
      %add3A_103 = arith.constant 0 : i32
      %add3A_104 = arith.addi %add3A_103, %mul3A_102 : i32
      %mul3A_105 = arith.constant 40 : i32
      %mul3A_106 = arith.muli %add3A_104, %mul3A_105 : i32
      %add3A_107 = arith.addi %mul3A_28, %mul3A_106 : i32
      "tpu.region"() ({
        %run_scoped3A = tpu.sem_alloc : memref<!tpu.dma_semaphore, #tpu.memory_space<semaphore_mem>>
        %dma_start3A_108 = arith.constant 0 : i32
        %dma_start3A_109 = tpu.memref_slice %arg5[%add3A_107, %dma_start3A_108] : memref<10000x128xf32, #tpu.memory_space<vmem_shared>> -> memref<40x128xf32, #tpu.memory_space<vmem_shared>>
        %dma_start3A_110 = arith.constant 0 : i32
        %dma_start3A_111 = tpu.memref_slice %arg5[%add3A_107, %dma_start3A_110] : memref<10000x128xf32, #tpu.memory_space<vmem_shared>> -> memref<40x128xf32, #tpu.memory_space<vmem_shared>>
        tpu.enqueue_dma source(%arg7 : memref<40x128xf32, #tpu.memory_space<vmem>>) target(%dma_start3A_111 : memref<40x128xf32, #tpu.memory_space<vmem_shared>>) target_semaphore(%run_scoped3A : memref<!tpu.dma_semaphore, #tpu.memory_space<semaphore_mem>>)
        %dma_wait3A = arith.constant 0 : i32
        %dma_wait3A_112 = tpu.memref_slice %arg5[%add3A_107, %dma_wait3A] : memref<10000x128xf32, #tpu.memory_space<vmem_shared>> -> memref<40x128xf32, #tpu.memory_space<vmem_shared>>
        %dma_wait3A_113 = arith.constant 0 : i32
        %dma_wait3A_114 = tpu.memref_slice %arg5[%add3A_107, %dma_wait3A_113] : memref<10000x128xf32, #tpu.memory_space<vmem_shared>> -> memref<40x128xf32, #tpu.memory_space<vmem_shared>>
        tpu.wait_dma2 semaphore(%run_scoped3A : memref<!tpu.dma_semaphore, #tpu.memory_space<semaphore_mem>>) src(%arg7 : memref<40x128xf32, #tpu.memory_space<vmem>>) dst(%dma_wait3A_114 : memref<40x128xf32, #tpu.memory_space<vmem_shared>>)
        tpu.yield
      }) : () -> ()
    }
    %scan3A_33 = arith.constant 15 : i32
    %add3A_34 = arith.constant 600 : i32
    %add3A_35 = arith.addi %mul3A_28, %add3A_34 : i32
    "tpu.region"() ({
      %run_scoped3A = tpu.sem_alloc : memref<!tpu.dma_semaphore, #tpu.memory_space<semaphore_mem>>
      %dma_start3A_100 = arith.constant 0 : i32
      %dma_start3A_101 = arith.constant 0 : i32
      %dma_start3A_102 = tpu.memref_slice %arg7[%dma_start3A_100, %dma_start3A_101] : memref<40x128xf32, #tpu.memory_space<vmem>> -> memref<24x128xf32, #tpu.memory_space<vmem>>
      %dma_start3A_103 = arith.constant 0 : i32
      %dma_start3A_104 = tpu.memref_slice %arg5[%add3A_35, %dma_start3A_103] : memref<10000x128xf32, #tpu.memory_space<vmem_shared>> -> memref<24x128xf32, #tpu.memory_space<vmem_shared>>
      %dma_start3A_105 = arith.constant 0 : i32
      %dma_start3A_106 = tpu.memref_slice %arg5[%add3A_35, %dma_start3A_105] : memref<10000x128xf32, #tpu.memory_space<vmem_shared>> -> memref<24x128xf32, #tpu.memory_space<vmem_shared>>
      %dma_start3A_107 = arith.constant 0 : i32
      %dma_start3A_108 = arith.constant 0 : i32
      %dma_start3A_109 = tpu.memref_slice %arg7[%dma_start3A_107, %dma_start3A_108] : memref<40x128xf32, #tpu.memory_space<vmem>> -> memref<24x128xf32, #tpu.memory_space<vmem>>
      tpu.enqueue_dma source(%dma_start3A_109 : memref<24x128xf32, #tpu.memory_space<vmem>>) target(%dma_start3A_106 : memref<24x128xf32, #tpu.memory_space<vmem_shared>>) target_semaphore(%run_scoped3A : memref<!tpu.dma_semaphore, #tpu.memory_space<semaphore_mem>>)
      %dma_wait3A = arith.constant 0 : i32
      %dma_wait3A_110 = arith.constant 0 : i32
      %dma_wait3A_111 = tpu.memref_slice %arg7[%dma_wait3A, %dma_wait3A_110] : memref<40x128xf32, #tpu.memory_space<vmem>> -> memref<24x128xf32, #tpu.memory_space<vmem>>
      %dma_wait3A_112 = arith.constant 0 : i32
      %dma_wait3A_113 = tpu.memref_slice %arg5[%add3A_35, %dma_wait3A_112] : memref<10000x128xf32, #tpu.memory_space<vmem_shared>> -> memref<24x128xf32, #tpu.memory_space<vmem_shared>>
      %dma_wait3A_114 = arith.constant 0 : i32
      %dma_wait3A_115 = tpu.memref_slice %arg5[%add3A_35, %dma_wait3A_114] : memref<10000x128xf32, #tpu.memory_space<vmem_shared>> -> memref<24x128xf32, #tpu.memory_space<vmem_shared>>
      %dma_wait3A_116 = arith.constant 0 : i32
      %dma_wait3A_117 = arith.constant 0 : i32
      %dma_wait3A_118 = tpu.memref_slice %arg7[%dma_wait3A_116, %dma_wait3A_117] : memref<40x128xf32, #tpu.memory_space<vmem>> -> memref<24x128xf32, #tpu.memory_space<vmem>>
      tpu.wait_dma2 semaphore(%run_scoped3A : memref<!tpu.dma_semaphore, #tpu.memory_space<semaphore_mem>>) src(%dma_wait3A_118 : memref<24x128xf32, #tpu.memory_space<vmem>>) dst(%dma_wait3A_115 : memref<24x128xf32, #tpu.memory_space<vmem_shared>>)
      tpu.yield
    }) : () -> ()
    %eq3A = arith.constant 15 : i32
    %eq3A_36 = arith.cmpi eq, %arg1, %eq3A : i32
    %convert_element_type3A = arith.extui %eq3A_36 : i1 to i32
    %cond3A = arith.constant 0 : i32
    %cond3A_37 = arith.cmpi ne, %convert_element_type3A, %cond3A : i32
    scf.if %cond3A_37 {
      "tpu.region"() ({
        %run_scoped3A = tpu.sem_alloc : memref<!tpu.dma_semaphore, #tpu.memory_space<semaphore_mem>>
        %dma_start3A_100 = arith.constant 0 : i32
        %dma_start3A_101 = arith.constant 0 : i32
        %dma_start3A_102 = tpu.memref_slice %arg7[%dma_start3A_100, %dma_start3A_101] : memref<40x128xf32, #tpu.memory_space<vmem>> -> memref<16x128xf32, #tpu.memory_space<vmem>>
        %dma_start3A_103 = arith.constant 9984 : i32
        %dma_start3A_104 = arith.constant 0 : i32
        %dma_start3A_105 = tpu.memref_slice %arg5[%dma_start3A_103, %dma_start3A_104] : memref<10000x128xf32, #tpu.memory_space<vmem_shared>> -> memref<16x128xf32, #tpu.memory_space<vmem_shared>>
        %dma_start3A_106 = arith.constant 9984 : i32
        %dma_start3A_107 = arith.constant 0 : i32
        %dma_start3A_108 = tpu.memref_slice %arg5[%dma_start3A_106, %dma_start3A_107] : memref<10000x128xf32, #tpu.memory_space<vmem_shared>> -> memref<16x128xf32, #tpu.memory_space<vmem_shared>>
        %dma_start3A_109 = arith.constant 0 : i32
        %dma_start3A_110 = arith.constant 0 : i32
        %dma_start3A_111 = tpu.memref_slice %arg7[%dma_start3A_109, %dma_start3A_110] : memref<40x128xf32, #tpu.memory_space<vmem>> -> memref<16x128xf32, #tpu.memory_space<vmem>>
        tpu.enqueue_dma source(%dma_start3A_111 : memref<16x128xf32, #tpu.memory_space<vmem>>) target(%dma_start3A_108 : memref<16x128xf32, #tpu.memory_space<vmem_shared>>) target_semaphore(%run_scoped3A : memref<!tpu.dma_semaphore, #tpu.memory_space<semaphore_mem>>)
        %dma_wait3A = arith.constant 0 : i32
        %dma_wait3A_112 = arith.constant 0 : i32
        %dma_wait3A_113 = tpu.memref_slice %arg7[%dma_wait3A, %dma_wait3A_112] : memref<40x128xf32, #tpu.memory_space<vmem>> -> memref<16x128xf32, #tpu.memory_space<vmem>>
        %dma_wait3A_114 = arith.constant 9984 : i32
        %dma_wait3A_115 = arith.constant 0 : i32
        %dma_wait3A_116 = tpu.memref_slice %arg5[%dma_wait3A_114, %dma_wait3A_115] : memref<10000x128xf32, #tpu.memory_space<vmem_shared>> -> memref<16x128xf32, #tpu.memory_space<vmem_shared>>
        %dma_wait3A_117 = arith.constant 9984 : i32
        %dma_wait3A_118 = arith.constant 0 : i32
        %dma_wait3A_119 = tpu.memref_slice %arg5[%dma_wait3A_117, %dma_wait3A_118] : memref<10000x128xf32, #tpu.memory_space<vmem_shared>> -> memref<16x128xf32, #tpu.memory_space<vmem_shared>>
        %dma_wait3A_120 = arith.constant 0 : i32
        %dma_wait3A_121 = arith.constant 0 : i32
        %dma_wait3A_122 = tpu.memref_slice %arg7[%dma_wait3A_120, %dma_wait3A_121] : memref<40x128xf32, #tpu.memory_space<vmem>> -> memref<16x128xf32, #tpu.memory_space<vmem>>
        tpu.wait_dma2 semaphore(%run_scoped3A : memref<!tpu.dma_semaphore, #tpu.memory_space<semaphore_mem>>) src(%dma_wait3A_122 : memref<16x128xf32, #tpu.memory_space<vmem>>) dst(%dma_wait3A_119 : memref<16x128xf32, #tpu.memory_space<vmem_shared>>)
        tpu.yield
      }) : () -> ()
    } else {
    }
    %add3A_38 = arith.constant 0 : i32
    %add3A_39 = arith.addi %sub3A_21, %add3A_38 : i32
    %dma_start3A = arith.constant 0 : i32
    %dma_start3A_40 = arith.constant 0 : i32
    %dma_start3A_41 = tpu.memref_slice %arg6[%dma_start3A, %dma_start3A_40] : memref<2x10112xi32, #tpu.memory_space<vmem>> -> memref<1x10112xi32, #tpu.memory_space<vmem>>
    %dma_start3A_42 = tpu.memref_squeeze %dma_start3A_41 : memref<1x10112xi32, #tpu.memory_space<vmem>> -> memref<10112xi32, #tpu.memory_space<vmem>>
    %dma_start3A_43 = tpu.memref_slice %dma_start3A_42[%add3A_39] : memref<10112xi32, #tpu.memory_space<vmem>> -> memref<40xi32, #tpu.memory_space<vmem>>
    %dma_start3A_44 = arith.constant 0 : i32
    %dma_start3A_45 = arith.constant 0 : i32
    %dma_start3A_46 = tpu.memref_slice %arg2[%dma_start3A_44, %dma_start3A_45] : memref<10000x128xf32, #tpu.memory_space<hbm>> -> memref<10000x128xf32, #tpu.memory_space<hbm>>
    tpu.enqueue_indirect_dma source(%dma_start3A_46 : memref<10000x128xf32, #tpu.memory_space<hbm>>) target(%arg7 : memref<40x128xf32, #tpu.memory_space<vmem>>) offsets(%dma_start3A_43 : memref<40xi32, #tpu.memory_space<vmem>>) semaphore(%arg12 : memref<!tpu.dma_semaphore, #tpu.memory_space<semaphore_mem>>)
    %add3A_47 = arith.constant 40 : i32
    %add3A_48 = arith.addi %sub3A_21, %add3A_47 : i32
    %dma_start3A_49 = arith.constant 0 : i32
    %dma_start3A_50 = arith.constant 0 : i32
    %dma_start3A_51 = tpu.memref_slice %arg6[%dma_start3A_49, %dma_start3A_50] : memref<2x10112xi32, #tpu.memory_space<vmem>> -> memref<1x10112xi32, #tpu.memory_space<vmem>>
    %dma_start3A_52 = tpu.memref_squeeze %dma_start3A_51 : memref<1x10112xi32, #tpu.memory_space<vmem>> -> memref<10112xi32, #tpu.memory_space<vmem>>
    %dma_start3A_53 = tpu.memref_slice %dma_start3A_52[%add3A_48] : memref<10112xi32, #tpu.memory_space<vmem>> -> memref<40xi32, #tpu.memory_space<vmem>>
    %dma_start3A_54 = arith.constant 0 : i32
    %dma_start3A_55 = arith.constant 0 : i32
    %dma_start3A_56 = tpu.memref_slice %arg2[%dma_start3A_54, %dma_start3A_55] : memref<10000x128xf32, #tpu.memory_space<hbm>> -> memref<10000x128xf32, #tpu.memory_space<hbm>>
    tpu.enqueue_indirect_dma source(%dma_start3A_56 : memref<10000x128xf32, #tpu.memory_space<hbm>>) target(%arg8 : memref<40x128xf32, #tpu.memory_space<vmem>>) offsets(%dma_start3A_53 : memref<40xi32, #tpu.memory_space<vmem>>) semaphore(%arg13 : memref<!tpu.dma_semaphore, #tpu.memory_space<semaphore_mem>>)
    %add3A_57 = arith.constant 80 : i32
    %add3A_58 = arith.addi %sub3A_21, %add3A_57 : i32
    %dma_start3A_59 = arith.constant 0 : i32
    %dma_start3A_60 = arith.constant 0 : i32
    %dma_start3A_61 = tpu.memref_slice %arg6[%dma_start3A_59, %dma_start3A_60] : memref<2x10112xi32, #tpu.memory_space<vmem>> -> memref<1x10112xi32, #tpu.memory_space<vmem>>
    %dma_start3A_62 = tpu.memref_squeeze %dma_start3A_61 : memref<1x10112xi32, #tpu.memory_space<vmem>> -> memref<10112xi32, #tpu.memory_space<vmem>>
    %dma_start3A_63 = tpu.memref_slice %dma_start3A_62[%add3A_58] : memref<10112xi32, #tpu.memory_space<vmem>> -> memref<40xi32, #tpu.memory_space<vmem>>
    %dma_start3A_64 = arith.constant 0 : i32
    %dma_start3A_65 = arith.constant 0 : i32
    %dma_start3A_66 = tpu.memref_slice %arg2[%dma_start3A_64, %dma_start3A_65] : memref<10000x128xf32, #tpu.memory_space<hbm>> -> memref<10000x128xf32, #tpu.memory_space<hbm>>
    tpu.enqueue_indirect_dma source(%dma_start3A_66 : memref<10000x128xf32, #tpu.memory_space<hbm>>) target(%arg9 : memref<40x128xf32, #tpu.memory_space<vmem>>) offsets(%dma_start3A_63 : memref<40xi32, #tpu.memory_space<vmem>>) semaphore(%arg14 : memref<!tpu.dma_semaphore, #tpu.memory_space<semaphore_mem>>)
    %add3A_67 = arith.constant 120 : i32
    %add3A_68 = arith.addi %sub3A_21, %add3A_67 : i32
    %dma_start3A_69 = arith.constant 0 : i32
    %dma_start3A_70 = arith.constant 0 : i32
    %dma_start3A_71 = tpu.memref_slice %arg6[%dma_start3A_69, %dma_start3A_70] : memref<2x10112xi32, #tpu.memory_space<vmem>> -> memref<1x10112xi32, #tpu.memory_space<vmem>>
    %dma_start3A_72 = tpu.memref_squeeze %dma_start3A_71 : memref<1x10112xi32, #tpu.memory_space<vmem>> -> memref<10112xi32, #tpu.memory_space<vmem>>
    %dma_start3A_73 = tpu.memref_slice %dma_start3A_72[%add3A_68] : memref<10112xi32, #tpu.memory_space<vmem>> -> memref<40xi32, #tpu.memory_space<vmem>>
    %dma_start3A_74 = arith.constant 0 : i32
    %dma_start3A_75 = arith.constant 0 : i32
    %dma_start3A_76 = tpu.memref_slice %arg2[%dma_start3A_74, %dma_start3A_75] : memref<10000x128xf32, #tpu.memory_space<hbm>> -> memref<10000x128xf32, #tpu.memory_space<hbm>>
    tpu.enqueue_indirect_dma source(%dma_start3A_76 : memref<10000x128xf32, #tpu.memory_space<hbm>>) target(%arg10 : memref<40x128xf32, #tpu.memory_space<vmem>>) offsets(%dma_start3A_73 : memref<40xi32, #tpu.memory_space<vmem>>) semaphore(%arg15 : memref<!tpu.dma_semaphore, #tpu.memory_space<semaphore_mem>>)
    %add3A_77 = arith.constant 160 : i32
    %add3A_78 = arith.addi %sub3A_21, %add3A_77 : i32
    %dma_start3A_79 = arith.constant 0 : i32
    %dma_start3A_80 = arith.constant 0 : i32
    %dma_start3A_81 = tpu.memref_slice %arg6[%dma_start3A_79, %dma_start3A_80] : memref<2x10112xi32, #tpu.memory_space<vmem>> -> memref<1x10112xi32, #tpu.memory_space<vmem>>
    %dma_start3A_82 = tpu.memref_squeeze %dma_start3A_81 : memref<1x10112xi32, #tpu.memory_space<vmem>> -> memref<10112xi32, #tpu.memory_space<vmem>>
    %dma_start3A_83 = tpu.memref_slice %dma_start3A_82[%add3A_78] : memref<10112xi32, #tpu.memory_space<vmem>> -> memref<40xi32, #tpu.memory_space<vmem>>
    %dma_start3A_84 = arith.constant 0 : i32
    %dma_start3A_85 = arith.constant 0 : i32
    %dma_start3A_86 = tpu.memref_slice %arg2[%dma_start3A_84, %dma_start3A_85] : memref<10000x128xf32, #tpu.memory_space<hbm>> -> memref<10000x128xf32, #tpu.memory_space<hbm>>
    tpu.enqueue_indirect_dma source(%dma_start3A_86 : memref<10000x128xf32, #tpu.memory_space<hbm>>) target(%arg11 : memref<40x128xf32, #tpu.memory_space<vmem>>) offsets(%dma_start3A_83 : memref<40xi32, #tpu.memory_space<vmem>>) semaphore(%arg16 : memref<!tpu.dma_semaphore, #tpu.memory_space<semaphore_mem>>)
    %barrier3A = arith.constant 0 : index
    tpu.barrier barrier_id(%barrier3A)
    %scan3A_87 = arith.constant 0 : i32
    %scan3A_88 = arith.constant 1 : i32
    %scan3A_89 = arith.constant 0 : i32
    %scan3A_90 = arith.constant 50 : i32
    %scan3A_91 = arith.addi %scan3A_89, %scan3A_90 : i32
    %scan3A_92 = arith.constant 1 : i32
    scf.for %scan3A_100 = %scan3A_89 to %scan3A_91 step %scan3A_92  : i32 {
      %mul3A_101 = arith.constant 5 : i32
      %mul3A_102 = arith.muli %scan3A_100, %mul3A_101 : i32
      %add3A_103 = arith.constant 0 : i32
      %add3A_104 = arith.addi %add3A_103, %mul3A_102 : i32
      %add3A_105 = arith.constant 0 : i32
      %add3A_106 = arith.addi %add3A_104, %add3A_105 : i32
      %mul3A_107 = arith.constant 40 : i32
      %mul3A_108 = arith.muli %add3A_106, %mul3A_107 : i32
      %add3A_109 = arith.addi %sub3A_21, %mul3A_108 : i32
      %dma_wait3A = arith.constant 0 : i32
      %dma_wait3A_110 = tpu.memref_slice %arg6[%scan3A_87, %dma_wait3A] : memref<2x10112xi32, #tpu.memory_space<vmem>> -> memref<1x10112xi32, #tpu.memory_space<vmem>>
      %dma_wait3A_111 = tpu.memref_squeeze %dma_wait3A_110 : memref<1x10112xi32, #tpu.memory_space<vmem>> -> memref<10112xi32, #tpu.memory_space<vmem>>
      %dma_wait3A_112 = tpu.memref_slice %dma_wait3A_111[%add3A_109] : memref<10112xi32, #tpu.memory_space<vmem>> -> memref<40xi32, #tpu.memory_space<vmem>>
      %dma_wait3A_113 = arith.constant 0 : i32
      %dma_wait3A_114 = arith.constant 0 : i32
      %dma_wait3A_115 = tpu.memref_slice %arg2[%dma_wait3A_113, %dma_wait3A_114] : memref<10000x128xf32, #tpu.memory_space<hbm>> -> memref<10000x128xf32, #tpu.memory_space<hbm>>
      tpu.wait_indirect_dma semaphore(%arg12 : memref<!tpu.dma_semaphore, #tpu.memory_space<semaphore_mem>>) src(%dma_wait3A_115 : memref<10000x128xf32, #tpu.memory_space<hbm>>) dst(%arg7 : memref<40x128xf32, #tpu.memory_space<vmem>>)
      %mul3A_116 = arith.constant 40 : i32
      %mul3A_117 = arith.muli %add3A_106, %mul3A_116 : i32
      %add3A_118 = arith.addi %sub3A_21, %mul3A_117 : i32
      "tpu.region"() ({
        %run_scoped3A = tpu.sem_alloc : memref<!tpu.dma_semaphore, #tpu.memory_space<semaphore_mem>>
        %dma_start3A_213 = arith.constant 0 : i32
        %dma_start3A_214 = tpu.memref_slice %arg6[%scan3A_88, %dma_start3A_213] : memref<2x10112xi32, #tpu.memory_space<vmem>> -> memref<1x10112xi32, #tpu.memory_space<vmem>>
        %dma_start3A_215 = tpu.memref_squeeze %dma_start3A_214 : memref<1x10112xi32, #tpu.memory_space<vmem>> -> memref<10112xi32, #tpu.memory_space<vmem>>
        %dma_start3A_216 = tpu.memref_slice %dma_start3A_215[%add3A_118] : memref<10112xi32, #tpu.memory_space<vmem>> -> memref<40xi32, #tpu.memory_space<vmem>>
        %dma_start3A_217 = arith.constant 0 : i32
        %dma_start3A_218 = arith.constant 0 : i32
        %dma_start3A_219 = tpu.memref_slice %arg5[%dma_start3A_217, %dma_start3A_218] : memref<10000x128xf32, #tpu.memory_space<vmem_shared>> -> memref<10000x128xf32, #tpu.memory_space<vmem_shared>>
        tpu.enqueue_indirect_dma source(%arg7 : memref<40x128xf32, #tpu.memory_space<vmem>>) target(%dma_start3A_219 : memref<10000x128xf32, #tpu.memory_space<vmem_shared>>) offsets(%dma_start3A_216 : memref<40xi32, #tpu.memory_space<vmem>>) semaphore(%run_scoped3A : memref<!tpu.dma_semaphore, #tpu.memory_space<semaphore_mem>>) {add = true}
        %dma_wait3A_220 = arith.constant 0 : i32
        %dma_wait3A_221 = tpu.memref_slice %arg6[%scan3A_88, %dma_wait3A_220] : memref<2x10112xi32, #tpu.memory_space<vmem>> -> memref<1x10112xi32, #tpu.memory_space<vmem>>
        %dma_wait3A_222 = tpu.memref_squeeze %dma_wait3A_221 : memref<1x10112xi32, #tpu.memory_space<vmem>> -> memref<10112xi32, #tpu.memory_space<vmem>>
        %dma_wait3A_223 = tpu.memref_slice %dma_wait3A_222[%add3A_118] : memref<10112xi32, #tpu.memory_space<vmem>> -> memref<40xi32, #tpu.memory_space<vmem>>
        %dma_wait3A_224 = arith.constant 0 : i32
        %dma_wait3A_225 = arith.constant 0 : i32
        %dma_wait3A_226 = tpu.memref_slice %arg5[%dma_wait3A_224, %dma_wait3A_225] : memref<10000x128xf32, #tpu.memory_space<vmem_shared>> -> memref<10000x128xf32, #tpu.memory_space<vmem_shared>>
        tpu.wait_indirect_dma semaphore(%run_scoped3A : memref<!tpu.dma_semaphore, #tpu.memory_space<semaphore_mem>>) src(%arg7 : memref<40x128xf32, #tpu.memory_space<vmem>>) dst(%dma_wait3A_226 : memref<10000x128xf32, #tpu.memory_space<vmem_shared>>)
        tpu.yield
      }) : () -> ()
      %add3A_119 = arith.constant 5 : i32
      %add3A_120 = arith.addi %add3A_106, %add3A_119 : i32
      %lt3A = arith.constant 250 : i32
      %lt3A_121 = arith.cmpi slt, %add3A_120, %lt3A : i32
      %convert_element_type3A_122 = arith.extui %lt3A_121 : i1 to i32
      %cond3A_123 = arith.constant 0 : i32
      %cond3A_124 = arith.cmpi ne, %convert_element_type3A_122, %cond3A_123 : i32
      scf.if %cond3A_124 {
        %add3A_213 = arith.constant 5 : i32
        %add3A_214 = arith.addi %add3A_106, %add3A_213 : i32
        %mul3A_215 = arith.constant 40 : i32
        %mul3A_216 = arith.muli %add3A_214, %mul3A_215 : i32
        %add3A_217 = arith.addi %sub3A_21, %mul3A_216 : i32
        %dma_start3A_218 = arith.constant 0 : i32
        %dma_start3A_219 = tpu.memref_slice %arg6[%scan3A_87, %dma_start3A_218] : memref<2x10112xi32, #tpu.memory_space<vmem>> -> memref<1x10112xi32, #tpu.memory_space<vmem>>
        %dma_start3A_220 = tpu.memref_squeeze %dma_start3A_219 : memref<1x10112xi32, #tpu.memory_space<vmem>> -> memref<10112xi32, #tpu.memory_space<vmem>>
        %dma_start3A_221 = tpu.memref_slice %dma_start3A_220[%add3A_217] : memref<10112xi32, #tpu.memory_space<vmem>> -> memref<40xi32, #tpu.memory_space<vmem>>
        %dma_start3A_222 = arith.constant 0 : i32
        %dma_start3A_223 = arith.constant 0 : i32
        %dma_start3A_224 = tpu.memref_slice %arg2[%dma_start3A_222, %dma_start3A_223] : memref<10000x128xf32, #tpu.memory_space<hbm>> -> memref<10000x128xf32, #tpu.memory_space<hbm>>
        tpu.enqueue_indirect_dma source(%dma_start3A_224 : memref<10000x128xf32, #tpu.memory_space<hbm>>) target(%arg7 : memref<40x128xf32, #tpu.memory_space<vmem>>) offsets(%dma_start3A_221 : memref<40xi32, #tpu.memory_space<vmem>>) semaphore(%arg12 : memref<!tpu.dma_semaphore, #tpu.memory_space<semaphore_mem>>)
      } else {
      }
      %add3A_125 = arith.constant 1 : i32
      %add3A_126 = arith.addi %add3A_104, %add3A_125 : i32
      %mul3A_127 = arith.constant 40 : i32
      %mul3A_128 = arith.muli %add3A_126, %mul3A_127 : i32
      %add3A_129 = arith.addi %sub3A_21, %mul3A_128 : i32
      %dma_wait3A_130 = arith.constant 0 : i32
      %dma_wait3A_131 = tpu.memref_slice %arg6[%scan3A_87, %dma_wait3A_130] : memref<2x10112xi32, #tpu.memory_space<vmem>> -> memref<1x10112xi32, #tpu.memory_space<vmem>>
      %dma_wait3A_132 = tpu.memref_squeeze %dma_wait3A_131 : memref<1x10112xi32, #tpu.memory_space<vmem>> -> memref<10112xi32, #tpu.memory_space<vmem>>
      %dma_wait3A_133 = tpu.memref_slice %dma_wait3A_132[%add3A_129] : memref<10112xi32, #tpu.memory_space<vmem>> -> memref<40xi32, #tpu.memory_space<vmem>>
      %dma_wait3A_134 = arith.constant 0 : i32
      %dma_wait3A_135 = arith.constant 0 : i32
      %dma_wait3A_136 = tpu.memref_slice %arg2[%dma_wait3A_134, %dma_wait3A_135] : memref<10000x128xf32, #tpu.memory_space<hbm>> -> memref<10000x128xf32, #tpu.memory_space<hbm>>
      tpu.wait_indirect_dma semaphore(%arg13 : memref<!tpu.dma_semaphore, #tpu.memory_space<semaphore_mem>>) src(%dma_wait3A_136 : memref<10000x128xf32, #tpu.memory_space<hbm>>) dst(%arg8 : memref<40x128xf32, #tpu.memory_space<vmem>>)
      %mul3A_137 = arith.constant 40 : i32
      %mul3A_138 = arith.muli %add3A_126, %mul3A_137 : i32
      %add3A_139 = arith.addi %sub3A_21, %mul3A_138 : i32
      "tpu.region"() ({
        %run_scoped3A = tpu.sem_alloc : memref<!tpu.dma_semaphore, #tpu.memory_space<semaphore_mem>>
        %dma_start3A_213 = arith.constant 0 : i32
        %dma_start3A_214 = tpu.memref_slice %arg6[%scan3A_88, %dma_start3A_213] : memref<2x10112xi32, #tpu.memory_space<vmem>> -> memref<1x10112xi32, #tpu.memory_space<vmem>>
        %dma_start3A_215 = tpu.memref_squeeze %dma_start3A_214 : memref<1x10112xi32, #tpu.memory_space<vmem>> -> memref<10112xi32, #tpu.memory_space<vmem>>
        %dma_start3A_216 = tpu.memref_slice %dma_start3A_215[%add3A_139] : memref<10112xi32, #tpu.memory_space<vmem>> -> memref<40xi32, #tpu.memory_space<vmem>>
        %dma_start3A_217 = arith.constant 0 : i32
        %dma_start3A_218 = arith.constant 0 : i32
        %dma_start3A_219 = tpu.memref_slice %arg5[%dma_start3A_217, %dma_start3A_218] : memref<10000x128xf32, #tpu.memory_space<vmem_shared>> -> memref<10000x128xf32, #tpu.memory_space<vmem_shared>>
        tpu.enqueue_indirect_dma source(%arg8 : memref<40x128xf32, #tpu.memory_space<vmem>>) target(%dma_start3A_219 : memref<10000x128xf32, #tpu.memory_space<vmem_shared>>) offsets(%dma_start3A_216 : memref<40xi32, #tpu.memory_space<vmem>>) semaphore(%run_scoped3A : memref<!tpu.dma_semaphore, #tpu.memory_space<semaphore_mem>>) {add = true}
        %dma_wait3A_220 = arith.constant 0 : i32
        %dma_wait3A_221 = tpu.memref_slice %arg6[%scan3A_88, %dma_wait3A_220] : memref<2x10112xi32, #tpu.memory_space<vmem>> -> memref<1x10112xi32, #tpu.memory_space<vmem>>
        %dma_wait3A_222 = tpu.memref_squeeze %dma_wait3A_221 : memref<1x10112xi32, #tpu.memory_space<vmem>> -> memref<10112xi32, #tpu.memory_space<vmem>>
        %dma_wait3A_223 = tpu.memref_slice %dma_wait3A_222[%add3A_139] : memref<10112xi32, #tpu.memory_space<vmem>> -> memref<40xi32, #tpu.memory_space<vmem>>
        %dma_wait3A_224 = arith.constant 0 : i32
        %dma_wait3A_225 = arith.constant 0 : i32
        %dma_wait3A_226 = tpu.memref_slice %arg5[%dma_wait3A_224, %dma_wait3A_225] : memref<10000x128xf32, #tpu.memory_space<vmem_shared>> -> memref<10000x128xf32, #tpu.memory_space<vmem_shared>>
        tpu.wait_indirect_dma semaphore(%run_scoped3A : memref<!tpu.dma_semaphore, #tpu.memory_space<semaphore_mem>>) src(%arg8 : memref<40x128xf32, #tpu.memory_space<vmem>>) dst(%dma_wait3A_226 : memref<10000x128xf32, #tpu.memory_space<vmem_shared>>)
        tpu.yield
      }) : () -> ()
      %add3A_140 = arith.constant 5 : i32
      %add3A_141 = arith.addi %add3A_126, %add3A_140 : i32
      %lt3A_142 = arith.constant 250 : i32
      %lt3A_143 = arith.cmpi slt, %add3A_141, %lt3A_142 : i32
      %convert_element_type3A_144 = arith.extui %lt3A_143 : i1 to i32
      %cond3A_145 = arith.constant 0 : i32
      %cond3A_146 = arith.cmpi ne, %convert_element_type3A_144, %cond3A_145 : i32
      scf.if %cond3A_146 {
        %add3A_213 = arith.constant 5 : i32
        %add3A_214 = arith.addi %add3A_126, %add3A_213 : i32
        %mul3A_215 = arith.constant 40 : i32
        %mul3A_216 = arith.muli %add3A_214, %mul3A_215 : i32
        %add3A_217 = arith.addi %sub3A_21, %mul3A_216 : i32
        %dma_start3A_218 = arith.constant 0 : i32
        %dma_start3A_219 = tpu.memref_slice %arg6[%scan3A_87, %dma_start3A_218] : memref<2x10112xi32, #tpu.memory_space<vmem>> -> memref<1x10112xi32, #tpu.memory_space<vmem>>
        %dma_start3A_220 = tpu.memref_squeeze %dma_start3A_219 : memref<1x10112xi32, #tpu.memory_space<vmem>> -> memref<10112xi32, #tpu.memory_space<vmem>>
        %dma_start3A_221 = tpu.memref_slice %dma_start3A_220[%add3A_217] : memref<10112xi32, #tpu.memory_space<vmem>> -> memref<40xi32, #tpu.memory_space<vmem>>
        %dma_start3A_222 = arith.constant 0 : i32
        %dma_start3A_223 = arith.constant 0 : i32
        %dma_start3A_224 = tpu.memref_slice %arg2[%dma_start3A_222, %dma_start3A_223] : memref<10000x128xf32, #tpu.memory_space<hbm>> -> memref<10000x128xf32, #tpu.memory_space<hbm>>
        tpu.enqueue_indirect_dma source(%dma_start3A_224 : memref<10000x128xf32, #tpu.memory_space<hbm>>) target(%arg8 : memref<40x128xf32, #tpu.memory_space<vmem>>) offsets(%dma_start3A_221 : memref<40xi32, #tpu.memory_space<vmem>>) semaphore(%arg13 : memref<!tpu.dma_semaphore, #tpu.memory_space<semaphore_mem>>)
      } else {
      }
      %add3A_147 = arith.constant 2 : i32
      %add3A_148 = arith.addi %add3A_104, %add3A_147 : i32
      %mul3A_149 = arith.constant 40 : i32
      %mul3A_150 = arith.muli %add3A_148, %mul3A_149 : i32
      %add3A_151 = arith.addi %sub3A_21, %mul3A_150 : i32
      %dma_wait3A_152 = arith.constant 0 : i32
      %dma_wait3A_153 = tpu.memref_slice %arg6[%scan3A_87, %dma_wait3A_152] : memref<2x10112xi32, #tpu.memory_space<vmem>> -> memref<1x10112xi32, #tpu.memory_space<vmem>>
      %dma_wait3A_154 = tpu.memref_squeeze %dma_wait3A_153 : memref<1x10112xi32, #tpu.memory_space<vmem>> -> memref<10112xi32, #tpu.memory_space<vmem>>
      %dma_wait3A_155 = tpu.memref_slice %dma_wait3A_154[%add3A_151] : memref<10112xi32, #tpu.memory_space<vmem>> -> memref<40xi32, #tpu.memory_space<vmem>>
      %dma_wait3A_156 = arith.constant 0 : i32
      %dma_wait3A_157 = arith.constant 0 : i32
      %dma_wait3A_158 = tpu.memref_slice %arg2[%dma_wait3A_156, %dma_wait3A_157] : memref<10000x128xf32, #tpu.memory_space<hbm>> -> memref<10000x128xf32, #tpu.memory_space<hbm>>
      tpu.wait_indirect_dma semaphore(%arg14 : memref<!tpu.dma_semaphore, #tpu.memory_space<semaphore_mem>>) src(%dma_wait3A_158 : memref<10000x128xf32, #tpu.memory_space<hbm>>) dst(%arg9 : memref<40x128xf32, #tpu.memory_space<vmem>>)
      %mul3A_159 = arith.constant 40 : i32
      %mul3A_160 = arith.muli %add3A_148, %mul3A_159 : i32
      %add3A_161 = arith.addi %sub3A_21, %mul3A_160 : i32
      "tpu.region"() ({
        %run_scoped3A = tpu.sem_alloc : memref<!tpu.dma_semaphore, #tpu.memory_space<semaphore_mem>>
        %dma_start3A_213 = arith.constant 0 : i32
        %dma_start3A_214 = tpu.memref_slice %arg6[%scan3A_88, %dma_start3A_213] : memref<2x10112xi32, #tpu.memory_space<vmem>> -> memref<1x10112xi32, #tpu.memory_space<vmem>>
        %dma_start3A_215 = tpu.memref_squeeze %dma_start3A_214 : memref<1x10112xi32, #tpu.memory_space<vmem>> -> memref<10112xi32, #tpu.memory_space<vmem>>
        %dma_start3A_216 = tpu.memref_slice %dma_start3A_215[%add3A_161] : memref<10112xi32, #tpu.memory_space<vmem>> -> memref<40xi32, #tpu.memory_space<vmem>>
        %dma_start3A_217 = arith.constant 0 : i32
        %dma_start3A_218 = arith.constant 0 : i32
        %dma_start3A_219 = tpu.memref_slice %arg5[%dma_start3A_217, %dma_start3A_218] : memref<10000x128xf32, #tpu.memory_space<vmem_shared>> -> memref<10000x128xf32, #tpu.memory_space<vmem_shared>>
        tpu.enqueue_indirect_dma source(%arg9 : memref<40x128xf32, #tpu.memory_space<vmem>>) target(%dma_start3A_219 : memref<10000x128xf32, #tpu.memory_space<vmem_shared>>) offsets(%dma_start3A_216 : memref<40xi32, #tpu.memory_space<vmem>>) semaphore(%run_scoped3A : memref<!tpu.dma_semaphore, #tpu.memory_space<semaphore_mem>>) {add = true}
        %dma_wait3A_220 = arith.constant 0 : i32
        %dma_wait3A_221 = tpu.memref_slice %arg6[%scan3A_88, %dma_wait3A_220] : memref<2x10112xi32, #tpu.memory_space<vmem>> -> memref<1x10112xi32, #tpu.memory_space<vmem>>
        %dma_wait3A_222 = tpu.memref_squeeze %dma_wait3A_221 : memref<1x10112xi32, #tpu.memory_space<vmem>> -> memref<10112xi32, #tpu.memory_space<vmem>>
        %dma_wait3A_223 = tpu.memref_slice %dma_wait3A_222[%add3A_161] : memref<10112xi32, #tpu.memory_space<vmem>> -> memref<40xi32, #tpu.memory_space<vmem>>
        %dma_wait3A_224 = arith.constant 0 : i32
        %dma_wait3A_225 = arith.constant 0 : i32
        %dma_wait3A_226 = tpu.memref_slice %arg5[%dma_wait3A_224, %dma_wait3A_225] : memref<10000x128xf32, #tpu.memory_space<vmem_shared>> -> memref<10000x128xf32, #tpu.memory_space<vmem_shared>>
        tpu.wait_indirect_dma semaphore(%run_scoped3A : memref<!tpu.dma_semaphore, #tpu.memory_space<semaphore_mem>>) src(%arg9 : memref<40x128xf32, #tpu.memory_space<vmem>>) dst(%dma_wait3A_226 : memref<10000x128xf32, #tpu.memory_space<vmem_shared>>)
        tpu.yield
      }) : () -> ()
      %add3A_162 = arith.constant 5 : i32
      %add3A_163 = arith.addi %add3A_148, %add3A_162 : i32
      %lt3A_164 = arith.constant 250 : i32
      %lt3A_165 = arith.cmpi slt, %add3A_163, %lt3A_164 : i32
      %convert_element_type3A_166 = arith.extui %lt3A_165 : i1 to i32
      %cond3A_167 = arith.constant 0 : i32
      %cond3A_168 = arith.cmpi ne, %convert_element_type3A_166, %cond3A_167 : i32
      scf.if %cond3A_168 {
        %add3A_213 = arith.constant 5 : i32
        %add3A_214 = arith.addi %add3A_148, %add3A_213 : i32
        %mul3A_215 = arith.constant 40 : i32
        %mul3A_216 = arith.muli %add3A_214, %mul3A_215 : i32
        %add3A_217 = arith.addi %sub3A_21, %mul3A_216 : i32
        %dma_start3A_218 = arith.constant 0 : i32
        %dma_start3A_219 = tpu.memref_slice %arg6[%scan3A_87, %dma_start3A_218] : memref<2x10112xi32, #tpu.memory_space<vmem>> -> memref<1x10112xi32, #tpu.memory_space<vmem>>
        %dma_start3A_220 = tpu.memref_squeeze %dma_start3A_219 : memref<1x10112xi32, #tpu.memory_space<vmem>> -> memref<10112xi32, #tpu.memory_space<vmem>>
        %dma_start3A_221 = tpu.memref_slice %dma_start3A_220[%add3A_217] : memref<10112xi32, #tpu.memory_space<vmem>> -> memref<40xi32, #tpu.memory_space<vmem>>
        %dma_start3A_222 = arith.constant 0 : i32
        %dma_start3A_223 = arith.constant 0 : i32
        %dma_start3A_224 = tpu.memref_slice %arg2[%dma_start3A_222, %dma_start3A_223] : memref<10000x128xf32, #tpu.memory_space<hbm>> -> memref<10000x128xf32, #tpu.memory_space<hbm>>
        tpu.enqueue_indirect_dma source(%dma_start3A_224 : memref<10000x128xf32, #tpu.memory_space<hbm>>) target(%arg9 : memref<40x128xf32, #tpu.memory_space<vmem>>) offsets(%dma_start3A_221 : memref<40xi32, #tpu.memory_space<vmem>>) semaphore(%arg14 : memref<!tpu.dma_semaphore, #tpu.memory_space<semaphore_mem>>)
      } else {
      }
      %add3A_169 = arith.constant 3 : i32
      %add3A_170 = arith.addi %add3A_104, %add3A_169 : i32
      %mul3A_171 = arith.constant 40 : i32
      %mul3A_172 = arith.muli %add3A_170, %mul3A_171 : i32
      %add3A_173 = arith.addi %sub3A_21, %mul3A_172 : i32
      %dma_wait3A_174 = arith.constant 0 : i32
      %dma_wait3A_175 = tpu.memref_slice %arg6[%scan3A_87, %dma_wait3A_174] : memref<2x10112xi32, #tpu.memory_space<vmem>> -> memref<1x10112xi32, #tpu.memory_space<vmem>>
      %dma_wait3A_176 = tpu.memref_squeeze %dma_wait3A_175 : memref<1x10112xi32, #tpu.memory_space<vmem>> -> memref<10112xi32, #tpu.memory_space<vmem>>
      %dma_wait3A_177 = tpu.memref_slice %dma_wait3A_176[%add3A_173] : memref<10112xi32, #tpu.memory_space<vmem>> -> memref<40xi32, #tpu.memory_space<vmem>>
      %dma_wait3A_178 = arith.constant 0 : i32
      %dma_wait3A_179 = arith.constant 0 : i32
      %dma_wait3A_180 = tpu.memref_slice %arg2[%dma_wait3A_178, %dma_wait3A_179] : memref<10000x128xf32, #tpu.memory_space<hbm>> -> memref<10000x128xf32, #tpu.memory_space<hbm>>
      tpu.wait_indirect_dma semaphore(%arg15 : memref<!tpu.dma_semaphore, #tpu.memory_space<semaphore_mem>>) src(%dma_wait3A_180 : memref<10000x128xf32, #tpu.memory_space<hbm>>) dst(%arg10 : memref<40x128xf32, #tpu.memory_space<vmem>>)
      %mul3A_181 = arith.constant 40 : i32
      %mul3A_182 = arith.muli %add3A_170, %mul3A_181 : i32
      %add3A_183 = arith.addi %sub3A_21, %mul3A_182 : i32
      "tpu.region"() ({
        %run_scoped3A = tpu.sem_alloc : memref<!tpu.dma_semaphore, #tpu.memory_space<semaphore_mem>>
        %dma_start3A_213 = arith.constant 0 : i32
        %dma_start3A_214 = tpu.memref_slice %arg6[%scan3A_88, %dma_start3A_213] : memref<2x10112xi32, #tpu.memory_space<vmem>> -> memref<1x10112xi32, #tpu.memory_space<vmem>>
        %dma_start3A_215 = tpu.memref_squeeze %dma_start3A_214 : memref<1x10112xi32, #tpu.memory_space<vmem>> -> memref<10112xi32, #tpu.memory_space<vmem>>
        %dma_start3A_216 = tpu.memref_slice %dma_start3A_215[%add3A_183] : memref<10112xi32, #tpu.memory_space<vmem>> -> memref<40xi32, #tpu.memory_space<vmem>>
        %dma_start3A_217 = arith.constant 0 : i32
        %dma_start3A_218 = arith.constant 0 : i32
        %dma_start3A_219 = tpu.memref_slice %arg5[%dma_start3A_217, %dma_start3A_218] : memref<10000x128xf32, #tpu.memory_space<vmem_shared>> -> memref<10000x128xf32, #tpu.memory_space<vmem_shared>>
        tpu.enqueue_indirect_dma source(%arg10 : memref<40x128xf32, #tpu.memory_space<vmem>>) target(%dma_start3A_219 : memref<10000x128xf32, #tpu.memory_space<vmem_shared>>) offsets(%dma_start3A_216 : memref<40xi32, #tpu.memory_space<vmem>>) semaphore(%run_scoped3A : memref<!tpu.dma_semaphore, #tpu.memory_space<semaphore_mem>>) {add = true}
        %dma_wait3A_220 = arith.constant 0 : i32
        %dma_wait3A_221 = tpu.memref_slice %arg6[%scan3A_88, %dma_wait3A_220] : memref<2x10112xi32, #tpu.memory_space<vmem>> -> memref<1x10112xi32, #tpu.memory_space<vmem>>
        %dma_wait3A_222 = tpu.memref_squeeze %dma_wait3A_221 : memref<1x10112xi32, #tpu.memory_space<vmem>> -> memref<10112xi32, #tpu.memory_space<vmem>>
        %dma_wait3A_223 = tpu.memref_slice %dma_wait3A_222[%add3A_183] : memref<10112xi32, #tpu.memory_space<vmem>> -> memref<40xi32, #tpu.memory_space<vmem>>
        %dma_wait3A_224 = arith.constant 0 : i32
        %dma_wait3A_225 = arith.constant 0 : i32
        %dma_wait3A_226 = tpu.memref_slice %arg5[%dma_wait3A_224, %dma_wait3A_225] : memref<10000x128xf32, #tpu.memory_space<vmem_shared>> -> memref<10000x128xf32, #tpu.memory_space<vmem_shared>>
        tpu.wait_indirect_dma semaphore(%run_scoped3A : memref<!tpu.dma_semaphore, #tpu.memory_space<semaphore_mem>>) src(%arg10 : memref<40x128xf32, #tpu.memory_space<vmem>>) dst(%dma_wait3A_226 : memref<10000x128xf32, #tpu.memory_space<vmem_shared>>)
        tpu.yield
      }) : () -> ()
      %add3A_184 = arith.constant 5 : i32
      %add3A_185 = arith.addi %add3A_170, %add3A_184 : i32
      %lt3A_186 = arith.constant 250 : i32
      %lt3A_187 = arith.cmpi slt, %add3A_185, %lt3A_186 : i32
      %convert_element_type3A_188 = arith.extui %lt3A_187 : i1 to i32
      %cond3A_189 = arith.constant 0 : i32
      %cond3A_190 = arith.cmpi ne, %convert_element_type3A_188, %cond3A_189 : i32
      scf.if %cond3A_190 {
        %add3A_213 = arith.constant 5 : i32
        %add3A_214 = arith.addi %add3A_170, %add3A_213 : i32
        %mul3A_215 = arith.constant 40 : i32
        %mul3A_216 = arith.muli %add3A_214, %mul3A_215 : i32
        %add3A_217 = arith.addi %sub3A_21, %mul3A_216 : i32
        %dma_start3A_218 = arith.constant 0 : i32
        %dma_start3A_219 = tpu.memref_slice %arg6[%scan3A_87, %dma_start3A_218] : memref<2x10112xi32, #tpu.memory_space<vmem>> -> memref<1x10112xi32, #tpu.memory_space<vmem>>
        %dma_start3A_220 = tpu.memref_squeeze %dma_start3A_219 : memref<1x10112xi32, #tpu.memory_space<vmem>> -> memref<10112xi32, #tpu.memory_space<vmem>>
        %dma_start3A_221 = tpu.memref_slice %dma_start3A_220[%add3A_217] : memref<10112xi32, #tpu.memory_space<vmem>> -> memref<40xi32, #tpu.memory_space<vmem>>
        %dma_start3A_222 = arith.constant 0 : i32
        %dma_start3A_223 = arith.constant 0 : i32
        %dma_start3A_224 = tpu.memref_slice %arg2[%dma_start3A_222, %dma_start3A_223] : memref<10000x128xf32, #tpu.memory_space<hbm>> -> memref<10000x128xf32, #tpu.memory_space<hbm>>
        tpu.enqueue_indirect_dma source(%dma_start3A_224 : memref<10000x128xf32, #tpu.memory_space<hbm>>) target(%arg10 : memref<40x128xf32, #tpu.memory_space<vmem>>) offsets(%dma_start3A_221 : memref<40xi32, #tpu.memory_space<vmem>>) semaphore(%arg15 : memref<!tpu.dma_semaphore, #tpu.memory_space<semaphore_mem>>)
      } else {
      }
      %add3A_191 = arith.constant 4 : i32
      %add3A_192 = arith.addi %add3A_104, %add3A_191 : i32
      %mul3A_193 = arith.constant 40 : i32
      %mul3A_194 = arith.muli %add3A_192, %mul3A_193 : i32
      %add3A_195 = arith.addi %sub3A_21, %mul3A_194 : i32
      %dma_wait3A_196 = arith.constant 0 : i32
      %dma_wait3A_197 = tpu.memref_slice %arg6[%scan3A_87, %dma_wait3A_196] : memref<2x10112xi32, #tpu.memory_space<vmem>> -> memref<1x10112xi32, #tpu.memory_space<vmem>>
      %dma_wait3A_198 = tpu.memref_squeeze %dma_wait3A_197 : memref<1x10112xi32, #tpu.memory_space<vmem>> -> memref<10112xi32, #tpu.memory_space<vmem>>
      %dma_wait3A_199 = tpu.memref_slice %dma_wait3A_198[%add3A_195] : memref<10112xi32, #tpu.memory_space<vmem>> -> memref<40xi32, #tpu.memory_space<vmem>>
      %dma_wait3A_200 = arith.constant 0 : i32
      %dma_wait3A_201 = arith.constant 0 : i32
      %dma_wait3A_202 = tpu.memref_slice %arg2[%dma_wait3A_200, %dma_wait3A_201] : memref<10000x128xf32, #tpu.memory_space<hbm>> -> memref<10000x128xf32, #tpu.memory_space<hbm>>
      tpu.wait_indirect_dma semaphore(%arg16 : memref<!tpu.dma_semaphore, #tpu.memory_space<semaphore_mem>>) src(%dma_wait3A_202 : memref<10000x128xf32, #tpu.memory_space<hbm>>) dst(%arg11 : memref<40x128xf32, #tpu.memory_space<vmem>>)
      %mul3A_203 = arith.constant 40 : i32
      %mul3A_204 = arith.muli %add3A_192, %mul3A_203 : i32
      %add3A_205 = arith.addi %sub3A_21, %mul3A_204 : i32
      "tpu.region"() ({
        %run_scoped3A = tpu.sem_alloc : memref<!tpu.dma_semaphore, #tpu.memory_space<semaphore_mem>>
        %dma_start3A_213 = arith.constant 0 : i32
        %dma_start3A_214 = tpu.memref_slice %arg6[%scan3A_88, %dma_start3A_213] : memref<2x10112xi32, #tpu.memory_space<vmem>> -> memref<1x10112xi32, #tpu.memory_space<vmem>>
        %dma_start3A_215 = tpu.memref_squeeze %dma_start3A_214 : memref<1x10112xi32, #tpu.memory_space<vmem>> -> memref<10112xi32, #tpu.memory_space<vmem>>
        %dma_start3A_216 = tpu.memref_slice %dma_start3A_215[%add3A_205] : memref<10112xi32, #tpu.memory_space<vmem>> -> memref<40xi32, #tpu.memory_space<vmem>>
        %dma_start3A_217 = arith.constant 0 : i32
        %dma_start3A_218 = arith.constant 0 : i32
        %dma_start3A_219 = tpu.memref_slice %arg5[%dma_start3A_217, %dma_start3A_218] : memref<10000x128xf32, #tpu.memory_space<vmem_shared>> -> memref<10000x128xf32, #tpu.memory_space<vmem_shared>>
        tpu.enqueue_indirect_dma source(%arg11 : memref<40x128xf32, #tpu.memory_space<vmem>>) target(%dma_start3A_219 : memref<10000x128xf32, #tpu.memory_space<vmem_shared>>) offsets(%dma_start3A_216 : memref<40xi32, #tpu.memory_space<vmem>>) semaphore(%run_scoped3A : memref<!tpu.dma_semaphore, #tpu.memory_space<semaphore_mem>>) {add = true}
        %dma_wait3A_220 = arith.constant 0 : i32
        %dma_wait3A_221 = tpu.memref_slice %arg6[%scan3A_88, %dma_wait3A_220] : memref<2x10112xi32, #tpu.memory_space<vmem>> -> memref<1x10112xi32, #tpu.memory_space<vmem>>
        %dma_wait3A_222 = tpu.memref_squeeze %dma_wait3A_221 : memref<1x10112xi32, #tpu.memory_space<vmem>> -> memref<10112xi32, #tpu.memory_space<vmem>>
        %dma_wait3A_223 = tpu.memref_slice %dma_wait3A_222[%add3A_205] : memref<10112xi32, #tpu.memory_space<vmem>> -> memref<40xi32, #tpu.memory_space<vmem>>
        %dma_wait3A_224 = arith.constant 0 : i32
        %dma_wait3A_225 = arith.constant 0 : i32
        %dma_wait3A_226 = tpu.memref_slice %arg5[%dma_wait3A_224, %dma_wait3A_225] : memref<10000x128xf32, #tpu.memory_space<vmem_shared>> -> memref<10000x128xf32, #tpu.memory_space<vmem_shared>>
        tpu.wait_indirect_dma semaphore(%run_scoped3A : memref<!tpu.dma_semaphore, #tpu.memory_space<semaphore_mem>>) src(%arg11 : memref<40x128xf32, #tpu.memory_space<vmem>>) dst(%dma_wait3A_226 : memref<10000x128xf32, #tpu.memory_space<vmem_shared>>)
        tpu.yield
      }) : () -> ()
      %add3A_206 = arith.constant 5 : i32
      %add3A_207 = arith.addi %add3A_192, %add3A_206 : i32
      %lt3A_208 = arith.constant 250 : i32
      %lt3A_209 = arith.cmpi slt, %add3A_207, %lt3A_208 : i32
      %convert_element_type3A_210 = arith.extui %lt3A_209 : i1 to i32
      %cond3A_211 = arith.constant 0 : i32
      %cond3A_212 = arith.cmpi ne, %convert_element_type3A_210, %cond3A_211 : i32
      scf.if %cond3A_212 {
        %add3A_213 = arith.constant 5 : i32
        %add3A_214 = arith.addi %add3A_192, %add3A_213 : i32
        %mul3A_215 = arith.constant 40 : i32
        %mul3A_216 = arith.muli %add3A_214, %mul3A_215 : i32
        %add3A_217 = arith.addi %sub3A_21, %mul3A_216 : i32
        %dma_start3A_218 = arith.constant 0 : i32
        %dma_start3A_219 = tpu.memref_slice %arg6[%scan3A_87, %dma_start3A_218] : memref<2x10112xi32, #tpu.memory_space<vmem>> -> memref<1x10112xi32, #tpu.memory_space<vmem>>
        %dma_start3A_220 = tpu.memref_squeeze %dma_start3A_219 : memref<1x10112xi32, #tpu.memory_space<vmem>> -> memref<10112xi32, #tpu.memory_space<vmem>>
        %dma_start3A_221 = tpu.memref_slice %dma_start3A_220[%add3A_217] : memref<10112xi32, #tpu.memory_space<vmem>> -> memref<40xi32, #tpu.memory_space<vmem>>
        %dma_start3A_222 = arith.constant 0 : i32
        %dma_start3A_223 = arith.constant 0 : i32
        %dma_start3A_224 = tpu.memref_slice %arg2[%dma_start3A_222, %dma_start3A_223] : memref<10000x128xf32, #tpu.memory_space<hbm>> -> memref<10000x128xf32, #tpu.memory_space<hbm>>
        tpu.enqueue_indirect_dma source(%dma_start3A_224 : memref<10000x128xf32, #tpu.memory_space<hbm>>) target(%arg11 : memref<40x128xf32, #tpu.memory_space<vmem>>) offsets(%dma_start3A_221 : memref<40xi32, #tpu.memory_space<vmem>>) semaphore(%arg16 : memref<!tpu.dma_semaphore, #tpu.memory_space<semaphore_mem>>)
      } else {
      }
    }
    %scan3A_93 = arith.constant 50 : i32
    %barrier3A_94 = arith.constant 0 : index
    tpu.barrier barrier_id(%barrier3A_94)
    "tpu.region"() ({
      %run_scoped3A = tpu.sem_alloc : memref<!tpu.dma_semaphore, #tpu.memory_space<semaphore_mem>>
      %dma_start3A_100 = arith.constant 0 : i32
      %dma_start3A_101 = tpu.memref_slice %arg4[%arg0, %mul3A_28, %dma_start3A_100] : memref<2x10000x128xf32, #tpu.memory_space<hbm>> -> memref<1x624x128xf32, #tpu.memory_space<hbm>>
      %dma_start3A_102 = tpu.memref_squeeze %dma_start3A_101 : memref<1x624x128xf32, #tpu.memory_space<hbm>> -> memref<624x128xf32, #tpu.memory_space<hbm>>
      %dma_start3A_103 = arith.constant 0 : i32
      %dma_start3A_104 = tpu.memref_slice %arg5[%mul3A_28, %dma_start3A_103] : memref<10000x128xf32, #tpu.memory_space<vmem_shared>> -> memref<624x128xf32, #tpu.memory_space<vmem_shared>>
      tpu.enqueue_dma source(%dma_start3A_104 : memref<624x128xf32, #tpu.memory_space<vmem_shared>>) target(%dma_start3A_102 : memref<624x128xf32, #tpu.memory_space<hbm>>) target_semaphore(%run_scoped3A : memref<!tpu.dma_semaphore, #tpu.memory_space<semaphore_mem>>)
      %dma_wait3A = arith.constant 0 : i32
      %dma_wait3A_105 = tpu.memref_slice %arg4[%arg0, %mul3A_28, %dma_wait3A] : memref<2x10000x128xf32, #tpu.memory_space<hbm>> -> memref<1x624x128xf32, #tpu.memory_space<hbm>>
      %dma_wait3A_106 = tpu.memref_squeeze %dma_wait3A_105 : memref<1x624x128xf32, #tpu.memory_space<hbm>> -> memref<624x128xf32, #tpu.memory_space<hbm>>
      %dma_wait3A_107 = arith.constant 0 : i32
      %dma_wait3A_108 = tpu.memref_slice %arg5[%mul3A_28, %dma_wait3A_107] : memref<10000x128xf32, #tpu.memory_space<vmem_shared>> -> memref<624x128xf32, #tpu.memory_space<vmem_shared>>
      tpu.wait_dma2 semaphore(%run_scoped3A : memref<!tpu.dma_semaphore, #tpu.memory_space<semaphore_mem>>) src(%dma_wait3A_108 : memref<624x128xf32, #tpu.memory_space<vmem_shared>>) dst(%dma_wait3A_106 : memref<624x128xf32, #tpu.memory_space<hbm>>)
      tpu.yield
    }) : () -> ()
    %eq3A_95 = arith.constant 15 : i32
    %eq3A_96 = arith.cmpi eq, %arg1, %eq3A_95 : i32
    %convert_element_type3A_97 = arith.extui %eq3A_96 : i1 to i32
    %cond3A_98 = arith.constant 0 : i32
    %cond3A_99 = arith.cmpi ne, %convert_element_type3A_97, %cond3A_98 : i32
    scf.if %cond3A_99 {
      "tpu.region"() ({
        %run_scoped3A = tpu.sem_alloc : memref<!tpu.dma_semaphore, #tpu.memory_space<semaphore_mem>>
        %dma_start3A_100 = arith.constant 9984 : i32
        %dma_start3A_101 = arith.constant 0 : i32
        %dma_start3A_102 = tpu.memref_slice %arg4[%arg0, %dma_start3A_100, %dma_start3A_101] : memref<2x10000x128xf32, #tpu.memory_space<hbm>> -> memref<1x16x128xf32, #tpu.memory_space<hbm>>
        %dma_start3A_103 = tpu.memref_squeeze %dma_start3A_102 : memref<1x16x128xf32, #tpu.memory_space<hbm>> -> memref<16x128xf32, #tpu.memory_space<hbm>>
        %dma_start3A_104 = arith.constant 9984 : i32
        %dma_start3A_105 = arith.constant 0 : i32
        %dma_start3A_106 = tpu.memref_slice %arg5[%dma_start3A_104, %dma_start3A_105] : memref<10000x128xf32, #tpu.memory_space<vmem_shared>> -> memref<16x128xf32, #tpu.memory_space<vmem_shared>>
        tpu.enqueue_dma source(%dma_start3A_106 : memref<16x128xf32, #tpu.memory_space<vmem_shared>>) target(%dma_start3A_103 : memref<16x128xf32, #tpu.memory_space<hbm>>) target_semaphore(%run_scoped3A : memref<!tpu.dma_semaphore, #tpu.memory_space<semaphore_mem>>)
        %dma_wait3A = arith.constant 9984 : i32
        %dma_wait3A_107 = arith.constant 0 : i32
        %dma_wait3A_108 = tpu.memref_slice %arg4[%arg0, %dma_wait3A, %dma_wait3A_107] : memref<2x10000x128xf32, #tpu.memory_space<hbm>> -> memref<1x16x128xf32, #tpu.memory_space<hbm>>
        %dma_wait3A_109 = tpu.memref_squeeze %dma_wait3A_108 : memref<1x16x128xf32, #tpu.memory_space<hbm>> -> memref<16x128xf32, #tpu.memory_space<hbm>>
        %dma_wait3A_110 = arith.constant 9984 : i32
        %dma_wait3A_111 = arith.constant 0 : i32
        %dma_wait3A_112 = tpu.memref_slice %arg5[%dma_wait3A_110, %dma_wait3A_111] : memref<10000x128xf32, #tpu.memory_space<vmem_shared>> -> memref<16x128xf32, #tpu.memory_space<vmem_shared>>
        tpu.wait_dma2 semaphore(%run_scoped3A : memref<!tpu.dma_semaphore, #tpu.memory_space<semaphore_mem>>) src(%dma_wait3A_112 : memref<16x128xf32, #tpu.memory_space<vmem_shared>>) dst(%dma_wait3A_109 : memref<16x128xf32, #tpu.memory_space<hbm>>)
        tpu.yield
      }) : () -> ()
    } else {
    }
    return
  }
}

#map = affine_map<(d0, d1) -> (0, 0)>
module attributes {stable_mosaic.version = 14 : i64} {
  func.func @_deg_body(%arg0: i32, %arg1: i32, %arg2: memref<2x320000xi32, #tpu.memory_space<hbm>>, %arg3: memref<32x10000xf32, #tpu.memory_space<hbm>>, %arg4: memref<2x10112xi32, #tpu.memory_space<vmem>>, %arg5: memref<10000xf32, #tpu.memory_space<vmem>>, %arg6: memref<!tpu.dma_semaphore, #tpu.memory_space<semaphore_mem>>) attributes {dimension_semantics = [#tpu.dimension_semantics<core_parallel>, #tpu.dimension_semantics<subcore_parallel>], iteration_bounds = array<i64: 2, 16>, scalar_prefetch = 0 : i64, scratch_operands = 3 : i64, tpu.core_type = #tpu.core_type<sc_vector_subcore>, window_params = [{transform_indices = #map}, {transform_indices = #map}]} {
    %mul3A = arith.constant 16 : i32
    %mul3A_0 = arith.muli %arg0, %mul3A : i32
    %add3A = arith.addi %mul3A_0, %arg1 : i32
    %mul3A_1 = arith.constant 10000 : i32
    %mul3A_2 = arith.muli %add3A, %mul3A_1 : i32
    %jit3A = arith.constant 128 : i32
    %div3A = arith.divsi %mul3A_2, %jit3A : i32
    %sign3A = arith.constant 0 : i32
    %sign3A_3 = arith.cmpi sgt, %mul3A_2, %sign3A : i32
    %sign3A_4 = arith.extui %sign3A_3 : i1 to i32
    %sign3A_5 = arith.constant 0 : i32
    %sign3A_6 = arith.cmpi slt, %mul3A_2, %sign3A_5 : i32
    %sign3A_7 = arith.extui %sign3A_6 : i1 to i32
    %sign3A_8 = arith.subi %sign3A_4, %sign3A_7 : i32
    %sign3A_9 = arith.constant 0 : i32
    %sign3A_10 = arith.cmpi sgt, %jit3A, %sign3A_9 : i32
    %sign3A_11 = arith.extui %sign3A_10 : i1 to i32
    %sign3A_12 = arith.constant 0 : i32
    %sign3A_13 = arith.cmpi slt, %jit3A, %sign3A_12 : i32
    %sign3A_14 = arith.extui %sign3A_13 : i1 to i32
    %sign3A_15 = arith.subi %sign3A_11, %sign3A_14 : i32
    %ne3A = arith.cmpi ne, %sign3A_8, %sign3A_15 : i32
    %rem3A = arith.remsi %mul3A_2, %jit3A : i32
    %ne3A_16 = arith.constant 0 : i32
    %ne3A_17 = arith.cmpi ne, %rem3A, %ne3A_16 : i32
    %and3A = arith.andi %ne3A, %ne3A_17 : i1
    %sub3A = arith.constant 1 : i32
    %sub3A_18 = arith.subi %div3A, %sub3A : i32
    %select_n3A = arith.select %and3A, %sub3A_18, %div3A : i32
    %mul3A_19 = arith.constant 128 : i32
    %mul3A_20 = arith.muli %select_n3A, %mul3A_19 : i32
    %sub3A_21 = arith.subi %mul3A_2, %mul3A_20 : i32
    %dma_start3A = arith.constant 0 : i32
    %dma_start3A_22 = tpu.memref_slice %arg2[%dma_start3A, %mul3A_20] : memref<2x320000xi32, #tpu.memory_space<hbm>> -> memref<2x10112xi32, #tpu.memory_space<hbm>>
    %dma_start3A_23 = arith.constant 0 : i32
    %dma_start3A_24 = tpu.memref_slice %arg2[%dma_start3A_23, %mul3A_20] : memref<2x320000xi32, #tpu.memory_space<hbm>> -> memref<2x10112xi32, #tpu.memory_space<hbm>>
    tpu.enqueue_dma source(%dma_start3A_24 : memref<2x10112xi32, #tpu.memory_space<hbm>>) target(%arg4 : memref<2x10112xi32, #tpu.memory_space<vmem>>) target_semaphore(%arg6 : memref<!tpu.dma_semaphore, #tpu.memory_space<semaphore_mem>>)
    %broadcast_in_dim3A = arith.constant 0.000000e+00 : f32
    %broadcast_in_dim3A_25 = vector.broadcast %broadcast_in_dim3A : f32 to vector<16xf32>
    %scan3A = arith.constant 0 : i32
    %scan3A_26 = arith.constant 625 : i32
    %scan3A_27 = arith.addi %scan3A, %scan3A_26 : i32
    %scan3A_28 = arith.constant 1 : i32
    scf.for %scan3A_40 = %scan3A to %scan3A_27 step %scan3A_28  : i32 {
      %mul3A_41 = arith.constant 1 : i32
      %mul3A_42 = arith.muli %scan3A_40, %mul3A_41 : i32
      %add3A_43 = arith.constant 0 : i32
      %add3A_44 = arith.addi %add3A_43, %mul3A_42 : i32
      %mul3A_45 = arith.constant 16 : i32
      %mul3A_46 = arith.muli %add3A_44, %mul3A_45 : i32
      %swap3A = arith.index_cast %mul3A_46 : i32 to index
      %swap3A_47 = tpu.vector_load %arg5[%swap3A] {strides = array<i32>} : memref<10000xf32, #tpu.memory_space<vmem>>, vector<16xf32>,
      tpu.vector_store %arg5[%swap3A], %broadcast_in_dim3A_25 {strides = array<i32>} : memref<10000xf32, #tpu.memory_space<vmem>>, vector<16xf32>,
    }
    %scan3A_29 = arith.constant 625 : i32
    %dma_wait3A = arith.constant 0 : i32
    %dma_wait3A_30 = tpu.memref_slice %arg2[%dma_wait3A, %mul3A_20] : memref<2x320000xi32, #tpu.memory_space<hbm>> -> memref<2x10112xi32, #tpu.memory_space<hbm>>
    %dma_wait3A_31 = arith.constant 0 : i32
    %dma_wait3A_32 = tpu.memref_slice %arg2[%dma_wait3A_31, %mul3A_20] : memref<2x320000xi32, #tpu.memory_space<hbm>> -> memref<2x10112xi32, #tpu.memory_space<hbm>>
    tpu.wait_dma2 semaphore(%arg6 : memref<!tpu.dma_semaphore, #tpu.memory_space<semaphore_mem>>) src(%dma_wait3A_32 : memref<2x10112xi32, #tpu.memory_space<hbm>>) dst(%arg4 : memref<2x10112xi32, #tpu.memory_space<vmem>>)
    %broadcast_in_dim3A_33 = arith.constant 1.000000e+00 : f32
    %broadcast_in_dim3A_34 = vector.broadcast %broadcast_in_dim3A_33 : f32 to vector<16xf32>
    %scan3A_35 = arith.constant 0 : i32
    %scan3A_36 = arith.constant 625 : i32
    %scan3A_37 = arith.addi %scan3A_35, %scan3A_36 : i32
    %scan3A_38 = arith.constant 1 : i32
    scf.for %scan3A_40 = %scan3A_35 to %scan3A_37 step %scan3A_38  : i32 {
      %mul3A_41 = arith.constant 1 : i32
      %mul3A_42 = arith.muli %scan3A_40, %mul3A_41 : i32
      %add3A_43 = arith.constant 0 : i32
      %add3A_44 = arith.addi %add3A_43, %mul3A_42 : i32
      %mul3A_45 = arith.constant 16 : i32
      %mul3A_46 = arith.muli %add3A_44, %mul3A_45 : i32
      %add3A_47 = arith.addi %sub3A_21, %mul3A_46 : i32
      %get3A = arith.constant 1 : i32
      %get3A_48 = arith.index_cast %get3A : i32 to index
      %get3A_49 = arith.index_cast %add3A_47 : i32 to index
      %get3A_50 = tpu.vector_load %arg4[%get3A_48, %get3A_49] {strides = array<i32>} : memref<2x10112xi32, #tpu.memory_space<vmem>>, vector<16xi32>,
      tpu.vector_store_idx %arg5[%get3A_50], %broadcast_in_dim3A_34 {add = true} : memref<10000xf32, #tpu.memory_space<vmem>>[vector<16xi32>], vector<16xf32>,
    }
    %scan3A_39 = arith.constant 625 : i32
    "tpu.region"() ({
      %run_scoped3A = tpu.sem_alloc : memref<!tpu.dma_semaphore, #tpu.memory_space<semaphore_mem>>
      %dma_start3A_40 = arith.constant 0 : i32
      %dma_start3A_41 = tpu.memref_slice %arg3[%add3A, %dma_start3A_40] : memref<32x10000xf32, #tpu.memory_space<hbm>> -> memref<1x10000xf32, #tpu.memory_space<hbm>>
      %dma_start3A_42 = tpu.memref_squeeze %dma_start3A_41 : memref<1x10000xf32, #tpu.memory_space<hbm>> -> memref<10000xf32, #tpu.memory_space<hbm>>
      %dma_start3A_43 = arith.constant 0 : i32
      %dma_start3A_44 = tpu.memref_slice %arg3[%add3A, %dma_start3A_43] : memref<32x10000xf32, #tpu.memory_space<hbm>> -> memref<1x10000xf32, #tpu.memory_space<hbm>>
      %dma_start3A_45 = tpu.memref_squeeze %dma_start3A_44 : memref<1x10000xf32, #tpu.memory_space<hbm>> -> memref<10000xf32, #tpu.memory_space<hbm>>
      tpu.enqueue_dma source(%arg5 : memref<10000xf32, #tpu.memory_space<vmem>>) target(%dma_start3A_45 : memref<10000xf32, #tpu.memory_space<hbm>>) target_semaphore(%run_scoped3A : memref<!tpu.dma_semaphore, #tpu.memory_space<semaphore_mem>>)
      %dma_wait3A_46 = arith.constant 0 : i32
      %dma_wait3A_47 = tpu.memref_slice %arg3[%add3A, %dma_wait3A_46] : memref<32x10000xf32, #tpu.memory_space<hbm>> -> memref<1x10000xf32, #tpu.memory_space<hbm>>
      %dma_wait3A_48 = tpu.memref_squeeze %dma_wait3A_47 : memref<1x10000xf32, #tpu.memory_space<hbm>> -> memref<10000xf32, #tpu.memory_space<hbm>>
      %dma_wait3A_49 = arith.constant 0 : i32
      %dma_wait3A_50 = tpu.memref_slice %arg3[%add3A, %dma_wait3A_49] : memref<32x10000xf32, #tpu.memory_space<hbm>> -> memref<1x10000xf32, #tpu.memory_space<hbm>>
      %dma_wait3A_51 = tpu.memref_squeeze %dma_wait3A_50 : memref<1x10000xf32, #tpu.memory_space<hbm>> -> memref<10000xf32, #tpu.memory_space<hbm>>
      tpu.wait_dma2 semaphore(%run_scoped3A : memref<!tpu.dma_semaphore, #tpu.memory_space<semaphore_mem>>) src(%arg5 : memref<10000xf32, #tpu.memory_space<vmem>>) dst(%dma_wait3A_51 : memref<10000xf32, #tpu.memory_space<hbm>>)
      tpu.yield
    }) : () -> ()
    return
  }
}

#map = affine_map<(d0, d1) -> (0, 0)>
#map1 = affine_map<(d0, d1) -> (0, 0, 0)>
module attributes {stable_mosaic.version = 14 : i64} {
  func.func @_gs_body(%arg0: i32, %arg1: i32, %arg2: memref<10000x128xf32, #tpu.memory_space<hbm>>, %arg3: memref<2x320000xi32, #tpu.memory_space<hbm>>, %arg4: memref<2x10000x128xf32, #tpu.memory_space<hbm>>, %arg5: memref<10000x128xf32, #tpu.memory_space<vmem_shared>>, %arg6: memref<2x10112xi32, #tpu.memory_space<vmem>>, %arg7: memref<40x128xf32, #tpu.memory_space<vmem>>, %arg8: memref<40x128xf32, #tpu.memory_space<vmem>>, %arg9: memref<40x128xf32, #tpu.memory_space<vmem>>, %arg10: memref<40x128xf32, #tpu.memory_space<vmem>>, %arg11: memref<40x128xf32, #tpu.memory_space<vmem>>, %arg12: memref<!tpu.dma_semaphore, #tpu.memory_space<semaphore_mem>>, %arg13: memref<!tpu.dma_semaphore, #tpu.memory_space<semaphore_mem>>, %arg14: memref<!tpu.dma_semaphore, #tpu.memory_space<semaphore_mem>>, %arg15: memref<!tpu.dma_semaphore, #tpu.memory_space<semaphore_mem>>, %arg16: memref<!tpu.dma_semaphore, #tpu.memory_space<semaphore_mem>>) attributes {dimension_semantics = [#tpu.dimension_semantics<core_parallel>, #tpu.dimension_semantics<subcore_parallel>], iteration_bounds = array<i64: 2, 16>, scalar_prefetch = 0 : i64, scratch_operands = 12 : i64, tpu.core_type = #tpu.core_type<sc_vector_subcore>, window_params = [{transform_indices = #map}, {transform_indices = #map}, {transform_indices = #map1}]} {
    %mul3A = arith.constant 16 : i32
    %mul3A_0 = arith.muli %arg0, %mul3A : i32
    %add3A = arith.addi %mul3A_0, %arg1 : i32
    %mul3A_1 = arith.constant 10000 : i32
    %mul3A_2 = arith.muli %add3A, %mul3A_1 : i32
    %jit3A = arith.constant 128 : i32
    %div3A = arith.divsi %mul3A_2, %jit3A : i32
    %sign3A = arith.constant 0 : i32
    %sign3A_3 = arith.cmpi sgt, %mul3A_2, %sign3A : i32
    %sign3A_4 = arith.extui %sign3A_3 : i1 to i32
    %sign3A_5 = arith.constant 0 : i32
    %sign3A_6 = arith.cmpi slt, %mul3A_2, %sign3A_5 : i32
    %sign3A_7 = arith.extui %sign3A_6 : i1 to i32
    %sign3A_8 = arith.subi %sign3A_4, %sign3A_7 : i32
    %sign3A_9 = arith.constant 0 : i32
    %sign3A_10 = arith.cmpi sgt, %jit3A, %sign3A_9 : i32
    %sign3A_11 = arith.extui %sign3A_10 : i1 to i32
    %sign3A_12 = arith.constant 0 : i32
    %sign3A_13 = arith.cmpi slt, %jit3A, %sign3A_12 : i32
    %sign3A_14 = arith.extui %sign3A_13 : i1 to i32
    %sign3A_15 = arith.subi %sign3A_11, %sign3A_14 : i32
    %ne3A = arith.cmpi ne, %sign3A_8, %sign3A_15 : i32
    %rem3A = arith.remsi %mul3A_2, %jit3A : i32
    %ne3A_16 = arith.constant 0 : i32
    %ne3A_17 = arith.cmpi ne, %rem3A, %ne3A_16 : i32
    %and3A = arith.andi %ne3A, %ne3A_17 : i1
    %sub3A = arith.constant 1 : i32
    %sub3A_18 = arith.subi %div3A, %sub3A : i32
    %select_n3A = arith.select %and3A, %sub3A_18, %div3A : i32
    %mul3A_19 = arith.constant 128 : i32
    %mul3A_20 = arith.muli %select_n3A, %mul3A_19 : i32
    %sub3A_21 = arith.subi %mul3A_2, %mul3A_20 : i32
    "tpu.region"() ({
      %run_scoped3A = tpu.sem_alloc : memref<!tpu.dma_semaphore, #tpu.memory_space<semaphore_mem>>
      %dma_start3A_100 = arith.constant 0 : i32
      %dma_start3A_101 = tpu.memref_slice %arg3[%dma_start3A_100, %mul3A_20] : memref<2x320000xi32, #tpu.memory_space<hbm>> -> memref<2x10112xi32, #tpu.memory_space<hbm>>
      %dma_start3A_102 = arith.constant 0 : i32
      %dma_start3A_103 = tpu.memref_slice %arg3[%dma_start3A_102, %mul3A_20] : memref<2x320000xi32, #tpu.memory_space<hbm>> -> memref<2x10112xi32, #tpu.memory_space<hbm>>
      tpu.enqueue_dma source(%dma_start3A_103 : memref<2x10112xi32, #tpu.memory_space<hbm>>) target(%arg6 : memref<2x10112xi32, #tpu.memory_space<vmem>>) target_semaphore(%run_scoped3A : memref<!tpu.dma_semaphore, #tpu.memory_space<semaphore_mem>>)
      %dma_wait3A = arith.constant 0 : i32
      %dma_wait3A_104 = tpu.memref_slice %arg3[%dma_wait3A, %mul3A_20] : memref<2x320000xi32, #tpu.memory_space<hbm>> -> memref<2x10112xi32, #tpu.memory_space<hbm>>
      %dma_wait3A_105 = arith.constant 0 : i32
      %dma_wait3A_106 = tpu.memref_slice %arg3[%dma_wait3A_105, %mul3A_20] : memref<2x320000xi32, #tpu.memory_space<hbm>> -> memref<2x10112xi32, #tpu.memory_space<hbm>>
      tpu.wait_dma2 semaphore(%run_scoped3A : memref<!tpu.dma_semaphore, #tpu.memory_space<semaphore_mem>>) src(%dma_wait3A_106 : memref<2x10112xi32, #tpu.memory_space<hbm>>) dst(%arg6 : memref<2x10112xi32, #tpu.memory_space<vmem>>)
      tpu.yield
    }) : () -> ()
    %broadcast_in_dim3A = arith.constant 0.000000e+00 : f32
    %broadcast_in_dim3A_22 = vector.broadcast %broadcast_in_dim3A : f32 to vector<16xf32>
    %scan3A = arith.constant 0 : i32
    %scan3A_23 = arith.constant 40 : i32
    %scan3A_24 = arith.addi %scan3A, %scan3A_23 : i32
    %scan3A_25 = arith.constant 1 : i32
    scf.for %scan3A_100 = %scan3A to %scan3A_24 step %scan3A_25  : i32 {
      %mul3A_101 = arith.constant 1 : i32
      %mul3A_102 = arith.muli %scan3A_100, %mul3A_101 : i32
      %add3A_103 = arith.constant 0 : i32
      %add3A_104 = arith.addi %add3A_103, %mul3A_102 : i32
      %swap3A = arith.index_cast %add3A_104 : i32 to index
      %swap3A_105 = arith.constant 0 : index
      %swap3A_106 = tpu.vector_load %arg7[%swap3A, %swap3A_105] {strides = array<i32>} : memref<40x128xf32, #tpu.memory_space<vmem>>, vector<1x16xf32>,
      %swap3A_107 = vector.shape_cast %swap3A_106 : vector<1x16xf32> to vector<16xf32>
      %swap3A_108 = vector.shape_cast %broadcast_in_dim3A_22 : vector<16xf32> to vector<1x16xf32>
      tpu.vector_store %arg7[%swap3A, %swap3A_105], %swap3A_108 {strides = array<i32>} : memref<40x128xf32, #tpu.memory_space<vmem>>, vector<1x16xf32>,
      %swap3A_109 = arith.index_cast %add3A_104 : i32 to index
      %swap3A_110 = arith.constant 16 : index
      %swap3A_111 = tpu.vector_load %arg7[%swap3A_109, %swap3A_110] {strides = array<i32>} : memref<40x128xf32, #tpu.memory_space<vmem>>, vector<1x16xf32>,
      %swap3A_112 = vector.shape_cast %swap3A_111 : vector<1x16xf32> to vector<16xf32>
      %swap3A_113 = vector.shape_cast %broadcast_in_dim3A_22 : vector<16xf32> to vector<1x16xf32>
      tpu.vector_store %arg7[%swap3A_109, %swap3A_110], %swap3A_113 {strides = array<i32>} : memref<40x128xf32, #tpu.memory_space<vmem>>, vector<1x16xf32>,
      %swap3A_114 = arith.index_cast %add3A_104 : i32 to index
      %swap3A_115 = arith.constant 32 : index
      %swap3A_116 = tpu.vector_load %arg7[%swap3A_114, %swap3A_115] {strides = array<i32>} : memref<40x128xf32, #tpu.memory_space<vmem>>, vector<1x16xf32>,
      %swap3A_117 = vector.shape_cast %swap3A_116 : vector<1x16xf32> to vector<16xf32>
      %swap3A_118 = vector.shape_cast %broadcast_in_dim3A_22 : vector<16xf32> to vector<1x16xf32>
      tpu.vector_store %arg7[%swap3A_114, %swap3A_115], %swap3A_118 {strides = array<i32>} : memref<40x128xf32, #tpu.memory_space<vmem>>, vector<1x16xf32>,
      %swap3A_119 = arith.index_cast %add3A_104 : i32 to index
      %swap3A_120 = arith.constant 48 : index
      %swap3A_121 = tpu.vector_load %arg7[%swap3A_119, %swap3A_120] {strides = array<i32>} : memref<40x128xf32, #tpu.memory_space<vmem>>, vector<1x16xf32>,
      %swap3A_122 = vector.shape_cast %swap3A_121 : vector<1x16xf32> to vector<16xf32>
      %swap3A_123 = vector.shape_cast %broadcast_in_dim3A_22 : vector<16xf32> to vector<1x16xf32>
      tpu.vector_store %arg7[%swap3A_119, %swap3A_120], %swap3A_123 {strides = array<i32>} : memref<40x128xf32, #tpu.memory_space<vmem>>, vector<1x16xf32>,
      %swap3A_124 = arith.index_cast %add3A_104 : i32 to index
      %swap3A_125 = arith.constant 64 : index
      %swap3A_126 = tpu.vector_load %arg7[%swap3A_124, %swap3A_125] {strides = array<i32>} : memref<40x128xf32, #tpu.memory_space<vmem>>, vector<1x16xf32>,
      %swap3A_127 = vector.shape_cast %swap3A_126 : vector<1x16xf32> to vector<16xf32>
      %swap3A_128 = vector.shape_cast %broadcast_in_dim3A_22 : vector<16xf32> to vector<1x16xf32>
      tpu.vector_store %arg7[%swap3A_124, %swap3A_125], %swap3A_128 {strides = array<i32>} : memref<40x128xf32, #tpu.memory_space<vmem>>, vector<1x16xf32>,
      %swap3A_129 = arith.index_cast %add3A_104 : i32 to index
      %swap3A_130 = arith.constant 80 : index
      %swap3A_131 = tpu.vector_load %arg7[%swap3A_129, %swap3A_130] {strides = array<i32>} : memref<40x128xf32, #tpu.memory_space<vmem>>, vector<1x16xf32>,
      %swap3A_132 = vector.shape_cast %swap3A_131 : vector<1x16xf32> to vector<16xf32>
      %swap3A_133 = vector.shape_cast %broadcast_in_dim3A_22 : vector<16xf32> to vector<1x16xf32>
      tpu.vector_store %arg7[%swap3A_129, %swap3A_130], %swap3A_133 {strides = array<i32>} : memref<40x128xf32, #tpu.memory_space<vmem>>, vector<1x16xf32>,
      %swap3A_134 = arith.index_cast %add3A_104 : i32 to index
      %swap3A_135 = arith.constant 96 : index
      %swap3A_136 = tpu.vector_load %arg7[%swap3A_134, %swap3A_135] {strides = array<i32>} : memref<40x128xf32, #tpu.memory_space<vmem>>, vector<1x16xf32>,
      %swap3A_137 = vector.shape_cast %swap3A_136 : vector<1x16xf32> to vector<16xf32>
      %swap3A_138 = vector.shape_cast %broadcast_in_dim3A_22 : vector<16xf32> to vector<1x16xf32>
      tpu.vector_store %arg7[%swap3A_134, %swap3A_135], %swap3A_138 {strides = array<i32>} : memref<40x128xf32, #tpu.memory_space<vmem>>, vector<1x16xf32>,
      %swap3A_139 = arith.index_cast %add3A_104 : i32 to index
      %swap3A_140 = arith.constant 112 : index
      %swap3A_141 = tpu.vector_load %arg7[%swap3A_139, %swap3A_140] {strides = array<i32>} : memref<40x128xf32, #tpu.memory_space<vmem>>, vector<1x16xf32>,
      %swap3A_142 = vector.shape_cast %swap3A_141 : vector<1x16xf32> to vector<16xf32>
      %swap3A_143 = vector.shape_cast %broadcast_in_dim3A_22 : vector<16xf32> to vector<1x16xf32>
      tpu.vector_store %arg7[%swap3A_139, %swap3A_140], %swap3A_143 {strides = array<i32>} : memref<40x128xf32, #tpu.memory_space<vmem>>, vector<1x16xf32>,
    }
    %scan3A_26 = arith.constant 40 : i32
    %mul3A_27 = arith.constant 624 : i32
    %mul3A_28 = arith.muli %arg1, %mul3A_27 : i32
    %scan3A_29 = arith.constant 0 : i32
    %scan3A_30 = arith.constant 15 : i32
    %scan3A_31 = arith.addi %scan3A_29, %scan3A_30 : i32
    %scan3A_32 = arith.constant 1 : i32
    scf.for %scan3A_100 = %scan3A_29 to %scan3A_31 step %scan3A_32  : i32 {
      %mul3A_101 = arith.constant 1 : i32
      %mul3A_102 = arith.muli %scan3A_100, %mul3A_101 : i32
      %add3A_103 = arith.constant 0 : i32
      %add3A_104 = arith.addi %add3A_103, %mul3A_102 : i32
      %mul3A_105 = arith.constant 40 : i32
      %mul3A_106 = arith.muli %add3A_104, %mul3A_105 : i32
      %add3A_107 = arith.addi %mul3A_28, %mul3A_106 : i32
      "tpu.region"() ({
        %run_scoped3A = tpu.sem_alloc : memref<!tpu.dma_semaphore, #tpu.memory_space<semaphore_mem>>
        %dma_start3A_108 = arith.constant 0 : i32
        %dma_start3A_109 = tpu.memref_slice %arg5[%add3A_107, %dma_start3A_108] : memref<10000x128xf32, #tpu.memory_space<vmem_shared>> -> memref<40x128xf32, #tpu.memory_space<vmem_shared>>
        %dma_start3A_110 = arith.constant 0 : i32
        %dma_start3A_111 = tpu.memref_slice %arg5[%add3A_107, %dma_start3A_110] : memref<10000x128xf32, #tpu.memory_space<vmem_shared>> -> memref<40x128xf32, #tpu.memory_space<vmem_shared>>
        tpu.enqueue_dma source(%arg7 : memref<40x128xf32, #tpu.memory_space<vmem>>) target(%dma_start3A_111 : memref<40x128xf32, #tpu.memory_space<vmem_shared>>) target_semaphore(%run_scoped3A : memref<!tpu.dma_semaphore, #tpu.memory_space<semaphore_mem>>)
        %dma_wait3A = arith.constant 0 : i32
        %dma_wait3A_112 = tpu.memref_slice %arg5[%add3A_107, %dma_wait3A] : memref<10000x128xf32, #tpu.memory_space<vmem_shared>> -> memref<40x128xf32, #tpu.memory_space<vmem_shared>>
        %dma_wait3A_113 = arith.constant 0 : i32
        %dma_wait3A_114 = tpu.memref_slice %arg5[%add3A_107, %dma_wait3A_113] : memref<10000x128xf32, #tpu.memory_space<vmem_shared>> -> memref<40x128xf32, #tpu.memory_space<vmem_shared>>
        tpu.wait_dma2 semaphore(%run_scoped3A : memref<!tpu.dma_semaphore, #tpu.memory_space<semaphore_mem>>) src(%arg7 : memref<40x128xf32, #tpu.memory_space<vmem>>) dst(%dma_wait3A_114 : memref<40x128xf32, #tpu.memory_space<vmem_shared>>)
        tpu.yield
      }) : () -> ()
    }
    %scan3A_33 = arith.constant 15 : i32
    %add3A_34 = arith.constant 600 : i32
    %add3A_35 = arith.addi %mul3A_28, %add3A_34 : i32
    "tpu.region"() ({
      %run_scoped3A = tpu.sem_alloc : memref<!tpu.dma_semaphore, #tpu.memory_space<semaphore_mem>>
      %dma_start3A_100 = arith.constant 0 : i32
      %dma_start3A_101 = arith.constant 0 : i32
      %dma_start3A_102 = tpu.memref_slice %arg7[%dma_start3A_100, %dma_start3A_101] : memref<40x128xf32, #tpu.memory_space<vmem>> -> memref<24x128xf32, #tpu.memory_space<vmem>>
      %dma_start3A_103 = arith.constant 0 : i32
      %dma_start3A_104 = tpu.memref_slice %arg5[%add3A_35, %dma_start3A_103] : memref<10000x128xf32, #tpu.memory_space<vmem_shared>> -> memref<24x128xf32, #tpu.memory_space<vmem_shared>>
      %dma_start3A_105 = arith.constant 0 : i32
      %dma_start3A_106 = tpu.memref_slice %arg5[%add3A_35, %dma_start3A_105] : memref<10000x128xf32, #tpu.memory_space<vmem_shared>> -> memref<24x128xf32, #tpu.memory_space<vmem_shared>>
      %dma_start3A_107 = arith.constant 0 : i32
      %dma_start3A_108 = arith.constant 0 : i32
      %dma_start3A_109 = tpu.memref_slice %arg7[%dma_start3A_107, %dma_start3A_108] : memref<40x128xf32, #tpu.memory_space<vmem>> -> memref<24x128xf32, #tpu.memory_space<vmem>>
      tpu.enqueue_dma source(%dma_start3A_109 : memref<24x128xf32, #tpu.memory_space<vmem>>) target(%dma_start3A_106 : memref<24x128xf32, #tpu.memory_space<vmem_shared>>) target_semaphore(%run_scoped3A : memref<!tpu.dma_semaphore, #tpu.memory_space<semaphore_mem>>)
      %dma_wait3A = arith.constant 0 : i32
      %dma_wait3A_110 = arith.constant 0 : i32
      %dma_wait3A_111 = tpu.memref_slice %arg7[%dma_wait3A, %dma_wait3A_110] : memref<40x128xf32, #tpu.memory_space<vmem>> -> memref<24x128xf32, #tpu.memory_space<vmem>>
      %dma_wait3A_112 = arith.constant 0 : i32
      %dma_wait3A_113 = tpu.memref_slice %arg5[%add3A_35, %dma_wait3A_112] : memref<10000x128xf32, #tpu.memory_space<vmem_shared>> -> memref<24x128xf32, #tpu.memory_space<vmem_shared>>
      %dma_wait3A_114 = arith.constant 0 : i32
      %dma_wait3A_115 = tpu.memref_slice %arg5[%add3A_35, %dma_wait3A_114] : memref<10000x128xf32, #tpu.memory_space<vmem_shared>> -> memref<24x128xf32, #tpu.memory_space<vmem_shared>>
      %dma_wait3A_116 = arith.constant 0 : i32
      %dma_wait3A_117 = arith.constant 0 : i32
      %dma_wait3A_118 = tpu.memref_slice %arg7[%dma_wait3A_116, %dma_wait3A_117] : memref<40x128xf32, #tpu.memory_space<vmem>> -> memref<24x128xf32, #tpu.memory_space<vmem>>
      tpu.wait_dma2 semaphore(%run_scoped3A : memref<!tpu.dma_semaphore, #tpu.memory_space<semaphore_mem>>) src(%dma_wait3A_118 : memref<24x128xf32, #tpu.memory_space<vmem>>) dst(%dma_wait3A_115 : memref<24x128xf32, #tpu.memory_space<vmem_shared>>)
      tpu.yield
    }) : () -> ()
    %eq3A = arith.constant 15 : i32
    %eq3A_36 = arith.cmpi eq, %arg1, %eq3A : i32
    %convert_element_type3A = arith.extui %eq3A_36 : i1 to i32
    %cond3A = arith.constant 0 : i32
    %cond3A_37 = arith.cmpi ne, %convert_element_type3A, %cond3A : i32
    scf.if %cond3A_37 {
      "tpu.region"() ({
        %run_scoped3A = tpu.sem_alloc : memref<!tpu.dma_semaphore, #tpu.memory_space<semaphore_mem>>
        %dma_start3A_100 = arith.constant 0 : i32
        %dma_start3A_101 = arith.constant 0 : i32
        %dma_start3A_102 = tpu.memref_slice %arg7[%dma_start3A_100, %dma_start3A_101] : memref<40x128xf32, #tpu.memory_space<vmem>> -> memref<16x128xf32, #tpu.memory_space<vmem>>
        %dma_start3A_103 = arith.constant 9984 : i32
        %dma_start3A_104 = arith.constant 0 : i32
        %dma_start3A_105 = tpu.memref_slice %arg5[%dma_start3A_103, %dma_start3A_104] : memref<10000x128xf32, #tpu.memory_space<vmem_shared>> -> memref<16x128xf32, #tpu.memory_space<vmem_shared>>
        %dma_start3A_106 = arith.constant 9984 : i32
        %dma_start3A_107 = arith.constant 0 : i32
        %dma_start3A_108 = tpu.memref_slice %arg5[%dma_start3A_106, %dma_start3A_107] : memref<10000x128xf32, #tpu.memory_space<vmem_shared>> -> memref<16x128xf32, #tpu.memory_space<vmem_shared>>
        %dma_start3A_109 = arith.constant 0 : i32
        %dma_start3A_110 = arith.constant 0 : i32
        %dma_start3A_111 = tpu.memref_slice %arg7[%dma_start3A_109, %dma_start3A_110] : memref<40x128xf32, #tpu.memory_space<vmem>> -> memref<16x128xf32, #tpu.memory_space<vmem>>
        tpu.enqueue_dma source(%dma_start3A_111 : memref<16x128xf32, #tpu.memory_space<vmem>>) target(%dma_start3A_108 : memref<16x128xf32, #tpu.memory_space<vmem_shared>>) target_semaphore(%run_scoped3A : memref<!tpu.dma_semaphore, #tpu.memory_space<semaphore_mem>>)
        %dma_wait3A = arith.constant 0 : i32
        %dma_wait3A_112 = arith.constant 0 : i32
        %dma_wait3A_113 = tpu.memref_slice %arg7[%dma_wait3A, %dma_wait3A_112] : memref<40x128xf32, #tpu.memory_space<vmem>> -> memref<16x128xf32, #tpu.memory_space<vmem>>
        %dma_wait3A_114 = arith.constant 9984 : i32
        %dma_wait3A_115 = arith.constant 0 : i32
        %dma_wait3A_116 = tpu.memref_slice %arg5[%dma_wait3A_114, %dma_wait3A_115] : memref<10000x128xf32, #tpu.memory_space<vmem_shared>> -> memref<16x128xf32, #tpu.memory_space<vmem_shared>>
        %dma_wait3A_117 = arith.constant 9984 : i32
        %dma_wait3A_118 = arith.constant 0 : i32
        %dma_wait3A_119 = tpu.memref_slice %arg5[%dma_wait3A_117, %dma_wait3A_118] : memref<10000x128xf32, #tpu.memory_space<vmem_shared>> -> memref<16x128xf32, #tpu.memory_space<vmem_shared>>
        %dma_wait3A_120 = arith.constant 0 : i32
        %dma_wait3A_121 = arith.constant 0 : i32
        %dma_wait3A_122 = tpu.memref_slice %arg7[%dma_wait3A_120, %dma_wait3A_121] : memref<40x128xf32, #tpu.memory_space<vmem>> -> memref<16x128xf32, #tpu.memory_space<vmem>>
        tpu.wait_dma2 semaphore(%run_scoped3A : memref<!tpu.dma_semaphore, #tpu.memory_space<semaphore_mem>>) src(%dma_wait3A_122 : memref<16x128xf32, #tpu.memory_space<vmem>>) dst(%dma_wait3A_119 : memref<16x128xf32, #tpu.memory_space<vmem_shared>>)
        tpu.yield
      }) : () -> ()
    } else {
    }
    %add3A_38 = arith.constant 0 : i32
    %add3A_39 = arith.addi %sub3A_21, %add3A_38 : i32
    %dma_start3A = arith.constant 0 : i32
    %dma_start3A_40 = arith.constant 0 : i32
    %dma_start3A_41 = tpu.memref_slice %arg6[%dma_start3A, %dma_start3A_40] : memref<2x10112xi32, #tpu.memory_space<vmem>> -> memref<1x10112xi32, #tpu.memory_space<vmem>>
    %dma_start3A_42 = tpu.memref_squeeze %dma_start3A_41 : memref<1x10112xi32, #tpu.memory_space<vmem>> -> memref<10112xi32, #tpu.memory_space<vmem>>
    %dma_start3A_43 = tpu.memref_slice %dma_start3A_42[%add3A_39] : memref<10112xi32, #tpu.memory_space<vmem>> -> memref<40xi32, #tpu.memory_space<vmem>>
    %dma_start3A_44 = arith.constant 0 : i32
    %dma_start3A_45 = arith.constant 0 : i32
    %dma_start3A_46 = tpu.memref_slice %arg2[%dma_start3A_44, %dma_start3A_45] : memref<10000x128xf32, #tpu.memory_space<hbm>> -> memref<10000x128xf32, #tpu.memory_space<hbm>>
    tpu.enqueue_indirect_dma source(%dma_start3A_46 : memref<10000x128xf32, #tpu.memory_space<hbm>>) target(%arg7 : memref<40x128xf32, #tpu.memory_space<vmem>>) offsets(%dma_start3A_43 : memref<40xi32, #tpu.memory_space<vmem>>) semaphore(%arg12 : memref<!tpu.dma_semaphore, #tpu.memory_space<semaphore_mem>>)
    %add3A_47 = arith.constant 40 : i32
    %add3A_48 = arith.addi %sub3A_21, %add3A_47 : i32
    %dma_start3A_49 = arith.constant 0 : i32
    %dma_start3A_50 = arith.constant 0 : i32
    %dma_start3A_51 = tpu.memref_slice %arg6[%dma_start3A_49, %dma_start3A_50] : memref<2x10112xi32, #tpu.memory_space<vmem>> -> memref<1x10112xi32, #tpu.memory_space<vmem>>
    %dma_start3A_52 = tpu.memref_squeeze %dma_start3A_51 : memref<1x10112xi32, #tpu.memory_space<vmem>> -> memref<10112xi32, #tpu.memory_space<vmem>>
    %dma_start3A_53 = tpu.memref_slice %dma_start3A_52[%add3A_48] : memref<10112xi32, #tpu.memory_space<vmem>> -> memref<40xi32, #tpu.memory_space<vmem>>
    %dma_start3A_54 = arith.constant 0 : i32
    %dma_start3A_55 = arith.constant 0 : i32
    %dma_start3A_56 = tpu.memref_slice %arg2[%dma_start3A_54, %dma_start3A_55] : memref<10000x128xf32, #tpu.memory_space<hbm>> -> memref<10000x128xf32, #tpu.memory_space<hbm>>
    tpu.enqueue_indirect_dma source(%dma_start3A_56 : memref<10000x128xf32, #tpu.memory_space<hbm>>) target(%arg8 : memref<40x128xf32, #tpu.memory_space<vmem>>) offsets(%dma_start3A_53 : memref<40xi32, #tpu.memory_space<vmem>>) semaphore(%arg13 : memref<!tpu.dma_semaphore, #tpu.memory_space<semaphore_mem>>)
    %add3A_57 = arith.constant 80 : i32
    %add3A_58 = arith.addi %sub3A_21, %add3A_57 : i32
    %dma_start3A_59 = arith.constant 0 : i32
    %dma_start3A_60 = arith.constant 0 : i32
    %dma_start3A_61 = tpu.memref_slice %arg6[%dma_start3A_59, %dma_start3A_60] : memref<2x10112xi32, #tpu.memory_space<vmem>> -> memref<1x10112xi32, #tpu.memory_space<vmem>>
    %dma_start3A_62 = tpu.memref_squeeze %dma_start3A_61 : memref<1x10112xi32, #tpu.memory_space<vmem>> -> memref<10112xi32, #tpu.memory_space<vmem>>
    %dma_start3A_63 = tpu.memref_slice %dma_start3A_62[%add3A_58] : memref<10112xi32, #tpu.memory_space<vmem>> -> memref<40xi32, #tpu.memory_space<vmem>>
    %dma_start3A_64 = arith.constant 0 : i32
    %dma_start3A_65 = arith.constant 0 : i32
    %dma_start3A_66 = tpu.memref_slice %arg2[%dma_start3A_64, %dma_start3A_65] : memref<10000x128xf32, #tpu.memory_space<hbm>> -> memref<10000x128xf32, #tpu.memory_space<hbm>>
    tpu.enqueue_indirect_dma source(%dma_start3A_66 : memref<10000x128xf32, #tpu.memory_space<hbm>>) target(%arg9 : memref<40x128xf32, #tpu.memory_space<vmem>>) offsets(%dma_start3A_63 : memref<40xi32, #tpu.memory_space<vmem>>) semaphore(%arg14 : memref<!tpu.dma_semaphore, #tpu.memory_space<semaphore_mem>>)
    %add3A_67 = arith.constant 120 : i32
    %add3A_68 = arith.addi %sub3A_21, %add3A_67 : i32
    %dma_start3A_69 = arith.constant 0 : i32
    %dma_start3A_70 = arith.constant 0 : i32
    %dma_start3A_71 = tpu.memref_slice %arg6[%dma_start3A_69, %dma_start3A_70] : memref<2x10112xi32, #tpu.memory_space<vmem>> -> memref<1x10112xi32, #tpu.memory_space<vmem>>
    %dma_start3A_72 = tpu.memref_squeeze %dma_start3A_71 : memref<1x10112xi32, #tpu.memory_space<vmem>> -> memref<10112xi32, #tpu.memory_space<vmem>>
    %dma_start3A_73 = tpu.memref_slice %dma_start3A_72[%add3A_68] : memref<10112xi32, #tpu.memory_space<vmem>> -> memref<40xi32, #tpu.memory_space<vmem>>
    %dma_start3A_74 = arith.constant 0 : i32
    %dma_start3A_75 = arith.constant 0 : i32
    %dma_start3A_76 = tpu.memref_slice %arg2[%dma_start3A_74, %dma_start3A_75] : memref<10000x128xf32, #tpu.memory_space<hbm>> -> memref<10000x128xf32, #tpu.memory_space<hbm>>
    tpu.enqueue_indirect_dma source(%dma_start3A_76 : memref<10000x128xf32, #tpu.memory_space<hbm>>) target(%arg10 : memref<40x128xf32, #tpu.memory_space<vmem>>) offsets(%dma_start3A_73 : memref<40xi32, #tpu.memory_space<vmem>>) semaphore(%arg15 : memref<!tpu.dma_semaphore, #tpu.memory_space<semaphore_mem>>)
    %add3A_77 = arith.constant 160 : i32
    %add3A_78 = arith.addi %sub3A_21, %add3A_77 : i32
    %dma_start3A_79 = arith.constant 0 : i32
    %dma_start3A_80 = arith.constant 0 : i32
    %dma_start3A_81 = tpu.memref_slice %arg6[%dma_start3A_79, %dma_start3A_80] : memref<2x10112xi32, #tpu.memory_space<vmem>> -> memref<1x10112xi32, #tpu.memory_space<vmem>>
    %dma_start3A_82 = tpu.memref_squeeze %dma_start3A_81 : memref<1x10112xi32, #tpu.memory_space<vmem>> -> memref<10112xi32, #tpu.memory_space<vmem>>
    %dma_start3A_83 = tpu.memref_slice %dma_start3A_82[%add3A_78] : memref<10112xi32, #tpu.memory_space<vmem>> -> memref<40xi32, #tpu.memory_space<vmem>>
    %dma_start3A_84 = arith.constant 0 : i32
    %dma_start3A_85 = arith.constant 0 : i32
    %dma_start3A_86 = tpu.memref_slice %arg2[%dma_start3A_84, %dma_start3A_85] : memref<10000x128xf32, #tpu.memory_space<hbm>> -> memref<10000x128xf32, #tpu.memory_space<hbm>>
    tpu.enqueue_indirect_dma source(%dma_start3A_86 : memref<10000x128xf32, #tpu.memory_space<hbm>>) target(%arg11 : memref<40x128xf32, #tpu.memory_space<vmem>>) offsets(%dma_start3A_83 : memref<40xi32, #tpu.memory_space<vmem>>) semaphore(%arg16 : memref<!tpu.dma_semaphore, #tpu.memory_space<semaphore_mem>>)
    %barrier3A = arith.constant 0 : index
    tpu.barrier barrier_id(%barrier3A)
    %scan3A_87 = arith.constant 0 : i32
    %scan3A_88 = arith.constant 1 : i32
    %scan3A_89 = arith.constant 0 : i32
    %scan3A_90 = arith.constant 50 : i32
    %scan3A_91 = arith.addi %scan3A_89, %scan3A_90 : i32
    %scan3A_92 = arith.constant 1 : i32
    scf.for %scan3A_100 = %scan3A_89 to %scan3A_91 step %scan3A_92  : i32 {
      %mul3A_101 = arith.constant 5 : i32
      %mul3A_102 = arith.muli %scan3A_100, %mul3A_101 : i32
      %add3A_103 = arith.constant 0 : i32
      %add3A_104 = arith.addi %add3A_103, %mul3A_102 : i32
      %add3A_105 = arith.constant 0 : i32
      %add3A_106 = arith.addi %add3A_104, %add3A_105 : i32
      %mul3A_107 = arith.constant 40 : i32
      %mul3A_108 = arith.muli %add3A_106, %mul3A_107 : i32
      %add3A_109 = arith.addi %sub3A_21, %mul3A_108 : i32
      %dma_wait3A = arith.constant 0 : i32
      %dma_wait3A_110 = tpu.memref_slice %arg6[%scan3A_87, %dma_wait3A] : memref<2x10112xi32, #tpu.memory_space<vmem>> -> memref<1x10112xi32, #tpu.memory_space<vmem>>
      %dma_wait3A_111 = tpu.memref_squeeze %dma_wait3A_110 : memref<1x10112xi32, #tpu.memory_space<vmem>> -> memref<10112xi32, #tpu.memory_space<vmem>>
      %dma_wait3A_112 = tpu.memref_slice %dma_wait3A_111[%add3A_109] : memref<10112xi32, #tpu.memory_space<vmem>> -> memref<40xi32, #tpu.memory_space<vmem>>
      %dma_wait3A_113 = arith.constant 0 : i32
      %dma_wait3A_114 = arith.constant 0 : i32
      %dma_wait3A_115 = tpu.memref_slice %arg2[%dma_wait3A_113, %dma_wait3A_114] : memref<10000x128xf32, #tpu.memory_space<hbm>> -> memref<10000x128xf32, #tpu.memory_space<hbm>>
      tpu.wait_indirect_dma semaphore(%arg12 : memref<!tpu.dma_semaphore, #tpu.memory_space<semaphore_mem>>) src(%dma_wait3A_115 : memref<10000x128xf32, #tpu.memory_space<hbm>>) dst(%arg7 : memref<40x128xf32, #tpu.memory_space<vmem>>)
      %mul3A_116 = arith.constant 40 : i32
      %mul3A_117 = arith.muli %add3A_106, %mul3A_116 : i32
      %add3A_118 = arith.addi %sub3A_21, %mul3A_117 : i32
      "tpu.region"() ({
        %run_scoped3A = tpu.sem_alloc : memref<!tpu.dma_semaphore, #tpu.memory_space<semaphore_mem>>
        %dma_start3A_213 = arith.constant 0 : i32
        %dma_start3A_214 = tpu.memref_slice %arg6[%scan3A_88, %dma_start3A_213] : memref<2x10112xi32, #tpu.memory_space<vmem>> -> memref<1x10112xi32, #tpu.memory_space<vmem>>
        %dma_start3A_215 = tpu.memref_squeeze %dma_start3A_214 : memref<1x10112xi32, #tpu.memory_space<vmem>> -> memref<10112xi32, #tpu.memory_space<vmem>>
        %dma_start3A_216 = tpu.memref_slice %dma_start3A_215[%add3A_118] : memref<10112xi32, #tpu.memory_space<vmem>> -> memref<40xi32, #tpu.memory_space<vmem>>
        %dma_start3A_217 = arith.constant 0 : i32
        %dma_start3A_218 = arith.constant 0 : i32
        %dma_start3A_219 = tpu.memref_slice %arg5[%dma_start3A_217, %dma_start3A_218] : memref<10000x128xf32, #tpu.memory_space<vmem_shared>> -> memref<10000x128xf32, #tpu.memory_space<vmem_shared>>
        tpu.enqueue_indirect_dma source(%arg7 : memref<40x128xf32, #tpu.memory_space<vmem>>) target(%dma_start3A_219 : memref<10000x128xf32, #tpu.memory_space<vmem_shared>>) offsets(%dma_start3A_216 : memref<40xi32, #tpu.memory_space<vmem>>) semaphore(%run_scoped3A : memref<!tpu.dma_semaphore, #tpu.memory_space<semaphore_mem>>) {add = true}
        %dma_wait3A_220 = arith.constant 0 : i32
        %dma_wait3A_221 = tpu.memref_slice %arg6[%scan3A_88, %dma_wait3A_220] : memref<2x10112xi32, #tpu.memory_space<vmem>> -> memref<1x10112xi32, #tpu.memory_space<vmem>>
        %dma_wait3A_222 = tpu.memref_squeeze %dma_wait3A_221 : memref<1x10112xi32, #tpu.memory_space<vmem>> -> memref<10112xi32, #tpu.memory_space<vmem>>
        %dma_wait3A_223 = tpu.memref_slice %dma_wait3A_222[%add3A_118] : memref<10112xi32, #tpu.memory_space<vmem>> -> memref<40xi32, #tpu.memory_space<vmem>>
        %dma_wait3A_224 = arith.constant 0 : i32
        %dma_wait3A_225 = arith.constant 0 : i32
        %dma_wait3A_226 = tpu.memref_slice %arg5[%dma_wait3A_224, %dma_wait3A_225] : memref<10000x128xf32, #tpu.memory_space<vmem_shared>> -> memref<10000x128xf32, #tpu.memory_space<vmem_shared>>
        tpu.wait_indirect_dma semaphore(%run_scoped3A : memref<!tpu.dma_semaphore, #tpu.memory_space<semaphore_mem>>) src(%arg7 : memref<40x128xf32, #tpu.memory_space<vmem>>) dst(%dma_wait3A_226 : memref<10000x128xf32, #tpu.memory_space<vmem_shared>>)
        tpu.yield
      }) : () -> ()
      %add3A_119 = arith.constant 5 : i32
      %add3A_120 = arith.addi %add3A_106, %add3A_119 : i32
      %lt3A = arith.constant 250 : i32
      %lt3A_121 = arith.cmpi slt, %add3A_120, %lt3A : i32
      %convert_element_type3A_122 = arith.extui %lt3A_121 : i1 to i32
      %cond3A_123 = arith.constant 0 : i32
      %cond3A_124 = arith.cmpi ne, %convert_element_type3A_122, %cond3A_123 : i32
      scf.if %cond3A_124 {
        %add3A_213 = arith.constant 5 : i32
        %add3A_214 = arith.addi %add3A_106, %add3A_213 : i32
        %mul3A_215 = arith.constant 40 : i32
        %mul3A_216 = arith.muli %add3A_214, %mul3A_215 : i32
        %add3A_217 = arith.addi %sub3A_21, %mul3A_216 : i32
        %dma_start3A_218 = arith.constant 0 : i32
        %dma_start3A_219 = tpu.memref_slice %arg6[%scan3A_87, %dma_start3A_218] : memref<2x10112xi32, #tpu.memory_space<vmem>> -> memref<1x10112xi32, #tpu.memory_space<vmem>>
        %dma_start3A_220 = tpu.memref_squeeze %dma_start3A_219 : memref<1x10112xi32, #tpu.memory_space<vmem>> -> memref<10112xi32, #tpu.memory_space<vmem>>
        %dma_start3A_221 = tpu.memref_slice %dma_start3A_220[%add3A_217] : memref<10112xi32, #tpu.memory_space<vmem>> -> memref<40xi32, #tpu.memory_space<vmem>>
        %dma_start3A_222 = arith.constant 0 : i32
        %dma_start3A_223 = arith.constant 0 : i32
        %dma_start3A_224 = tpu.memref_slice %arg2[%dma_start3A_222, %dma_start3A_223] : memref<10000x128xf32, #tpu.memory_space<hbm>> -> memref<10000x128xf32, #tpu.memory_space<hbm>>
        tpu.enqueue_indirect_dma source(%dma_start3A_224 : memref<10000x128xf32, #tpu.memory_space<hbm>>) target(%arg7 : memref<40x128xf32, #tpu.memory_space<vmem>>) offsets(%dma_start3A_221 : memref<40xi32, #tpu.memory_space<vmem>>) semaphore(%arg12 : memref<!tpu.dma_semaphore, #tpu.memory_space<semaphore_mem>>)
      } else {
      }
      %add3A_125 = arith.constant 1 : i32
      %add3A_126 = arith.addi %add3A_104, %add3A_125 : i32
      %mul3A_127 = arith.constant 40 : i32
      %mul3A_128 = arith.muli %add3A_126, %mul3A_127 : i32
      %add3A_129 = arith.addi %sub3A_21, %mul3A_128 : i32
      %dma_wait3A_130 = arith.constant 0 : i32
      %dma_wait3A_131 = tpu.memref_slice %arg6[%scan3A_87, %dma_wait3A_130] : memref<2x10112xi32, #tpu.memory_space<vmem>> -> memref<1x10112xi32, #tpu.memory_space<vmem>>
      %dma_wait3A_132 = tpu.memref_squeeze %dma_wait3A_131 : memref<1x10112xi32, #tpu.memory_space<vmem>> -> memref<10112xi32, #tpu.memory_space<vmem>>
      %dma_wait3A_133 = tpu.memref_slice %dma_wait3A_132[%add3A_129] : memref<10112xi32, #tpu.memory_space<vmem>> -> memref<40xi32, #tpu.memory_space<vmem>>
      %dma_wait3A_134 = arith.constant 0 : i32
      %dma_wait3A_135 = arith.constant 0 : i32
      %dma_wait3A_136 = tpu.memref_slice %arg2[%dma_wait3A_134, %dma_wait3A_135] : memref<10000x128xf32, #tpu.memory_space<hbm>> -> memref<10000x128xf32, #tpu.memory_space<hbm>>
      tpu.wait_indirect_dma semaphore(%arg13 : memref<!tpu.dma_semaphore, #tpu.memory_space<semaphore_mem>>) src(%dma_wait3A_136 : memref<10000x128xf32, #tpu.memory_space<hbm>>) dst(%arg8 : memref<40x128xf32, #tpu.memory_space<vmem>>)
      %mul3A_137 = arith.constant 40 : i32
      %mul3A_138 = arith.muli %add3A_126, %mul3A_137 : i32
      %add3A_139 = arith.addi %sub3A_21, %mul3A_138 : i32
      "tpu.region"() ({
        %run_scoped3A = tpu.sem_alloc : memref<!tpu.dma_semaphore, #tpu.memory_space<semaphore_mem>>
        %dma_start3A_213 = arith.constant 0 : i32
        %dma_start3A_214 = tpu.memref_slice %arg6[%scan3A_88, %dma_start3A_213] : memref<2x10112xi32, #tpu.memory_space<vmem>> -> memref<1x10112xi32, #tpu.memory_space<vmem>>
        %dma_start3A_215 = tpu.memref_squeeze %dma_start3A_214 : memref<1x10112xi32, #tpu.memory_space<vmem>> -> memref<10112xi32, #tpu.memory_space<vmem>>
        %dma_start3A_216 = tpu.memref_slice %dma_start3A_215[%add3A_139] : memref<10112xi32, #tpu.memory_space<vmem>> -> memref<40xi32, #tpu.memory_space<vmem>>
        %dma_start3A_217 = arith.constant 0 : i32
        %dma_start3A_218 = arith.constant 0 : i32
        %dma_start3A_219 = tpu.memref_slice %arg5[%dma_start3A_217, %dma_start3A_218] : memref<10000x128xf32, #tpu.memory_space<vmem_shared>> -> memref<10000x128xf32, #tpu.memory_space<vmem_shared>>
        tpu.enqueue_indirect_dma source(%arg8 : memref<40x128xf32, #tpu.memory_space<vmem>>) target(%dma_start3A_219 : memref<10000x128xf32, #tpu.memory_space<vmem_shared>>) offsets(%dma_start3A_216 : memref<40xi32, #tpu.memory_space<vmem>>) semaphore(%run_scoped3A : memref<!tpu.dma_semaphore, #tpu.memory_space<semaphore_mem>>) {add = true}
        %dma_wait3A_220 = arith.constant 0 : i32
        %dma_wait3A_221 = tpu.memref_slice %arg6[%scan3A_88, %dma_wait3A_220] : memref<2x10112xi32, #tpu.memory_space<vmem>> -> memref<1x10112xi32, #tpu.memory_space<vmem>>
        %dma_wait3A_222 = tpu.memref_squeeze %dma_wait3A_221 : memref<1x10112xi32, #tpu.memory_space<vmem>> -> memref<10112xi32, #tpu.memory_space<vmem>>
        %dma_wait3A_223 = tpu.memref_slice %dma_wait3A_222[%add3A_139] : memref<10112xi32, #tpu.memory_space<vmem>> -> memref<40xi32, #tpu.memory_space<vmem>>
        %dma_wait3A_224 = arith.constant 0 : i32
        %dma_wait3A_225 = arith.constant 0 : i32
        %dma_wait3A_226 = tpu.memref_slice %arg5[%dma_wait3A_224, %dma_wait3A_225] : memref<10000x128xf32, #tpu.memory_space<vmem_shared>> -> memref<10000x128xf32, #tpu.memory_space<vmem_shared>>
        tpu.wait_indirect_dma semaphore(%run_scoped3A : memref<!tpu.dma_semaphore, #tpu.memory_space<semaphore_mem>>) src(%arg8 : memref<40x128xf32, #tpu.memory_space<vmem>>) dst(%dma_wait3A_226 : memref<10000x128xf32, #tpu.memory_space<vmem_shared>>)
        tpu.yield
      }) : () -> ()
      %add3A_140 = arith.constant 5 : i32
      %add3A_141 = arith.addi %add3A_126, %add3A_140 : i32
      %lt3A_142 = arith.constant 250 : i32
      %lt3A_143 = arith.cmpi slt, %add3A_141, %lt3A_142 : i32
      %convert_element_type3A_144 = arith.extui %lt3A_143 : i1 to i32
      %cond3A_145 = arith.constant 0 : i32
      %cond3A_146 = arith.cmpi ne, %convert_element_type3A_144, %cond3A_145 : i32
      scf.if %cond3A_146 {
        %add3A_213 = arith.constant 5 : i32
        %add3A_214 = arith.addi %add3A_126, %add3A_213 : i32
        %mul3A_215 = arith.constant 40 : i32
        %mul3A_216 = arith.muli %add3A_214, %mul3A_215 : i32
        %add3A_217 = arith.addi %sub3A_21, %mul3A_216 : i32
        %dma_start3A_218 = arith.constant 0 : i32
        %dma_start3A_219 = tpu.memref_slice %arg6[%scan3A_87, %dma_start3A_218] : memref<2x10112xi32, #tpu.memory_space<vmem>> -> memref<1x10112xi32, #tpu.memory_space<vmem>>
        %dma_start3A_220 = tpu.memref_squeeze %dma_start3A_219 : memref<1x10112xi32, #tpu.memory_space<vmem>> -> memref<10112xi32, #tpu.memory_space<vmem>>
        %dma_start3A_221 = tpu.memref_slice %dma_start3A_220[%add3A_217] : memref<10112xi32, #tpu.memory_space<vmem>> -> memref<40xi32, #tpu.memory_space<vmem>>
        %dma_start3A_222 = arith.constant 0 : i32
        %dma_start3A_223 = arith.constant 0 : i32
        %dma_start3A_224 = tpu.memref_slice %arg2[%dma_start3A_222, %dma_start3A_223] : memref<10000x128xf32, #tpu.memory_space<hbm>> -> memref<10000x128xf32, #tpu.memory_space<hbm>>
        tpu.enqueue_indirect_dma source(%dma_start3A_224 : memref<10000x128xf32, #tpu.memory_space<hbm>>) target(%arg8 : memref<40x128xf32, #tpu.memory_space<vmem>>) offsets(%dma_start3A_221 : memref<40xi32, #tpu.memory_space<vmem>>) semaphore(%arg13 : memref<!tpu.dma_semaphore, #tpu.memory_space<semaphore_mem>>)
      } else {
      }
      %add3A_147 = arith.constant 2 : i32
      %add3A_148 = arith.addi %add3A_104, %add3A_147 : i32
      %mul3A_149 = arith.constant 40 : i32
      %mul3A_150 = arith.muli %add3A_148, %mul3A_149 : i32
      %add3A_151 = arith.addi %sub3A_21, %mul3A_150 : i32
      %dma_wait3A_152 = arith.constant 0 : i32
      %dma_wait3A_153 = tpu.memref_slice %arg6[%scan3A_87, %dma_wait3A_152] : memref<2x10112xi32, #tpu.memory_space<vmem>> -> memref<1x10112xi32, #tpu.memory_space<vmem>>
      %dma_wait3A_154 = tpu.memref_squeeze %dma_wait3A_153 : memref<1x10112xi32, #tpu.memory_space<vmem>> -> memref<10112xi32, #tpu.memory_space<vmem>>
      %dma_wait3A_155 = tpu.memref_slice %dma_wait3A_154[%add3A_151] : memref<10112xi32, #tpu.memory_space<vmem>> -> memref<40xi32, #tpu.memory_space<vmem>>
      %dma_wait3A_156 = arith.constant 0 : i32
      %dma_wait3A_157 = arith.constant 0 : i32
      %dma_wait3A_158 = tpu.memref_slice %arg2[%dma_wait3A_156, %dma_wait3A_157] : memref<10000x128xf32, #tpu.memory_space<hbm>> -> memref<10000x128xf32, #tpu.memory_space<hbm>>
      tpu.wait_indirect_dma semaphore(%arg14 : memref<!tpu.dma_semaphore, #tpu.memory_space<semaphore_mem>>) src(%dma_wait3A_158 : memref<10000x128xf32, #tpu.memory_space<hbm>>) dst(%arg9 : memref<40x128xf32, #tpu.memory_space<vmem>>)
      %mul3A_159 = arith.constant 40 : i32
      %mul3A_160 = arith.muli %add3A_148, %mul3A_159 : i32
      %add3A_161 = arith.addi %sub3A_21, %mul3A_160 : i32
      "tpu.region"() ({
        %run_scoped3A = tpu.sem_alloc : memref<!tpu.dma_semaphore, #tpu.memory_space<semaphore_mem>>
        %dma_start3A_213 = arith.constant 0 : i32
        %dma_start3A_214 = tpu.memref_slice %arg6[%scan3A_88, %dma_start3A_213] : memref<2x10112xi32, #tpu.memory_space<vmem>> -> memref<1x10112xi32, #tpu.memory_space<vmem>>
        %dma_start3A_215 = tpu.memref_squeeze %dma_start3A_214 : memref<1x10112xi32, #tpu.memory_space<vmem>> -> memref<10112xi32, #tpu.memory_space<vmem>>
        %dma_start3A_216 = tpu.memref_slice %dma_start3A_215[%add3A_161] : memref<10112xi32, #tpu.memory_space<vmem>> -> memref<40xi32, #tpu.memory_space<vmem>>
        %dma_start3A_217 = arith.constant 0 : i32
        %dma_start3A_218 = arith.constant 0 : i32
        %dma_start3A_219 = tpu.memref_slice %arg5[%dma_start3A_217, %dma_start3A_218] : memref<10000x128xf32, #tpu.memory_space<vmem_shared>> -> memref<10000x128xf32, #tpu.memory_space<vmem_shared>>
        tpu.enqueue_indirect_dma source(%arg9 : memref<40x128xf32, #tpu.memory_space<vmem>>) target(%dma_start3A_219 : memref<10000x128xf32, #tpu.memory_space<vmem_shared>>) offsets(%dma_start3A_216 : memref<40xi32, #tpu.memory_space<vmem>>) semaphore(%run_scoped3A : memref<!tpu.dma_semaphore, #tpu.memory_space<semaphore_mem>>) {add = true}
        %dma_wait3A_220 = arith.constant 0 : i32
        %dma_wait3A_221 = tpu.memref_slice %arg6[%scan3A_88, %dma_wait3A_220] : memref<2x10112xi32, #tpu.memory_space<vmem>> -> memref<1x10112xi32, #tpu.memory_space<vmem>>
        %dma_wait3A_222 = tpu.memref_squeeze %dma_wait3A_221 : memref<1x10112xi32, #tpu.memory_space<vmem>> -> memref<10112xi32, #tpu.memory_space<vmem>>
        %dma_wait3A_223 = tpu.memref_slice %dma_wait3A_222[%add3A_161] : memref<10112xi32, #tpu.memory_space<vmem>> -> memref<40xi32, #tpu.memory_space<vmem>>
        %dma_wait3A_224 = arith.constant 0 : i32
        %dma_wait3A_225 = arith.constant 0 : i32
        %dma_wait3A_226 = tpu.memref_slice %arg5[%dma_wait3A_224, %dma_wait3A_225] : memref<10000x128xf32, #tpu.memory_space<vmem_shared>> -> memref<10000x128xf32, #tpu.memory_space<vmem_shared>>
        tpu.wait_indirect_dma semaphore(%run_scoped3A : memref<!tpu.dma_semaphore, #tpu.memory_space<semaphore_mem>>) src(%arg9 : memref<40x128xf32, #tpu.memory_space<vmem>>) dst(%dma_wait3A_226 : memref<10000x128xf32, #tpu.memory_space<vmem_shared>>)
        tpu.yield
      }) : () -> ()
      %add3A_162 = arith.constant 5 : i32
      %add3A_163 = arith.addi %add3A_148, %add3A_162 : i32
      %lt3A_164 = arith.constant 250 : i32
      %lt3A_165 = arith.cmpi slt, %add3A_163, %lt3A_164 : i32
      %convert_element_type3A_166 = arith.extui %lt3A_165 : i1 to i32
      %cond3A_167 = arith.constant 0 : i32
      %cond3A_168 = arith.cmpi ne, %convert_element_type3A_166, %cond3A_167 : i32
      scf.if %cond3A_168 {
        %add3A_213 = arith.constant 5 : i32
        %add3A_214 = arith.addi %add3A_148, %add3A_213 : i32
        %mul3A_215 = arith.constant 40 : i32
        %mul3A_216 = arith.muli %add3A_214, %mul3A_215 : i32
        %add3A_217 = arith.addi %sub3A_21, %mul3A_216 : i32
        %dma_start3A_218 = arith.constant 0 : i32
        %dma_start3A_219 = tpu.memref_slice %arg6[%scan3A_87, %dma_start3A_218] : memref<2x10112xi32, #tpu.memory_space<vmem>> -> memref<1x10112xi32, #tpu.memory_space<vmem>>
        %dma_start3A_220 = tpu.memref_squeeze %dma_start3A_219 : memref<1x10112xi32, #tpu.memory_space<vmem>> -> memref<10112xi32, #tpu.memory_space<vmem>>
        %dma_start3A_221 = tpu.memref_slice %dma_start3A_220[%add3A_217] : memref<10112xi32, #tpu.memory_space<vmem>> -> memref<40xi32, #tpu.memory_space<vmem>>
        %dma_start3A_222 = arith.constant 0 : i32
        %dma_start3A_223 = arith.constant 0 : i32
        %dma_start3A_224 = tpu.memref_slice %arg2[%dma_start3A_222, %dma_start3A_223] : memref<10000x128xf32, #tpu.memory_space<hbm>> -> memref<10000x128xf32, #tpu.memory_space<hbm>>
        tpu.enqueue_indirect_dma source(%dma_start3A_224 : memref<10000x128xf32, #tpu.memory_space<hbm>>) target(%arg9 : memref<40x128xf32, #tpu.memory_space<vmem>>) offsets(%dma_start3A_221 : memref<40xi32, #tpu.memory_space<vmem>>) semaphore(%arg14 : memref<!tpu.dma_semaphore, #tpu.memory_space<semaphore_mem>>)
      } else {
      }
      %add3A_169 = arith.constant 3 : i32
      %add3A_170 = arith.addi %add3A_104, %add3A_169 : i32
      %mul3A_171 = arith.constant 40 : i32
      %mul3A_172 = arith.muli %add3A_170, %mul3A_171 : i32
      %add3A_173 = arith.addi %sub3A_21, %mul3A_172 : i32
      %dma_wait3A_174 = arith.constant 0 : i32
      %dma_wait3A_175 = tpu.memref_slice %arg6[%scan3A_87, %dma_wait3A_174] : memref<2x10112xi32, #tpu.memory_space<vmem>> -> memref<1x10112xi32, #tpu.memory_space<vmem>>
      %dma_wait3A_176 = tpu.memref_squeeze %dma_wait3A_175 : memref<1x10112xi32, #tpu.memory_space<vmem>> -> memref<10112xi32, #tpu.memory_space<vmem>>
      %dma_wait3A_177 = tpu.memref_slice %dma_wait3A_176[%add3A_173] : memref<10112xi32, #tpu.memory_space<vmem>> -> memref<40xi32, #tpu.memory_space<vmem>>
      %dma_wait3A_178 = arith.constant 0 : i32
      %dma_wait3A_179 = arith.constant 0 : i32
      %dma_wait3A_180 = tpu.memref_slice %arg2[%dma_wait3A_178, %dma_wait3A_179] : memref<10000x128xf32, #tpu.memory_space<hbm>> -> memref<10000x128xf32, #tpu.memory_space<hbm>>
      tpu.wait_indirect_dma semaphore(%arg15 : memref<!tpu.dma_semaphore, #tpu.memory_space<semaphore_mem>>) src(%dma_wait3A_180 : memref<10000x128xf32, #tpu.memory_space<hbm>>) dst(%arg10 : memref<40x128xf32, #tpu.memory_space<vmem>>)
      %mul3A_181 = arith.constant 40 : i32
      %mul3A_182 = arith.muli %add3A_170, %mul3A_181 : i32
      %add3A_183 = arith.addi %sub3A_21, %mul3A_182 : i32
      "tpu.region"() ({
        %run_scoped3A = tpu.sem_alloc : memref<!tpu.dma_semaphore, #tpu.memory_space<semaphore_mem>>
        %dma_start3A_213 = arith.constant 0 : i32
        %dma_start3A_214 = tpu.memref_slice %arg6[%scan3A_88, %dma_start3A_213] : memref<2x10112xi32, #tpu.memory_space<vmem>> -> memref<1x10112xi32, #tpu.memory_space<vmem>>
        %dma_start3A_215 = tpu.memref_squeeze %dma_start3A_214 : memref<1x10112xi32, #tpu.memory_space<vmem>> -> memref<10112xi32, #tpu.memory_space<vmem>>
        %dma_start3A_216 = tpu.memref_slice %dma_start3A_215[%add3A_183] : memref<10112xi32, #tpu.memory_space<vmem>> -> memref<40xi32, #tpu.memory_space<vmem>>
        %dma_start3A_217 = arith.constant 0 : i32
        %dma_start3A_218 = arith.constant 0 : i32
        %dma_start3A_219 = tpu.memref_slice %arg5[%dma_start3A_217, %dma_start3A_218] : memref<10000x128xf32, #tpu.memory_space<vmem_shared>> -> memref<10000x128xf32, #tpu.memory_space<vmem_shared>>
        tpu.enqueue_indirect_dma source(%arg10 : memref<40x128xf32, #tpu.memory_space<vmem>>) target(%dma_start3A_219 : memref<10000x128xf32, #tpu.memory_space<vmem_shared>>) offsets(%dma_start3A_216 : memref<40xi32, #tpu.memory_space<vmem>>) semaphore(%run_scoped3A : memref<!tpu.dma_semaphore, #tpu.memory_space<semaphore_mem>>) {add = true}
        %dma_wait3A_220 = arith.constant 0 : i32
        %dma_wait3A_221 = tpu.memref_slice %arg6[%scan3A_88, %dma_wait3A_220] : memref<2x10112xi32, #tpu.memory_space<vmem>> -> memref<1x10112xi32, #tpu.memory_space<vmem>>
        %dma_wait3A_222 = tpu.memref_squeeze %dma_wait3A_221 : memref<1x10112xi32, #tpu.memory_space<vmem>> -> memref<10112xi32, #tpu.memory_space<vmem>>
        %dma_wait3A_223 = tpu.memref_slice %dma_wait3A_222[%add3A_183] : memref<10112xi32, #tpu.memory_space<vmem>> -> memref<40xi32, #tpu.memory_space<vmem>>
        %dma_wait3A_224 = arith.constant 0 : i32
        %dma_wait3A_225 = arith.constant 0 : i32
        %dma_wait3A_226 = tpu.memref_slice %arg5[%dma_wait3A_224, %dma_wait3A_225] : memref<10000x128xf32, #tpu.memory_space<vmem_shared>> -> memref<10000x128xf32, #tpu.memory_space<vmem_shared>>
        tpu.wait_indirect_dma semaphore(%run_scoped3A : memref<!tpu.dma_semaphore, #tpu.memory_space<semaphore_mem>>) src(%arg10 : memref<40x128xf32, #tpu.memory_space<vmem>>) dst(%dma_wait3A_226 : memref<10000x128xf32, #tpu.memory_space<vmem_shared>>)
        tpu.yield
      }) : () -> ()
      %add3A_184 = arith.constant 5 : i32
      %add3A_185 = arith.addi %add3A_170, %add3A_184 : i32
      %lt3A_186 = arith.constant 250 : i32
      %lt3A_187 = arith.cmpi slt, %add3A_185, %lt3A_186 : i32
      %convert_element_type3A_188 = arith.extui %lt3A_187 : i1 to i32
      %cond3A_189 = arith.constant 0 : i32
      %cond3A_190 = arith.cmpi ne, %convert_element_type3A_188, %cond3A_189 : i32
      scf.if %cond3A_190 {
        %add3A_213 = arith.constant 5 : i32
        %add3A_214 = arith.addi %add3A_170, %add3A_213 : i32
        %mul3A_215 = arith.constant 40 : i32
        %mul3A_216 = arith.muli %add3A_214, %mul3A_215 : i32
        %add3A_217 = arith.addi %sub3A_21, %mul3A_216 : i32
        %dma_start3A_218 = arith.constant 0 : i32
        %dma_start3A_219 = tpu.memref_slice %arg6[%scan3A_87, %dma_start3A_218] : memref<2x10112xi32, #tpu.memory_space<vmem>> -> memref<1x10112xi32, #tpu.memory_space<vmem>>
        %dma_start3A_220 = tpu.memref_squeeze %dma_start3A_219 : memref<1x10112xi32, #tpu.memory_space<vmem>> -> memref<10112xi32, #tpu.memory_space<vmem>>
        %dma_start3A_221 = tpu.memref_slice %dma_start3A_220[%add3A_217] : memref<10112xi32, #tpu.memory_space<vmem>> -> memref<40xi32, #tpu.memory_space<vmem>>
        %dma_start3A_222 = arith.constant 0 : i32
        %dma_start3A_223 = arith.constant 0 : i32
        %dma_start3A_224 = tpu.memref_slice %arg2[%dma_start3A_222, %dma_start3A_223] : memref<10000x128xf32, #tpu.memory_space<hbm>> -> memref<10000x128xf32, #tpu.memory_space<hbm>>
        tpu.enqueue_indirect_dma source(%dma_start3A_224 : memref<10000x128xf32, #tpu.memory_space<hbm>>) target(%arg10 : memref<40x128xf32, #tpu.memory_space<vmem>>) offsets(%dma_start3A_221 : memref<40xi32, #tpu.memory_space<vmem>>) semaphore(%arg15 : memref<!tpu.dma_semaphore, #tpu.memory_space<semaphore_mem>>)
      } else {
      }
      %add3A_191 = arith.constant 4 : i32
      %add3A_192 = arith.addi %add3A_104, %add3A_191 : i32
      %mul3A_193 = arith.constant 40 : i32
      %mul3A_194 = arith.muli %add3A_192, %mul3A_193 : i32
      %add3A_195 = arith.addi %sub3A_21, %mul3A_194 : i32
      %dma_wait3A_196 = arith.constant 0 : i32
      %dma_wait3A_197 = tpu.memref_slice %arg6[%scan3A_87, %dma_wait3A_196] : memref<2x10112xi32, #tpu.memory_space<vmem>> -> memref<1x10112xi32, #tpu.memory_space<vmem>>
      %dma_wait3A_198 = tpu.memref_squeeze %dma_wait3A_197 : memref<1x10112xi32, #tpu.memory_space<vmem>> -> memref<10112xi32, #tpu.memory_space<vmem>>
      %dma_wait3A_199 = tpu.memref_slice %dma_wait3A_198[%add3A_195] : memref<10112xi32, #tpu.memory_space<vmem>> -> memref<40xi32, #tpu.memory_space<vmem>>
      %dma_wait3A_200 = arith.constant 0 : i32
      %dma_wait3A_201 = arith.constant 0 : i32
      %dma_wait3A_202 = tpu.memref_slice %arg2[%dma_wait3A_200, %dma_wait3A_201] : memref<10000x128xf32, #tpu.memory_space<hbm>> -> memref<10000x128xf32, #tpu.memory_space<hbm>>
      tpu.wait_indirect_dma semaphore(%arg16 : memref<!tpu.dma_semaphore, #tpu.memory_space<semaphore_mem>>) src(%dma_wait3A_202 : memref<10000x128xf32, #tpu.memory_space<hbm>>) dst(%arg11 : memref<40x128xf32, #tpu.memory_space<vmem>>)
      %mul3A_203 = arith.constant 40 : i32
      %mul3A_204 = arith.muli %add3A_192, %mul3A_203 : i32
      %add3A_205 = arith.addi %sub3A_21, %mul3A_204 : i32
      "tpu.region"() ({
        %run_scoped3A = tpu.sem_alloc : memref<!tpu.dma_semaphore, #tpu.memory_space<semaphore_mem>>
        %dma_start3A_213 = arith.constant 0 : i32
        %dma_start3A_214 = tpu.memref_slice %arg6[%scan3A_88, %dma_start3A_213] : memref<2x10112xi32, #tpu.memory_space<vmem>> -> memref<1x10112xi32, #tpu.memory_space<vmem>>
        %dma_start3A_215 = tpu.memref_squeeze %dma_start3A_214 : memref<1x10112xi32, #tpu.memory_space<vmem>> -> memref<10112xi32, #tpu.memory_space<vmem>>
        %dma_start3A_216 = tpu.memref_slice %dma_start3A_215[%add3A_205] : memref<10112xi32, #tpu.memory_space<vmem>> -> memref<40xi32, #tpu.memory_space<vmem>>
        %dma_start3A_217 = arith.constant 0 : i32
        %dma_start3A_218 = arith.constant 0 : i32
        %dma_start3A_219 = tpu.memref_slice %arg5[%dma_start3A_217, %dma_start3A_218] : memref<10000x128xf32, #tpu.memory_space<vmem_shared>> -> memref<10000x128xf32, #tpu.memory_space<vmem_shared>>
        tpu.enqueue_indirect_dma source(%arg11 : memref<40x128xf32, #tpu.memory_space<vmem>>) target(%dma_start3A_219 : memref<10000x128xf32, #tpu.memory_space<vmem_shared>>) offsets(%dma_start3A_216 : memref<40xi32, #tpu.memory_space<vmem>>) semaphore(%run_scoped3A : memref<!tpu.dma_semaphore, #tpu.memory_space<semaphore_mem>>) {add = true}
        %dma_wait3A_220 = arith.constant 0 : i32
        %dma_wait3A_221 = tpu.memref_slice %arg6[%scan3A_88, %dma_wait3A_220] : memref<2x10112xi32, #tpu.memory_space<vmem>> -> memref<1x10112xi32, #tpu.memory_space<vmem>>
        %dma_wait3A_222 = tpu.memref_squeeze %dma_wait3A_221 : memref<1x10112xi32, #tpu.memory_space<vmem>> -> memref<10112xi32, #tpu.memory_space<vmem>>
        %dma_wait3A_223 = tpu.memref_slice %dma_wait3A_222[%add3A_205] : memref<10112xi32, #tpu.memory_space<vmem>> -> memref<40xi32, #tpu.memory_space<vmem>>
        %dma_wait3A_224 = arith.constant 0 : i32
        %dma_wait3A_225 = arith.constant 0 : i32
        %dma_wait3A_226 = tpu.memref_slice %arg5[%dma_wait3A_224, %dma_wait3A_225] : memref<10000x128xf32, #tpu.memory_space<vmem_shared>> -> memref<10000x128xf32, #tpu.memory_space<vmem_shared>>
        tpu.wait_indirect_dma semaphore(%run_scoped3A : memref<!tpu.dma_semaphore, #tpu.memory_space<semaphore_mem>>) src(%arg11 : memref<40x128xf32, #tpu.memory_space<vmem>>) dst(%dma_wait3A_226 : memref<10000x128xf32, #tpu.memory_space<vmem_shared>>)
        tpu.yield
      }) : () -> ()
      %add3A_206 = arith.constant 5 : i32
      %add3A_207 = arith.addi %add3A_192, %add3A_206 : i32
      %lt3A_208 = arith.constant 250 : i32
      %lt3A_209 = arith.cmpi slt, %add3A_207, %lt3A_208 : i32
      %convert_element_type3A_210 = arith.extui %lt3A_209 : i1 to i32
      %cond3A_211 = arith.constant 0 : i32
      %cond3A_212 = arith.cmpi ne, %convert_element_type3A_210, %cond3A_211 : i32
      scf.if %cond3A_212 {
        %add3A_213 = arith.constant 5 : i32
        %add3A_214 = arith.addi %add3A_192, %add3A_213 : i32
        %mul3A_215 = arith.constant 40 : i32
        %mul3A_216 = arith.muli %add3A_214, %mul3A_215 : i32
        %add3A_217 = arith.addi %sub3A_21, %mul3A_216 : i32
        %dma_start3A_218 = arith.constant 0 : i32
        %dma_start3A_219 = tpu.memref_slice %arg6[%scan3A_87, %dma_start3A_218] : memref<2x10112xi32, #tpu.memory_space<vmem>> -> memref<1x10112xi32, #tpu.memory_space<vmem>>
        %dma_start3A_220 = tpu.memref_squeeze %dma_start3A_219 : memref<1x10112xi32, #tpu.memory_space<vmem>> -> memref<10112xi32, #tpu.memory_space<vmem>>
        %dma_start3A_221 = tpu.memref_slice %dma_start3A_220[%add3A_217] : memref<10112xi32, #tpu.memory_space<vmem>> -> memref<40xi32, #tpu.memory_space<vmem>>
        %dma_start3A_222 = arith.constant 0 : i32
        %dma_start3A_223 = arith.constant 0 : i32
        %dma_start3A_224 = tpu.memref_slice %arg2[%dma_start3A_222, %dma_start3A_223] : memref<10000x128xf32, #tpu.memory_space<hbm>> -> memref<10000x128xf32, #tpu.memory_space<hbm>>
        tpu.enqueue_indirect_dma source(%dma_start3A_224 : memref<10000x128xf32, #tpu.memory_space<hbm>>) target(%arg11 : memref<40x128xf32, #tpu.memory_space<vmem>>) offsets(%dma_start3A_221 : memref<40xi32, #tpu.memory_space<vmem>>) semaphore(%arg16 : memref<!tpu.dma_semaphore, #tpu.memory_space<semaphore_mem>>)
      } else {
      }
    }
    %scan3A_93 = arith.constant 50 : i32
    %barrier3A_94 = arith.constant 0 : index
    tpu.barrier barrier_id(%barrier3A_94)
    "tpu.region"() ({
      %run_scoped3A = tpu.sem_alloc : memref<!tpu.dma_semaphore, #tpu.memory_space<semaphore_mem>>
      %dma_start3A_100 = arith.constant 0 : i32
      %dma_start3A_101 = tpu.memref_slice %arg4[%arg0, %mul3A_28, %dma_start3A_100] : memref<2x10000x128xf32, #tpu.memory_space<hbm>> -> memref<1x624x128xf32, #tpu.memory_space<hbm>>
      %dma_start3A_102 = tpu.memref_squeeze %dma_start3A_101 : memref<1x624x128xf32, #tpu.memory_space<hbm>> -> memref<624x128xf32, #tpu.memory_space<hbm>>
      %dma_start3A_103 = arith.constant 0 : i32
      %dma_start3A_104 = tpu.memref_slice %arg5[%mul3A_28, %dma_start3A_103] : memref<10000x128xf32, #tpu.memory_space<vmem_shared>> -> memref<624x128xf32, #tpu.memory_space<vmem_shared>>
      tpu.enqueue_dma source(%dma_start3A_104 : memref<624x128xf32, #tpu.memory_space<vmem_shared>>) target(%dma_start3A_102 : memref<624x128xf32, #tpu.memory_space<hbm>>) target_semaphore(%run_scoped3A : memref<!tpu.dma_semaphore, #tpu.memory_space<semaphore_mem>>)
      %dma_wait3A = arith.constant 0 : i32
      %dma_wait3A_105 = tpu.memref_slice %arg4[%arg0, %mul3A_28, %dma_wait3A] : memref<2x10000x128xf32, #tpu.memory_space<hbm>> -> memref<1x624x128xf32, #tpu.memory_space<hbm>>
      %dma_wait3A_106 = tpu.memref_squeeze %dma_wait3A_105 : memref<1x624x128xf32, #tpu.memory_space<hbm>> -> memref<624x128xf32, #tpu.memory_space<hbm>>
      %dma_wait3A_107 = arith.constant 0 : i32
      %dma_wait3A_108 = tpu.memref_slice %arg5[%mul3A_28, %dma_wait3A_107] : memref<10000x128xf32, #tpu.memory_space<vmem_shared>> -> memref<624x128xf32, #tpu.memory_space<vmem_shared>>
      tpu.wait_dma2 semaphore(%run_scoped3A : memref<!tpu.dma_semaphore, #tpu.memory_space<semaphore_mem>>) src(%dma_wait3A_108 : memref<624x128xf32, #tpu.memory_space<vmem_shared>>) dst(%dma_wait3A_106 : memref<624x128xf32, #tpu.memory_space<hbm>>)
      tpu.yield
    }) : () -> ()
    %eq3A_95 = arith.constant 15 : i32
    %eq3A_96 = arith.cmpi eq, %arg1, %eq3A_95 : i32
    %convert_element_type3A_97 = arith.extui %eq3A_96 : i1 to i32
    %cond3A_98 = arith.constant 0 : i32
    %cond3A_99 = arith.cmpi ne, %convert_element_type3A_97, %cond3A_98 : i32
    scf.if %cond3A_99 {
      "tpu.region"() ({
        %run_scoped3A = tpu.sem_alloc : memref<!tpu.dma_semaphore, #tpu.memory_space<semaphore_mem>>
        %dma_start3A_100 = arith.constant 9984 : i32
        %dma_start3A_101 = arith.constant 0 : i32
        %dma_start3A_102 = tpu.memref_slice %arg4[%arg0, %dma_start3A_100, %dma_start3A_101] : memref<2x10000x128xf32, #tpu.memory_space<hbm>> -> memref<1x16x128xf32, #tpu.memory_space<hbm>>
        %dma_start3A_103 = tpu.memref_squeeze %dma_start3A_102 : memref<1x16x128xf32, #tpu.memory_space<hbm>> -> memref<16x128xf32, #tpu.memory_space<hbm>>
        %dma_start3A_104 = arith.constant 9984 : i32
        %dma_start3A_105 = arith.constant 0 : i32
        %dma_start3A_106 = tpu.memref_slice %arg5[%dma_start3A_104, %dma_start3A_105] : memref<10000x128xf32, #tpu.memory_space<vmem_shared>> -> memref<16x128xf32, #tpu.memory_space<vmem_shared>>
        tpu.enqueue_dma source(%dma_start3A_106 : memref<16x128xf32, #tpu.memory_space<vmem_shared>>) target(%dma_start3A_103 : memref<16x128xf32, #tpu.memory_space<hbm>>) target_semaphore(%run_scoped3A : memref<!tpu.dma_semaphore, #tpu.memory_space<semaphore_mem>>)
        %dma_wait3A = arith.constant 9984 : i32
        %dma_wait3A_107 = arith.constant 0 : i32
        %dma_wait3A_108 = tpu.memref_slice %arg4[%arg0, %dma_wait3A, %dma_wait3A_107] : memref<2x10000x128xf32, #tpu.memory_space<hbm>> -> memref<1x16x128xf32, #tpu.memory_space<hbm>>
        %dma_wait3A_109 = tpu.memref_squeeze %dma_wait3A_108 : memref<1x16x128xf32, #tpu.memory_space<hbm>> -> memref<16x128xf32, #tpu.memory_space<hbm>>
        %dma_wait3A_110 = arith.constant 9984 : i32
        %dma_wait3A_111 = arith.constant 0 : i32
        %dma_wait3A_112 = tpu.memref_slice %arg5[%dma_wait3A_110, %dma_wait3A_111] : memref<10000x128xf32, #tpu.memory_space<vmem_shared>> -> memref<16x128xf32, #tpu.memory_space<vmem_shared>>
        tpu.wait_dma2 semaphore(%run_scoped3A : memref<!tpu.dma_semaphore, #tpu.memory_space<semaphore_mem>>) src(%dma_wait3A_112 : memref<16x128xf32, #tpu.memory_space<vmem_shared>>) dst(%dma_wait3A_109 : memref<16x128xf32, #tpu.memory_space<hbm>>)
        tpu.yield
      }) : () -> ()
    } else {
    }
    return
  }
}

#map = affine_map<(d0, d1) -> (0, 0)>
#map1 = affine_map<(d0, d1) -> (0, 0, 0)>
module attributes {stable_mosaic.version = 14 : i64} {
  func.func @_gs_body(%arg0: i32, %arg1: i32, %arg2: memref<10000x128xf32, #tpu.memory_space<hbm>>, %arg3: memref<2x320000xi32, #tpu.memory_space<hbm>>, %arg4: memref<2x10000x128xf32, #tpu.memory_space<hbm>>, %arg5: memref<10000x128xf32, #tpu.memory_space<vmem_shared>>, %arg6: memref<2x10112xi32, #tpu.memory_space<vmem>>, %arg7: memref<40x128xf32, #tpu.memory_space<vmem>>, %arg8: memref<40x128xf32, #tpu.memory_space<vmem>>, %arg9: memref<40x128xf32, #tpu.memory_space<vmem>>, %arg10: memref<40x128xf32, #tpu.memory_space<vmem>>, %arg11: memref<40x128xf32, #tpu.memory_space<vmem>>, %arg12: memref<!tpu.dma_semaphore, #tpu.memory_space<semaphore_mem>>, %arg13: memref<!tpu.dma_semaphore, #tpu.memory_space<semaphore_mem>>, %arg14: memref<!tpu.dma_semaphore, #tpu.memory_space<semaphore_mem>>, %arg15: memref<!tpu.dma_semaphore, #tpu.memory_space<semaphore_mem>>, %arg16: memref<!tpu.dma_semaphore, #tpu.memory_space<semaphore_mem>>) attributes {dimension_semantics = [#tpu.dimension_semantics<core_parallel>, #tpu.dimension_semantics<subcore_parallel>], iteration_bounds = array<i64: 2, 16>, scalar_prefetch = 0 : i64, scratch_operands = 12 : i64, tpu.core_type = #tpu.core_type<sc_vector_subcore>, window_params = [{transform_indices = #map}, {transform_indices = #map}, {transform_indices = #map1}]} {
    %mul3A = arith.constant 16 : i32
    %mul3A_0 = arith.muli %arg0, %mul3A : i32
    %add3A = arith.addi %mul3A_0, %arg1 : i32
    %mul3A_1 = arith.constant 10000 : i32
    %mul3A_2 = arith.muli %add3A, %mul3A_1 : i32
    %jit3A = arith.constant 128 : i32
    %div3A = arith.divsi %mul3A_2, %jit3A : i32
    %sign3A = arith.constant 0 : i32
    %sign3A_3 = arith.cmpi sgt, %mul3A_2, %sign3A : i32
    %sign3A_4 = arith.extui %sign3A_3 : i1 to i32
    %sign3A_5 = arith.constant 0 : i32
    %sign3A_6 = arith.cmpi slt, %mul3A_2, %sign3A_5 : i32
    %sign3A_7 = arith.extui %sign3A_6 : i1 to i32
    %sign3A_8 = arith.subi %sign3A_4, %sign3A_7 : i32
    %sign3A_9 = arith.constant 0 : i32
    %sign3A_10 = arith.cmpi sgt, %jit3A, %sign3A_9 : i32
    %sign3A_11 = arith.extui %sign3A_10 : i1 to i32
    %sign3A_12 = arith.constant 0 : i32
    %sign3A_13 = arith.cmpi slt, %jit3A, %sign3A_12 : i32
    %sign3A_14 = arith.extui %sign3A_13 : i1 to i32
    %sign3A_15 = arith.subi %sign3A_11, %sign3A_14 : i32
    %ne3A = arith.cmpi ne, %sign3A_8, %sign3A_15 : i32
    %rem3A = arith.remsi %mul3A_2, %jit3A : i32
    %ne3A_16 = arith.constant 0 : i32
    %ne3A_17 = arith.cmpi ne, %rem3A, %ne3A_16 : i32
    %and3A = arith.andi %ne3A, %ne3A_17 : i1
    %sub3A = arith.constant 1 : i32
    %sub3A_18 = arith.subi %div3A, %sub3A : i32
    %select_n3A = arith.select %and3A, %sub3A_18, %div3A : i32
    %mul3A_19 = arith.constant 128 : i32
    %mul3A_20 = arith.muli %select_n3A, %mul3A_19 : i32
    %sub3A_21 = arith.subi %mul3A_2, %mul3A_20 : i32
    "tpu.region"() ({
      %run_scoped3A = tpu.sem_alloc : memref<!tpu.dma_semaphore, #tpu.memory_space<semaphore_mem>>
      %dma_start3A_100 = arith.constant 0 : i32
      %dma_start3A_101 = tpu.memref_slice %arg3[%dma_start3A_100, %mul3A_20] : memref<2x320000xi32, #tpu.memory_space<hbm>> -> memref<2x10112xi32, #tpu.memory_space<hbm>>
      %dma_start3A_102 = arith.constant 0 : i32
      %dma_start3A_103 = tpu.memref_slice %arg3[%dma_start3A_102, %mul3A_20] : memref<2x320000xi32, #tpu.memory_space<hbm>> -> memref<2x10112xi32, #tpu.memory_space<hbm>>
      tpu.enqueue_dma source(%dma_start3A_103 : memref<2x10112xi32, #tpu.memory_space<hbm>>) target(%arg6 : memref<2x10112xi32, #tpu.memory_space<vmem>>) target_semaphore(%run_scoped3A : memref<!tpu.dma_semaphore, #tpu.memory_space<semaphore_mem>>)
      %dma_wait3A = arith.constant 0 : i32
      %dma_wait3A_104 = tpu.memref_slice %arg3[%dma_wait3A, %mul3A_20] : memref<2x320000xi32, #tpu.memory_space<hbm>> -> memref<2x10112xi32, #tpu.memory_space<hbm>>
      %dma_wait3A_105 = arith.constant 0 : i32
      %dma_wait3A_106 = tpu.memref_slice %arg3[%dma_wait3A_105, %mul3A_20] : memref<2x320000xi32, #tpu.memory_space<hbm>> -> memref<2x10112xi32, #tpu.memory_space<hbm>>
      tpu.wait_dma2 semaphore(%run_scoped3A : memref<!tpu.dma_semaphore, #tpu.memory_space<semaphore_mem>>) src(%dma_wait3A_106 : memref<2x10112xi32, #tpu.memory_space<hbm>>) dst(%arg6 : memref<2x10112xi32, #tpu.memory_space<vmem>>)
      tpu.yield
    }) : () -> ()
    %broadcast_in_dim3A = arith.constant 0.000000e+00 : f32
    %broadcast_in_dim3A_22 = vector.broadcast %broadcast_in_dim3A : f32 to vector<16xf32>
    %scan3A = arith.constant 0 : i32
    %scan3A_23 = arith.constant 40 : i32
    %scan3A_24 = arith.addi %scan3A, %scan3A_23 : i32
    %scan3A_25 = arith.constant 1 : i32
    scf.for %scan3A_100 = %scan3A to %scan3A_24 step %scan3A_25  : i32 {
      %mul3A_101 = arith.constant 1 : i32
      %mul3A_102 = arith.muli %scan3A_100, %mul3A_101 : i32
      %add3A_103 = arith.constant 0 : i32
      %add3A_104 = arith.addi %add3A_103, %mul3A_102 : i32
      %swap3A = arith.index_cast %add3A_104 : i32 to index
      %swap3A_105 = arith.constant 0 : index
      %swap3A_106 = tpu.vector_load %arg7[%swap3A, %swap3A_105] {strides = array<i32>} : memref<40x128xf32, #tpu.memory_space<vmem>>, vector<1x16xf32>,
      %swap3A_107 = vector.shape_cast %swap3A_106 : vector<1x16xf32> to vector<16xf32>
      %swap3A_108 = vector.shape_cast %broadcast_in_dim3A_22 : vector<16xf32> to vector<1x16xf32>
      tpu.vector_store %arg7[%swap3A, %swap3A_105], %swap3A_108 {strides = array<i32>} : memref<40x128xf32, #tpu.memory_space<vmem>>, vector<1x16xf32>,
      %swap3A_109 = arith.index_cast %add3A_104 : i32 to index
      %swap3A_110 = arith.constant 16 : index
      %swap3A_111 = tpu.vector_load %arg7[%swap3A_109, %swap3A_110] {strides = array<i32>} : memref<40x128xf32, #tpu.memory_space<vmem>>, vector<1x16xf32>,
      %swap3A_112 = vector.shape_cast %swap3A_111 : vector<1x16xf32> to vector<16xf32>
      %swap3A_113 = vector.shape_cast %broadcast_in_dim3A_22 : vector<16xf32> to vector<1x16xf32>
      tpu.vector_store %arg7[%swap3A_109, %swap3A_110], %swap3A_113 {strides = array<i32>} : memref<40x128xf32, #tpu.memory_space<vmem>>, vector<1x16xf32>,
      %swap3A_114 = arith.index_cast %add3A_104 : i32 to index
      %swap3A_115 = arith.constant 32 : index
      %swap3A_116 = tpu.vector_load %arg7[%swap3A_114, %swap3A_115] {strides = array<i32>} : memref<40x128xf32, #tpu.memory_space<vmem>>, vector<1x16xf32>,
      %swap3A_117 = vector.shape_cast %swap3A_116 : vector<1x16xf32> to vector<16xf32>
      %swap3A_118 = vector.shape_cast %broadcast_in_dim3A_22 : vector<16xf32> to vector<1x16xf32>
      tpu.vector_store %arg7[%swap3A_114, %swap3A_115], %swap3A_118 {strides = array<i32>} : memref<40x128xf32, #tpu.memory_space<vmem>>, vector<1x16xf32>,
      %swap3A_119 = arith.index_cast %add3A_104 : i32 to index
      %swap3A_120 = arith.constant 48 : index
      %swap3A_121 = tpu.vector_load %arg7[%swap3A_119, %swap3A_120] {strides = array<i32>} : memref<40x128xf32, #tpu.memory_space<vmem>>, vector<1x16xf32>,
      %swap3A_122 = vector.shape_cast %swap3A_121 : vector<1x16xf32> to vector<16xf32>
      %swap3A_123 = vector.shape_cast %broadcast_in_dim3A_22 : vector<16xf32> to vector<1x16xf32>
      tpu.vector_store %arg7[%swap3A_119, %swap3A_120], %swap3A_123 {strides = array<i32>} : memref<40x128xf32, #tpu.memory_space<vmem>>, vector<1x16xf32>,
      %swap3A_124 = arith.index_cast %add3A_104 : i32 to index
      %swap3A_125 = arith.constant 64 : index
      %swap3A_126 = tpu.vector_load %arg7[%swap3A_124, %swap3A_125] {strides = array<i32>} : memref<40x128xf32, #tpu.memory_space<vmem>>, vector<1x16xf32>,
      %swap3A_127 = vector.shape_cast %swap3A_126 : vector<1x16xf32> to vector<16xf32>
      %swap3A_128 = vector.shape_cast %broadcast_in_dim3A_22 : vector<16xf32> to vector<1x16xf32>
      tpu.vector_store %arg7[%swap3A_124, %swap3A_125], %swap3A_128 {strides = array<i32>} : memref<40x128xf32, #tpu.memory_space<vmem>>, vector<1x16xf32>,
      %swap3A_129 = arith.index_cast %add3A_104 : i32 to index
      %swap3A_130 = arith.constant 80 : index
      %swap3A_131 = tpu.vector_load %arg7[%swap3A_129, %swap3A_130] {strides = array<i32>} : memref<40x128xf32, #tpu.memory_space<vmem>>, vector<1x16xf32>,
      %swap3A_132 = vector.shape_cast %swap3A_131 : vector<1x16xf32> to vector<16xf32>
      %swap3A_133 = vector.shape_cast %broadcast_in_dim3A_22 : vector<16xf32> to vector<1x16xf32>
      tpu.vector_store %arg7[%swap3A_129, %swap3A_130], %swap3A_133 {strides = array<i32>} : memref<40x128xf32, #tpu.memory_space<vmem>>, vector<1x16xf32>,
      %swap3A_134 = arith.index_cast %add3A_104 : i32 to index
      %swap3A_135 = arith.constant 96 : index
      %swap3A_136 = tpu.vector_load %arg7[%swap3A_134, %swap3A_135] {strides = array<i32>} : memref<40x128xf32, #tpu.memory_space<vmem>>, vector<1x16xf32>,
      %swap3A_137 = vector.shape_cast %swap3A_136 : vector<1x16xf32> to vector<16xf32>
      %swap3A_138 = vector.shape_cast %broadcast_in_dim3A_22 : vector<16xf32> to vector<1x16xf32>
      tpu.vector_store %arg7[%swap3A_134, %swap3A_135], %swap3A_138 {strides = array<i32>} : memref<40x128xf32, #tpu.memory_space<vmem>>, vector<1x16xf32>,
      %swap3A_139 = arith.index_cast %add3A_104 : i32 to index
      %swap3A_140 = arith.constant 112 : index
      %swap3A_141 = tpu.vector_load %arg7[%swap3A_139, %swap3A_140] {strides = array<i32>} : memref<40x128xf32, #tpu.memory_space<vmem>>, vector<1x16xf32>,
      %swap3A_142 = vector.shape_cast %swap3A_141 : vector<1x16xf32> to vector<16xf32>
      %swap3A_143 = vector.shape_cast %broadcast_in_dim3A_22 : vector<16xf32> to vector<1x16xf32>
      tpu.vector_store %arg7[%swap3A_139, %swap3A_140], %swap3A_143 {strides = array<i32>} : memref<40x128xf32, #tpu.memory_space<vmem>>, vector<1x16xf32>,
    }
    %scan3A_26 = arith.constant 40 : i32
    %mul3A_27 = arith.constant 624 : i32
    %mul3A_28 = arith.muli %arg1, %mul3A_27 : i32
    %scan3A_29 = arith.constant 0 : i32
    %scan3A_30 = arith.constant 15 : i32
    %scan3A_31 = arith.addi %scan3A_29, %scan3A_30 : i32
    %scan3A_32 = arith.constant 1 : i32
    scf.for %scan3A_100 = %scan3A_29 to %scan3A_31 step %scan3A_32  : i32 {
      %mul3A_101 = arith.constant 1 : i32
      %mul3A_102 = arith.muli %scan3A_100, %mul3A_101 : i32
      %add3A_103 = arith.constant 0 : i32
      %add3A_104 = arith.addi %add3A_103, %mul3A_102 : i32
      %mul3A_105 = arith.constant 40 : i32
      %mul3A_106 = arith.muli %add3A_104, %mul3A_105 : i32
      %add3A_107 = arith.addi %mul3A_28, %mul3A_106 : i32
      "tpu.region"() ({
        %run_scoped3A = tpu.sem_alloc : memref<!tpu.dma_semaphore, #tpu.memory_space<semaphore_mem>>
        %dma_start3A_108 = arith.constant 0 : i32
        %dma_start3A_109 = tpu.memref_slice %arg5[%add3A_107, %dma_start3A_108] : memref<10000x128xf32, #tpu.memory_space<vmem_shared>> -> memref<40x128xf32, #tpu.memory_space<vmem_shared>>
        %dma_start3A_110 = arith.constant 0 : i32
        %dma_start3A_111 = tpu.memref_slice %arg5[%add3A_107, %dma_start3A_110] : memref<10000x128xf32, #tpu.memory_space<vmem_shared>> -> memref<40x128xf32, #tpu.memory_space<vmem_shared>>
        tpu.enqueue_dma source(%arg7 : memref<40x128xf32, #tpu.memory_space<vmem>>) target(%dma_start3A_111 : memref<40x128xf32, #tpu.memory_space<vmem_shared>>) target_semaphore(%run_scoped3A : memref<!tpu.dma_semaphore, #tpu.memory_space<semaphore_mem>>)
        %dma_wait3A = arith.constant 0 : i32
        %dma_wait3A_112 = tpu.memref_slice %arg5[%add3A_107, %dma_wait3A] : memref<10000x128xf32, #tpu.memory_space<vmem_shared>> -> memref<40x128xf32, #tpu.memory_space<vmem_shared>>
        %dma_wait3A_113 = arith.constant 0 : i32
        %dma_wait3A_114 = tpu.memref_slice %arg5[%add3A_107, %dma_wait3A_113] : memref<10000x128xf32, #tpu.memory_space<vmem_shared>> -> memref<40x128xf32, #tpu.memory_space<vmem_shared>>
        tpu.wait_dma2 semaphore(%run_scoped3A : memref<!tpu.dma_semaphore, #tpu.memory_space<semaphore_mem>>) src(%arg7 : memref<40x128xf32, #tpu.memory_space<vmem>>) dst(%dma_wait3A_114 : memref<40x128xf32, #tpu.memory_space<vmem_shared>>)
        tpu.yield
      }) : () -> ()
    }
    %scan3A_33 = arith.constant 15 : i32
    %add3A_34 = arith.constant 600 : i32
    %add3A_35 = arith.addi %mul3A_28, %add3A_34 : i32
    "tpu.region"() ({
      %run_scoped3A = tpu.sem_alloc : memref<!tpu.dma_semaphore, #tpu.memory_space<semaphore_mem>>
      %dma_start3A_100 = arith.constant 0 : i32
      %dma_start3A_101 = arith.constant 0 : i32
      %dma_start3A_102 = tpu.memref_slice %arg7[%dma_start3A_100, %dma_start3A_101] : memref<40x128xf32, #tpu.memory_space<vmem>> -> memref<24x128xf32, #tpu.memory_space<vmem>>
      %dma_start3A_103 = arith.constant 0 : i32
      %dma_start3A_104 = tpu.memref_slice %arg5[%add3A_35, %dma_start3A_103] : memref<10000x128xf32, #tpu.memory_space<vmem_shared>> -> memref<24x128xf32, #tpu.memory_space<vmem_shared>>
      %dma_start3A_105 = arith.constant 0 : i32
      %dma_start3A_106 = tpu.memref_slice %arg5[%add3A_35, %dma_start3A_105] : memref<10000x128xf32, #tpu.memory_space<vmem_shared>> -> memref<24x128xf32, #tpu.memory_space<vmem_shared>>
      %dma_start3A_107 = arith.constant 0 : i32
      %dma_start3A_108 = arith.constant 0 : i32
      %dma_start3A_109 = tpu.memref_slice %arg7[%dma_start3A_107, %dma_start3A_108] : memref<40x128xf32, #tpu.memory_space<vmem>> -> memref<24x128xf32, #tpu.memory_space<vmem>>
      tpu.enqueue_dma source(%dma_start3A_109 : memref<24x128xf32, #tpu.memory_space<vmem>>) target(%dma_start3A_106 : memref<24x128xf32, #tpu.memory_space<vmem_shared>>) target_semaphore(%run_scoped3A : memref<!tpu.dma_semaphore, #tpu.memory_space<semaphore_mem>>)
      %dma_wait3A = arith.constant 0 : i32
      %dma_wait3A_110 = arith.constant 0 : i32
      %dma_wait3A_111 = tpu.memref_slice %arg7[%dma_wait3A, %dma_wait3A_110] : memref<40x128xf32, #tpu.memory_space<vmem>> -> memref<24x128xf32, #tpu.memory_space<vmem>>
      %dma_wait3A_112 = arith.constant 0 : i32
      %dma_wait3A_113 = tpu.memref_slice %arg5[%add3A_35, %dma_wait3A_112] : memref<10000x128xf32, #tpu.memory_space<vmem_shared>> -> memref<24x128xf32, #tpu.memory_space<vmem_shared>>
      %dma_wait3A_114 = arith.constant 0 : i32
      %dma_wait3A_115 = tpu.memref_slice %arg5[%add3A_35, %dma_wait3A_114] : memref<10000x128xf32, #tpu.memory_space<vmem_shared>> -> memref<24x128xf32, #tpu.memory_space<vmem_shared>>
      %dma_wait3A_116 = arith.constant 0 : i32
      %dma_wait3A_117 = arith.constant 0 : i32
      %dma_wait3A_118 = tpu.memref_slice %arg7[%dma_wait3A_116, %dma_wait3A_117] : memref<40x128xf32, #tpu.memory_space<vmem>> -> memref<24x128xf32, #tpu.memory_space<vmem>>
      tpu.wait_dma2 semaphore(%run_scoped3A : memref<!tpu.dma_semaphore, #tpu.memory_space<semaphore_mem>>) src(%dma_wait3A_118 : memref<24x128xf32, #tpu.memory_space<vmem>>) dst(%dma_wait3A_115 : memref<24x128xf32, #tpu.memory_space<vmem_shared>>)
      tpu.yield
    }) : () -> ()
    %eq3A = arith.constant 15 : i32
    %eq3A_36 = arith.cmpi eq, %arg1, %eq3A : i32
    %convert_element_type3A = arith.extui %eq3A_36 : i1 to i32
    %cond3A = arith.constant 0 : i32
    %cond3A_37 = arith.cmpi ne, %convert_element_type3A, %cond3A : i32
    scf.if %cond3A_37 {
      "tpu.region"() ({
        %run_scoped3A = tpu.sem_alloc : memref<!tpu.dma_semaphore, #tpu.memory_space<semaphore_mem>>
        %dma_start3A_100 = arith.constant 0 : i32
        %dma_start3A_101 = arith.constant 0 : i32
        %dma_start3A_102 = tpu.memref_slice %arg7[%dma_start3A_100, %dma_start3A_101] : memref<40x128xf32, #tpu.memory_space<vmem>> -> memref<16x128xf32, #tpu.memory_space<vmem>>
        %dma_start3A_103 = arith.constant 9984 : i32
        %dma_start3A_104 = arith.constant 0 : i32
        %dma_start3A_105 = tpu.memref_slice %arg5[%dma_start3A_103, %dma_start3A_104] : memref<10000x128xf32, #tpu.memory_space<vmem_shared>> -> memref<16x128xf32, #tpu.memory_space<vmem_shared>>
        %dma_start3A_106 = arith.constant 9984 : i32
        %dma_start3A_107 = arith.constant 0 : i32
        %dma_start3A_108 = tpu.memref_slice %arg5[%dma_start3A_106, %dma_start3A_107] : memref<10000x128xf32, #tpu.memory_space<vmem_shared>> -> memref<16x128xf32, #tpu.memory_space<vmem_shared>>
        %dma_start3A_109 = arith.constant 0 : i32
        %dma_start3A_110 = arith.constant 0 : i32
        %dma_start3A_111 = tpu.memref_slice %arg7[%dma_start3A_109, %dma_start3A_110] : memref<40x128xf32, #tpu.memory_space<vmem>> -> memref<16x128xf32, #tpu.memory_space<vmem>>
        tpu.enqueue_dma source(%dma_start3A_111 : memref<16x128xf32, #tpu.memory_space<vmem>>) target(%dma_start3A_108 : memref<16x128xf32, #tpu.memory_space<vmem_shared>>) target_semaphore(%run_scoped3A : memref<!tpu.dma_semaphore, #tpu.memory_space<semaphore_mem>>)
        %dma_wait3A = arith.constant 0 : i32
        %dma_wait3A_112 = arith.constant 0 : i32
        %dma_wait3A_113 = tpu.memref_slice %arg7[%dma_wait3A, %dma_wait3A_112] : memref<40x128xf32, #tpu.memory_space<vmem>> -> memref<16x128xf32, #tpu.memory_space<vmem>>
        %dma_wait3A_114 = arith.constant 9984 : i32
        %dma_wait3A_115 = arith.constant 0 : i32
        %dma_wait3A_116 = tpu.memref_slice %arg5[%dma_wait3A_114, %dma_wait3A_115] : memref<10000x128xf32, #tpu.memory_space<vmem_shared>> -> memref<16x128xf32, #tpu.memory_space<vmem_shared>>
        %dma_wait3A_117 = arith.constant 9984 : i32
        %dma_wait3A_118 = arith.constant 0 : i32
        %dma_wait3A_119 = tpu.memref_slice %arg5[%dma_wait3A_117, %dma_wait3A_118] : memref<10000x128xf32, #tpu.memory_space<vmem_shared>> -> memref<16x128xf32, #tpu.memory_space<vmem_shared>>
        %dma_wait3A_120 = arith.constant 0 : i32
        %dma_wait3A_121 = arith.constant 0 : i32
        %dma_wait3A_122 = tpu.memref_slice %arg7[%dma_wait3A_120, %dma_wait3A_121] : memref<40x128xf32, #tpu.memory_space<vmem>> -> memref<16x128xf32, #tpu.memory_space<vmem>>
        tpu.wait_dma2 semaphore(%run_scoped3A : memref<!tpu.dma_semaphore, #tpu.memory_space<semaphore_mem>>) src(%dma_wait3A_122 : memref<16x128xf32, #tpu.memory_space<vmem>>) dst(%dma_wait3A_119 : memref<16x128xf32, #tpu.memory_space<vmem_shared>>)
        tpu.yield
      }) : () -> ()
    } else {
    }
    %add3A_38 = arith.constant 0 : i32
    %add3A_39 = arith.addi %sub3A_21, %add3A_38 : i32
    %dma_start3A = arith.constant 0 : i32
    %dma_start3A_40 = arith.constant 0 : i32
    %dma_start3A_41 = tpu.memref_slice %arg6[%dma_start3A, %dma_start3A_40] : memref<2x10112xi32, #tpu.memory_space<vmem>> -> memref<1x10112xi32, #tpu.memory_space<vmem>>
    %dma_start3A_42 = tpu.memref_squeeze %dma_start3A_41 : memref<1x10112xi32, #tpu.memory_space<vmem>> -> memref<10112xi32, #tpu.memory_space<vmem>>
    %dma_start3A_43 = tpu.memref_slice %dma_start3A_42[%add3A_39] : memref<10112xi32, #tpu.memory_space<vmem>> -> memref<40xi32, #tpu.memory_space<vmem>>
    %dma_start3A_44 = arith.constant 0 : i32
    %dma_start3A_45 = arith.constant 0 : i32
    %dma_start3A_46 = tpu.memref_slice %arg2[%dma_start3A_44, %dma_start3A_45] : memref<10000x128xf32, #tpu.memory_space<hbm>> -> memref<10000x128xf32, #tpu.memory_space<hbm>>
    tpu.enqueue_indirect_dma source(%dma_start3A_46 : memref<10000x128xf32, #tpu.memory_space<hbm>>) target(%arg7 : memref<40x128xf32, #tpu.memory_space<vmem>>) offsets(%dma_start3A_43 : memref<40xi32, #tpu.memory_space<vmem>>) semaphore(%arg12 : memref<!tpu.dma_semaphore, #tpu.memory_space<semaphore_mem>>)
    %add3A_47 = arith.constant 40 : i32
    %add3A_48 = arith.addi %sub3A_21, %add3A_47 : i32
    %dma_start3A_49 = arith.constant 0 : i32
    %dma_start3A_50 = arith.constant 0 : i32
    %dma_start3A_51 = tpu.memref_slice %arg6[%dma_start3A_49, %dma_start3A_50] : memref<2x10112xi32, #tpu.memory_space<vmem>> -> memref<1x10112xi32, #tpu.memory_space<vmem>>
    %dma_start3A_52 = tpu.memref_squeeze %dma_start3A_51 : memref<1x10112xi32, #tpu.memory_space<vmem>> -> memref<10112xi32, #tpu.memory_space<vmem>>
    %dma_start3A_53 = tpu.memref_slice %dma_start3A_52[%add3A_48] : memref<10112xi32, #tpu.memory_space<vmem>> -> memref<40xi32, #tpu.memory_space<vmem>>
    %dma_start3A_54 = arith.constant 0 : i32
    %dma_start3A_55 = arith.constant 0 : i32
    %dma_start3A_56 = tpu.memref_slice %arg2[%dma_start3A_54, %dma_start3A_55] : memref<10000x128xf32, #tpu.memory_space<hbm>> -> memref<10000x128xf32, #tpu.memory_space<hbm>>
    tpu.enqueue_indirect_dma source(%dma_start3A_56 : memref<10000x128xf32, #tpu.memory_space<hbm>>) target(%arg8 : memref<40x128xf32, #tpu.memory_space<vmem>>) offsets(%dma_start3A_53 : memref<40xi32, #tpu.memory_space<vmem>>) semaphore(%arg13 : memref<!tpu.dma_semaphore, #tpu.memory_space<semaphore_mem>>)
    %add3A_57 = arith.constant 80 : i32
    %add3A_58 = arith.addi %sub3A_21, %add3A_57 : i32
    %dma_start3A_59 = arith.constant 0 : i32
    %dma_start3A_60 = arith.constant 0 : i32
    %dma_start3A_61 = tpu.memref_slice %arg6[%dma_start3A_59, %dma_start3A_60] : memref<2x10112xi32, #tpu.memory_space<vmem>> -> memref<1x10112xi32, #tpu.memory_space<vmem>>
    %dma_start3A_62 = tpu.memref_squeeze %dma_start3A_61 : memref<1x10112xi32, #tpu.memory_space<vmem>> -> memref<10112xi32, #tpu.memory_space<vmem>>
    %dma_start3A_63 = tpu.memref_slice %dma_start3A_62[%add3A_58] : memref<10112xi32, #tpu.memory_space<vmem>> -> memref<40xi32, #tpu.memory_space<vmem>>
    %dma_start3A_64 = arith.constant 0 : i32
    %dma_start3A_65 = arith.constant 0 : i32
    %dma_start3A_66 = tpu.memref_slice %arg2[%dma_start3A_64, %dma_start3A_65] : memref<10000x128xf32, #tpu.memory_space<hbm>> -> memref<10000x128xf32, #tpu.memory_space<hbm>>
    tpu.enqueue_indirect_dma source(%dma_start3A_66 : memref<10000x128xf32, #tpu.memory_space<hbm>>) target(%arg9 : memref<40x128xf32, #tpu.memory_space<vmem>>) offsets(%dma_start3A_63 : memref<40xi32, #tpu.memory_space<vmem>>) semaphore(%arg14 : memref<!tpu.dma_semaphore, #tpu.memory_space<semaphore_mem>>)
    %add3A_67 = arith.constant 120 : i32
    %add3A_68 = arith.addi %sub3A_21, %add3A_67 : i32
    %dma_start3A_69 = arith.constant 0 : i32
    %dma_start3A_70 = arith.constant 0 : i32
    %dma_start3A_71 = tpu.memref_slice %arg6[%dma_start3A_69, %dma_start3A_70] : memref<2x10112xi32, #tpu.memory_space<vmem>> -> memref<1x10112xi32, #tpu.memory_space<vmem>>
    %dma_start3A_72 = tpu.memref_squeeze %dma_start3A_71 : memref<1x10112xi32, #tpu.memory_space<vmem>> -> memref<10112xi32, #tpu.memory_space<vmem>>
    %dma_start3A_73 = tpu.memref_slice %dma_start3A_72[%add3A_68] : memref<10112xi32, #tpu.memory_space<vmem>> -> memref<40xi32, #tpu.memory_space<vmem>>
    %dma_start3A_74 = arith.constant 0 : i32
    %dma_start3A_75 = arith.constant 0 : i32
    %dma_start3A_76 = tpu.memref_slice %arg2[%dma_start3A_74, %dma_start3A_75] : memref<10000x128xf32, #tpu.memory_space<hbm>> -> memref<10000x128xf32, #tpu.memory_space<hbm>>
    tpu.enqueue_indirect_dma source(%dma_start3A_76 : memref<10000x128xf32, #tpu.memory_space<hbm>>) target(%arg10 : memref<40x128xf32, #tpu.memory_space<vmem>>) offsets(%dma_start3A_73 : memref<40xi32, #tpu.memory_space<vmem>>) semaphore(%arg15 : memref<!tpu.dma_semaphore, #tpu.memory_space<semaphore_mem>>)
    %add3A_77 = arith.constant 160 : i32
    %add3A_78 = arith.addi %sub3A_21, %add3A_77 : i32
    %dma_start3A_79 = arith.constant 0 : i32
    %dma_start3A_80 = arith.constant 0 : i32
    %dma_start3A_81 = tpu.memref_slice %arg6[%dma_start3A_79, %dma_start3A_80] : memref<2x10112xi32, #tpu.memory_space<vmem>> -> memref<1x10112xi32, #tpu.memory_space<vmem>>
    %dma_start3A_82 = tpu.memref_squeeze %dma_start3A_81 : memref<1x10112xi32, #tpu.memory_space<vmem>> -> memref<10112xi32, #tpu.memory_space<vmem>>
    %dma_start3A_83 = tpu.memref_slice %dma_start3A_82[%add3A_78] : memref<10112xi32, #tpu.memory_space<vmem>> -> memref<40xi32, #tpu.memory_space<vmem>>
    %dma_start3A_84 = arith.constant 0 : i32
    %dma_start3A_85 = arith.constant 0 : i32
    %dma_start3A_86 = tpu.memref_slice %arg2[%dma_start3A_84, %dma_start3A_85] : memref<10000x128xf32, #tpu.memory_space<hbm>> -> memref<10000x128xf32, #tpu.memory_space<hbm>>
    tpu.enqueue_indirect_dma source(%dma_start3A_86 : memref<10000x128xf32, #tpu.memory_space<hbm>>) target(%arg11 : memref<40x128xf32, #tpu.memory_space<vmem>>) offsets(%dma_start3A_83 : memref<40xi32, #tpu.memory_space<vmem>>) semaphore(%arg16 : memref<!tpu.dma_semaphore, #tpu.memory_space<semaphore_mem>>)
    %barrier3A = arith.constant 0 : index
    tpu.barrier barrier_id(%barrier3A)
    %scan3A_87 = arith.constant 0 : i32
    %scan3A_88 = arith.constant 1 : i32
    %scan3A_89 = arith.constant 0 : i32
    %scan3A_90 = arith.constant 50 : i32
    %scan3A_91 = arith.addi %scan3A_89, %scan3A_90 : i32
    %scan3A_92 = arith.constant 1 : i32
    scf.for %scan3A_100 = %scan3A_89 to %scan3A_91 step %scan3A_92  : i32 {
      %mul3A_101 = arith.constant 5 : i32
      %mul3A_102 = arith.muli %scan3A_100, %mul3A_101 : i32
      %add3A_103 = arith.constant 0 : i32
      %add3A_104 = arith.addi %add3A_103, %mul3A_102 : i32
      %add3A_105 = arith.constant 0 : i32
      %add3A_106 = arith.addi %add3A_104, %add3A_105 : i32
      %mul3A_107 = arith.constant 40 : i32
      %mul3A_108 = arith.muli %add3A_106, %mul3A_107 : i32
      %add3A_109 = arith.addi %sub3A_21, %mul3A_108 : i32
      %dma_wait3A = arith.constant 0 : i32
      %dma_wait3A_110 = tpu.memref_slice %arg6[%scan3A_87, %dma_wait3A] : memref<2x10112xi32, #tpu.memory_space<vmem>> -> memref<1x10112xi32, #tpu.memory_space<vmem>>
      %dma_wait3A_111 = tpu.memref_squeeze %dma_wait3A_110 : memref<1x10112xi32, #tpu.memory_space<vmem>> -> memref<10112xi32, #tpu.memory_space<vmem>>
      %dma_wait3A_112 = tpu.memref_slice %dma_wait3A_111[%add3A_109] : memref<10112xi32, #tpu.memory_space<vmem>> -> memref<40xi32, #tpu.memory_space<vmem>>
      %dma_wait3A_113 = arith.constant 0 : i32
      %dma_wait3A_114 = arith.constant 0 : i32
      %dma_wait3A_115 = tpu.memref_slice %arg2[%dma_wait3A_113, %dma_wait3A_114] : memref<10000x128xf32, #tpu.memory_space<hbm>> -> memref<10000x128xf32, #tpu.memory_space<hbm>>
      tpu.wait_indirect_dma semaphore(%arg12 : memref<!tpu.dma_semaphore, #tpu.memory_space<semaphore_mem>>) src(%dma_wait3A_115 : memref<10000x128xf32, #tpu.memory_space<hbm>>) dst(%arg7 : memref<40x128xf32, #tpu.memory_space<vmem>>)
      %mul3A_116 = arith.constant 40 : i32
      %mul3A_117 = arith.muli %add3A_106, %mul3A_116 : i32
      %add3A_118 = arith.addi %sub3A_21, %mul3A_117 : i32
      "tpu.region"() ({
        %run_scoped3A = tpu.sem_alloc : memref<!tpu.dma_semaphore, #tpu.memory_space<semaphore_mem>>
        %dma_start3A_213 = arith.constant 0 : i32
        %dma_start3A_214 = tpu.memref_slice %arg6[%scan3A_88, %dma_start3A_213] : memref<2x10112xi32, #tpu.memory_space<vmem>> -> memref<1x10112xi32, #tpu.memory_space<vmem>>
        %dma_start3A_215 = tpu.memref_squeeze %dma_start3A_214 : memref<1x10112xi32, #tpu.memory_space<vmem>> -> memref<10112xi32, #tpu.memory_space<vmem>>
        %dma_start3A_216 = tpu.memref_slice %dma_start3A_215[%add3A_118] : memref<10112xi32, #tpu.memory_space<vmem>> -> memref<40xi32, #tpu.memory_space<vmem>>
        %dma_start3A_217 = arith.constant 0 : i32
        %dma_start3A_218 = arith.constant 0 : i32
        %dma_start3A_219 = tpu.memref_slice %arg5[%dma_start3A_217, %dma_start3A_218] : memref<10000x128xf32, #tpu.memory_space<vmem_shared>> -> memref<10000x128xf32, #tpu.memory_space<vmem_shared>>
        tpu.enqueue_indirect_dma source(%arg7 : memref<40x128xf32, #tpu.memory_space<vmem>>) target(%dma_start3A_219 : memref<10000x128xf32, #tpu.memory_space<vmem_shared>>) offsets(%dma_start3A_216 : memref<40xi32, #tpu.memory_space<vmem>>) semaphore(%run_scoped3A : memref<!tpu.dma_semaphore, #tpu.memory_space<semaphore_mem>>) {add = true}
        %dma_wait3A_220 = arith.constant 0 : i32
        %dma_wait3A_221 = tpu.memref_slice %arg6[%scan3A_88, %dma_wait3A_220] : memref<2x10112xi32, #tpu.memory_space<vmem>> -> memref<1x10112xi32, #tpu.memory_space<vmem>>
        %dma_wait3A_222 = tpu.memref_squeeze %dma_wait3A_221 : memref<1x10112xi32, #tpu.memory_space<vmem>> -> memref<10112xi32, #tpu.memory_space<vmem>>
        %dma_wait3A_223 = tpu.memref_slice %dma_wait3A_222[%add3A_118] : memref<10112xi32, #tpu.memory_space<vmem>> -> memref<40xi32, #tpu.memory_space<vmem>>
        %dma_wait3A_224 = arith.constant 0 : i32
        %dma_wait3A_225 = arith.constant 0 : i32
        %dma_wait3A_226 = tpu.memref_slice %arg5[%dma_wait3A_224, %dma_wait3A_225] : memref<10000x128xf32, #tpu.memory_space<vmem_shared>> -> memref<10000x128xf32, #tpu.memory_space<vmem_shared>>
        tpu.wait_indirect_dma semaphore(%run_scoped3A : memref<!tpu.dma_semaphore, #tpu.memory_space<semaphore_mem>>) src(%arg7 : memref<40x128xf32, #tpu.memory_space<vmem>>) dst(%dma_wait3A_226 : memref<10000x128xf32, #tpu.memory_space<vmem_shared>>)
        tpu.yield
      }) : () -> ()
      %add3A_119 = arith.constant 5 : i32
      %add3A_120 = arith.addi %add3A_106, %add3A_119 : i32
      %lt3A = arith.constant 250 : i32
      %lt3A_121 = arith.cmpi slt, %add3A_120, %lt3A : i32
      %convert_element_type3A_122 = arith.extui %lt3A_121 : i1 to i32
      %cond3A_123 = arith.constant 0 : i32
      %cond3A_124 = arith.cmpi ne, %convert_element_type3A_122, %cond3A_123 : i32
      scf.if %cond3A_124 {
        %add3A_213 = arith.constant 5 : i32
        %add3A_214 = arith.addi %add3A_106, %add3A_213 : i32
        %mul3A_215 = arith.constant 40 : i32
        %mul3A_216 = arith.muli %add3A_214, %mul3A_215 : i32
        %add3A_217 = arith.addi %sub3A_21, %mul3A_216 : i32
        %dma_start3A_218 = arith.constant 0 : i32
        %dma_start3A_219 = tpu.memref_slice %arg6[%scan3A_87, %dma_start3A_218] : memref<2x10112xi32, #tpu.memory_space<vmem>> -> memref<1x10112xi32, #tpu.memory_space<vmem>>
        %dma_start3A_220 = tpu.memref_squeeze %dma_start3A_219 : memref<1x10112xi32, #tpu.memory_space<vmem>> -> memref<10112xi32, #tpu.memory_space<vmem>>
        %dma_start3A_221 = tpu.memref_slice %dma_start3A_220[%add3A_217] : memref<10112xi32, #tpu.memory_space<vmem>> -> memref<40xi32, #tpu.memory_space<vmem>>
        %dma_start3A_222 = arith.constant 0 : i32
        %dma_start3A_223 = arith.constant 0 : i32
        %dma_start3A_224 = tpu.memref_slice %arg2[%dma_start3A_222, %dma_start3A_223] : memref<10000x128xf32, #tpu.memory_space<hbm>> -> memref<10000x128xf32, #tpu.memory_space<hbm>>
        tpu.enqueue_indirect_dma source(%dma_start3A_224 : memref<10000x128xf32, #tpu.memory_space<hbm>>) target(%arg7 : memref<40x128xf32, #tpu.memory_space<vmem>>) offsets(%dma_start3A_221 : memref<40xi32, #tpu.memory_space<vmem>>) semaphore(%arg12 : memref<!tpu.dma_semaphore, #tpu.memory_space<semaphore_mem>>)
      } else {
      }
      %add3A_125 = arith.constant 1 : i32
      %add3A_126 = arith.addi %add3A_104, %add3A_125 : i32
      %mul3A_127 = arith.constant 40 : i32
      %mul3A_128 = arith.muli %add3A_126, %mul3A_127 : i32
      %add3A_129 = arith.addi %sub3A_21, %mul3A_128 : i32
      %dma_wait3A_130 = arith.constant 0 : i32
      %dma_wait3A_131 = tpu.memref_slice %arg6[%scan3A_87, %dma_wait3A_130] : memref<2x10112xi32, #tpu.memory_space<vmem>> -> memref<1x10112xi32, #tpu.memory_space<vmem>>
      %dma_wait3A_132 = tpu.memref_squeeze %dma_wait3A_131 : memref<1x10112xi32, #tpu.memory_space<vmem>> -> memref<10112xi32, #tpu.memory_space<vmem>>
      %dma_wait3A_133 = tpu.memref_slice %dma_wait3A_132[%add3A_129] : memref<10112xi32, #tpu.memory_space<vmem>> -> memref<40xi32, #tpu.memory_space<vmem>>
      %dma_wait3A_134 = arith.constant 0 : i32
      %dma_wait3A_135 = arith.constant 0 : i32
      %dma_wait3A_136 = tpu.memref_slice %arg2[%dma_wait3A_134, %dma_wait3A_135] : memref<10000x128xf32, #tpu.memory_space<hbm>> -> memref<10000x128xf32, #tpu.memory_space<hbm>>
      tpu.wait_indirect_dma semaphore(%arg13 : memref<!tpu.dma_semaphore, #tpu.memory_space<semaphore_mem>>) src(%dma_wait3A_136 : memref<10000x128xf32, #tpu.memory_space<hbm>>) dst(%arg8 : memref<40x128xf32, #tpu.memory_space<vmem>>)
      %mul3A_137 = arith.constant 40 : i32
      %mul3A_138 = arith.muli %add3A_126, %mul3A_137 : i32
      %add3A_139 = arith.addi %sub3A_21, %mul3A_138 : i32
      "tpu.region"() ({
        %run_scoped3A = tpu.sem_alloc : memref<!tpu.dma_semaphore, #tpu.memory_space<semaphore_mem>>
        %dma_start3A_213 = arith.constant 0 : i32
        %dma_start3A_214 = tpu.memref_slice %arg6[%scan3A_88, %dma_start3A_213] : memref<2x10112xi32, #tpu.memory_space<vmem>> -> memref<1x10112xi32, #tpu.memory_space<vmem>>
        %dma_start3A_215 = tpu.memref_squeeze %dma_start3A_214 : memref<1x10112xi32, #tpu.memory_space<vmem>> -> memref<10112xi32, #tpu.memory_space<vmem>>
        %dma_start3A_216 = tpu.memref_slice %dma_start3A_215[%add3A_139] : memref<10112xi32, #tpu.memory_space<vmem>> -> memref<40xi32, #tpu.memory_space<vmem>>
        %dma_start3A_217 = arith.constant 0 : i32
        %dma_start3A_218 = arith.constant 0 : i32
        %dma_start3A_219 = tpu.memref_slice %arg5[%dma_start3A_217, %dma_start3A_218] : memref<10000x128xf32, #tpu.memory_space<vmem_shared>> -> memref<10000x128xf32, #tpu.memory_space<vmem_shared>>
        tpu.enqueue_indirect_dma source(%arg8 : memref<40x128xf32, #tpu.memory_space<vmem>>) target(%dma_start3A_219 : memref<10000x128xf32, #tpu.memory_space<vmem_shared>>) offsets(%dma_start3A_216 : memref<40xi32, #tpu.memory_space<vmem>>) semaphore(%run_scoped3A : memref<!tpu.dma_semaphore, #tpu.memory_space<semaphore_mem>>) {add = true}
        %dma_wait3A_220 = arith.constant 0 : i32
        %dma_wait3A_221 = tpu.memref_slice %arg6[%scan3A_88, %dma_wait3A_220] : memref<2x10112xi32, #tpu.memory_space<vmem>> -> memref<1x10112xi32, #tpu.memory_space<vmem>>
        %dma_wait3A_222 = tpu.memref_squeeze %dma_wait3A_221 : memref<1x10112xi32, #tpu.memory_space<vmem>> -> memref<10112xi32, #tpu.memory_space<vmem>>
        %dma_wait3A_223 = tpu.memref_slice %dma_wait3A_222[%add3A_139] : memref<10112xi32, #tpu.memory_space<vmem>> -> memref<40xi32, #tpu.memory_space<vmem>>
        %dma_wait3A_224 = arith.constant 0 : i32
        %dma_wait3A_225 = arith.constant 0 : i32
        %dma_wait3A_226 = tpu.memref_slice %arg5[%dma_wait3A_224, %dma_wait3A_225] : memref<10000x128xf32, #tpu.memory_space<vmem_shared>> -> memref<10000x128xf32, #tpu.memory_space<vmem_shared>>
        tpu.wait_indirect_dma semaphore(%run_scoped3A : memref<!tpu.dma_semaphore, #tpu.memory_space<semaphore_mem>>) src(%arg8 : memref<40x128xf32, #tpu.memory_space<vmem>>) dst(%dma_wait3A_226 : memref<10000x128xf32, #tpu.memory_space<vmem_shared>>)
        tpu.yield
      }) : () -> ()
      %add3A_140 = arith.constant 5 : i32
      %add3A_141 = arith.addi %add3A_126, %add3A_140 : i32
      %lt3A_142 = arith.constant 250 : i32
      %lt3A_143 = arith.cmpi slt, %add3A_141, %lt3A_142 : i32
      %convert_element_type3A_144 = arith.extui %lt3A_143 : i1 to i32
      %cond3A_145 = arith.constant 0 : i32
      %cond3A_146 = arith.cmpi ne, %convert_element_type3A_144, %cond3A_145 : i32
      scf.if %cond3A_146 {
        %add3A_213 = arith.constant 5 : i32
        %add3A_214 = arith.addi %add3A_126, %add3A_213 : i32
        %mul3A_215 = arith.constant 40 : i32
        %mul3A_216 = arith.muli %add3A_214, %mul3A_215 : i32
        %add3A_217 = arith.addi %sub3A_21, %mul3A_216 : i32
        %dma_start3A_218 = arith.constant 0 : i32
        %dma_start3A_219 = tpu.memref_slice %arg6[%scan3A_87, %dma_start3A_218] : memref<2x10112xi32, #tpu.memory_space<vmem>> -> memref<1x10112xi32, #tpu.memory_space<vmem>>
        %dma_start3A_220 = tpu.memref_squeeze %dma_start3A_219 : memref<1x10112xi32, #tpu.memory_space<vmem>> -> memref<10112xi32, #tpu.memory_space<vmem>>
        %dma_start3A_221 = tpu.memref_slice %dma_start3A_220[%add3A_217] : memref<10112xi32, #tpu.memory_space<vmem>> -> memref<40xi32, #tpu.memory_space<vmem>>
        %dma_start3A_222 = arith.constant 0 : i32
        %dma_start3A_223 = arith.constant 0 : i32
        %dma_start3A_224 = tpu.memref_slice %arg2[%dma_start3A_222, %dma_start3A_223] : memref<10000x128xf32, #tpu.memory_space<hbm>> -> memref<10000x128xf32, #tpu.memory_space<hbm>>
        tpu.enqueue_indirect_dma source(%dma_start3A_224 : memref<10000x128xf32, #tpu.memory_space<hbm>>) target(%arg8 : memref<40x128xf32, #tpu.memory_space<vmem>>) offsets(%dma_start3A_221 : memref<40xi32, #tpu.memory_space<vmem>>) semaphore(%arg13 : memref<!tpu.dma_semaphore, #tpu.memory_space<semaphore_mem>>)
      } else {
      }
      %add3A_147 = arith.constant 2 : i32
      %add3A_148 = arith.addi %add3A_104, %add3A_147 : i32
      %mul3A_149 = arith.constant 40 : i32
      %mul3A_150 = arith.muli %add3A_148, %mul3A_149 : i32
      %add3A_151 = arith.addi %sub3A_21, %mul3A_150 : i32
      %dma_wait3A_152 = arith.constant 0 : i32
      %dma_wait3A_153 = tpu.memref_slice %arg6[%scan3A_87, %dma_wait3A_152] : memref<2x10112xi32, #tpu.memory_space<vmem>> -> memref<1x10112xi32, #tpu.memory_space<vmem>>
      %dma_wait3A_154 = tpu.memref_squeeze %dma_wait3A_153 : memref<1x10112xi32, #tpu.memory_space<vmem>> -> memref<10112xi32, #tpu.memory_space<vmem>>
      %dma_wait3A_155 = tpu.memref_slice %dma_wait3A_154[%add3A_151] : memref<10112xi32, #tpu.memory_space<vmem>> -> memref<40xi32, #tpu.memory_space<vmem>>
      %dma_wait3A_156 = arith.constant 0 : i32
      %dma_wait3A_157 = arith.constant 0 : i32
      %dma_wait3A_158 = tpu.memref_slice %arg2[%dma_wait3A_156, %dma_wait3A_157] : memref<10000x128xf32, #tpu.memory_space<hbm>> -> memref<10000x128xf32, #tpu.memory_space<hbm>>
      tpu.wait_indirect_dma semaphore(%arg14 : memref<!tpu.dma_semaphore, #tpu.memory_space<semaphore_mem>>) src(%dma_wait3A_158 : memref<10000x128xf32, #tpu.memory_space<hbm>>) dst(%arg9 : memref<40x128xf32, #tpu.memory_space<vmem>>)
      %mul3A_159 = arith.constant 40 : i32
      %mul3A_160 = arith.muli %add3A_148, %mul3A_159 : i32
      %add3A_161 = arith.addi %sub3A_21, %mul3A_160 : i32
      "tpu.region"() ({
        %run_scoped3A = tpu.sem_alloc : memref<!tpu.dma_semaphore, #tpu.memory_space<semaphore_mem>>
        %dma_start3A_213 = arith.constant 0 : i32
        %dma_start3A_214 = tpu.memref_slice %arg6[%scan3A_88, %dma_start3A_213] : memref<2x10112xi32, #tpu.memory_space<vmem>> -> memref<1x10112xi32, #tpu.memory_space<vmem>>
        %dma_start3A_215 = tpu.memref_squeeze %dma_start3A_214 : memref<1x10112xi32, #tpu.memory_space<vmem>> -> memref<10112xi32, #tpu.memory_space<vmem>>
        %dma_start3A_216 = tpu.memref_slice %dma_start3A_215[%add3A_161] : memref<10112xi32, #tpu.memory_space<vmem>> -> memref<40xi32, #tpu.memory_space<vmem>>
        %dma_start3A_217 = arith.constant 0 : i32
        %dma_start3A_218 = arith.constant 0 : i32
        %dma_start3A_219 = tpu.memref_slice %arg5[%dma_start3A_217, %dma_start3A_218] : memref<10000x128xf32, #tpu.memory_space<vmem_shared>> -> memref<10000x128xf32, #tpu.memory_space<vmem_shared>>
        tpu.enqueue_indirect_dma source(%arg9 : memref<40x128xf32, #tpu.memory_space<vmem>>) target(%dma_start3A_219 : memref<10000x128xf32, #tpu.memory_space<vmem_shared>>) offsets(%dma_start3A_216 : memref<40xi32, #tpu.memory_space<vmem>>) semaphore(%run_scoped3A : memref<!tpu.dma_semaphore, #tpu.memory_space<semaphore_mem>>) {add = true}
        %dma_wait3A_220 = arith.constant 0 : i32
        %dma_wait3A_221 = tpu.memref_slice %arg6[%scan3A_88, %dma_wait3A_220] : memref<2x10112xi32, #tpu.memory_space<vmem>> -> memref<1x10112xi32, #tpu.memory_space<vmem>>
        %dma_wait3A_222 = tpu.memref_squeeze %dma_wait3A_221 : memref<1x10112xi32, #tpu.memory_space<vmem>> -> memref<10112xi32, #tpu.memory_space<vmem>>
        %dma_wait3A_223 = tpu.memref_slice %dma_wait3A_222[%add3A_161] : memref<10112xi32, #tpu.memory_space<vmem>> -> memref<40xi32, #tpu.memory_space<vmem>>
        %dma_wait3A_224 = arith.constant 0 : i32
        %dma_wait3A_225 = arith.constant 0 : i32
        %dma_wait3A_226 = tpu.memref_slice %arg5[%dma_wait3A_224, %dma_wait3A_225] : memref<10000x128xf32, #tpu.memory_space<vmem_shared>> -> memref<10000x128xf32, #tpu.memory_space<vmem_shared>>
        tpu.wait_indirect_dma semaphore(%run_scoped3A : memref<!tpu.dma_semaphore, #tpu.memory_space<semaphore_mem>>) src(%arg9 : memref<40x128xf32, #tpu.memory_space<vmem>>) dst(%dma_wait3A_226 : memref<10000x128xf32, #tpu.memory_space<vmem_shared>>)
        tpu.yield
      }) : () -> ()
      %add3A_162 = arith.constant 5 : i32
      %add3A_163 = arith.addi %add3A_148, %add3A_162 : i32
      %lt3A_164 = arith.constant 250 : i32
      %lt3A_165 = arith.cmpi slt, %add3A_163, %lt3A_164 : i32
      %convert_element_type3A_166 = arith.extui %lt3A_165 : i1 to i32
      %cond3A_167 = arith.constant 0 : i32
      %cond3A_168 = arith.cmpi ne, %convert_element_type3A_166, %cond3A_167 : i32
      scf.if %cond3A_168 {
        %add3A_213 = arith.constant 5 : i32
        %add3A_214 = arith.addi %add3A_148, %add3A_213 : i32
        %mul3A_215 = arith.constant 40 : i32
        %mul3A_216 = arith.muli %add3A_214, %mul3A_215 : i32
        %add3A_217 = arith.addi %sub3A_21, %mul3A_216 : i32
        %dma_start3A_218 = arith.constant 0 : i32
        %dma_start3A_219 = tpu.memref_slice %arg6[%scan3A_87, %dma_start3A_218] : memref<2x10112xi32, #tpu.memory_space<vmem>> -> memref<1x10112xi32, #tpu.memory_space<vmem>>
        %dma_start3A_220 = tpu.memref_squeeze %dma_start3A_219 : memref<1x10112xi32, #tpu.memory_space<vmem>> -> memref<10112xi32, #tpu.memory_space<vmem>>
        %dma_start3A_221 = tpu.memref_slice %dma_start3A_220[%add3A_217] : memref<10112xi32, #tpu.memory_space<vmem>> -> memref<40xi32, #tpu.memory_space<vmem>>
        %dma_start3A_222 = arith.constant 0 : i32
        %dma_start3A_223 = arith.constant 0 : i32
        %dma_start3A_224 = tpu.memref_slice %arg2[%dma_start3A_222, %dma_start3A_223] : memref<10000x128xf32, #tpu.memory_space<hbm>> -> memref<10000x128xf32, #tpu.memory_space<hbm>>
        tpu.enqueue_indirect_dma source(%dma_start3A_224 : memref<10000x128xf32, #tpu.memory_space<hbm>>) target(%arg9 : memref<40x128xf32, #tpu.memory_space<vmem>>) offsets(%dma_start3A_221 : memref<40xi32, #tpu.memory_space<vmem>>) semaphore(%arg14 : memref<!tpu.dma_semaphore, #tpu.memory_space<semaphore_mem>>)
      } else {
      }
      %add3A_169 = arith.constant 3 : i32
      %add3A_170 = arith.addi %add3A_104, %add3A_169 : i32
      %mul3A_171 = arith.constant 40 : i32
      %mul3A_172 = arith.muli %add3A_170, %mul3A_171 : i32
      %add3A_173 = arith.addi %sub3A_21, %mul3A_172 : i32
      %dma_wait3A_174 = arith.constant 0 : i32
      %dma_wait3A_175 = tpu.memref_slice %arg6[%scan3A_87, %dma_wait3A_174] : memref<2x10112xi32, #tpu.memory_space<vmem>> -> memref<1x10112xi32, #tpu.memory_space<vmem>>
      %dma_wait3A_176 = tpu.memref_squeeze %dma_wait3A_175 : memref<1x10112xi32, #tpu.memory_space<vmem>> -> memref<10112xi32, #tpu.memory_space<vmem>>
      %dma_wait3A_177 = tpu.memref_slice %dma_wait3A_176[%add3A_173] : memref<10112xi32, #tpu.memory_space<vmem>> -> memref<40xi32, #tpu.memory_space<vmem>>
      %dma_wait3A_178 = arith.constant 0 : i32
      %dma_wait3A_179 = arith.constant 0 : i32
      %dma_wait3A_180 = tpu.memref_slice %arg2[%dma_wait3A_178, %dma_wait3A_179] : memref<10000x128xf32, #tpu.memory_space<hbm>> -> memref<10000x128xf32, #tpu.memory_space<hbm>>
      tpu.wait_indirect_dma semaphore(%arg15 : memref<!tpu.dma_semaphore, #tpu.memory_space<semaphore_mem>>) src(%dma_wait3A_180 : memref<10000x128xf32, #tpu.memory_space<hbm>>) dst(%arg10 : memref<40x128xf32, #tpu.memory_space<vmem>>)
      %mul3A_181 = arith.constant 40 : i32
      %mul3A_182 = arith.muli %add3A_170, %mul3A_181 : i32
      %add3A_183 = arith.addi %sub3A_21, %mul3A_182 : i32
      "tpu.region"() ({
        %run_scoped3A = tpu.sem_alloc : memref<!tpu.dma_semaphore, #tpu.memory_space<semaphore_mem>>
        %dma_start3A_213 = arith.constant 0 : i32
        %dma_start3A_214 = tpu.memref_slice %arg6[%scan3A_88, %dma_start3A_213] : memref<2x10112xi32, #tpu.memory_space<vmem>> -> memref<1x10112xi32, #tpu.memory_space<vmem>>
        %dma_start3A_215 = tpu.memref_squeeze %dma_start3A_214 : memref<1x10112xi32, #tpu.memory_space<vmem>> -> memref<10112xi32, #tpu.memory_space<vmem>>
        %dma_start3A_216 = tpu.memref_slice %dma_start3A_215[%add3A_183] : memref<10112xi32, #tpu.memory_space<vmem>> -> memref<40xi32, #tpu.memory_space<vmem>>
        %dma_start3A_217 = arith.constant 0 : i32
        %dma_start3A_218 = arith.constant 0 : i32
        %dma_start3A_219 = tpu.memref_slice %arg5[%dma_start3A_217, %dma_start3A_218] : memref<10000x128xf32, #tpu.memory_space<vmem_shared>> -> memref<10000x128xf32, #tpu.memory_space<vmem_shared>>
        tpu.enqueue_indirect_dma source(%arg10 : memref<40x128xf32, #tpu.memory_space<vmem>>) target(%dma_start3A_219 : memref<10000x128xf32, #tpu.memory_space<vmem_shared>>) offsets(%dma_start3A_216 : memref<40xi32, #tpu.memory_space<vmem>>) semaphore(%run_scoped3A : memref<!tpu.dma_semaphore, #tpu.memory_space<semaphore_mem>>) {add = true}
        %dma_wait3A_220 = arith.constant 0 : i32
        %dma_wait3A_221 = tpu.memref_slice %arg6[%scan3A_88, %dma_wait3A_220] : memref<2x10112xi32, #tpu.memory_space<vmem>> -> memref<1x10112xi32, #tpu.memory_space<vmem>>
        %dma_wait3A_222 = tpu.memref_squeeze %dma_wait3A_221 : memref<1x10112xi32, #tpu.memory_space<vmem>> -> memref<10112xi32, #tpu.memory_space<vmem>>
        %dma_wait3A_223 = tpu.memref_slice %dma_wait3A_222[%add3A_183] : memref<10112xi32, #tpu.memory_space<vmem>> -> memref<40xi32, #tpu.memory_space<vmem>>
        %dma_wait3A_224 = arith.constant 0 : i32
        %dma_wait3A_225 = arith.constant 0 : i32
        %dma_wait3A_226 = tpu.memref_slice %arg5[%dma_wait3A_224, %dma_wait3A_225] : memref<10000x128xf32, #tpu.memory_space<vmem_shared>> -> memref<10000x128xf32, #tpu.memory_space<vmem_shared>>
        tpu.wait_indirect_dma semaphore(%run_scoped3A : memref<!tpu.dma_semaphore, #tpu.memory_space<semaphore_mem>>) src(%arg10 : memref<40x128xf32, #tpu.memory_space<vmem>>) dst(%dma_wait3A_226 : memref<10000x128xf32, #tpu.memory_space<vmem_shared>>)
        tpu.yield
      }) : () -> ()
      %add3A_184 = arith.constant 5 : i32
      %add3A_185 = arith.addi %add3A_170, %add3A_184 : i32
      %lt3A_186 = arith.constant 250 : i32
      %lt3A_187 = arith.cmpi slt, %add3A_185, %lt3A_186 : i32
      %convert_element_type3A_188 = arith.extui %lt3A_187 : i1 to i32
      %cond3A_189 = arith.constant 0 : i32
      %cond3A_190 = arith.cmpi ne, %convert_element_type3A_188, %cond3A_189 : i32
      scf.if %cond3A_190 {
        %add3A_213 = arith.constant 5 : i32
        %add3A_214 = arith.addi %add3A_170, %add3A_213 : i32
        %mul3A_215 = arith.constant 40 : i32
        %mul3A_216 = arith.muli %add3A_214, %mul3A_215 : i32
        %add3A_217 = arith.addi %sub3A_21, %mul3A_216 : i32
        %dma_start3A_218 = arith.constant 0 : i32
        %dma_start3A_219 = tpu.memref_slice %arg6[%scan3A_87, %dma_start3A_218] : memref<2x10112xi32, #tpu.memory_space<vmem>> -> memref<1x10112xi32, #tpu.memory_space<vmem>>
        %dma_start3A_220 = tpu.memref_squeeze %dma_start3A_219 : memref<1x10112xi32, #tpu.memory_space<vmem>> -> memref<10112xi32, #tpu.memory_space<vmem>>
        %dma_start3A_221 = tpu.memref_slice %dma_start3A_220[%add3A_217] : memref<10112xi32, #tpu.memory_space<vmem>> -> memref<40xi32, #tpu.memory_space<vmem>>
        %dma_start3A_222 = arith.constant 0 : i32
        %dma_start3A_223 = arith.constant 0 : i32
        %dma_start3A_224 = tpu.memref_slice %arg2[%dma_start3A_222, %dma_start3A_223] : memref<10000x128xf32, #tpu.memory_space<hbm>> -> memref<10000x128xf32, #tpu.memory_space<hbm>>
        tpu.enqueue_indirect_dma source(%dma_start3A_224 : memref<10000x128xf32, #tpu.memory_space<hbm>>) target(%arg10 : memref<40x128xf32, #tpu.memory_space<vmem>>) offsets(%dma_start3A_221 : memref<40xi32, #tpu.memory_space<vmem>>) semaphore(%arg15 : memref<!tpu.dma_semaphore, #tpu.memory_space<semaphore_mem>>)
      } else {
      }
      %add3A_191 = arith.constant 4 : i32
      %add3A_192 = arith.addi %add3A_104, %add3A_191 : i32
      %mul3A_193 = arith.constant 40 : i32
      %mul3A_194 = arith.muli %add3A_192, %mul3A_193 : i32
      %add3A_195 = arith.addi %sub3A_21, %mul3A_194 : i32
      %dma_wait3A_196 = arith.constant 0 : i32
      %dma_wait3A_197 = tpu.memref_slice %arg6[%scan3A_87, %dma_wait3A_196] : memref<2x10112xi32, #tpu.memory_space<vmem>> -> memref<1x10112xi32, #tpu.memory_space<vmem>>
      %dma_wait3A_198 = tpu.memref_squeeze %dma_wait3A_197 : memref<1x10112xi32, #tpu.memory_space<vmem>> -> memref<10112xi32, #tpu.memory_space<vmem>>
      %dma_wait3A_199 = tpu.memref_slice %dma_wait3A_198[%add3A_195] : memref<10112xi32, #tpu.memory_space<vmem>> -> memref<40xi32, #tpu.memory_space<vmem>>
      %dma_wait3A_200 = arith.constant 0 : i32
      %dma_wait3A_201 = arith.constant 0 : i32
      %dma_wait3A_202 = tpu.memref_slice %arg2[%dma_wait3A_200, %dma_wait3A_201] : memref<10000x128xf32, #tpu.memory_space<hbm>> -> memref<10000x128xf32, #tpu.memory_space<hbm>>
      tpu.wait_indirect_dma semaphore(%arg16 : memref<!tpu.dma_semaphore, #tpu.memory_space<semaphore_mem>>) src(%dma_wait3A_202 : memref<10000x128xf32, #tpu.memory_space<hbm>>) dst(%arg11 : memref<40x128xf32, #tpu.memory_space<vmem>>)
      %mul3A_203 = arith.constant 40 : i32
      %mul3A_204 = arith.muli %add3A_192, %mul3A_203 : i32
      %add3A_205 = arith.addi %sub3A_21, %mul3A_204 : i32
      "tpu.region"() ({
        %run_scoped3A = tpu.sem_alloc : memref<!tpu.dma_semaphore, #tpu.memory_space<semaphore_mem>>
        %dma_start3A_213 = arith.constant 0 : i32
        %dma_start3A_214 = tpu.memref_slice %arg6[%scan3A_88, %dma_start3A_213] : memref<2x10112xi32, #tpu.memory_space<vmem>> -> memref<1x10112xi32, #tpu.memory_space<vmem>>
        %dma_start3A_215 = tpu.memref_squeeze %dma_start3A_214 : memref<1x10112xi32, #tpu.memory_space<vmem>> -> memref<10112xi32, #tpu.memory_space<vmem>>
        %dma_start3A_216 = tpu.memref_slice %dma_start3A_215[%add3A_205] : memref<10112xi32, #tpu.memory_space<vmem>> -> memref<40xi32, #tpu.memory_space<vmem>>
        %dma_start3A_217 = arith.constant 0 : i32
        %dma_start3A_218 = arith.constant 0 : i32
        %dma_start3A_219 = tpu.memref_slice %arg5[%dma_start3A_217, %dma_start3A_218] : memref<10000x128xf32, #tpu.memory_space<vmem_shared>> -> memref<10000x128xf32, #tpu.memory_space<vmem_shared>>
        tpu.enqueue_indirect_dma source(%arg11 : memref<40x128xf32, #tpu.memory_space<vmem>>) target(%dma_start3A_219 : memref<10000x128xf32, #tpu.memory_space<vmem_shared>>) offsets(%dma_start3A_216 : memref<40xi32, #tpu.memory_space<vmem>>) semaphore(%run_scoped3A : memref<!tpu.dma_semaphore, #tpu.memory_space<semaphore_mem>>) {add = true}
        %dma_wait3A_220 = arith.constant 0 : i32
        %dma_wait3A_221 = tpu.memref_slice %arg6[%scan3A_88, %dma_wait3A_220] : memref<2x10112xi32, #tpu.memory_space<vmem>> -> memref<1x10112xi32, #tpu.memory_space<vmem>>
        %dma_wait3A_222 = tpu.memref_squeeze %dma_wait3A_221 : memref<1x10112xi32, #tpu.memory_space<vmem>> -> memref<10112xi32, #tpu.memory_space<vmem>>
        %dma_wait3A_223 = tpu.memref_slice %dma_wait3A_222[%add3A_205] : memref<10112xi32, #tpu.memory_space<vmem>> -> memref<40xi32, #tpu.memory_space<vmem>>
        %dma_wait3A_224 = arith.constant 0 : i32
        %dma_wait3A_225 = arith.constant 0 : i32
        %dma_wait3A_226 = tpu.memref_slice %arg5[%dma_wait3A_224, %dma_wait3A_225] : memref<10000x128xf32, #tpu.memory_space<vmem_shared>> -> memref<10000x128xf32, #tpu.memory_space<vmem_shared>>
        tpu.wait_indirect_dma semaphore(%run_scoped3A : memref<!tpu.dma_semaphore, #tpu.memory_space<semaphore_mem>>) src(%arg11 : memref<40x128xf32, #tpu.memory_space<vmem>>) dst(%dma_wait3A_226 : memref<10000x128xf32, #tpu.memory_space<vmem_shared>>)
        tpu.yield
      }) : () -> ()
      %add3A_206 = arith.constant 5 : i32
      %add3A_207 = arith.addi %add3A_192, %add3A_206 : i32
      %lt3A_208 = arith.constant 250 : i32
      %lt3A_209 = arith.cmpi slt, %add3A_207, %lt3A_208 : i32
      %convert_element_type3A_210 = arith.extui %lt3A_209 : i1 to i32
      %cond3A_211 = arith.constant 0 : i32
      %cond3A_212 = arith.cmpi ne, %convert_element_type3A_210, %cond3A_211 : i32
      scf.if %cond3A_212 {
        %add3A_213 = arith.constant 5 : i32
        %add3A_214 = arith.addi %add3A_192, %add3A_213 : i32
        %mul3A_215 = arith.constant 40 : i32
        %mul3A_216 = arith.muli %add3A_214, %mul3A_215 : i32
        %add3A_217 = arith.addi %sub3A_21, %mul3A_216 : i32
        %dma_start3A_218 = arith.constant 0 : i32
        %dma_start3A_219 = tpu.memref_slice %arg6[%scan3A_87, %dma_start3A_218] : memref<2x10112xi32, #tpu.memory_space<vmem>> -> memref<1x10112xi32, #tpu.memory_space<vmem>>
        %dma_start3A_220 = tpu.memref_squeeze %dma_start3A_219 : memref<1x10112xi32, #tpu.memory_space<vmem>> -> memref<10112xi32, #tpu.memory_space<vmem>>
        %dma_start3A_221 = tpu.memref_slice %dma_start3A_220[%add3A_217] : memref<10112xi32, #tpu.memory_space<vmem>> -> memref<40xi32, #tpu.memory_space<vmem>>
        %dma_start3A_222 = arith.constant 0 : i32
        %dma_start3A_223 = arith.constant 0 : i32
        %dma_start3A_224 = tpu.memref_slice %arg2[%dma_start3A_222, %dma_start3A_223] : memref<10000x128xf32, #tpu.memory_space<hbm>> -> memref<10000x128xf32, #tpu.memory_space<hbm>>
        tpu.enqueue_indirect_dma source(%dma_start3A_224 : memref<10000x128xf32, #tpu.memory_space<hbm>>) target(%arg11 : memref<40x128xf32, #tpu.memory_space<vmem>>) offsets(%dma_start3A_221 : memref<40xi32, #tpu.memory_space<vmem>>) semaphore(%arg16 : memref<!tpu.dma_semaphore, #tpu.memory_space<semaphore_mem>>)
      } else {
      }
    }
    %scan3A_93 = arith.constant 50 : i32
    %barrier3A_94 = arith.constant 0 : index
    tpu.barrier barrier_id(%barrier3A_94)
    "tpu.region"() ({
      %run_scoped3A = tpu.sem_alloc : memref<!tpu.dma_semaphore, #tpu.memory_space<semaphore_mem>>
      %dma_start3A_100 = arith.constant 0 : i32
      %dma_start3A_101 = tpu.memref_slice %arg4[%arg0, %mul3A_28, %dma_start3A_100] : memref<2x10000x128xf32, #tpu.memory_space<hbm>> -> memref<1x624x128xf32, #tpu.memory_space<hbm>>
      %dma_start3A_102 = tpu.memref_squeeze %dma_start3A_101 : memref<1x624x128xf32, #tpu.memory_space<hbm>> -> memref<624x128xf32, #tpu.memory_space<hbm>>
      %dma_start3A_103 = arith.constant 0 : i32
      %dma_start3A_104 = tpu.memref_slice %arg5[%mul3A_28, %dma_start3A_103] : memref<10000x128xf32, #tpu.memory_space<vmem_shared>> -> memref<624x128xf32, #tpu.memory_space<vmem_shared>>
      tpu.enqueue_dma source(%dma_start3A_104 : memref<624x128xf32, #tpu.memory_space<vmem_shared>>) target(%dma_start3A_102 : memref<624x128xf32, #tpu.memory_space<hbm>>) target_semaphore(%run_scoped3A : memref<!tpu.dma_semaphore, #tpu.memory_space<semaphore_mem>>)
      %dma_wait3A = arith.constant 0 : i32
      %dma_wait3A_105 = tpu.memref_slice %arg4[%arg0, %mul3A_28, %dma_wait3A] : memref<2x10000x128xf32, #tpu.memory_space<hbm>> -> memref<1x624x128xf32, #tpu.memory_space<hbm>>
      %dma_wait3A_106 = tpu.memref_squeeze %dma_wait3A_105 : memref<1x624x128xf32, #tpu.memory_space<hbm>> -> memref<624x128xf32, #tpu.memory_space<hbm>>
      %dma_wait3A_107 = arith.constant 0 : i32
      %dma_wait3A_108 = tpu.memref_slice %arg5[%mul3A_28, %dma_wait3A_107] : memref<10000x128xf32, #tpu.memory_space<vmem_shared>> -> memref<624x128xf32, #tpu.memory_space<vmem_shared>>
      tpu.wait_dma2 semaphore(%run_scoped3A : memref<!tpu.dma_semaphore, #tpu.memory_space<semaphore_mem>>) src(%dma_wait3A_108 : memref<624x128xf32, #tpu.memory_space<vmem_shared>>) dst(%dma_wait3A_106 : memref<624x128xf32, #tpu.memory_space<hbm>>)
      tpu.yield
    }) : () -> ()
    %eq3A_95 = arith.constant 15 : i32
    %eq3A_96 = arith.cmpi eq, %arg1, %eq3A_95 : i32
    %convert_element_type3A_97 = arith.extui %eq3A_96 : i1 to i32
    %cond3A_98 = arith.constant 0 : i32
    %cond3A_99 = arith.cmpi ne, %convert_element_type3A_97, %cond3A_98 : i32
    scf.if %cond3A_99 {
      "tpu.region"() ({
        %run_scoped3A = tpu.sem_alloc : memref<!tpu.dma_semaphore, #tpu.memory_space<semaphore_mem>>
        %dma_start3A_100 = arith.constant 9984 : i32
        %dma_start3A_101 = arith.constant 0 : i32
        %dma_start3A_102 = tpu.memref_slice %arg4[%arg0, %dma_start3A_100, %dma_start3A_101] : memref<2x10000x128xf32, #tpu.memory_space<hbm>> -> memref<1x16x128xf32, #tpu.memory_space<hbm>>
        %dma_start3A_103 = tpu.memref_squeeze %dma_start3A_102 : memref<1x16x128xf32, #tpu.memory_space<hbm>> -> memref<16x128xf32, #tpu.memory_space<hbm>>
        %dma_start3A_104 = arith.constant 9984 : i32
        %dma_start3A_105 = arith.constant 0 : i32
        %dma_start3A_106 = tpu.memref_slice %arg5[%dma_start3A_104, %dma_start3A_105] : memref<10000x128xf32, #tpu.memory_space<vmem_shared>> -> memref<16x128xf32, #tpu.memory_space<vmem_shared>>
        tpu.enqueue_dma source(%dma_start3A_106 : memref<16x128xf32, #tpu.memory_space<vmem_shared>>) target(%dma_start3A_103 : memref<16x128xf32, #tpu.memory_space<hbm>>) target_semaphore(%run_scoped3A : memref<!tpu.dma_semaphore, #tpu.memory_space<semaphore_mem>>)
        %dma_wait3A = arith.constant 9984 : i32
        %dma_wait3A_107 = arith.constant 0 : i32
        %dma_wait3A_108 = tpu.memref_slice %arg4[%arg0, %dma_wait3A, %dma_wait3A_107] : memref<2x10000x128xf32, #tpu.memory_space<hbm>> -> memref<1x16x128xf32, #tpu.memory_space<hbm>>
        %dma_wait3A_109 = tpu.memref_squeeze %dma_wait3A_108 : memref<1x16x128xf32, #tpu.memory_space<hbm>> -> memref<16x128xf32, #tpu.memory_space<hbm>>
        %dma_wait3A_110 = arith.constant 9984 : i32
        %dma_wait3A_111 = arith.constant 0 : i32
        %dma_wait3A_112 = tpu.memref_slice %arg5[%dma_wait3A_110, %dma_wait3A_111] : memref<10000x128xf32, #tpu.memory_space<vmem_shared>> -> memref<16x128xf32, #tpu.memory_space<vmem_shared>>
        tpu.wait_dma2 semaphore(%run_scoped3A : memref<!tpu.dma_semaphore, #tpu.memory_space<semaphore_mem>>) src(%dma_wait3A_112 : memref<16x128xf32, #tpu.memory_space<vmem_shared>>) dst(%dma_wait3A_109 : memref<16x128xf32, #tpu.memory_space<hbm>>)
        tpu.yield
      }) : () -> ()
    } else {
    }
    return
  }
}

#map = affine_map<(d0, d1) -> (0, 0)>
#map1 = affine_map<(d0, d1) -> (0, 0, 0)>
module attributes {stable_mosaic.version = 14 : i64} {
  func.func @_gs_body(%arg0: i32, %arg1: i32, %arg2: memref<10000x128xf32, #tpu.memory_space<hbm>>, %arg3: memref<2x320000xi32, #tpu.memory_space<hbm>>, %arg4: memref<2x10000x128xf32, #tpu.memory_space<hbm>>, %arg5: memref<10000x128xf32, #tpu.memory_space<vmem_shared>>, %arg6: memref<2x10112xi32, #tpu.memory_space<vmem>>, %arg7: memref<40x128xf32, #tpu.memory_space<vmem>>, %arg8: memref<40x128xf32, #tpu.memory_space<vmem>>, %arg9: memref<40x128xf32, #tpu.memory_space<vmem>>, %arg10: memref<40x128xf32, #tpu.memory_space<vmem>>, %arg11: memref<40x128xf32, #tpu.memory_space<vmem>>, %arg12: memref<!tpu.dma_semaphore, #tpu.memory_space<semaphore_mem>>, %arg13: memref<!tpu.dma_semaphore, #tpu.memory_space<semaphore_mem>>, %arg14: memref<!tpu.dma_semaphore, #tpu.memory_space<semaphore_mem>>, %arg15: memref<!tpu.dma_semaphore, #tpu.memory_space<semaphore_mem>>, %arg16: memref<!tpu.dma_semaphore, #tpu.memory_space<semaphore_mem>>) attributes {dimension_semantics = [#tpu.dimension_semantics<core_parallel>, #tpu.dimension_semantics<subcore_parallel>], iteration_bounds = array<i64: 2, 16>, scalar_prefetch = 0 : i64, scratch_operands = 12 : i64, tpu.core_type = #tpu.core_type<sc_vector_subcore>, window_params = [{transform_indices = #map}, {transform_indices = #map}, {transform_indices = #map1}]} {
    %mul3A = arith.constant 16 : i32
    %mul3A_0 = arith.muli %arg0, %mul3A : i32
    %add3A = arith.addi %mul3A_0, %arg1 : i32
    %mul3A_1 = arith.constant 10000 : i32
    %mul3A_2 = arith.muli %add3A, %mul3A_1 : i32
    %jit3A = arith.constant 128 : i32
    %div3A = arith.divsi %mul3A_2, %jit3A : i32
    %sign3A = arith.constant 0 : i32
    %sign3A_3 = arith.cmpi sgt, %mul3A_2, %sign3A : i32
    %sign3A_4 = arith.extui %sign3A_3 : i1 to i32
    %sign3A_5 = arith.constant 0 : i32
    %sign3A_6 = arith.cmpi slt, %mul3A_2, %sign3A_5 : i32
    %sign3A_7 = arith.extui %sign3A_6 : i1 to i32
    %sign3A_8 = arith.subi %sign3A_4, %sign3A_7 : i32
    %sign3A_9 = arith.constant 0 : i32
    %sign3A_10 = arith.cmpi sgt, %jit3A, %sign3A_9 : i32
    %sign3A_11 = arith.extui %sign3A_10 : i1 to i32
    %sign3A_12 = arith.constant 0 : i32
    %sign3A_13 = arith.cmpi slt, %jit3A, %sign3A_12 : i32
    %sign3A_14 = arith.extui %sign3A_13 : i1 to i32
    %sign3A_15 = arith.subi %sign3A_11, %sign3A_14 : i32
    %ne3A = arith.cmpi ne, %sign3A_8, %sign3A_15 : i32
    %rem3A = arith.remsi %mul3A_2, %jit3A : i32
    %ne3A_16 = arith.constant 0 : i32
    %ne3A_17 = arith.cmpi ne, %rem3A, %ne3A_16 : i32
    %and3A = arith.andi %ne3A, %ne3A_17 : i1
    %sub3A = arith.constant 1 : i32
    %sub3A_18 = arith.subi %div3A, %sub3A : i32
    %select_n3A = arith.select %and3A, %sub3A_18, %div3A : i32
    %mul3A_19 = arith.constant 128 : i32
    %mul3A_20 = arith.muli %select_n3A, %mul3A_19 : i32
    %sub3A_21 = arith.subi %mul3A_2, %mul3A_20 : i32
    "tpu.region"() ({
      %run_scoped3A = tpu.sem_alloc : memref<!tpu.dma_semaphore, #tpu.memory_space<semaphore_mem>>
      %dma_start3A_100 = arith.constant 0 : i32
      %dma_start3A_101 = tpu.memref_slice %arg3[%dma_start3A_100, %mul3A_20] : memref<2x320000xi32, #tpu.memory_space<hbm>> -> memref<2x10112xi32, #tpu.memory_space<hbm>>
      %dma_start3A_102 = arith.constant 0 : i32
      %dma_start3A_103 = tpu.memref_slice %arg3[%dma_start3A_102, %mul3A_20] : memref<2x320000xi32, #tpu.memory_space<hbm>> -> memref<2x10112xi32, #tpu.memory_space<hbm>>
      tpu.enqueue_dma source(%dma_start3A_103 : memref<2x10112xi32, #tpu.memory_space<hbm>>) target(%arg6 : memref<2x10112xi32, #tpu.memory_space<vmem>>) target_semaphore(%run_scoped3A : memref<!tpu.dma_semaphore, #tpu.memory_space<semaphore_mem>>)
      %dma_wait3A = arith.constant 0 : i32
      %dma_wait3A_104 = tpu.memref_slice %arg3[%dma_wait3A, %mul3A_20] : memref<2x320000xi32, #tpu.memory_space<hbm>> -> memref<2x10112xi32, #tpu.memory_space<hbm>>
      %dma_wait3A_105 = arith.constant 0 : i32
      %dma_wait3A_106 = tpu.memref_slice %arg3[%dma_wait3A_105, %mul3A_20] : memref<2x320000xi32, #tpu.memory_space<hbm>> -> memref<2x10112xi32, #tpu.memory_space<hbm>>
      tpu.wait_dma2 semaphore(%run_scoped3A : memref<!tpu.dma_semaphore, #tpu.memory_space<semaphore_mem>>) src(%dma_wait3A_106 : memref<2x10112xi32, #tpu.memory_space<hbm>>) dst(%arg6 : memref<2x10112xi32, #tpu.memory_space<vmem>>)
      tpu.yield
    }) : () -> ()
    %broadcast_in_dim3A = arith.constant 0.000000e+00 : f32
    %broadcast_in_dim3A_22 = vector.broadcast %broadcast_in_dim3A : f32 to vector<16xf32>
    %scan3A = arith.constant 0 : i32
    %scan3A_23 = arith.constant 40 : i32
    %scan3A_24 = arith.addi %scan3A, %scan3A_23 : i32
    %scan3A_25 = arith.constant 1 : i32
    scf.for %scan3A_100 = %scan3A to %scan3A_24 step %scan3A_25  : i32 {
      %mul3A_101 = arith.constant 1 : i32
      %mul3A_102 = arith.muli %scan3A_100, %mul3A_101 : i32
      %add3A_103 = arith.constant 0 : i32
      %add3A_104 = arith.addi %add3A_103, %mul3A_102 : i32
      %swap3A = arith.index_cast %add3A_104 : i32 to index
      %swap3A_105 = arith.constant 0 : index
      %swap3A_106 = tpu.vector_load %arg7[%swap3A, %swap3A_105] {strides = array<i32>} : memref<40x128xf32, #tpu.memory_space<vmem>>, vector<1x16xf32>,
      %swap3A_107 = vector.shape_cast %swap3A_106 : vector<1x16xf32> to vector<16xf32>
      %swap3A_108 = vector.shape_cast %broadcast_in_dim3A_22 : vector<16xf32> to vector<1x16xf32>
      tpu.vector_store %arg7[%swap3A, %swap3A_105], %swap3A_108 {strides = array<i32>} : memref<40x128xf32, #tpu.memory_space<vmem>>, vector<1x16xf32>,
      %swap3A_109 = arith.index_cast %add3A_104 : i32 to index
      %swap3A_110 = arith.constant 16 : index
      %swap3A_111 = tpu.vector_load %arg7[%swap3A_109, %swap3A_110] {strides = array<i32>} : memref<40x128xf32, #tpu.memory_space<vmem>>, vector<1x16xf32>,
      %swap3A_112 = vector.shape_cast %swap3A_111 : vector<1x16xf32> to vector<16xf32>
      %swap3A_113 = vector.shape_cast %broadcast_in_dim3A_22 : vector<16xf32> to vector<1x16xf32>
      tpu.vector_store %arg7[%swap3A_109, %swap3A_110], %swap3A_113 {strides = array<i32>} : memref<40x128xf32, #tpu.memory_space<vmem>>, vector<1x16xf32>,
      %swap3A_114 = arith.index_cast %add3A_104 : i32 to index
      %swap3A_115 = arith.constant 32 : index
      %swap3A_116 = tpu.vector_load %arg7[%swap3A_114, %swap3A_115] {strides = array<i32>} : memref<40x128xf32, #tpu.memory_space<vmem>>, vector<1x16xf32>,
      %swap3A_117 = vector.shape_cast %swap3A_116 : vector<1x16xf32> to vector<16xf32>
      %swap3A_118 = vector.shape_cast %broadcast_in_dim3A_22 : vector<16xf32> to vector<1x16xf32>
      tpu.vector_store %arg7[%swap3A_114, %swap3A_115], %swap3A_118 {strides = array<i32>} : memref<40x128xf32, #tpu.memory_space<vmem>>, vector<1x16xf32>,
      %swap3A_119 = arith.index_cast %add3A_104 : i32 to index
      %swap3A_120 = arith.constant 48 : index
      %swap3A_121 = tpu.vector_load %arg7[%swap3A_119, %swap3A_120] {strides = array<i32>} : memref<40x128xf32, #tpu.memory_space<vmem>>, vector<1x16xf32>,
      %swap3A_122 = vector.shape_cast %swap3A_121 : vector<1x16xf32> to vector<16xf32>
      %swap3A_123 = vector.shape_cast %broadcast_in_dim3A_22 : vector<16xf32> to vector<1x16xf32>
      tpu.vector_store %arg7[%swap3A_119, %swap3A_120], %swap3A_123 {strides = array<i32>} : memref<40x128xf32, #tpu.memory_space<vmem>>, vector<1x16xf32>,
      %swap3A_124 = arith.index_cast %add3A_104 : i32 to index
      %swap3A_125 = arith.constant 64 : index
      %swap3A_126 = tpu.vector_load %arg7[%swap3A_124, %swap3A_125] {strides = array<i32>} : memref<40x128xf32, #tpu.memory_space<vmem>>, vector<1x16xf32>,
      %swap3A_127 = vector.shape_cast %swap3A_126 : vector<1x16xf32> to vector<16xf32>
      %swap3A_128 = vector.shape_cast %broadcast_in_dim3A_22 : vector<16xf32> to vector<1x16xf32>
      tpu.vector_store %arg7[%swap3A_124, %swap3A_125], %swap3A_128 {strides = array<i32>} : memref<40x128xf32, #tpu.memory_space<vmem>>, vector<1x16xf32>,
      %swap3A_129 = arith.index_cast %add3A_104 : i32 to index
      %swap3A_130 = arith.constant 80 : index
      %swap3A_131 = tpu.vector_load %arg7[%swap3A_129, %swap3A_130] {strides = array<i32>} : memref<40x128xf32, #tpu.memory_space<vmem>>, vector<1x16xf32>,
      %swap3A_132 = vector.shape_cast %swap3A_131 : vector<1x16xf32> to vector<16xf32>
      %swap3A_133 = vector.shape_cast %broadcast_in_dim3A_22 : vector<16xf32> to vector<1x16xf32>
      tpu.vector_store %arg7[%swap3A_129, %swap3A_130], %swap3A_133 {strides = array<i32>} : memref<40x128xf32, #tpu.memory_space<vmem>>, vector<1x16xf32>,
      %swap3A_134 = arith.index_cast %add3A_104 : i32 to index
      %swap3A_135 = arith.constant 96 : index
      %swap3A_136 = tpu.vector_load %arg7[%swap3A_134, %swap3A_135] {strides = array<i32>} : memref<40x128xf32, #tpu.memory_space<vmem>>, vector<1x16xf32>,
      %swap3A_137 = vector.shape_cast %swap3A_136 : vector<1x16xf32> to vector<16xf32>
      %swap3A_138 = vector.shape_cast %broadcast_in_dim3A_22 : vector<16xf32> to vector<1x16xf32>
      tpu.vector_store %arg7[%swap3A_134, %swap3A_135], %swap3A_138 {strides = array<i32>} : memref<40x128xf32, #tpu.memory_space<vmem>>, vector<1x16xf32>,
      %swap3A_139 = arith.index_cast %add3A_104 : i32 to index
      %swap3A_140 = arith.constant 112 : index
      %swap3A_141 = tpu.vector_load %arg7[%swap3A_139, %swap3A_140] {strides = array<i32>} : memref<40x128xf32, #tpu.memory_space<vmem>>, vector<1x16xf32>,
      %swap3A_142 = vector.shape_cast %swap3A_141 : vector<1x16xf32> to vector<16xf32>
      %swap3A_143 = vector.shape_cast %broadcast_in_dim3A_22 : vector<16xf32> to vector<1x16xf32>
      tpu.vector_store %arg7[%swap3A_139, %swap3A_140], %swap3A_143 {strides = array<i32>} : memref<40x128xf32, #tpu.memory_space<vmem>>, vector<1x16xf32>,
    }
    %scan3A_26 = arith.constant 40 : i32
    %mul3A_27 = arith.constant 624 : i32
    %mul3A_28 = arith.muli %arg1, %mul3A_27 : i32
    %scan3A_29 = arith.constant 0 : i32
    %scan3A_30 = arith.constant 15 : i32
    %scan3A_31 = arith.addi %scan3A_29, %scan3A_30 : i32
    %scan3A_32 = arith.constant 1 : i32
    scf.for %scan3A_100 = %scan3A_29 to %scan3A_31 step %scan3A_32  : i32 {
      %mul3A_101 = arith.constant 1 : i32
      %mul3A_102 = arith.muli %scan3A_100, %mul3A_101 : i32
      %add3A_103 = arith.constant 0 : i32
      %add3A_104 = arith.addi %add3A_103, %mul3A_102 : i32
      %mul3A_105 = arith.constant 40 : i32
      %mul3A_106 = arith.muli %add3A_104, %mul3A_105 : i32
      %add3A_107 = arith.addi %mul3A_28, %mul3A_106 : i32
      "tpu.region"() ({
        %run_scoped3A = tpu.sem_alloc : memref<!tpu.dma_semaphore, #tpu.memory_space<semaphore_mem>>
        %dma_start3A_108 = arith.constant 0 : i32
        %dma_start3A_109 = tpu.memref_slice %arg5[%add3A_107, %dma_start3A_108] : memref<10000x128xf32, #tpu.memory_space<vmem_shared>> -> memref<40x128xf32, #tpu.memory_space<vmem_shared>>
        %dma_start3A_110 = arith.constant 0 : i32
        %dma_start3A_111 = tpu.memref_slice %arg5[%add3A_107, %dma_start3A_110] : memref<10000x128xf32, #tpu.memory_space<vmem_shared>> -> memref<40x128xf32, #tpu.memory_space<vmem_shared>>
        tpu.enqueue_dma source(%arg7 : memref<40x128xf32, #tpu.memory_space<vmem>>) target(%dma_start3A_111 : memref<40x128xf32, #tpu.memory_space<vmem_shared>>) target_semaphore(%run_scoped3A : memref<!tpu.dma_semaphore, #tpu.memory_space<semaphore_mem>>)
        %dma_wait3A = arith.constant 0 : i32
        %dma_wait3A_112 = tpu.memref_slice %arg5[%add3A_107, %dma_wait3A] : memref<10000x128xf32, #tpu.memory_space<vmem_shared>> -> memref<40x128xf32, #tpu.memory_space<vmem_shared>>
        %dma_wait3A_113 = arith.constant 0 : i32
        %dma_wait3A_114 = tpu.memref_slice %arg5[%add3A_107, %dma_wait3A_113] : memref<10000x128xf32, #tpu.memory_space<vmem_shared>> -> memref<40x128xf32, #tpu.memory_space<vmem_shared>>
        tpu.wait_dma2 semaphore(%run_scoped3A : memref<!tpu.dma_semaphore, #tpu.memory_space<semaphore_mem>>) src(%arg7 : memref<40x128xf32, #tpu.memory_space<vmem>>) dst(%dma_wait3A_114 : memref<40x128xf32, #tpu.memory_space<vmem_shared>>)
        tpu.yield
      }) : () -> ()
    }
    %scan3A_33 = arith.constant 15 : i32
    %add3A_34 = arith.constant 600 : i32
    %add3A_35 = arith.addi %mul3A_28, %add3A_34 : i32
    "tpu.region"() ({
      %run_scoped3A = tpu.sem_alloc : memref<!tpu.dma_semaphore, #tpu.memory_space<semaphore_mem>>
      %dma_start3A_100 = arith.constant 0 : i32
      %dma_start3A_101 = arith.constant 0 : i32
      %dma_start3A_102 = tpu.memref_slice %arg7[%dma_start3A_100, %dma_start3A_101] : memref<40x128xf32, #tpu.memory_space<vmem>> -> memref<24x128xf32, #tpu.memory_space<vmem>>
      %dma_start3A_103 = arith.constant 0 : i32
      %dma_start3A_104 = tpu.memref_slice %arg5[%add3A_35, %dma_start3A_103] : memref<10000x128xf32, #tpu.memory_space<vmem_shared>> -> memref<24x128xf32, #tpu.memory_space<vmem_shared>>
      %dma_start3A_105 = arith.constant 0 : i32
      %dma_start3A_106 = tpu.memref_slice %arg5[%add3A_35, %dma_start3A_105] : memref<10000x128xf32, #tpu.memory_space<vmem_shared>> -> memref<24x128xf32, #tpu.memory_space<vmem_shared>>
      %dma_start3A_107 = arith.constant 0 : i32
      %dma_start3A_108 = arith.constant 0 : i32
      %dma_start3A_109 = tpu.memref_slice %arg7[%dma_start3A_107, %dma_start3A_108] : memref<40x128xf32, #tpu.memory_space<vmem>> -> memref<24x128xf32, #tpu.memory_space<vmem>>
      tpu.enqueue_dma source(%dma_start3A_109 : memref<24x128xf32, #tpu.memory_space<vmem>>) target(%dma_start3A_106 : memref<24x128xf32, #tpu.memory_space<vmem_shared>>) target_semaphore(%run_scoped3A : memref<!tpu.dma_semaphore, #tpu.memory_space<semaphore_mem>>)
      %dma_wait3A = arith.constant 0 : i32
      %dma_wait3A_110 = arith.constant 0 : i32
      %dma_wait3A_111 = tpu.memref_slice %arg7[%dma_wait3A, %dma_wait3A_110] : memref<40x128xf32, #tpu.memory_space<vmem>> -> memref<24x128xf32, #tpu.memory_space<vmem>>
      %dma_wait3A_112 = arith.constant 0 : i32
      %dma_wait3A_113 = tpu.memref_slice %arg5[%add3A_35, %dma_wait3A_112] : memref<10000x128xf32, #tpu.memory_space<vmem_shared>> -> memref<24x128xf32, #tpu.memory_space<vmem_shared>>
      %dma_wait3A_114 = arith.constant 0 : i32
      %dma_wait3A_115 = tpu.memref_slice %arg5[%add3A_35, %dma_wait3A_114] : memref<10000x128xf32, #tpu.memory_space<vmem_shared>> -> memref<24x128xf32, #tpu.memory_space<vmem_shared>>
      %dma_wait3A_116 = arith.constant 0 : i32
      %dma_wait3A_117 = arith.constant 0 : i32
      %dma_wait3A_118 = tpu.memref_slice %arg7[%dma_wait3A_116, %dma_wait3A_117] : memref<40x128xf32, #tpu.memory_space<vmem>> -> memref<24x128xf32, #tpu.memory_space<vmem>>
      tpu.wait_dma2 semaphore(%run_scoped3A : memref<!tpu.dma_semaphore, #tpu.memory_space<semaphore_mem>>) src(%dma_wait3A_118 : memref<24x128xf32, #tpu.memory_space<vmem>>) dst(%dma_wait3A_115 : memref<24x128xf32, #tpu.memory_space<vmem_shared>>)
      tpu.yield
    }) : () -> ()
    %eq3A = arith.constant 15 : i32
    %eq3A_36 = arith.cmpi eq, %arg1, %eq3A : i32
    %convert_element_type3A = arith.extui %eq3A_36 : i1 to i32
    %cond3A = arith.constant 0 : i32
    %cond3A_37 = arith.cmpi ne, %convert_element_type3A, %cond3A : i32
    scf.if %cond3A_37 {
      "tpu.region"() ({
        %run_scoped3A = tpu.sem_alloc : memref<!tpu.dma_semaphore, #tpu.memory_space<semaphore_mem>>
        %dma_start3A_100 = arith.constant 0 : i32
        %dma_start3A_101 = arith.constant 0 : i32
        %dma_start3A_102 = tpu.memref_slice %arg7[%dma_start3A_100, %dma_start3A_101] : memref<40x128xf32, #tpu.memory_space<vmem>> -> memref<16x128xf32, #tpu.memory_space<vmem>>
        %dma_start3A_103 = arith.constant 9984 : i32
        %dma_start3A_104 = arith.constant 0 : i32
        %dma_start3A_105 = tpu.memref_slice %arg5[%dma_start3A_103, %dma_start3A_104] : memref<10000x128xf32, #tpu.memory_space<vmem_shared>> -> memref<16x128xf32, #tpu.memory_space<vmem_shared>>
        %dma_start3A_106 = arith.constant 9984 : i32
        %dma_start3A_107 = arith.constant 0 : i32
        %dma_start3A_108 = tpu.memref_slice %arg5[%dma_start3A_106, %dma_start3A_107] : memref<10000x128xf32, #tpu.memory_space<vmem_shared>> -> memref<16x128xf32, #tpu.memory_space<vmem_shared>>
        %dma_start3A_109 = arith.constant 0 : i32
        %dma_start3A_110 = arith.constant 0 : i32
        %dma_start3A_111 = tpu.memref_slice %arg7[%dma_start3A_109, %dma_start3A_110] : memref<40x128xf32, #tpu.memory_space<vmem>> -> memref<16x128xf32, #tpu.memory_space<vmem>>
        tpu.enqueue_dma source(%dma_start3A_111 : memref<16x128xf32, #tpu.memory_space<vmem>>) target(%dma_start3A_108 : memref<16x128xf32, #tpu.memory_space<vmem_shared>>) target_semaphore(%run_scoped3A : memref<!tpu.dma_semaphore, #tpu.memory_space<semaphore_mem>>)
        %dma_wait3A = arith.constant 0 : i32
        %dma_wait3A_112 = arith.constant 0 : i32
        %dma_wait3A_113 = tpu.memref_slice %arg7[%dma_wait3A, %dma_wait3A_112] : memref<40x128xf32, #tpu.memory_space<vmem>> -> memref<16x128xf32, #tpu.memory_space<vmem>>
        %dma_wait3A_114 = arith.constant 9984 : i32
        %dma_wait3A_115 = arith.constant 0 : i32
        %dma_wait3A_116 = tpu.memref_slice %arg5[%dma_wait3A_114, %dma_wait3A_115] : memref<10000x128xf32, #tpu.memory_space<vmem_shared>> -> memref<16x128xf32, #tpu.memory_space<vmem_shared>>
        %dma_wait3A_117 = arith.constant 9984 : i32
        %dma_wait3A_118 = arith.constant 0 : i32
        %dma_wait3A_119 = tpu.memref_slice %arg5[%dma_wait3A_117, %dma_wait3A_118] : memref<10000x128xf32, #tpu.memory_space<vmem_shared>> -> memref<16x128xf32, #tpu.memory_space<vmem_shared>>
        %dma_wait3A_120 = arith.constant 0 : i32
        %dma_wait3A_121 = arith.constant 0 : i32
        %dma_wait3A_122 = tpu.memref_slice %arg7[%dma_wait3A_120, %dma_wait3A_121] : memref<40x128xf32, #tpu.memory_space<vmem>> -> memref<16x128xf32, #tpu.memory_space<vmem>>
        tpu.wait_dma2 semaphore(%run_scoped3A : memref<!tpu.dma_semaphore, #tpu.memory_space<semaphore_mem>>) src(%dma_wait3A_122 : memref<16x128xf32, #tpu.memory_space<vmem>>) dst(%dma_wait3A_119 : memref<16x128xf32, #tpu.memory_space<vmem_shared>>)
        tpu.yield
      }) : () -> ()
    } else {
    }
    %add3A_38 = arith.constant 0 : i32
    %add3A_39 = arith.addi %sub3A_21, %add3A_38 : i32
    %dma_start3A = arith.constant 0 : i32
    %dma_start3A_40 = arith.constant 0 : i32
    %dma_start3A_41 = tpu.memref_slice %arg6[%dma_start3A, %dma_start3A_40] : memref<2x10112xi32, #tpu.memory_space<vmem>> -> memref<1x10112xi32, #tpu.memory_space<vmem>>
    %dma_start3A_42 = tpu.memref_squeeze %dma_start3A_41 : memref<1x10112xi32, #tpu.memory_space<vmem>> -> memref<10112xi32, #tpu.memory_space<vmem>>
    %dma_start3A_43 = tpu.memref_slice %dma_start3A_42[%add3A_39] : memref<10112xi32, #tpu.memory_space<vmem>> -> memref<40xi32, #tpu.memory_space<vmem>>
    %dma_start3A_44 = arith.constant 0 : i32
    %dma_start3A_45 = arith.constant 0 : i32
    %dma_start3A_46 = tpu.memref_slice %arg2[%dma_start3A_44, %dma_start3A_45] : memref<10000x128xf32, #tpu.memory_space<hbm>> -> memref<10000x128xf32, #tpu.memory_space<hbm>>
    tpu.enqueue_indirect_dma source(%dma_start3A_46 : memref<10000x128xf32, #tpu.memory_space<hbm>>) target(%arg7 : memref<40x128xf32, #tpu.memory_space<vmem>>) offsets(%dma_start3A_43 : memref<40xi32, #tpu.memory_space<vmem>>) semaphore(%arg12 : memref<!tpu.dma_semaphore, #tpu.memory_space<semaphore_mem>>)
    %add3A_47 = arith.constant 40 : i32
    %add3A_48 = arith.addi %sub3A_21, %add3A_47 : i32
    %dma_start3A_49 = arith.constant 0 : i32
    %dma_start3A_50 = arith.constant 0 : i32
    %dma_start3A_51 = tpu.memref_slice %arg6[%dma_start3A_49, %dma_start3A_50] : memref<2x10112xi32, #tpu.memory_space<vmem>> -> memref<1x10112xi32, #tpu.memory_space<vmem>>
    %dma_start3A_52 = tpu.memref_squeeze %dma_start3A_51 : memref<1x10112xi32, #tpu.memory_space<vmem>> -> memref<10112xi32, #tpu.memory_space<vmem>>
    %dma_start3A_53 = tpu.memref_slice %dma_start3A_52[%add3A_48] : memref<10112xi32, #tpu.memory_space<vmem>> -> memref<40xi32, #tpu.memory_space<vmem>>
    %dma_start3A_54 = arith.constant 0 : i32
    %dma_start3A_55 = arith.constant 0 : i32
    %dma_start3A_56 = tpu.memref_slice %arg2[%dma_start3A_54, %dma_start3A_55] : memref<10000x128xf32, #tpu.memory_space<hbm>> -> memref<10000x128xf32, #tpu.memory_space<hbm>>
    tpu.enqueue_indirect_dma source(%dma_start3A_56 : memref<10000x128xf32, #tpu.memory_space<hbm>>) target(%arg8 : memref<40x128xf32, #tpu.memory_space<vmem>>) offsets(%dma_start3A_53 : memref<40xi32, #tpu.memory_space<vmem>>) semaphore(%arg13 : memref<!tpu.dma_semaphore, #tpu.memory_space<semaphore_mem>>)
    %add3A_57 = arith.constant 80 : i32
    %add3A_58 = arith.addi %sub3A_21, %add3A_57 : i32
    %dma_start3A_59 = arith.constant 0 : i32
    %dma_start3A_60 = arith.constant 0 : i32
    %dma_start3A_61 = tpu.memref_slice %arg6[%dma_start3A_59, %dma_start3A_60] : memref<2x10112xi32, #tpu.memory_space<vmem>> -> memref<1x10112xi32, #tpu.memory_space<vmem>>
    %dma_start3A_62 = tpu.memref_squeeze %dma_start3A_61 : memref<1x10112xi32, #tpu.memory_space<vmem>> -> memref<10112xi32, #tpu.memory_space<vmem>>
    %dma_start3A_63 = tpu.memref_slice %dma_start3A_62[%add3A_58] : memref<10112xi32, #tpu.memory_space<vmem>> -> memref<40xi32, #tpu.memory_space<vmem>>
    %dma_start3A_64 = arith.constant 0 : i32
    %dma_start3A_65 = arith.constant 0 : i32
    %dma_start3A_66 = tpu.memref_slice %arg2[%dma_start3A_64, %dma_start3A_65] : memref<10000x128xf32, #tpu.memory_space<hbm>> -> memref<10000x128xf32, #tpu.memory_space<hbm>>
    tpu.enqueue_indirect_dma source(%dma_start3A_66 : memref<10000x128xf32, #tpu.memory_space<hbm>>) target(%arg9 : memref<40x128xf32, #tpu.memory_space<vmem>>) offsets(%dma_start3A_63 : memref<40xi32, #tpu.memory_space<vmem>>) semaphore(%arg14 : memref<!tpu.dma_semaphore, #tpu.memory_space<semaphore_mem>>)
    %add3A_67 = arith.constant 120 : i32
    %add3A_68 = arith.addi %sub3A_21, %add3A_67 : i32
    %dma_start3A_69 = arith.constant 0 : i32
    %dma_start3A_70 = arith.constant 0 : i32
    %dma_start3A_71 = tpu.memref_slice %arg6[%dma_start3A_69, %dma_start3A_70] : memref<2x10112xi32, #tpu.memory_space<vmem>> -> memref<1x10112xi32, #tpu.memory_space<vmem>>
    %dma_start3A_72 = tpu.memref_squeeze %dma_start3A_71 : memref<1x10112xi32, #tpu.memory_space<vmem>> -> memref<10112xi32, #tpu.memory_space<vmem>>
    %dma_start3A_73 = tpu.memref_slice %dma_start3A_72[%add3A_68] : memref<10112xi32, #tpu.memory_space<vmem>> -> memref<40xi32, #tpu.memory_space<vmem>>
    %dma_start3A_74 = arith.constant 0 : i32
    %dma_start3A_75 = arith.constant 0 : i32
    %dma_start3A_76 = tpu.memref_slice %arg2[%dma_start3A_74, %dma_start3A_75] : memref<10000x128xf32, #tpu.memory_space<hbm>> -> memref<10000x128xf32, #tpu.memory_space<hbm>>
    tpu.enqueue_indirect_dma source(%dma_start3A_76 : memref<10000x128xf32, #tpu.memory_space<hbm>>) target(%arg10 : memref<40x128xf32, #tpu.memory_space<vmem>>) offsets(%dma_start3A_73 : memref<40xi32, #tpu.memory_space<vmem>>) semaphore(%arg15 : memref<!tpu.dma_semaphore, #tpu.memory_space<semaphore_mem>>)
    %add3A_77 = arith.constant 160 : i32
    %add3A_78 = arith.addi %sub3A_21, %add3A_77 : i32
    %dma_start3A_79 = arith.constant 0 : i32
    %dma_start3A_80 = arith.constant 0 : i32
    %dma_start3A_81 = tpu.memref_slice %arg6[%dma_start3A_79, %dma_start3A_80] : memref<2x10112xi32, #tpu.memory_space<vmem>> -> memref<1x10112xi32, #tpu.memory_space<vmem>>
    %dma_start3A_82 = tpu.memref_squeeze %dma_start3A_81 : memref<1x10112xi32, #tpu.memory_space<vmem>> -> memref<10112xi32, #tpu.memory_space<vmem>>
    %dma_start3A_83 = tpu.memref_slice %dma_start3A_82[%add3A_78] : memref<10112xi32, #tpu.memory_space<vmem>> -> memref<40xi32, #tpu.memory_space<vmem>>
    %dma_start3A_84 = arith.constant 0 : i32
    %dma_start3A_85 = arith.constant 0 : i32
    %dma_start3A_86 = tpu.memref_slice %arg2[%dma_start3A_84, %dma_start3A_85] : memref<10000x128xf32, #tpu.memory_space<hbm>> -> memref<10000x128xf32, #tpu.memory_space<hbm>>
    tpu.enqueue_indirect_dma source(%dma_start3A_86 : memref<10000x128xf32, #tpu.memory_space<hbm>>) target(%arg11 : memref<40x128xf32, #tpu.memory_space<vmem>>) offsets(%dma_start3A_83 : memref<40xi32, #tpu.memory_space<vmem>>) semaphore(%arg16 : memref<!tpu.dma_semaphore, #tpu.memory_space<semaphore_mem>>)
    %barrier3A = arith.constant 0 : index
    tpu.barrier barrier_id(%barrier3A)
    %scan3A_87 = arith.constant 0 : i32
    %scan3A_88 = arith.constant 1 : i32
    %scan3A_89 = arith.constant 0 : i32
    %scan3A_90 = arith.constant 50 : i32
    %scan3A_91 = arith.addi %scan3A_89, %scan3A_90 : i32
    %scan3A_92 = arith.constant 1 : i32
    scf.for %scan3A_100 = %scan3A_89 to %scan3A_91 step %scan3A_92  : i32 {
      %mul3A_101 = arith.constant 5 : i32
      %mul3A_102 = arith.muli %scan3A_100, %mul3A_101 : i32
      %add3A_103 = arith.constant 0 : i32
      %add3A_104 = arith.addi %add3A_103, %mul3A_102 : i32
      %add3A_105 = arith.constant 0 : i32
      %add3A_106 = arith.addi %add3A_104, %add3A_105 : i32
      %mul3A_107 = arith.constant 40 : i32
      %mul3A_108 = arith.muli %add3A_106, %mul3A_107 : i32
      %add3A_109 = arith.addi %sub3A_21, %mul3A_108 : i32
      %dma_wait3A = arith.constant 0 : i32
      %dma_wait3A_110 = tpu.memref_slice %arg6[%scan3A_87, %dma_wait3A] : memref<2x10112xi32, #tpu.memory_space<vmem>> -> memref<1x10112xi32, #tpu.memory_space<vmem>>
      %dma_wait3A_111 = tpu.memref_squeeze %dma_wait3A_110 : memref<1x10112xi32, #tpu.memory_space<vmem>> -> memref<10112xi32, #tpu.memory_space<vmem>>
      %dma_wait3A_112 = tpu.memref_slice %dma_wait3A_111[%add3A_109] : memref<10112xi32, #tpu.memory_space<vmem>> -> memref<40xi32, #tpu.memory_space<vmem>>
      %dma_wait3A_113 = arith.constant 0 : i32
      %dma_wait3A_114 = arith.constant 0 : i32
      %dma_wait3A_115 = tpu.memref_slice %arg2[%dma_wait3A_113, %dma_wait3A_114] : memref<10000x128xf32, #tpu.memory_space<hbm>> -> memref<10000x128xf32, #tpu.memory_space<hbm>>
      tpu.wait_indirect_dma semaphore(%arg12 : memref<!tpu.dma_semaphore, #tpu.memory_space<semaphore_mem>>) src(%dma_wait3A_115 : memref<10000x128xf32, #tpu.memory_space<hbm>>) dst(%arg7 : memref<40x128xf32, #tpu.memory_space<vmem>>)
      %mul3A_116 = arith.constant 40 : i32
      %mul3A_117 = arith.muli %add3A_106, %mul3A_116 : i32
      %add3A_118 = arith.addi %sub3A_21, %mul3A_117 : i32
      "tpu.region"() ({
        %run_scoped3A = tpu.sem_alloc : memref<!tpu.dma_semaphore, #tpu.memory_space<semaphore_mem>>
        %dma_start3A_213 = arith.constant 0 : i32
        %dma_start3A_214 = tpu.memref_slice %arg6[%scan3A_88, %dma_start3A_213] : memref<2x10112xi32, #tpu.memory_space<vmem>> -> memref<1x10112xi32, #tpu.memory_space<vmem>>
        %dma_start3A_215 = tpu.memref_squeeze %dma_start3A_214 : memref<1x10112xi32, #tpu.memory_space<vmem>> -> memref<10112xi32, #tpu.memory_space<vmem>>
        %dma_start3A_216 = tpu.memref_slice %dma_start3A_215[%add3A_118] : memref<10112xi32, #tpu.memory_space<vmem>> -> memref<40xi32, #tpu.memory_space<vmem>>
        %dma_start3A_217 = arith.constant 0 : i32
        %dma_start3A_218 = arith.constant 0 : i32
        %dma_start3A_219 = tpu.memref_slice %arg5[%dma_start3A_217, %dma_start3A_218] : memref<10000x128xf32, #tpu.memory_space<vmem_shared>> -> memref<10000x128xf32, #tpu.memory_space<vmem_shared>>
        tpu.enqueue_indirect_dma source(%arg7 : memref<40x128xf32, #tpu.memory_space<vmem>>) target(%dma_start3A_219 : memref<10000x128xf32, #tpu.memory_space<vmem_shared>>) offsets(%dma_start3A_216 : memref<40xi32, #tpu.memory_space<vmem>>) semaphore(%run_scoped3A : memref<!tpu.dma_semaphore, #tpu.memory_space<semaphore_mem>>) {add = true}
        %dma_wait3A_220 = arith.constant 0 : i32
        %dma_wait3A_221 = tpu.memref_slice %arg6[%scan3A_88, %dma_wait3A_220] : memref<2x10112xi32, #tpu.memory_space<vmem>> -> memref<1x10112xi32, #tpu.memory_space<vmem>>
        %dma_wait3A_222 = tpu.memref_squeeze %dma_wait3A_221 : memref<1x10112xi32, #tpu.memory_space<vmem>> -> memref<10112xi32, #tpu.memory_space<vmem>>
        %dma_wait3A_223 = tpu.memref_slice %dma_wait3A_222[%add3A_118] : memref<10112xi32, #tpu.memory_space<vmem>> -> memref<40xi32, #tpu.memory_space<vmem>>
        %dma_wait3A_224 = arith.constant 0 : i32
        %dma_wait3A_225 = arith.constant 0 : i32
        %dma_wait3A_226 = tpu.memref_slice %arg5[%dma_wait3A_224, %dma_wait3A_225] : memref<10000x128xf32, #tpu.memory_space<vmem_shared>> -> memref<10000x128xf32, #tpu.memory_space<vmem_shared>>
        tpu.wait_indirect_dma semaphore(%run_scoped3A : memref<!tpu.dma_semaphore, #tpu.memory_space<semaphore_mem>>) src(%arg7 : memref<40x128xf32, #tpu.memory_space<vmem>>) dst(%dma_wait3A_226 : memref<10000x128xf32, #tpu.memory_space<vmem_shared>>)
        tpu.yield
      }) : () -> ()
      %add3A_119 = arith.constant 5 : i32
      %add3A_120 = arith.addi %add3A_106, %add3A_119 : i32
      %lt3A = arith.constant 250 : i32
      %lt3A_121 = arith.cmpi slt, %add3A_120, %lt3A : i32
      %convert_element_type3A_122 = arith.extui %lt3A_121 : i1 to i32
      %cond3A_123 = arith.constant 0 : i32
      %cond3A_124 = arith.cmpi ne, %convert_element_type3A_122, %cond3A_123 : i32
      scf.if %cond3A_124 {
        %add3A_213 = arith.constant 5 : i32
        %add3A_214 = arith.addi %add3A_106, %add3A_213 : i32
        %mul3A_215 = arith.constant 40 : i32
        %mul3A_216 = arith.muli %add3A_214, %mul3A_215 : i32
        %add3A_217 = arith.addi %sub3A_21, %mul3A_216 : i32
        %dma_start3A_218 = arith.constant 0 : i32
        %dma_start3A_219 = tpu.memref_slice %arg6[%scan3A_87, %dma_start3A_218] : memref<2x10112xi32, #tpu.memory_space<vmem>> -> memref<1x10112xi32, #tpu.memory_space<vmem>>
        %dma_start3A_220 = tpu.memref_squeeze %dma_start3A_219 : memref<1x10112xi32, #tpu.memory_space<vmem>> -> memref<10112xi32, #tpu.memory_space<vmem>>
        %dma_start3A_221 = tpu.memref_slice %dma_start3A_220[%add3A_217] : memref<10112xi32, #tpu.memory_space<vmem>> -> memref<40xi32, #tpu.memory_space<vmem>>
        %dma_start3A_222 = arith.constant 0 : i32
        %dma_start3A_223 = arith.constant 0 : i32
        %dma_start3A_224 = tpu.memref_slice %arg2[%dma_start3A_222, %dma_start3A_223] : memref<10000x128xf32, #tpu.memory_space<hbm>> -> memref<10000x128xf32, #tpu.memory_space<hbm>>
        tpu.enqueue_indirect_dma source(%dma_start3A_224 : memref<10000x128xf32, #tpu.memory_space<hbm>>) target(%arg7 : memref<40x128xf32, #tpu.memory_space<vmem>>) offsets(%dma_start3A_221 : memref<40xi32, #tpu.memory_space<vmem>>) semaphore(%arg12 : memref<!tpu.dma_semaphore, #tpu.memory_space<semaphore_mem>>)
      } else {
      }
      %add3A_125 = arith.constant 1 : i32
      %add3A_126 = arith.addi %add3A_104, %add3A_125 : i32
      %mul3A_127 = arith.constant 40 : i32
      %mul3A_128 = arith.muli %add3A_126, %mul3A_127 : i32
      %add3A_129 = arith.addi %sub3A_21, %mul3A_128 : i32
      %dma_wait3A_130 = arith.constant 0 : i32
      %dma_wait3A_131 = tpu.memref_slice %arg6[%scan3A_87, %dma_wait3A_130] : memref<2x10112xi32, #tpu.memory_space<vmem>> -> memref<1x10112xi32, #tpu.memory_space<vmem>>
      %dma_wait3A_132 = tpu.memref_squeeze %dma_wait3A_131 : memref<1x10112xi32, #tpu.memory_space<vmem>> -> memref<10112xi32, #tpu.memory_space<vmem>>
      %dma_wait3A_133 = tpu.memref_slice %dma_wait3A_132[%add3A_129] : memref<10112xi32, #tpu.memory_space<vmem>> -> memref<40xi32, #tpu.memory_space<vmem>>
      %dma_wait3A_134 = arith.constant 0 : i32
      %dma_wait3A_135 = arith.constant 0 : i32
      %dma_wait3A_136 = tpu.memref_slice %arg2[%dma_wait3A_134, %dma_wait3A_135] : memref<10000x128xf32, #tpu.memory_space<hbm>> -> memref<10000x128xf32, #tpu.memory_space<hbm>>
      tpu.wait_indirect_dma semaphore(%arg13 : memref<!tpu.dma_semaphore, #tpu.memory_space<semaphore_mem>>) src(%dma_wait3A_136 : memref<10000x128xf32, #tpu.memory_space<hbm>>) dst(%arg8 : memref<40x128xf32, #tpu.memory_space<vmem>>)
      %mul3A_137 = arith.constant 40 : i32
      %mul3A_138 = arith.muli %add3A_126, %mul3A_137 : i32
      %add3A_139 = arith.addi %sub3A_21, %mul3A_138 : i32
      "tpu.region"() ({
        %run_scoped3A = tpu.sem_alloc : memref<!tpu.dma_semaphore, #tpu.memory_space<semaphore_mem>>
        %dma_start3A_213 = arith.constant 0 : i32
        %dma_start3A_214 = tpu.memref_slice %arg6[%scan3A_88, %dma_start3A_213] : memref<2x10112xi32, #tpu.memory_space<vmem>> -> memref<1x10112xi32, #tpu.memory_space<vmem>>
        %dma_start3A_215 = tpu.memref_squeeze %dma_start3A_214 : memref<1x10112xi32, #tpu.memory_space<vmem>> -> memref<10112xi32, #tpu.memory_space<vmem>>
        %dma_start3A_216 = tpu.memref_slice %dma_start3A_215[%add3A_139] : memref<10112xi32, #tpu.memory_space<vmem>> -> memref<40xi32, #tpu.memory_space<vmem>>
        %dma_start3A_217 = arith.constant 0 : i32
        %dma_start3A_218 = arith.constant 0 : i32
        %dma_start3A_219 = tpu.memref_slice %arg5[%dma_start3A_217, %dma_start3A_218] : memref<10000x128xf32, #tpu.memory_space<vmem_shared>> -> memref<10000x128xf32, #tpu.memory_space<vmem_shared>>
        tpu.enqueue_indirect_dma source(%arg8 : memref<40x128xf32, #tpu.memory_space<vmem>>) target(%dma_start3A_219 : memref<10000x128xf32, #tpu.memory_space<vmem_shared>>) offsets(%dma_start3A_216 : memref<40xi32, #tpu.memory_space<vmem>>) semaphore(%run_scoped3A : memref<!tpu.dma_semaphore, #tpu.memory_space<semaphore_mem>>) {add = true}
        %dma_wait3A_220 = arith.constant 0 : i32
        %dma_wait3A_221 = tpu.memref_slice %arg6[%scan3A_88, %dma_wait3A_220] : memref<2x10112xi32, #tpu.memory_space<vmem>> -> memref<1x10112xi32, #tpu.memory_space<vmem>>
        %dma_wait3A_222 = tpu.memref_squeeze %dma_wait3A_221 : memref<1x10112xi32, #tpu.memory_space<vmem>> -> memref<10112xi32, #tpu.memory_space<vmem>>
        %dma_wait3A_223 = tpu.memref_slice %dma_wait3A_222[%add3A_139] : memref<10112xi32, #tpu.memory_space<vmem>> -> memref<40xi32, #tpu.memory_space<vmem>>
        %dma_wait3A_224 = arith.constant 0 : i32
        %dma_wait3A_225 = arith.constant 0 : i32
        %dma_wait3A_226 = tpu.memref_slice %arg5[%dma_wait3A_224, %dma_wait3A_225] : memref<10000x128xf32, #tpu.memory_space<vmem_shared>> -> memref<10000x128xf32, #tpu.memory_space<vmem_shared>>
        tpu.wait_indirect_dma semaphore(%run_scoped3A : memref<!tpu.dma_semaphore, #tpu.memory_space<semaphore_mem>>) src(%arg8 : memref<40x128xf32, #tpu.memory_space<vmem>>) dst(%dma_wait3A_226 : memref<10000x128xf32, #tpu.memory_space<vmem_shared>>)
        tpu.yield
      }) : () -> ()
      %add3A_140 = arith.constant 5 : i32
      %add3A_141 = arith.addi %add3A_126, %add3A_140 : i32
      %lt3A_142 = arith.constant 250 : i32
      %lt3A_143 = arith.cmpi slt, %add3A_141, %lt3A_142 : i32
      %convert_element_type3A_144 = arith.extui %lt3A_143 : i1 to i32
      %cond3A_145 = arith.constant 0 : i32
      %cond3A_146 = arith.cmpi ne, %convert_element_type3A_144, %cond3A_145 : i32
      scf.if %cond3A_146 {
        %add3A_213 = arith.constant 5 : i32
        %add3A_214 = arith.addi %add3A_126, %add3A_213 : i32
        %mul3A_215 = arith.constant 40 : i32
        %mul3A_216 = arith.muli %add3A_214, %mul3A_215 : i32
        %add3A_217 = arith.addi %sub3A_21, %mul3A_216 : i32
        %dma_start3A_218 = arith.constant 0 : i32
        %dma_start3A_219 = tpu.memref_slice %arg6[%scan3A_87, %dma_start3A_218] : memref<2x10112xi32, #tpu.memory_space<vmem>> -> memref<1x10112xi32, #tpu.memory_space<vmem>>
        %dma_start3A_220 = tpu.memref_squeeze %dma_start3A_219 : memref<1x10112xi32, #tpu.memory_space<vmem>> -> memref<10112xi32, #tpu.memory_space<vmem>>
        %dma_start3A_221 = tpu.memref_slice %dma_start3A_220[%add3A_217] : memref<10112xi32, #tpu.memory_space<vmem>> -> memref<40xi32, #tpu.memory_space<vmem>>
        %dma_start3A_222 = arith.constant 0 : i32
        %dma_start3A_223 = arith.constant 0 : i32
        %dma_start3A_224 = tpu.memref_slice %arg2[%dma_start3A_222, %dma_start3A_223] : memref<10000x128xf32, #tpu.memory_space<hbm>> -> memref<10000x128xf32, #tpu.memory_space<hbm>>
        tpu.enqueue_indirect_dma source(%dma_start3A_224 : memref<10000x128xf32, #tpu.memory_space<hbm>>) target(%arg8 : memref<40x128xf32, #tpu.memory_space<vmem>>) offsets(%dma_start3A_221 : memref<40xi32, #tpu.memory_space<vmem>>) semaphore(%arg13 : memref<!tpu.dma_semaphore, #tpu.memory_space<semaphore_mem>>)
      } else {
      }
      %add3A_147 = arith.constant 2 : i32
      %add3A_148 = arith.addi %add3A_104, %add3A_147 : i32
      %mul3A_149 = arith.constant 40 : i32
      %mul3A_150 = arith.muli %add3A_148, %mul3A_149 : i32
      %add3A_151 = arith.addi %sub3A_21, %mul3A_150 : i32
      %dma_wait3A_152 = arith.constant 0 : i32
      %dma_wait3A_153 = tpu.memref_slice %arg6[%scan3A_87, %dma_wait3A_152] : memref<2x10112xi32, #tpu.memory_space<vmem>> -> memref<1x10112xi32, #tpu.memory_space<vmem>>
      %dma_wait3A_154 = tpu.memref_squeeze %dma_wait3A_153 : memref<1x10112xi32, #tpu.memory_space<vmem>> -> memref<10112xi32, #tpu.memory_space<vmem>>
      %dma_wait3A_155 = tpu.memref_slice %dma_wait3A_154[%add3A_151] : memref<10112xi32, #tpu.memory_space<vmem>> -> memref<40xi32, #tpu.memory_space<vmem>>
      %dma_wait3A_156 = arith.constant 0 : i32
      %dma_wait3A_157 = arith.constant 0 : i32
      %dma_wait3A_158 = tpu.memref_slice %arg2[%dma_wait3A_156, %dma_wait3A_157] : memref<10000x128xf32, #tpu.memory_space<hbm>> -> memref<10000x128xf32, #tpu.memory_space<hbm>>
      tpu.wait_indirect_dma semaphore(%arg14 : memref<!tpu.dma_semaphore, #tpu.memory_space<semaphore_mem>>) src(%dma_wait3A_158 : memref<10000x128xf32, #tpu.memory_space<hbm>>) dst(%arg9 : memref<40x128xf32, #tpu.memory_space<vmem>>)
      %mul3A_159 = arith.constant 40 : i32
      %mul3A_160 = arith.muli %add3A_148, %mul3A_159 : i32
      %add3A_161 = arith.addi %sub3A_21, %mul3A_160 : i32
      "tpu.region"() ({
        %run_scoped3A = tpu.sem_alloc : memref<!tpu.dma_semaphore, #tpu.memory_space<semaphore_mem>>
        %dma_start3A_213 = arith.constant 0 : i32
        %dma_start3A_214 = tpu.memref_slice %arg6[%scan3A_88, %dma_start3A_213] : memref<2x10112xi32, #tpu.memory_space<vmem>> -> memref<1x10112xi32, #tpu.memory_space<vmem>>
        %dma_start3A_215 = tpu.memref_squeeze %dma_start3A_214 : memref<1x10112xi32, #tpu.memory_space<vmem>> -> memref<10112xi32, #tpu.memory_space<vmem>>
        %dma_start3A_216 = tpu.memref_slice %dma_start3A_215[%add3A_161] : memref<10112xi32, #tpu.memory_space<vmem>> -> memref<40xi32, #tpu.memory_space<vmem>>
        %dma_start3A_217 = arith.constant 0 : i32
        %dma_start3A_218 = arith.constant 0 : i32
        %dma_start3A_219 = tpu.memref_slice %arg5[%dma_start3A_217, %dma_start3A_218] : memref<10000x128xf32, #tpu.memory_space<vmem_shared>> -> memref<10000x128xf32, #tpu.memory_space<vmem_shared>>
        tpu.enqueue_indirect_dma source(%arg9 : memref<40x128xf32, #tpu.memory_space<vmem>>) target(%dma_start3A_219 : memref<10000x128xf32, #tpu.memory_space<vmem_shared>>) offsets(%dma_start3A_216 : memref<40xi32, #tpu.memory_space<vmem>>) semaphore(%run_scoped3A : memref<!tpu.dma_semaphore, #tpu.memory_space<semaphore_mem>>) {add = true}
        %dma_wait3A_220 = arith.constant 0 : i32
        %dma_wait3A_221 = tpu.memref_slice %arg6[%scan3A_88, %dma_wait3A_220] : memref<2x10112xi32, #tpu.memory_space<vmem>> -> memref<1x10112xi32, #tpu.memory_space<vmem>>
        %dma_wait3A_222 = tpu.memref_squeeze %dma_wait3A_221 : memref<1x10112xi32, #tpu.memory_space<vmem>> -> memref<10112xi32, #tpu.memory_space<vmem>>
        %dma_wait3A_223 = tpu.memref_slice %dma_wait3A_222[%add3A_161] : memref<10112xi32, #tpu.memory_space<vmem>> -> memref<40xi32, #tpu.memory_space<vmem>>
        %dma_wait3A_224 = arith.constant 0 : i32
        %dma_wait3A_225 = arith.constant 0 : i32
        %dma_wait3A_226 = tpu.memref_slice %arg5[%dma_wait3A_224, %dma_wait3A_225] : memref<10000x128xf32, #tpu.memory_space<vmem_shared>> -> memref<10000x128xf32, #tpu.memory_space<vmem_shared>>
        tpu.wait_indirect_dma semaphore(%run_scoped3A : memref<!tpu.dma_semaphore, #tpu.memory_space<semaphore_mem>>) src(%arg9 : memref<40x128xf32, #tpu.memory_space<vmem>>) dst(%dma_wait3A_226 : memref<10000x128xf32, #tpu.memory_space<vmem_shared>>)
        tpu.yield
      }) : () -> ()
      %add3A_162 = arith.constant 5 : i32
      %add3A_163 = arith.addi %add3A_148, %add3A_162 : i32
      %lt3A_164 = arith.constant 250 : i32
      %lt3A_165 = arith.cmpi slt, %add3A_163, %lt3A_164 : i32
      %convert_element_type3A_166 = arith.extui %lt3A_165 : i1 to i32
      %cond3A_167 = arith.constant 0 : i32
      %cond3A_168 = arith.cmpi ne, %convert_element_type3A_166, %cond3A_167 : i32
      scf.if %cond3A_168 {
        %add3A_213 = arith.constant 5 : i32
        %add3A_214 = arith.addi %add3A_148, %add3A_213 : i32
        %mul3A_215 = arith.constant 40 : i32
        %mul3A_216 = arith.muli %add3A_214, %mul3A_215 : i32
        %add3A_217 = arith.addi %sub3A_21, %mul3A_216 : i32
        %dma_start3A_218 = arith.constant 0 : i32
        %dma_start3A_219 = tpu.memref_slice %arg6[%scan3A_87, %dma_start3A_218] : memref<2x10112xi32, #tpu.memory_space<vmem>> -> memref<1x10112xi32, #tpu.memory_space<vmem>>
        %dma_start3A_220 = tpu.memref_squeeze %dma_start3A_219 : memref<1x10112xi32, #tpu.memory_space<vmem>> -> memref<10112xi32, #tpu.memory_space<vmem>>
        %dma_start3A_221 = tpu.memref_slice %dma_start3A_220[%add3A_217] : memref<10112xi32, #tpu.memory_space<vmem>> -> memref<40xi32, #tpu.memory_space<vmem>>
        %dma_start3A_222 = arith.constant 0 : i32
        %dma_start3A_223 = arith.constant 0 : i32
        %dma_start3A_224 = tpu.memref_slice %arg2[%dma_start3A_222, %dma_start3A_223] : memref<10000x128xf32, #tpu.memory_space<hbm>> -> memref<10000x128xf32, #tpu.memory_space<hbm>>
        tpu.enqueue_indirect_dma source(%dma_start3A_224 : memref<10000x128xf32, #tpu.memory_space<hbm>>) target(%arg9 : memref<40x128xf32, #tpu.memory_space<vmem>>) offsets(%dma_start3A_221 : memref<40xi32, #tpu.memory_space<vmem>>) semaphore(%arg14 : memref<!tpu.dma_semaphore, #tpu.memory_space<semaphore_mem>>)
      } else {
      }
      %add3A_169 = arith.constant 3 : i32
      %add3A_170 = arith.addi %add3A_104, %add3A_169 : i32
      %mul3A_171 = arith.constant 40 : i32
      %mul3A_172 = arith.muli %add3A_170, %mul3A_171 : i32
      %add3A_173 = arith.addi %sub3A_21, %mul3A_172 : i32
      %dma_wait3A_174 = arith.constant 0 : i32
      %dma_wait3A_175 = tpu.memref_slice %arg6[%scan3A_87, %dma_wait3A_174] : memref<2x10112xi32, #tpu.memory_space<vmem>> -> memref<1x10112xi32, #tpu.memory_space<vmem>>
      %dma_wait3A_176 = tpu.memref_squeeze %dma_wait3A_175 : memref<1x10112xi32, #tpu.memory_space<vmem>> -> memref<10112xi32, #tpu.memory_space<vmem>>
      %dma_wait3A_177 = tpu.memref_slice %dma_wait3A_176[%add3A_173] : memref<10112xi32, #tpu.memory_space<vmem>> -> memref<40xi32, #tpu.memory_space<vmem>>
      %dma_wait3A_178 = arith.constant 0 : i32
      %dma_wait3A_179 = arith.constant 0 : i32
      %dma_wait3A_180 = tpu.memref_slice %arg2[%dma_wait3A_178, %dma_wait3A_179] : memref<10000x128xf32, #tpu.memory_space<hbm>> -> memref<10000x128xf32, #tpu.memory_space<hbm>>
      tpu.wait_indirect_dma semaphore(%arg15 : memref<!tpu.dma_semaphore, #tpu.memory_space<semaphore_mem>>) src(%dma_wait3A_180 : memref<10000x128xf32, #tpu.memory_space<hbm>>) dst(%arg10 : memref<40x128xf32, #tpu.memory_space<vmem>>)
      %mul3A_181 = arith.constant 40 : i32
      %mul3A_182 = arith.muli %add3A_170, %mul3A_181 : i32
      %add3A_183 = arith.addi %sub3A_21, %mul3A_182 : i32
      "tpu.region"() ({
        %run_scoped3A = tpu.sem_alloc : memref<!tpu.dma_semaphore, #tpu.memory_space<semaphore_mem>>
        %dma_start3A_213 = arith.constant 0 : i32
        %dma_start3A_214 = tpu.memref_slice %arg6[%scan3A_88, %dma_start3A_213] : memref<2x10112xi32, #tpu.memory_space<vmem>> -> memref<1x10112xi32, #tpu.memory_space<vmem>>
        %dma_start3A_215 = tpu.memref_squeeze %dma_start3A_214 : memref<1x10112xi32, #tpu.memory_space<vmem>> -> memref<10112xi32, #tpu.memory_space<vmem>>
        %dma_start3A_216 = tpu.memref_slice %dma_start3A_215[%add3A_183] : memref<10112xi32, #tpu.memory_space<vmem>> -> memref<40xi32, #tpu.memory_space<vmem>>
        %dma_start3A_217 = arith.constant 0 : i32
        %dma_start3A_218 = arith.constant 0 : i32
        %dma_start3A_219 = tpu.memref_slice %arg5[%dma_start3A_217, %dma_start3A_218] : memref<10000x128xf32, #tpu.memory_space<vmem_shared>> -> memref<10000x128xf32, #tpu.memory_space<vmem_shared>>
        tpu.enqueue_indirect_dma source(%arg10 : memref<40x128xf32, #tpu.memory_space<vmem>>) target(%dma_start3A_219 : memref<10000x128xf32, #tpu.memory_space<vmem_shared>>) offsets(%dma_start3A_216 : memref<40xi32, #tpu.memory_space<vmem>>) semaphore(%run_scoped3A : memref<!tpu.dma_semaphore, #tpu.memory_space<semaphore_mem>>) {add = true}
        %dma_wait3A_220 = arith.constant 0 : i32
        %dma_wait3A_221 = tpu.memref_slice %arg6[%scan3A_88, %dma_wait3A_220] : memref<2x10112xi32, #tpu.memory_space<vmem>> -> memref<1x10112xi32, #tpu.memory_space<vmem>>
        %dma_wait3A_222 = tpu.memref_squeeze %dma_wait3A_221 : memref<1x10112xi32, #tpu.memory_space<vmem>> -> memref<10112xi32, #tpu.memory_space<vmem>>
        %dma_wait3A_223 = tpu.memref_slice %dma_wait3A_222[%add3A_183] : memref<10112xi32, #tpu.memory_space<vmem>> -> memref<40xi32, #tpu.memory_space<vmem>>
        %dma_wait3A_224 = arith.constant 0 : i32
        %dma_wait3A_225 = arith.constant 0 : i32
        %dma_wait3A_226 = tpu.memref_slice %arg5[%dma_wait3A_224, %dma_wait3A_225] : memref<10000x128xf32, #tpu.memory_space<vmem_shared>> -> memref<10000x128xf32, #tpu.memory_space<vmem_shared>>
        tpu.wait_indirect_dma semaphore(%run_scoped3A : memref<!tpu.dma_semaphore, #tpu.memory_space<semaphore_mem>>) src(%arg10 : memref<40x128xf32, #tpu.memory_space<vmem>>) dst(%dma_wait3A_226 : memref<10000x128xf32, #tpu.memory_space<vmem_shared>>)
        tpu.yield
      }) : () -> ()
      %add3A_184 = arith.constant 5 : i32
      %add3A_185 = arith.addi %add3A_170, %add3A_184 : i32
      %lt3A_186 = arith.constant 250 : i32
      %lt3A_187 = arith.cmpi slt, %add3A_185, %lt3A_186 : i32
      %convert_element_type3A_188 = arith.extui %lt3A_187 : i1 to i32
      %cond3A_189 = arith.constant 0 : i32
      %cond3A_190 = arith.cmpi ne, %convert_element_type3A_188, %cond3A_189 : i32
      scf.if %cond3A_190 {
        %add3A_213 = arith.constant 5 : i32
        %add3A_214 = arith.addi %add3A_170, %add3A_213 : i32
        %mul3A_215 = arith.constant 40 : i32
        %mul3A_216 = arith.muli %add3A_214, %mul3A_215 : i32
        %add3A_217 = arith.addi %sub3A_21, %mul3A_216 : i32
        %dma_start3A_218 = arith.constant 0 : i32
        %dma_start3A_219 = tpu.memref_slice %arg6[%scan3A_87, %dma_start3A_218] : memref<2x10112xi32, #tpu.memory_space<vmem>> -> memref<1x10112xi32, #tpu.memory_space<vmem>>
        %dma_start3A_220 = tpu.memref_squeeze %dma_start3A_219 : memref<1x10112xi32, #tpu.memory_space<vmem>> -> memref<10112xi32, #tpu.memory_space<vmem>>
        %dma_start3A_221 = tpu.memref_slice %dma_start3A_220[%add3A_217] : memref<10112xi32, #tpu.memory_space<vmem>> -> memref<40xi32, #tpu.memory_space<vmem>>
        %dma_start3A_222 = arith.constant 0 : i32
        %dma_start3A_223 = arith.constant 0 : i32
        %dma_start3A_224 = tpu.memref_slice %arg2[%dma_start3A_222, %dma_start3A_223] : memref<10000x128xf32, #tpu.memory_space<hbm>> -> memref<10000x128xf32, #tpu.memory_space<hbm>>
        tpu.enqueue_indirect_dma source(%dma_start3A_224 : memref<10000x128xf32, #tpu.memory_space<hbm>>) target(%arg10 : memref<40x128xf32, #tpu.memory_space<vmem>>) offsets(%dma_start3A_221 : memref<40xi32, #tpu.memory_space<vmem>>) semaphore(%arg15 : memref<!tpu.dma_semaphore, #tpu.memory_space<semaphore_mem>>)
      } else {
      }
      %add3A_191 = arith.constant 4 : i32
      %add3A_192 = arith.addi %add3A_104, %add3A_191 : i32
      %mul3A_193 = arith.constant 40 : i32
      %mul3A_194 = arith.muli %add3A_192, %mul3A_193 : i32
      %add3A_195 = arith.addi %sub3A_21, %mul3A_194 : i32
      %dma_wait3A_196 = arith.constant 0 : i32
      %dma_wait3A_197 = tpu.memref_slice %arg6[%scan3A_87, %dma_wait3A_196] : memref<2x10112xi32, #tpu.memory_space<vmem>> -> memref<1x10112xi32, #tpu.memory_space<vmem>>
      %dma_wait3A_198 = tpu.memref_squeeze %dma_wait3A_197 : memref<1x10112xi32, #tpu.memory_space<vmem>> -> memref<10112xi32, #tpu.memory_space<vmem>>
      %dma_wait3A_199 = tpu.memref_slice %dma_wait3A_198[%add3A_195] : memref<10112xi32, #tpu.memory_space<vmem>> -> memref<40xi32, #tpu.memory_space<vmem>>
      %dma_wait3A_200 = arith.constant 0 : i32
      %dma_wait3A_201 = arith.constant 0 : i32
      %dma_wait3A_202 = tpu.memref_slice %arg2[%dma_wait3A_200, %dma_wait3A_201] : memref<10000x128xf32, #tpu.memory_space<hbm>> -> memref<10000x128xf32, #tpu.memory_space<hbm>>
      tpu.wait_indirect_dma semaphore(%arg16 : memref<!tpu.dma_semaphore, #tpu.memory_space<semaphore_mem>>) src(%dma_wait3A_202 : memref<10000x128xf32, #tpu.memory_space<hbm>>) dst(%arg11 : memref<40x128xf32, #tpu.memory_space<vmem>>)
      %mul3A_203 = arith.constant 40 : i32
      %mul3A_204 = arith.muli %add3A_192, %mul3A_203 : i32
      %add3A_205 = arith.addi %sub3A_21, %mul3A_204 : i32
      "tpu.region"() ({
        %run_scoped3A = tpu.sem_alloc : memref<!tpu.dma_semaphore, #tpu.memory_space<semaphore_mem>>
        %dma_start3A_213 = arith.constant 0 : i32
        %dma_start3A_214 = tpu.memref_slice %arg6[%scan3A_88, %dma_start3A_213] : memref<2x10112xi32, #tpu.memory_space<vmem>> -> memref<1x10112xi32, #tpu.memory_space<vmem>>
        %dma_start3A_215 = tpu.memref_squeeze %dma_start3A_214 : memref<1x10112xi32, #tpu.memory_space<vmem>> -> memref<10112xi32, #tpu.memory_space<vmem>>
        %dma_start3A_216 = tpu.memref_slice %dma_start3A_215[%add3A_205] : memref<10112xi32, #tpu.memory_space<vmem>> -> memref<40xi32, #tpu.memory_space<vmem>>
        %dma_start3A_217 = arith.constant 0 : i32
        %dma_start3A_218 = arith.constant 0 : i32
        %dma_start3A_219 = tpu.memref_slice %arg5[%dma_start3A_217, %dma_start3A_218] : memref<10000x128xf32, #tpu.memory_space<vmem_shared>> -> memref<10000x128xf32, #tpu.memory_space<vmem_shared>>
        tpu.enqueue_indirect_dma source(%arg11 : memref<40x128xf32, #tpu.memory_space<vmem>>) target(%dma_start3A_219 : memref<10000x128xf32, #tpu.memory_space<vmem_shared>>) offsets(%dma_start3A_216 : memref<40xi32, #tpu.memory_space<vmem>>) semaphore(%run_scoped3A : memref<!tpu.dma_semaphore, #tpu.memory_space<semaphore_mem>>) {add = true}
        %dma_wait3A_220 = arith.constant 0 : i32
        %dma_wait3A_221 = tpu.memref_slice %arg6[%scan3A_88, %dma_wait3A_220] : memref<2x10112xi32, #tpu.memory_space<vmem>> -> memref<1x10112xi32, #tpu.memory_space<vmem>>
        %dma_wait3A_222 = tpu.memref_squeeze %dma_wait3A_221 : memref<1x10112xi32, #tpu.memory_space<vmem>> -> memref<10112xi32, #tpu.memory_space<vmem>>
        %dma_wait3A_223 = tpu.memref_slice %dma_wait3A_222[%add3A_205] : memref<10112xi32, #tpu.memory_space<vmem>> -> memref<40xi32, #tpu.memory_space<vmem>>
        %dma_wait3A_224 = arith.constant 0 : i32
        %dma_wait3A_225 = arith.constant 0 : i32
        %dma_wait3A_226 = tpu.memref_slice %arg5[%dma_wait3A_224, %dma_wait3A_225] : memref<10000x128xf32, #tpu.memory_space<vmem_shared>> -> memref<10000x128xf32, #tpu.memory_space<vmem_shared>>
        tpu.wait_indirect_dma semaphore(%run_scoped3A : memref<!tpu.dma_semaphore, #tpu.memory_space<semaphore_mem>>) src(%arg11 : memref<40x128xf32, #tpu.memory_space<vmem>>) dst(%dma_wait3A_226 : memref<10000x128xf32, #tpu.memory_space<vmem_shared>>)
        tpu.yield
      }) : () -> ()
      %add3A_206 = arith.constant 5 : i32
      %add3A_207 = arith.addi %add3A_192, %add3A_206 : i32
      %lt3A_208 = arith.constant 250 : i32
      %lt3A_209 = arith.cmpi slt, %add3A_207, %lt3A_208 : i32
      %convert_element_type3A_210 = arith.extui %lt3A_209 : i1 to i32
      %cond3A_211 = arith.constant 0 : i32
      %cond3A_212 = arith.cmpi ne, %convert_element_type3A_210, %cond3A_211 : i32
      scf.if %cond3A_212 {
        %add3A_213 = arith.constant 5 : i32
        %add3A_214 = arith.addi %add3A_192, %add3A_213 : i32
        %mul3A_215 = arith.constant 40 : i32
        %mul3A_216 = arith.muli %add3A_214, %mul3A_215 : i32
        %add3A_217 = arith.addi %sub3A_21, %mul3A_216 : i32
        %dma_start3A_218 = arith.constant 0 : i32
        %dma_start3A_219 = tpu.memref_slice %arg6[%scan3A_87, %dma_start3A_218] : memref<2x10112xi32, #tpu.memory_space<vmem>> -> memref<1x10112xi32, #tpu.memory_space<vmem>>
        %dma_start3A_220 = tpu.memref_squeeze %dma_start3A_219 : memref<1x10112xi32, #tpu.memory_space<vmem>> -> memref<10112xi32, #tpu.memory_space<vmem>>
        %dma_start3A_221 = tpu.memref_slice %dma_start3A_220[%add3A_217] : memref<10112xi32, #tpu.memory_space<vmem>> -> memref<40xi32, #tpu.memory_space<vmem>>
        %dma_start3A_222 = arith.constant 0 : i32
        %dma_start3A_223 = arith.constant 0 : i32
        %dma_start3A_224 = tpu.memref_slice %arg2[%dma_start3A_222, %dma_start3A_223] : memref<10000x128xf32, #tpu.memory_space<hbm>> -> memref<10000x128xf32, #tpu.memory_space<hbm>>
        tpu.enqueue_indirect_dma source(%dma_start3A_224 : memref<10000x128xf32, #tpu.memory_space<hbm>>) target(%arg11 : memref<40x128xf32, #tpu.memory_space<vmem>>) offsets(%dma_start3A_221 : memref<40xi32, #tpu.memory_space<vmem>>) semaphore(%arg16 : memref<!tpu.dma_semaphore, #tpu.memory_space<semaphore_mem>>)
      } else {
      }
    }
    %scan3A_93 = arith.constant 50 : i32
    %barrier3A_94 = arith.constant 0 : index
    tpu.barrier barrier_id(%barrier3A_94)
    "tpu.region"() ({
      %run_scoped3A = tpu.sem_alloc : memref<!tpu.dma_semaphore, #tpu.memory_space<semaphore_mem>>
      %dma_start3A_100 = arith.constant 0 : i32
      %dma_start3A_101 = tpu.memref_slice %arg4[%arg0, %mul3A_28, %dma_start3A_100] : memref<2x10000x128xf32, #tpu.memory_space<hbm>> -> memref<1x624x128xf32, #tpu.memory_space<hbm>>
      %dma_start3A_102 = tpu.memref_squeeze %dma_start3A_101 : memref<1x624x128xf32, #tpu.memory_space<hbm>> -> memref<624x128xf32, #tpu.memory_space<hbm>>
      %dma_start3A_103 = arith.constant 0 : i32
      %dma_start3A_104 = tpu.memref_slice %arg5[%mul3A_28, %dma_start3A_103] : memref<10000x128xf32, #tpu.memory_space<vmem_shared>> -> memref<624x128xf32, #tpu.memory_space<vmem_shared>>
      tpu.enqueue_dma source(%dma_start3A_104 : memref<624x128xf32, #tpu.memory_space<vmem_shared>>) target(%dma_start3A_102 : memref<624x128xf32, #tpu.memory_space<hbm>>) target_semaphore(%run_scoped3A : memref<!tpu.dma_semaphore, #tpu.memory_space<semaphore_mem>>)
      %dma_wait3A = arith.constant 0 : i32
      %dma_wait3A_105 = tpu.memref_slice %arg4[%arg0, %mul3A_28, %dma_wait3A] : memref<2x10000x128xf32, #tpu.memory_space<hbm>> -> memref<1x624x128xf32, #tpu.memory_space<hbm>>
      %dma_wait3A_106 = tpu.memref_squeeze %dma_wait3A_105 : memref<1x624x128xf32, #tpu.memory_space<hbm>> -> memref<624x128xf32, #tpu.memory_space<hbm>>
      %dma_wait3A_107 = arith.constant 0 : i32
      %dma_wait3A_108 = tpu.memref_slice %arg5[%mul3A_28, %dma_wait3A_107] : memref<10000x128xf32, #tpu.memory_space<vmem_shared>> -> memref<624x128xf32, #tpu.memory_space<vmem_shared>>
      tpu.wait_dma2 semaphore(%run_scoped3A : memref<!tpu.dma_semaphore, #tpu.memory_space<semaphore_mem>>) src(%dma_wait3A_108 : memref<624x128xf32, #tpu.memory_space<vmem_shared>>) dst(%dma_wait3A_106 : memref<624x128xf32, #tpu.memory_space<hbm>>)
      tpu.yield
    }) : () -> ()
    %eq3A_95 = arith.constant 15 : i32
    %eq3A_96 = arith.cmpi eq, %arg1, %eq3A_95 : i32
    %convert_element_type3A_97 = arith.extui %eq3A_96 : i1 to i32
    %cond3A_98 = arith.constant 0 : i32
    %cond3A_99 = arith.cmpi ne, %convert_element_type3A_97, %cond3A_98 : i32
    scf.if %cond3A_99 {
      "tpu.region"() ({
        %run_scoped3A = tpu.sem_alloc : memref<!tpu.dma_semaphore, #tpu.memory_space<semaphore_mem>>
        %dma_start3A_100 = arith.constant 9984 : i32
        %dma_start3A_101 = arith.constant 0 : i32
        %dma_start3A_102 = tpu.memref_slice %arg4[%arg0, %dma_start3A_100, %dma_start3A_101] : memref<2x10000x128xf32, #tpu.memory_space<hbm>> -> memref<1x16x128xf32, #tpu.memory_space<hbm>>
        %dma_start3A_103 = tpu.memref_squeeze %dma_start3A_102 : memref<1x16x128xf32, #tpu.memory_space<hbm>> -> memref<16x128xf32, #tpu.memory_space<hbm>>
        %dma_start3A_104 = arith.constant 9984 : i32
        %dma_start3A_105 = arith.constant 0 : i32
        %dma_start3A_106 = tpu.memref_slice %arg5[%dma_start3A_104, %dma_start3A_105] : memref<10000x128xf32, #tpu.memory_space<vmem_shared>> -> memref<16x128xf32, #tpu.memory_space<vmem_shared>>
        tpu.enqueue_dma source(%dma_start3A_106 : memref<16x128xf32, #tpu.memory_space<vmem_shared>>) target(%dma_start3A_103 : memref<16x128xf32, #tpu.memory_space<hbm>>) target_semaphore(%run_scoped3A : memref<!tpu.dma_semaphore, #tpu.memory_space<semaphore_mem>>)
        %dma_wait3A = arith.constant 9984 : i32
        %dma_wait3A_107 = arith.constant 0 : i32
        %dma_wait3A_108 = tpu.memref_slice %arg4[%arg0, %dma_wait3A, %dma_wait3A_107] : memref<2x10000x128xf32, #tpu.memory_space<hbm>> -> memref<1x16x128xf32, #tpu.memory_space<hbm>>
        %dma_wait3A_109 = tpu.memref_squeeze %dma_wait3A_108 : memref<1x16x128xf32, #tpu.memory_space<hbm>> -> memref<16x128xf32, #tpu.memory_space<hbm>>
        %dma_wait3A_110 = arith.constant 9984 : i32
        %dma_wait3A_111 = arith.constant 0 : i32
        %dma_wait3A_112 = tpu.memref_slice %arg5[%dma_wait3A_110, %dma_wait3A_111] : memref<10000x128xf32, #tpu.memory_space<vmem_shared>> -> memref<16x128xf32, #tpu.memory_space<vmem_shared>>
        tpu.wait_dma2 semaphore(%run_scoped3A : memref<!tpu.dma_semaphore, #tpu.memory_space<semaphore_mem>>) src(%dma_wait3A_112 : memref<16x128xf32, #tpu.memory_space<vmem_shared>>) dst(%dma_wait3A_109 : memref<16x128xf32, #tpu.memory_space<hbm>>)
        tpu.yield
      }) : () -> ()
    } else {
    }
    return
  }
}

#map = affine_map<(d0, d1) -> (0, 0)>
#map1 = affine_map<(d0, d1) -> (0, 0, 0)>
module attributes {stable_mosaic.version = 14 : i64} {
  func.func @_gs_body(%arg0: i32, %arg1: i32, %arg2: memref<10000x128xf32, #tpu.memory_space<hbm>>, %arg3: memref<2x320000xi32, #tpu.memory_space<hbm>>, %arg4: memref<2x10000x128xf32, #tpu.memory_space<hbm>>, %arg5: memref<10000x128xf32, #tpu.memory_space<vmem_shared>>, %arg6: memref<2x10112xi32, #tpu.memory_space<vmem>>, %arg7: memref<40x128xf32, #tpu.memory_space<vmem>>, %arg8: memref<40x128xf32, #tpu.memory_space<vmem>>, %arg9: memref<40x128xf32, #tpu.memory_space<vmem>>, %arg10: memref<40x128xf32, #tpu.memory_space<vmem>>, %arg11: memref<40x128xf32, #tpu.memory_space<vmem>>, %arg12: memref<!tpu.dma_semaphore, #tpu.memory_space<semaphore_mem>>, %arg13: memref<!tpu.dma_semaphore, #tpu.memory_space<semaphore_mem>>, %arg14: memref<!tpu.dma_semaphore, #tpu.memory_space<semaphore_mem>>, %arg15: memref<!tpu.dma_semaphore, #tpu.memory_space<semaphore_mem>>, %arg16: memref<!tpu.dma_semaphore, #tpu.memory_space<semaphore_mem>>) attributes {dimension_semantics = [#tpu.dimension_semantics<core_parallel>, #tpu.dimension_semantics<subcore_parallel>], iteration_bounds = array<i64: 2, 16>, scalar_prefetch = 0 : i64, scratch_operands = 12 : i64, tpu.core_type = #tpu.core_type<sc_vector_subcore>, window_params = [{transform_indices = #map}, {transform_indices = #map}, {transform_indices = #map1}]} {
    %mul3A = arith.constant 16 : i32
    %mul3A_0 = arith.muli %arg0, %mul3A : i32
    %add3A = arith.addi %mul3A_0, %arg1 : i32
    %mul3A_1 = arith.constant 10000 : i32
    %mul3A_2 = arith.muli %add3A, %mul3A_1 : i32
    %jit3A = arith.constant 128 : i32
    %div3A = arith.divsi %mul3A_2, %jit3A : i32
    %sign3A = arith.constant 0 : i32
    %sign3A_3 = arith.cmpi sgt, %mul3A_2, %sign3A : i32
    %sign3A_4 = arith.extui %sign3A_3 : i1 to i32
    %sign3A_5 = arith.constant 0 : i32
    %sign3A_6 = arith.cmpi slt, %mul3A_2, %sign3A_5 : i32
    %sign3A_7 = arith.extui %sign3A_6 : i1 to i32
    %sign3A_8 = arith.subi %sign3A_4, %sign3A_7 : i32
    %sign3A_9 = arith.constant 0 : i32
    %sign3A_10 = arith.cmpi sgt, %jit3A, %sign3A_9 : i32
    %sign3A_11 = arith.extui %sign3A_10 : i1 to i32
    %sign3A_12 = arith.constant 0 : i32
    %sign3A_13 = arith.cmpi slt, %jit3A, %sign3A_12 : i32
    %sign3A_14 = arith.extui %sign3A_13 : i1 to i32
    %sign3A_15 = arith.subi %sign3A_11, %sign3A_14 : i32
    %ne3A = arith.cmpi ne, %sign3A_8, %sign3A_15 : i32
    %rem3A = arith.remsi %mul3A_2, %jit3A : i32
    %ne3A_16 = arith.constant 0 : i32
    %ne3A_17 = arith.cmpi ne, %rem3A, %ne3A_16 : i32
    %and3A = arith.andi %ne3A, %ne3A_17 : i1
    %sub3A = arith.constant 1 : i32
    %sub3A_18 = arith.subi %div3A, %sub3A : i32
    %select_n3A = arith.select %and3A, %sub3A_18, %div3A : i32
    %mul3A_19 = arith.constant 128 : i32
    %mul3A_20 = arith.muli %select_n3A, %mul3A_19 : i32
    %sub3A_21 = arith.subi %mul3A_2, %mul3A_20 : i32
    "tpu.region"() ({
      %run_scoped3A = tpu.sem_alloc : memref<!tpu.dma_semaphore, #tpu.memory_space<semaphore_mem>>
      %dma_start3A_100 = arith.constant 0 : i32
      %dma_start3A_101 = tpu.memref_slice %arg3[%dma_start3A_100, %mul3A_20] : memref<2x320000xi32, #tpu.memory_space<hbm>> -> memref<2x10112xi32, #tpu.memory_space<hbm>>
      %dma_start3A_102 = arith.constant 0 : i32
      %dma_start3A_103 = tpu.memref_slice %arg3[%dma_start3A_102, %mul3A_20] : memref<2x320000xi32, #tpu.memory_space<hbm>> -> memref<2x10112xi32, #tpu.memory_space<hbm>>
      tpu.enqueue_dma source(%dma_start3A_103 : memref<2x10112xi32, #tpu.memory_space<hbm>>) target(%arg6 : memref<2x10112xi32, #tpu.memory_space<vmem>>) target_semaphore(%run_scoped3A : memref<!tpu.dma_semaphore, #tpu.memory_space<semaphore_mem>>)
      %dma_wait3A = arith.constant 0 : i32
      %dma_wait3A_104 = tpu.memref_slice %arg3[%dma_wait3A, %mul3A_20] : memref<2x320000xi32, #tpu.memory_space<hbm>> -> memref<2x10112xi32, #tpu.memory_space<hbm>>
      %dma_wait3A_105 = arith.constant 0 : i32
      %dma_wait3A_106 = tpu.memref_slice %arg3[%dma_wait3A_105, %mul3A_20] : memref<2x320000xi32, #tpu.memory_space<hbm>> -> memref<2x10112xi32, #tpu.memory_space<hbm>>
      tpu.wait_dma2 semaphore(%run_scoped3A : memref<!tpu.dma_semaphore, #tpu.memory_space<semaphore_mem>>) src(%dma_wait3A_106 : memref<2x10112xi32, #tpu.memory_space<hbm>>) dst(%arg6 : memref<2x10112xi32, #tpu.memory_space<vmem>>)
      tpu.yield
    }) : () -> ()
    %broadcast_in_dim3A = arith.constant 0.000000e+00 : f32
    %broadcast_in_dim3A_22 = vector.broadcast %broadcast_in_dim3A : f32 to vector<16xf32>
    %scan3A = arith.constant 0 : i32
    %scan3A_23 = arith.constant 40 : i32
    %scan3A_24 = arith.addi %scan3A, %scan3A_23 : i32
    %scan3A_25 = arith.constant 1 : i32
    scf.for %scan3A_100 = %scan3A to %scan3A_24 step %scan3A_25  : i32 {
      %mul3A_101 = arith.constant 1 : i32
      %mul3A_102 = arith.muli %scan3A_100, %mul3A_101 : i32
      %add3A_103 = arith.constant 0 : i32
      %add3A_104 = arith.addi %add3A_103, %mul3A_102 : i32
      %swap3A = arith.index_cast %add3A_104 : i32 to index
      %swap3A_105 = arith.constant 0 : index
      %swap3A_106 = tpu.vector_load %arg7[%swap3A, %swap3A_105] {strides = array<i32>} : memref<40x128xf32, #tpu.memory_space<vmem>>, vector<1x16xf32>,
      %swap3A_107 = vector.shape_cast %swap3A_106 : vector<1x16xf32> to vector<16xf32>
      %swap3A_108 = vector.shape_cast %broadcast_in_dim3A_22 : vector<16xf32> to vector<1x16xf32>
      tpu.vector_store %arg7[%swap3A, %swap3A_105], %swap3A_108 {strides = array<i32>} : memref<40x128xf32, #tpu.memory_space<vmem>>, vector<1x16xf32>,
      %swap3A_109 = arith.index_cast %add3A_104 : i32 to index
      %swap3A_110 = arith.constant 16 : index
      %swap3A_111 = tpu.vector_load %arg7[%swap3A_109, %swap3A_110] {strides = array<i32>} : memref<40x128xf32, #tpu.memory_space<vmem>>, vector<1x16xf32>,
      %swap3A_112 = vector.shape_cast %swap3A_111 : vector<1x16xf32> to vector<16xf32>
      %swap3A_113 = vector.shape_cast %broadcast_in_dim3A_22 : vector<16xf32> to vector<1x16xf32>
      tpu.vector_store %arg7[%swap3A_109, %swap3A_110], %swap3A_113 {strides = array<i32>} : memref<40x128xf32, #tpu.memory_space<vmem>>, vector<1x16xf32>,
      %swap3A_114 = arith.index_cast %add3A_104 : i32 to index
      %swap3A_115 = arith.constant 32 : index
      %swap3A_116 = tpu.vector_load %arg7[%swap3A_114, %swap3A_115] {strides = array<i32>} : memref<40x128xf32, #tpu.memory_space<vmem>>, vector<1x16xf32>,
      %swap3A_117 = vector.shape_cast %swap3A_116 : vector<1x16xf32> to vector<16xf32>
      %swap3A_118 = vector.shape_cast %broadcast_in_dim3A_22 : vector<16xf32> to vector<1x16xf32>
      tpu.vector_store %arg7[%swap3A_114, %swap3A_115], %swap3A_118 {strides = array<i32>} : memref<40x128xf32, #tpu.memory_space<vmem>>, vector<1x16xf32>,
      %swap3A_119 = arith.index_cast %add3A_104 : i32 to index
      %swap3A_120 = arith.constant 48 : index
      %swap3A_121 = tpu.vector_load %arg7[%swap3A_119, %swap3A_120] {strides = array<i32>} : memref<40x128xf32, #tpu.memory_space<vmem>>, vector<1x16xf32>,
      %swap3A_122 = vector.shape_cast %swap3A_121 : vector<1x16xf32> to vector<16xf32>
      %swap3A_123 = vector.shape_cast %broadcast_in_dim3A_22 : vector<16xf32> to vector<1x16xf32>
      tpu.vector_store %arg7[%swap3A_119, %swap3A_120], %swap3A_123 {strides = array<i32>} : memref<40x128xf32, #tpu.memory_space<vmem>>, vector<1x16xf32>,
      %swap3A_124 = arith.index_cast %add3A_104 : i32 to index
      %swap3A_125 = arith.constant 64 : index
      %swap3A_126 = tpu.vector_load %arg7[%swap3A_124, %swap3A_125] {strides = array<i32>} : memref<40x128xf32, #tpu.memory_space<vmem>>, vector<1x16xf32>,
      %swap3A_127 = vector.shape_cast %swap3A_126 : vector<1x16xf32> to vector<16xf32>
      %swap3A_128 = vector.shape_cast %broadcast_in_dim3A_22 : vector<16xf32> to vector<1x16xf32>
      tpu.vector_store %arg7[%swap3A_124, %swap3A_125], %swap3A_128 {strides = array<i32>} : memref<40x128xf32, #tpu.memory_space<vmem>>, vector<1x16xf32>,
      %swap3A_129 = arith.index_cast %add3A_104 : i32 to index
      %swap3A_130 = arith.constant 80 : index
      %swap3A_131 = tpu.vector_load %arg7[%swap3A_129, %swap3A_130] {strides = array<i32>} : memref<40x128xf32, #tpu.memory_space<vmem>>, vector<1x16xf32>,
      %swap3A_132 = vector.shape_cast %swap3A_131 : vector<1x16xf32> to vector<16xf32>
      %swap3A_133 = vector.shape_cast %broadcast_in_dim3A_22 : vector<16xf32> to vector<1x16xf32>
      tpu.vector_store %arg7[%swap3A_129, %swap3A_130], %swap3A_133 {strides = array<i32>} : memref<40x128xf32, #tpu.memory_space<vmem>>, vector<1x16xf32>,
      %swap3A_134 = arith.index_cast %add3A_104 : i32 to index
      %swap3A_135 = arith.constant 96 : index
      %swap3A_136 = tpu.vector_load %arg7[%swap3A_134, %swap3A_135] {strides = array<i32>} : memref<40x128xf32, #tpu.memory_space<vmem>>, vector<1x16xf32>,
      %swap3A_137 = vector.shape_cast %swap3A_136 : vector<1x16xf32> to vector<16xf32>
      %swap3A_138 = vector.shape_cast %broadcast_in_dim3A_22 : vector<16xf32> to vector<1x16xf32>
      tpu.vector_store %arg7[%swap3A_134, %swap3A_135], %swap3A_138 {strides = array<i32>} : memref<40x128xf32, #tpu.memory_space<vmem>>, vector<1x16xf32>,
      %swap3A_139 = arith.index_cast %add3A_104 : i32 to index
      %swap3A_140 = arith.constant 112 : index
      %swap3A_141 = tpu.vector_load %arg7[%swap3A_139, %swap3A_140] {strides = array<i32>} : memref<40x128xf32, #tpu.memory_space<vmem>>, vector<1x16xf32>,
      %swap3A_142 = vector.shape_cast %swap3A_141 : vector<1x16xf32> to vector<16xf32>
      %swap3A_143 = vector.shape_cast %broadcast_in_dim3A_22 : vector<16xf32> to vector<1x16xf32>
      tpu.vector_store %arg7[%swap3A_139, %swap3A_140], %swap3A_143 {strides = array<i32>} : memref<40x128xf32, #tpu.memory_space<vmem>>, vector<1x16xf32>,
    }
    %scan3A_26 = arith.constant 40 : i32
    %mul3A_27 = arith.constant 624 : i32
    %mul3A_28 = arith.muli %arg1, %mul3A_27 : i32
    %scan3A_29 = arith.constant 0 : i32
    %scan3A_30 = arith.constant 15 : i32
    %scan3A_31 = arith.addi %scan3A_29, %scan3A_30 : i32
    %scan3A_32 = arith.constant 1 : i32
    scf.for %scan3A_100 = %scan3A_29 to %scan3A_31 step %scan3A_32  : i32 {
      %mul3A_101 = arith.constant 1 : i32
      %mul3A_102 = arith.muli %scan3A_100, %mul3A_101 : i32
      %add3A_103 = arith.constant 0 : i32
      %add3A_104 = arith.addi %add3A_103, %mul3A_102 : i32
      %mul3A_105 = arith.constant 40 : i32
      %mul3A_106 = arith.muli %add3A_104, %mul3A_105 : i32
      %add3A_107 = arith.addi %mul3A_28, %mul3A_106 : i32
      "tpu.region"() ({
        %run_scoped3A = tpu.sem_alloc : memref<!tpu.dma_semaphore, #tpu.memory_space<semaphore_mem>>
        %dma_start3A_108 = arith.constant 0 : i32
        %dma_start3A_109 = tpu.memref_slice %arg5[%add3A_107, %dma_start3A_108] : memref<10000x128xf32, #tpu.memory_space<vmem_shared>> -> memref<40x128xf32, #tpu.memory_space<vmem_shared>>
        %dma_start3A_110 = arith.constant 0 : i32
        %dma_start3A_111 = tpu.memref_slice %arg5[%add3A_107, %dma_start3A_110] : memref<10000x128xf32, #tpu.memory_space<vmem_shared>> -> memref<40x128xf32, #tpu.memory_space<vmem_shared>>
        tpu.enqueue_dma source(%arg7 : memref<40x128xf32, #tpu.memory_space<vmem>>) target(%dma_start3A_111 : memref<40x128xf32, #tpu.memory_space<vmem_shared>>) target_semaphore(%run_scoped3A : memref<!tpu.dma_semaphore, #tpu.memory_space<semaphore_mem>>)
        %dma_wait3A = arith.constant 0 : i32
        %dma_wait3A_112 = tpu.memref_slice %arg5[%add3A_107, %dma_wait3A] : memref<10000x128xf32, #tpu.memory_space<vmem_shared>> -> memref<40x128xf32, #tpu.memory_space<vmem_shared>>
        %dma_wait3A_113 = arith.constant 0 : i32
        %dma_wait3A_114 = tpu.memref_slice %arg5[%add3A_107, %dma_wait3A_113] : memref<10000x128xf32, #tpu.memory_space<vmem_shared>> -> memref<40x128xf32, #tpu.memory_space<vmem_shared>>
        tpu.wait_dma2 semaphore(%run_scoped3A : memref<!tpu.dma_semaphore, #tpu.memory_space<semaphore_mem>>) src(%arg7 : memref<40x128xf32, #tpu.memory_space<vmem>>) dst(%dma_wait3A_114 : memref<40x128xf32, #tpu.memory_space<vmem_shared>>)
        tpu.yield
      }) : () -> ()
    }
    %scan3A_33 = arith.constant 15 : i32
    %add3A_34 = arith.constant 600 : i32
    %add3A_35 = arith.addi %mul3A_28, %add3A_34 : i32
    "tpu.region"() ({
      %run_scoped3A = tpu.sem_alloc : memref<!tpu.dma_semaphore, #tpu.memory_space<semaphore_mem>>
      %dma_start3A_100 = arith.constant 0 : i32
      %dma_start3A_101 = arith.constant 0 : i32
      %dma_start3A_102 = tpu.memref_slice %arg7[%dma_start3A_100, %dma_start3A_101] : memref<40x128xf32, #tpu.memory_space<vmem>> -> memref<24x128xf32, #tpu.memory_space<vmem>>
      %dma_start3A_103 = arith.constant 0 : i32
      %dma_start3A_104 = tpu.memref_slice %arg5[%add3A_35, %dma_start3A_103] : memref<10000x128xf32, #tpu.memory_space<vmem_shared>> -> memref<24x128xf32, #tpu.memory_space<vmem_shared>>
      %dma_start3A_105 = arith.constant 0 : i32
      %dma_start3A_106 = tpu.memref_slice %arg5[%add3A_35, %dma_start3A_105] : memref<10000x128xf32, #tpu.memory_space<vmem_shared>> -> memref<24x128xf32, #tpu.memory_space<vmem_shared>>
      %dma_start3A_107 = arith.constant 0 : i32
      %dma_start3A_108 = arith.constant 0 : i32
      %dma_start3A_109 = tpu.memref_slice %arg7[%dma_start3A_107, %dma_start3A_108] : memref<40x128xf32, #tpu.memory_space<vmem>> -> memref<24x128xf32, #tpu.memory_space<vmem>>
      tpu.enqueue_dma source(%dma_start3A_109 : memref<24x128xf32, #tpu.memory_space<vmem>>) target(%dma_start3A_106 : memref<24x128xf32, #tpu.memory_space<vmem_shared>>) target_semaphore(%run_scoped3A : memref<!tpu.dma_semaphore, #tpu.memory_space<semaphore_mem>>)
      %dma_wait3A = arith.constant 0 : i32
      %dma_wait3A_110 = arith.constant 0 : i32
      %dma_wait3A_111 = tpu.memref_slice %arg7[%dma_wait3A, %dma_wait3A_110] : memref<40x128xf32, #tpu.memory_space<vmem>> -> memref<24x128xf32, #tpu.memory_space<vmem>>
      %dma_wait3A_112 = arith.constant 0 : i32
      %dma_wait3A_113 = tpu.memref_slice %arg5[%add3A_35, %dma_wait3A_112] : memref<10000x128xf32, #tpu.memory_space<vmem_shared>> -> memref<24x128xf32, #tpu.memory_space<vmem_shared>>
      %dma_wait3A_114 = arith.constant 0 : i32
      %dma_wait3A_115 = tpu.memref_slice %arg5[%add3A_35, %dma_wait3A_114] : memref<10000x128xf32, #tpu.memory_space<vmem_shared>> -> memref<24x128xf32, #tpu.memory_space<vmem_shared>>
      %dma_wait3A_116 = arith.constant 0 : i32
      %dma_wait3A_117 = arith.constant 0 : i32
      %dma_wait3A_118 = tpu.memref_slice %arg7[%dma_wait3A_116, %dma_wait3A_117] : memref<40x128xf32, #tpu.memory_space<vmem>> -> memref<24x128xf32, #tpu.memory_space<vmem>>
      tpu.wait_dma2 semaphore(%run_scoped3A : memref<!tpu.dma_semaphore, #tpu.memory_space<semaphore_mem>>) src(%dma_wait3A_118 : memref<24x128xf32, #tpu.memory_space<vmem>>) dst(%dma_wait3A_115 : memref<24x128xf32, #tpu.memory_space<vmem_shared>>)
      tpu.yield
    }) : () -> ()
    %eq3A = arith.constant 15 : i32
    %eq3A_36 = arith.cmpi eq, %arg1, %eq3A : i32
    %convert_element_type3A = arith.extui %eq3A_36 : i1 to i32
    %cond3A = arith.constant 0 : i32
    %cond3A_37 = arith.cmpi ne, %convert_element_type3A, %cond3A : i32
    scf.if %cond3A_37 {
      "tpu.region"() ({
        %run_scoped3A = tpu.sem_alloc : memref<!tpu.dma_semaphore, #tpu.memory_space<semaphore_mem>>
        %dma_start3A_100 = arith.constant 0 : i32
        %dma_start3A_101 = arith.constant 0 : i32
        %dma_start3A_102 = tpu.memref_slice %arg7[%dma_start3A_100, %dma_start3A_101] : memref<40x128xf32, #tpu.memory_space<vmem>> -> memref<16x128xf32, #tpu.memory_space<vmem>>
        %dma_start3A_103 = arith.constant 9984 : i32
        %dma_start3A_104 = arith.constant 0 : i32
        %dma_start3A_105 = tpu.memref_slice %arg5[%dma_start3A_103, %dma_start3A_104] : memref<10000x128xf32, #tpu.memory_space<vmem_shared>> -> memref<16x128xf32, #tpu.memory_space<vmem_shared>>
        %dma_start3A_106 = arith.constant 9984 : i32
        %dma_start3A_107 = arith.constant 0 : i32
        %dma_start3A_108 = tpu.memref_slice %arg5[%dma_start3A_106, %dma_start3A_107] : memref<10000x128xf32, #tpu.memory_space<vmem_shared>> -> memref<16x128xf32, #tpu.memory_space<vmem_shared>>
        %dma_start3A_109 = arith.constant 0 : i32
        %dma_start3A_110 = arith.constant 0 : i32
        %dma_start3A_111 = tpu.memref_slice %arg7[%dma_start3A_109, %dma_start3A_110] : memref<40x128xf32, #tpu.memory_space<vmem>> -> memref<16x128xf32, #tpu.memory_space<vmem>>
        tpu.enqueue_dma source(%dma_start3A_111 : memref<16x128xf32, #tpu.memory_space<vmem>>) target(%dma_start3A_108 : memref<16x128xf32, #tpu.memory_space<vmem_shared>>) target_semaphore(%run_scoped3A : memref<!tpu.dma_semaphore, #tpu.memory_space<semaphore_mem>>)
        %dma_wait3A = arith.constant 0 : i32
        %dma_wait3A_112 = arith.constant 0 : i32
        %dma_wait3A_113 = tpu.memref_slice %arg7[%dma_wait3A, %dma_wait3A_112] : memref<40x128xf32, #tpu.memory_space<vmem>> -> memref<16x128xf32, #tpu.memory_space<vmem>>
        %dma_wait3A_114 = arith.constant 9984 : i32
        %dma_wait3A_115 = arith.constant 0 : i32
        %dma_wait3A_116 = tpu.memref_slice %arg5[%dma_wait3A_114, %dma_wait3A_115] : memref<10000x128xf32, #tpu.memory_space<vmem_shared>> -> memref<16x128xf32, #tpu.memory_space<vmem_shared>>
        %dma_wait3A_117 = arith.constant 9984 : i32
        %dma_wait3A_118 = arith.constant 0 : i32
        %dma_wait3A_119 = tpu.memref_slice %arg5[%dma_wait3A_117, %dma_wait3A_118] : memref<10000x128xf32, #tpu.memory_space<vmem_shared>> -> memref<16x128xf32, #tpu.memory_space<vmem_shared>>
        %dma_wait3A_120 = arith.constant 0 : i32
        %dma_wait3A_121 = arith.constant 0 : i32
        %dma_wait3A_122 = tpu.memref_slice %arg7[%dma_wait3A_120, %dma_wait3A_121] : memref<40x128xf32, #tpu.memory_space<vmem>> -> memref<16x128xf32, #tpu.memory_space<vmem>>
        tpu.wait_dma2 semaphore(%run_scoped3A : memref<!tpu.dma_semaphore, #tpu.memory_space<semaphore_mem>>) src(%dma_wait3A_122 : memref<16x128xf32, #tpu.memory_space<vmem>>) dst(%dma_wait3A_119 : memref<16x128xf32, #tpu.memory_space<vmem_shared>>)
        tpu.yield
      }) : () -> ()
    } else {
    }
    %add3A_38 = arith.constant 0 : i32
    %add3A_39 = arith.addi %sub3A_21, %add3A_38 : i32
    %dma_start3A = arith.constant 0 : i32
    %dma_start3A_40 = arith.constant 0 : i32
    %dma_start3A_41 = tpu.memref_slice %arg6[%dma_start3A, %dma_start3A_40] : memref<2x10112xi32, #tpu.memory_space<vmem>> -> memref<1x10112xi32, #tpu.memory_space<vmem>>
    %dma_start3A_42 = tpu.memref_squeeze %dma_start3A_41 : memref<1x10112xi32, #tpu.memory_space<vmem>> -> memref<10112xi32, #tpu.memory_space<vmem>>
    %dma_start3A_43 = tpu.memref_slice %dma_start3A_42[%add3A_39] : memref<10112xi32, #tpu.memory_space<vmem>> -> memref<40xi32, #tpu.memory_space<vmem>>
    %dma_start3A_44 = arith.constant 0 : i32
    %dma_start3A_45 = arith.constant 0 : i32
    %dma_start3A_46 = tpu.memref_slice %arg2[%dma_start3A_44, %dma_start3A_45] : memref<10000x128xf32, #tpu.memory_space<hbm>> -> memref<10000x128xf32, #tpu.memory_space<hbm>>
    tpu.enqueue_indirect_dma source(%dma_start3A_46 : memref<10000x128xf32, #tpu.memory_space<hbm>>) target(%arg7 : memref<40x128xf32, #tpu.memory_space<vmem>>) offsets(%dma_start3A_43 : memref<40xi32, #tpu.memory_space<vmem>>) semaphore(%arg12 : memref<!tpu.dma_semaphore, #tpu.memory_space<semaphore_mem>>)
    %add3A_47 = arith.constant 40 : i32
    %add3A_48 = arith.addi %sub3A_21, %add3A_47 : i32
    %dma_start3A_49 = arith.constant 0 : i32
    %dma_start3A_50 = arith.constant 0 : i32
    %dma_start3A_51 = tpu.memref_slice %arg6[%dma_start3A_49, %dma_start3A_50] : memref<2x10112xi32, #tpu.memory_space<vmem>> -> memref<1x10112xi32, #tpu.memory_space<vmem>>
    %dma_start3A_52 = tpu.memref_squeeze %dma_start3A_51 : memref<1x10112xi32, #tpu.memory_space<vmem>> -> memref<10112xi32, #tpu.memory_space<vmem>>
    %dma_start3A_53 = tpu.memref_slice %dma_start3A_52[%add3A_48] : memref<10112xi32, #tpu.memory_space<vmem>> -> memref<40xi32, #tpu.memory_space<vmem>>
    %dma_start3A_54 = arith.constant 0 : i32
    %dma_start3A_55 = arith.constant 0 : i32
    %dma_start3A_56 = tpu.memref_slice %arg2[%dma_start3A_54, %dma_start3A_55] : memref<10000x128xf32, #tpu.memory_space<hbm>> -> memref<10000x128xf32, #tpu.memory_space<hbm>>
    tpu.enqueue_indirect_dma source(%dma_start3A_56 : memref<10000x128xf32, #tpu.memory_space<hbm>>) target(%arg8 : memref<40x128xf32, #tpu.memory_space<vmem>>) offsets(%dma_start3A_53 : memref<40xi32, #tpu.memory_space<vmem>>) semaphore(%arg13 : memref<!tpu.dma_semaphore, #tpu.memory_space<semaphore_mem>>)
    %add3A_57 = arith.constant 80 : i32
    %add3A_58 = arith.addi %sub3A_21, %add3A_57 : i32
    %dma_start3A_59 = arith.constant 0 : i32
    %dma_start3A_60 = arith.constant 0 : i32
    %dma_start3A_61 = tpu.memref_slice %arg6[%dma_start3A_59, %dma_start3A_60] : memref<2x10112xi32, #tpu.memory_space<vmem>> -> memref<1x10112xi32, #tpu.memory_space<vmem>>
    %dma_start3A_62 = tpu.memref_squeeze %dma_start3A_61 : memref<1x10112xi32, #tpu.memory_space<vmem>> -> memref<10112xi32, #tpu.memory_space<vmem>>
    %dma_start3A_63 = tpu.memref_slice %dma_start3A_62[%add3A_58] : memref<10112xi32, #tpu.memory_space<vmem>> -> memref<40xi32, #tpu.memory_space<vmem>>
    %dma_start3A_64 = arith.constant 0 : i32
    %dma_start3A_65 = arith.constant 0 : i32
    %dma_start3A_66 = tpu.memref_slice %arg2[%dma_start3A_64, %dma_start3A_65] : memref<10000x128xf32, #tpu.memory_space<hbm>> -> memref<10000x128xf32, #tpu.memory_space<hbm>>
    tpu.enqueue_indirect_dma source(%dma_start3A_66 : memref<10000x128xf32, #tpu.memory_space<hbm>>) target(%arg9 : memref<40x128xf32, #tpu.memory_space<vmem>>) offsets(%dma_start3A_63 : memref<40xi32, #tpu.memory_space<vmem>>) semaphore(%arg14 : memref<!tpu.dma_semaphore, #tpu.memory_space<semaphore_mem>>)
    %add3A_67 = arith.constant 120 : i32
    %add3A_68 = arith.addi %sub3A_21, %add3A_67 : i32
    %dma_start3A_69 = arith.constant 0 : i32
    %dma_start3A_70 = arith.constant 0 : i32
    %dma_start3A_71 = tpu.memref_slice %arg6[%dma_start3A_69, %dma_start3A_70] : memref<2x10112xi32, #tpu.memory_space<vmem>> -> memref<1x10112xi32, #tpu.memory_space<vmem>>
    %dma_start3A_72 = tpu.memref_squeeze %dma_start3A_71 : memref<1x10112xi32, #tpu.memory_space<vmem>> -> memref<10112xi32, #tpu.memory_space<vmem>>
    %dma_start3A_73 = tpu.memref_slice %dma_start3A_72[%add3A_68] : memref<10112xi32, #tpu.memory_space<vmem>> -> memref<40xi32, #tpu.memory_space<vmem>>
    %dma_start3A_74 = arith.constant 0 : i32
    %dma_start3A_75 = arith.constant 0 : i32
    %dma_start3A_76 = tpu.memref_slice %arg2[%dma_start3A_74, %dma_start3A_75] : memref<10000x128xf32, #tpu.memory_space<hbm>> -> memref<10000x128xf32, #tpu.memory_space<hbm>>
    tpu.enqueue_indirect_dma source(%dma_start3A_76 : memref<10000x128xf32, #tpu.memory_space<hbm>>) target(%arg10 : memref<40x128xf32, #tpu.memory_space<vmem>>) offsets(%dma_start3A_73 : memref<40xi32, #tpu.memory_space<vmem>>) semaphore(%arg15 : memref<!tpu.dma_semaphore, #tpu.memory_space<semaphore_mem>>)
    %add3A_77 = arith.constant 160 : i32
    %add3A_78 = arith.addi %sub3A_21, %add3A_77 : i32
    %dma_start3A_79 = arith.constant 0 : i32
    %dma_start3A_80 = arith.constant 0 : i32
    %dma_start3A_81 = tpu.memref_slice %arg6[%dma_start3A_79, %dma_start3A_80] : memref<2x10112xi32, #tpu.memory_space<vmem>> -> memref<1x10112xi32, #tpu.memory_space<vmem>>
    %dma_start3A_82 = tpu.memref_squeeze %dma_start3A_81 : memref<1x10112xi32, #tpu.memory_space<vmem>> -> memref<10112xi32, #tpu.memory_space<vmem>>
    %dma_start3A_83 = tpu.memref_slice %dma_start3A_82[%add3A_78] : memref<10112xi32, #tpu.memory_space<vmem>> -> memref<40xi32, #tpu.memory_space<vmem>>
    %dma_start3A_84 = arith.constant 0 : i32
    %dma_start3A_85 = arith.constant 0 : i32
    %dma_start3A_86 = tpu.memref_slice %arg2[%dma_start3A_84, %dma_start3A_85] : memref<10000x128xf32, #tpu.memory_space<hbm>> -> memref<10000x128xf32, #tpu.memory_space<hbm>>
    tpu.enqueue_indirect_dma source(%dma_start3A_86 : memref<10000x128xf32, #tpu.memory_space<hbm>>) target(%arg11 : memref<40x128xf32, #tpu.memory_space<vmem>>) offsets(%dma_start3A_83 : memref<40xi32, #tpu.memory_space<vmem>>) semaphore(%arg16 : memref<!tpu.dma_semaphore, #tpu.memory_space<semaphore_mem>>)
    %barrier3A = arith.constant 0 : index
    tpu.barrier barrier_id(%barrier3A)
    %scan3A_87 = arith.constant 0 : i32
    %scan3A_88 = arith.constant 1 : i32
    %scan3A_89 = arith.constant 0 : i32
    %scan3A_90 = arith.constant 50 : i32
    %scan3A_91 = arith.addi %scan3A_89, %scan3A_90 : i32
    %scan3A_92 = arith.constant 1 : i32
    scf.for %scan3A_100 = %scan3A_89 to %scan3A_91 step %scan3A_92  : i32 {
      %mul3A_101 = arith.constant 5 : i32
      %mul3A_102 = arith.muli %scan3A_100, %mul3A_101 : i32
      %add3A_103 = arith.constant 0 : i32
      %add3A_104 = arith.addi %add3A_103, %mul3A_102 : i32
      %add3A_105 = arith.constant 0 : i32
      %add3A_106 = arith.addi %add3A_104, %add3A_105 : i32
      %mul3A_107 = arith.constant 40 : i32
      %mul3A_108 = arith.muli %add3A_106, %mul3A_107 : i32
      %add3A_109 = arith.addi %sub3A_21, %mul3A_108 : i32
      %dma_wait3A = arith.constant 0 : i32
      %dma_wait3A_110 = tpu.memref_slice %arg6[%scan3A_87, %dma_wait3A] : memref<2x10112xi32, #tpu.memory_space<vmem>> -> memref<1x10112xi32, #tpu.memory_space<vmem>>
      %dma_wait3A_111 = tpu.memref_squeeze %dma_wait3A_110 : memref<1x10112xi32, #tpu.memory_space<vmem>> -> memref<10112xi32, #tpu.memory_space<vmem>>
      %dma_wait3A_112 = tpu.memref_slice %dma_wait3A_111[%add3A_109] : memref<10112xi32, #tpu.memory_space<vmem>> -> memref<40xi32, #tpu.memory_space<vmem>>
      %dma_wait3A_113 = arith.constant 0 : i32
      %dma_wait3A_114 = arith.constant 0 : i32
      %dma_wait3A_115 = tpu.memref_slice %arg2[%dma_wait3A_113, %dma_wait3A_114] : memref<10000x128xf32, #tpu.memory_space<hbm>> -> memref<10000x128xf32, #tpu.memory_space<hbm>>
      tpu.wait_indirect_dma semaphore(%arg12 : memref<!tpu.dma_semaphore, #tpu.memory_space<semaphore_mem>>) src(%dma_wait3A_115 : memref<10000x128xf32, #tpu.memory_space<hbm>>) dst(%arg7 : memref<40x128xf32, #tpu.memory_space<vmem>>)
      %mul3A_116 = arith.constant 40 : i32
      %mul3A_117 = arith.muli %add3A_106, %mul3A_116 : i32
      %add3A_118 = arith.addi %sub3A_21, %mul3A_117 : i32
      "tpu.region"() ({
        %run_scoped3A = tpu.sem_alloc : memref<!tpu.dma_semaphore, #tpu.memory_space<semaphore_mem>>
        %dma_start3A_213 = arith.constant 0 : i32
        %dma_start3A_214 = tpu.memref_slice %arg6[%scan3A_88, %dma_start3A_213] : memref<2x10112xi32, #tpu.memory_space<vmem>> -> memref<1x10112xi32, #tpu.memory_space<vmem>>
        %dma_start3A_215 = tpu.memref_squeeze %dma_start3A_214 : memref<1x10112xi32, #tpu.memory_space<vmem>> -> memref<10112xi32, #tpu.memory_space<vmem>>
        %dma_start3A_216 = tpu.memref_slice %dma_start3A_215[%add3A_118] : memref<10112xi32, #tpu.memory_space<vmem>> -> memref<40xi32, #tpu.memory_space<vmem>>
        %dma_start3A_217 = arith.constant 0 : i32
        %dma_start3A_218 = arith.constant 0 : i32
        %dma_start3A_219 = tpu.memref_slice %arg5[%dma_start3A_217, %dma_start3A_218] : memref<10000x128xf32, #tpu.memory_space<vmem_shared>> -> memref<10000x128xf32, #tpu.memory_space<vmem_shared>>
        tpu.enqueue_indirect_dma source(%arg7 : memref<40x128xf32, #tpu.memory_space<vmem>>) target(%dma_start3A_219 : memref<10000x128xf32, #tpu.memory_space<vmem_shared>>) offsets(%dma_start3A_216 : memref<40xi32, #tpu.memory_space<vmem>>) semaphore(%run_scoped3A : memref<!tpu.dma_semaphore, #tpu.memory_space<semaphore_mem>>) {add = true}
        %dma_wait3A_220 = arith.constant 0 : i32
        %dma_wait3A_221 = tpu.memref_slice %arg6[%scan3A_88, %dma_wait3A_220] : memref<2x10112xi32, #tpu.memory_space<vmem>> -> memref<1x10112xi32, #tpu.memory_space<vmem>>
        %dma_wait3A_222 = tpu.memref_squeeze %dma_wait3A_221 : memref<1x10112xi32, #tpu.memory_space<vmem>> -> memref<10112xi32, #tpu.memory_space<vmem>>
        %dma_wait3A_223 = tpu.memref_slice %dma_wait3A_222[%add3A_118] : memref<10112xi32, #tpu.memory_space<vmem>> -> memref<40xi32, #tpu.memory_space<vmem>>
        %dma_wait3A_224 = arith.constant 0 : i32
        %dma_wait3A_225 = arith.constant 0 : i32
        %dma_wait3A_226 = tpu.memref_slice %arg5[%dma_wait3A_224, %dma_wait3A_225] : memref<10000x128xf32, #tpu.memory_space<vmem_shared>> -> memref<10000x128xf32, #tpu.memory_space<vmem_shared>>
        tpu.wait_indirect_dma semaphore(%run_scoped3A : memref<!tpu.dma_semaphore, #tpu.memory_space<semaphore_mem>>) src(%arg7 : memref<40x128xf32, #tpu.memory_space<vmem>>) dst(%dma_wait3A_226 : memref<10000x128xf32, #tpu.memory_space<vmem_shared>>)
        tpu.yield
      }) : () -> ()
      %add3A_119 = arith.constant 5 : i32
      %add3A_120 = arith.addi %add3A_106, %add3A_119 : i32
      %lt3A = arith.constant 250 : i32
      %lt3A_121 = arith.cmpi slt, %add3A_120, %lt3A : i32
      %convert_element_type3A_122 = arith.extui %lt3A_121 : i1 to i32
      %cond3A_123 = arith.constant 0 : i32
      %cond3A_124 = arith.cmpi ne, %convert_element_type3A_122, %cond3A_123 : i32
      scf.if %cond3A_124 {
        %add3A_213 = arith.constant 5 : i32
        %add3A_214 = arith.addi %add3A_106, %add3A_213 : i32
        %mul3A_215 = arith.constant 40 : i32
        %mul3A_216 = arith.muli %add3A_214, %mul3A_215 : i32
        %add3A_217 = arith.addi %sub3A_21, %mul3A_216 : i32
        %dma_start3A_218 = arith.constant 0 : i32
        %dma_start3A_219 = tpu.memref_slice %arg6[%scan3A_87, %dma_start3A_218] : memref<2x10112xi32, #tpu.memory_space<vmem>> -> memref<1x10112xi32, #tpu.memory_space<vmem>>
        %dma_start3A_220 = tpu.memref_squeeze %dma_start3A_219 : memref<1x10112xi32, #tpu.memory_space<vmem>> -> memref<10112xi32, #tpu.memory_space<vmem>>
        %dma_start3A_221 = tpu.memref_slice %dma_start3A_220[%add3A_217] : memref<10112xi32, #tpu.memory_space<vmem>> -> memref<40xi32, #tpu.memory_space<vmem>>
        %dma_start3A_222 = arith.constant 0 : i32
        %dma_start3A_223 = arith.constant 0 : i32
        %dma_start3A_224 = tpu.memref_slice %arg2[%dma_start3A_222, %dma_start3A_223] : memref<10000x128xf32, #tpu.memory_space<hbm>> -> memref<10000x128xf32, #tpu.memory_space<hbm>>
        tpu.enqueue_indirect_dma source(%dma_start3A_224 : memref<10000x128xf32, #tpu.memory_space<hbm>>) target(%arg7 : memref<40x128xf32, #tpu.memory_space<vmem>>) offsets(%dma_start3A_221 : memref<40xi32, #tpu.memory_space<vmem>>) semaphore(%arg12 : memref<!tpu.dma_semaphore, #tpu.memory_space<semaphore_mem>>)
      } else {
      }
      %add3A_125 = arith.constant 1 : i32
      %add3A_126 = arith.addi %add3A_104, %add3A_125 : i32
      %mul3A_127 = arith.constant 40 : i32
      %mul3A_128 = arith.muli %add3A_126, %mul3A_127 : i32
      %add3A_129 = arith.addi %sub3A_21, %mul3A_128 : i32
      %dma_wait3A_130 = arith.constant 0 : i32
      %dma_wait3A_131 = tpu.memref_slice %arg6[%scan3A_87, %dma_wait3A_130] : memref<2x10112xi32, #tpu.memory_space<vmem>> -> memref<1x10112xi32, #tpu.memory_space<vmem>>
      %dma_wait3A_132 = tpu.memref_squeeze %dma_wait3A_131 : memref<1x10112xi32, #tpu.memory_space<vmem>> -> memref<10112xi32, #tpu.memory_space<vmem>>
      %dma_wait3A_133 = tpu.memref_slice %dma_wait3A_132[%add3A_129] : memref<10112xi32, #tpu.memory_space<vmem>> -> memref<40xi32, #tpu.memory_space<vmem>>
      %dma_wait3A_134 = arith.constant 0 : i32
      %dma_wait3A_135 = arith.constant 0 : i32
      %dma_wait3A_136 = tpu.memref_slice %arg2[%dma_wait3A_134, %dma_wait3A_135] : memref<10000x128xf32, #tpu.memory_space<hbm>> -> memref<10000x128xf32, #tpu.memory_space<hbm>>
      tpu.wait_indirect_dma semaphore(%arg13 : memref<!tpu.dma_semaphore, #tpu.memory_space<semaphore_mem>>) src(%dma_wait3A_136 : memref<10000x128xf32, #tpu.memory_space<hbm>>) dst(%arg8 : memref<40x128xf32, #tpu.memory_space<vmem>>)
      %mul3A_137 = arith.constant 40 : i32
      %mul3A_138 = arith.muli %add3A_126, %mul3A_137 : i32
      %add3A_139 = arith.addi %sub3A_21, %mul3A_138 : i32
      "tpu.region"() ({
        %run_scoped3A = tpu.sem_alloc : memref<!tpu.dma_semaphore, #tpu.memory_space<semaphore_mem>>
        %dma_start3A_213 = arith.constant 0 : i32
        %dma_start3A_214 = tpu.memref_slice %arg6[%scan3A_88, %dma_start3A_213] : memref<2x10112xi32, #tpu.memory_space<vmem>> -> memref<1x10112xi32, #tpu.memory_space<vmem>>
        %dma_start3A_215 = tpu.memref_squeeze %dma_start3A_214 : memref<1x10112xi32, #tpu.memory_space<vmem>> -> memref<10112xi32, #tpu.memory_space<vmem>>
        %dma_start3A_216 = tpu.memref_slice %dma_start3A_215[%add3A_139] : memref<10112xi32, #tpu.memory_space<vmem>> -> memref<40xi32, #tpu.memory_space<vmem>>
        %dma_start3A_217 = arith.constant 0 : i32
        %dma_start3A_218 = arith.constant 0 : i32
        %dma_start3A_219 = tpu.memref_slice %arg5[%dma_start3A_217, %dma_start3A_218] : memref<10000x128xf32, #tpu.memory_space<vmem_shared>> -> memref<10000x128xf32, #tpu.memory_space<vmem_shared>>
        tpu.enqueue_indirect_dma source(%arg8 : memref<40x128xf32, #tpu.memory_space<vmem>>) target(%dma_start3A_219 : memref<10000x128xf32, #tpu.memory_space<vmem_shared>>) offsets(%dma_start3A_216 : memref<40xi32, #tpu.memory_space<vmem>>) semaphore(%run_scoped3A : memref<!tpu.dma_semaphore, #tpu.memory_space<semaphore_mem>>) {add = true}
        %dma_wait3A_220 = arith.constant 0 : i32
        %dma_wait3A_221 = tpu.memref_slice %arg6[%scan3A_88, %dma_wait3A_220] : memref<2x10112xi32, #tpu.memory_space<vmem>> -> memref<1x10112xi32, #tpu.memory_space<vmem>>
        %dma_wait3A_222 = tpu.memref_squeeze %dma_wait3A_221 : memref<1x10112xi32, #tpu.memory_space<vmem>> -> memref<10112xi32, #tpu.memory_space<vmem>>
        %dma_wait3A_223 = tpu.memref_slice %dma_wait3A_222[%add3A_139] : memref<10112xi32, #tpu.memory_space<vmem>> -> memref<40xi32, #tpu.memory_space<vmem>>
        %dma_wait3A_224 = arith.constant 0 : i32
        %dma_wait3A_225 = arith.constant 0 : i32
        %dma_wait3A_226 = tpu.memref_slice %arg5[%dma_wait3A_224, %dma_wait3A_225] : memref<10000x128xf32, #tpu.memory_space<vmem_shared>> -> memref<10000x128xf32, #tpu.memory_space<vmem_shared>>
        tpu.wait_indirect_dma semaphore(%run_scoped3A : memref<!tpu.dma_semaphore, #tpu.memory_space<semaphore_mem>>) src(%arg8 : memref<40x128xf32, #tpu.memory_space<vmem>>) dst(%dma_wait3A_226 : memref<10000x128xf32, #tpu.memory_space<vmem_shared>>)
        tpu.yield
      }) : () -> ()
      %add3A_140 = arith.constant 5 : i32
      %add3A_141 = arith.addi %add3A_126, %add3A_140 : i32
      %lt3A_142 = arith.constant 250 : i32
      %lt3A_143 = arith.cmpi slt, %add3A_141, %lt3A_142 : i32
      %convert_element_type3A_144 = arith.extui %lt3A_143 : i1 to i32
      %cond3A_145 = arith.constant 0 : i32
      %cond3A_146 = arith.cmpi ne, %convert_element_type3A_144, %cond3A_145 : i32
      scf.if %cond3A_146 {
        %add3A_213 = arith.constant 5 : i32
        %add3A_214 = arith.addi %add3A_126, %add3A_213 : i32
        %mul3A_215 = arith.constant 40 : i32
        %mul3A_216 = arith.muli %add3A_214, %mul3A_215 : i32
        %add3A_217 = arith.addi %sub3A_21, %mul3A_216 : i32
        %dma_start3A_218 = arith.constant 0 : i32
        %dma_start3A_219 = tpu.memref_slice %arg6[%scan3A_87, %dma_start3A_218] : memref<2x10112xi32, #tpu.memory_space<vmem>> -> memref<1x10112xi32, #tpu.memory_space<vmem>>
        %dma_start3A_220 = tpu.memref_squeeze %dma_start3A_219 : memref<1x10112xi32, #tpu.memory_space<vmem>> -> memref<10112xi32, #tpu.memory_space<vmem>>
        %dma_start3A_221 = tpu.memref_slice %dma_start3A_220[%add3A_217] : memref<10112xi32, #tpu.memory_space<vmem>> -> memref<40xi32, #tpu.memory_space<vmem>>
        %dma_start3A_222 = arith.constant 0 : i32
        %dma_start3A_223 = arith.constant 0 : i32
        %dma_start3A_224 = tpu.memref_slice %arg2[%dma_start3A_222, %dma_start3A_223] : memref<10000x128xf32, #tpu.memory_space<hbm>> -> memref<10000x128xf32, #tpu.memory_space<hbm>>
        tpu.enqueue_indirect_dma source(%dma_start3A_224 : memref<10000x128xf32, #tpu.memory_space<hbm>>) target(%arg8 : memref<40x128xf32, #tpu.memory_space<vmem>>) offsets(%dma_start3A_221 : memref<40xi32, #tpu.memory_space<vmem>>) semaphore(%arg13 : memref<!tpu.dma_semaphore, #tpu.memory_space<semaphore_mem>>)
      } else {
      }
      %add3A_147 = arith.constant 2 : i32
      %add3A_148 = arith.addi %add3A_104, %add3A_147 : i32
      %mul3A_149 = arith.constant 40 : i32
      %mul3A_150 = arith.muli %add3A_148, %mul3A_149 : i32
      %add3A_151 = arith.addi %sub3A_21, %mul3A_150 : i32
      %dma_wait3A_152 = arith.constant 0 : i32
      %dma_wait3A_153 = tpu.memref_slice %arg6[%scan3A_87, %dma_wait3A_152] : memref<2x10112xi32, #tpu.memory_space<vmem>> -> memref<1x10112xi32, #tpu.memory_space<vmem>>
      %dma_wait3A_154 = tpu.memref_squeeze %dma_wait3A_153 : memref<1x10112xi32, #tpu.memory_space<vmem>> -> memref<10112xi32, #tpu.memory_space<vmem>>
      %dma_wait3A_155 = tpu.memref_slice %dma_wait3A_154[%add3A_151] : memref<10112xi32, #tpu.memory_space<vmem>> -> memref<40xi32, #tpu.memory_space<vmem>>
      %dma_wait3A_156 = arith.constant 0 : i32
      %dma_wait3A_157 = arith.constant 0 : i32
      %dma_wait3A_158 = tpu.memref_slice %arg2[%dma_wait3A_156, %dma_wait3A_157] : memref<10000x128xf32, #tpu.memory_space<hbm>> -> memref<10000x128xf32, #tpu.memory_space<hbm>>
      tpu.wait_indirect_dma semaphore(%arg14 : memref<!tpu.dma_semaphore, #tpu.memory_space<semaphore_mem>>) src(%dma_wait3A_158 : memref<10000x128xf32, #tpu.memory_space<hbm>>) dst(%arg9 : memref<40x128xf32, #tpu.memory_space<vmem>>)
      %mul3A_159 = arith.constant 40 : i32
      %mul3A_160 = arith.muli %add3A_148, %mul3A_159 : i32
      %add3A_161 = arith.addi %sub3A_21, %mul3A_160 : i32
      "tpu.region"() ({
        %run_scoped3A = tpu.sem_alloc : memref<!tpu.dma_semaphore, #tpu.memory_space<semaphore_mem>>
        %dma_start3A_213 = arith.constant 0 : i32
        %dma_start3A_214 = tpu.memref_slice %arg6[%scan3A_88, %dma_start3A_213] : memref<2x10112xi32, #tpu.memory_space<vmem>> -> memref<1x10112xi32, #tpu.memory_space<vmem>>
        %dma_start3A_215 = tpu.memref_squeeze %dma_start3A_214 : memref<1x10112xi32, #tpu.memory_space<vmem>> -> memref<10112xi32, #tpu.memory_space<vmem>>
        %dma_start3A_216 = tpu.memref_slice %dma_start3A_215[%add3A_161] : memref<10112xi32, #tpu.memory_space<vmem>> -> memref<40xi32, #tpu.memory_space<vmem>>
        %dma_start3A_217 = arith.constant 0 : i32
        %dma_start3A_218 = arith.constant 0 : i32
        %dma_start3A_219 = tpu.memref_slice %arg5[%dma_start3A_217, %dma_start3A_218] : memref<10000x128xf32, #tpu.memory_space<vmem_shared>> -> memref<10000x128xf32, #tpu.memory_space<vmem_shared>>
        tpu.enqueue_indirect_dma source(%arg9 : memref<40x128xf32, #tpu.memory_space<vmem>>) target(%dma_start3A_219 : memref<10000x128xf32, #tpu.memory_space<vmem_shared>>) offsets(%dma_start3A_216 : memref<40xi32, #tpu.memory_space<vmem>>) semaphore(%run_scoped3A : memref<!tpu.dma_semaphore, #tpu.memory_space<semaphore_mem>>) {add = true}
        %dma_wait3A_220 = arith.constant 0 : i32
        %dma_wait3A_221 = tpu.memref_slice %arg6[%scan3A_88, %dma_wait3A_220] : memref<2x10112xi32, #tpu.memory_space<vmem>> -> memref<1x10112xi32, #tpu.memory_space<vmem>>
        %dma_wait3A_222 = tpu.memref_squeeze %dma_wait3A_221 : memref<1x10112xi32, #tpu.memory_space<vmem>> -> memref<10112xi32, #tpu.memory_space<vmem>>
        %dma_wait3A_223 = tpu.memref_slice %dma_wait3A_222[%add3A_161] : memref<10112xi32, #tpu.memory_space<vmem>> -> memref<40xi32, #tpu.memory_space<vmem>>
        %dma_wait3A_224 = arith.constant 0 : i32
        %dma_wait3A_225 = arith.constant 0 : i32
        %dma_wait3A_226 = tpu.memref_slice %arg5[%dma_wait3A_224, %dma_wait3A_225] : memref<10000x128xf32, #tpu.memory_space<vmem_shared>> -> memref<10000x128xf32, #tpu.memory_space<vmem_shared>>
        tpu.wait_indirect_dma semaphore(%run_scoped3A : memref<!tpu.dma_semaphore, #tpu.memory_space<semaphore_mem>>) src(%arg9 : memref<40x128xf32, #tpu.memory_space<vmem>>) dst(%dma_wait3A_226 : memref<10000x128xf32, #tpu.memory_space<vmem_shared>>)
        tpu.yield
      }) : () -> ()
      %add3A_162 = arith.constant 5 : i32
      %add3A_163 = arith.addi %add3A_148, %add3A_162 : i32
      %lt3A_164 = arith.constant 250 : i32
      %lt3A_165 = arith.cmpi slt, %add3A_163, %lt3A_164 : i32
      %convert_element_type3A_166 = arith.extui %lt3A_165 : i1 to i32
      %cond3A_167 = arith.constant 0 : i32
      %cond3A_168 = arith.cmpi ne, %convert_element_type3A_166, %cond3A_167 : i32
      scf.if %cond3A_168 {
        %add3A_213 = arith.constant 5 : i32
        %add3A_214 = arith.addi %add3A_148, %add3A_213 : i32
        %mul3A_215 = arith.constant 40 : i32
        %mul3A_216 = arith.muli %add3A_214, %mul3A_215 : i32
        %add3A_217 = arith.addi %sub3A_21, %mul3A_216 : i32
        %dma_start3A_218 = arith.constant 0 : i32
        %dma_start3A_219 = tpu.memref_slice %arg6[%scan3A_87, %dma_start3A_218] : memref<2x10112xi32, #tpu.memory_space<vmem>> -> memref<1x10112xi32, #tpu.memory_space<vmem>>
        %dma_start3A_220 = tpu.memref_squeeze %dma_start3A_219 : memref<1x10112xi32, #tpu.memory_space<vmem>> -> memref<10112xi32, #tpu.memory_space<vmem>>
        %dma_start3A_221 = tpu.memref_slice %dma_start3A_220[%add3A_217] : memref<10112xi32, #tpu.memory_space<vmem>> -> memref<40xi32, #tpu.memory_space<vmem>>
        %dma_start3A_222 = arith.constant 0 : i32
        %dma_start3A_223 = arith.constant 0 : i32
        %dma_start3A_224 = tpu.memref_slice %arg2[%dma_start3A_222, %dma_start3A_223] : memref<10000x128xf32, #tpu.memory_space<hbm>> -> memref<10000x128xf32, #tpu.memory_space<hbm>>
        tpu.enqueue_indirect_dma source(%dma_start3A_224 : memref<10000x128xf32, #tpu.memory_space<hbm>>) target(%arg9 : memref<40x128xf32, #tpu.memory_space<vmem>>) offsets(%dma_start3A_221 : memref<40xi32, #tpu.memory_space<vmem>>) semaphore(%arg14 : memref<!tpu.dma_semaphore, #tpu.memory_space<semaphore_mem>>)
      } else {
      }
      %add3A_169 = arith.constant 3 : i32
      %add3A_170 = arith.addi %add3A_104, %add3A_169 : i32
      %mul3A_171 = arith.constant 40 : i32
      %mul3A_172 = arith.muli %add3A_170, %mul3A_171 : i32
      %add3A_173 = arith.addi %sub3A_21, %mul3A_172 : i32
      %dma_wait3A_174 = arith.constant 0 : i32
      %dma_wait3A_175 = tpu.memref_slice %arg6[%scan3A_87, %dma_wait3A_174] : memref<2x10112xi32, #tpu.memory_space<vmem>> -> memref<1x10112xi32, #tpu.memory_space<vmem>>
      %dma_wait3A_176 = tpu.memref_squeeze %dma_wait3A_175 : memref<1x10112xi32, #tpu.memory_space<vmem>> -> memref<10112xi32, #tpu.memory_space<vmem>>
      %dma_wait3A_177 = tpu.memref_slice %dma_wait3A_176[%add3A_173] : memref<10112xi32, #tpu.memory_space<vmem>> -> memref<40xi32, #tpu.memory_space<vmem>>
      %dma_wait3A_178 = arith.constant 0 : i32
      %dma_wait3A_179 = arith.constant 0 : i32
      %dma_wait3A_180 = tpu.memref_slice %arg2[%dma_wait3A_178, %dma_wait3A_179] : memref<10000x128xf32, #tpu.memory_space<hbm>> -> memref<10000x128xf32, #tpu.memory_space<hbm>>
      tpu.wait_indirect_dma semaphore(%arg15 : memref<!tpu.dma_semaphore, #tpu.memory_space<semaphore_mem>>) src(%dma_wait3A_180 : memref<10000x128xf32, #tpu.memory_space<hbm>>) dst(%arg10 : memref<40x128xf32, #tpu.memory_space<vmem>>)
      %mul3A_181 = arith.constant 40 : i32
      %mul3A_182 = arith.muli %add3A_170, %mul3A_181 : i32
      %add3A_183 = arith.addi %sub3A_21, %mul3A_182 : i32
      "tpu.region"() ({
        %run_scoped3A = tpu.sem_alloc : memref<!tpu.dma_semaphore, #tpu.memory_space<semaphore_mem>>
        %dma_start3A_213 = arith.constant 0 : i32
        %dma_start3A_214 = tpu.memref_slice %arg6[%scan3A_88, %dma_start3A_213] : memref<2x10112xi32, #tpu.memory_space<vmem>> -> memref<1x10112xi32, #tpu.memory_space<vmem>>
        %dma_start3A_215 = tpu.memref_squeeze %dma_start3A_214 : memref<1x10112xi32, #tpu.memory_space<vmem>> -> memref<10112xi32, #tpu.memory_space<vmem>>
        %dma_start3A_216 = tpu.memref_slice %dma_start3A_215[%add3A_183] : memref<10112xi32, #tpu.memory_space<vmem>> -> memref<40xi32, #tpu.memory_space<vmem>>
        %dma_start3A_217 = arith.constant 0 : i32
        %dma_start3A_218 = arith.constant 0 : i32
        %dma_start3A_219 = tpu.memref_slice %arg5[%dma_start3A_217, %dma_start3A_218] : memref<10000x128xf32, #tpu.memory_space<vmem_shared>> -> memref<10000x128xf32, #tpu.memory_space<vmem_shared>>
        tpu.enqueue_indirect_dma source(%arg10 : memref<40x128xf32, #tpu.memory_space<vmem>>) target(%dma_start3A_219 : memref<10000x128xf32, #tpu.memory_space<vmem_shared>>) offsets(%dma_start3A_216 : memref<40xi32, #tpu.memory_space<vmem>>) semaphore(%run_scoped3A : memref<!tpu.dma_semaphore, #tpu.memory_space<semaphore_mem>>) {add = true}
        %dma_wait3A_220 = arith.constant 0 : i32
        %dma_wait3A_221 = tpu.memref_slice %arg6[%scan3A_88, %dma_wait3A_220] : memref<2x10112xi32, #tpu.memory_space<vmem>> -> memref<1x10112xi32, #tpu.memory_space<vmem>>
        %dma_wait3A_222 = tpu.memref_squeeze %dma_wait3A_221 : memref<1x10112xi32, #tpu.memory_space<vmem>> -> memref<10112xi32, #tpu.memory_space<vmem>>
        %dma_wait3A_223 = tpu.memref_slice %dma_wait3A_222[%add3A_183] : memref<10112xi32, #tpu.memory_space<vmem>> -> memref<40xi32, #tpu.memory_space<vmem>>
        %dma_wait3A_224 = arith.constant 0 : i32
        %dma_wait3A_225 = arith.constant 0 : i32
        %dma_wait3A_226 = tpu.memref_slice %arg5[%dma_wait3A_224, %dma_wait3A_225] : memref<10000x128xf32, #tpu.memory_space<vmem_shared>> -> memref<10000x128xf32, #tpu.memory_space<vmem_shared>>
        tpu.wait_indirect_dma semaphore(%run_scoped3A : memref<!tpu.dma_semaphore, #tpu.memory_space<semaphore_mem>>) src(%arg10 : memref<40x128xf32, #tpu.memory_space<vmem>>) dst(%dma_wait3A_226 : memref<10000x128xf32, #tpu.memory_space<vmem_shared>>)
        tpu.yield
      }) : () -> ()
      %add3A_184 = arith.constant 5 : i32
      %add3A_185 = arith.addi %add3A_170, %add3A_184 : i32
      %lt3A_186 = arith.constant 250 : i32
      %lt3A_187 = arith.cmpi slt, %add3A_185, %lt3A_186 : i32
      %convert_element_type3A_188 = arith.extui %lt3A_187 : i1 to i32
      %cond3A_189 = arith.constant 0 : i32
      %cond3A_190 = arith.cmpi ne, %convert_element_type3A_188, %cond3A_189 : i32
      scf.if %cond3A_190 {
        %add3A_213 = arith.constant 5 : i32
        %add3A_214 = arith.addi %add3A_170, %add3A_213 : i32
        %mul3A_215 = arith.constant 40 : i32
        %mul3A_216 = arith.muli %add3A_214, %mul3A_215 : i32
        %add3A_217 = arith.addi %sub3A_21, %mul3A_216 : i32
        %dma_start3A_218 = arith.constant 0 : i32
        %dma_start3A_219 = tpu.memref_slice %arg6[%scan3A_87, %dma_start3A_218] : memref<2x10112xi32, #tpu.memory_space<vmem>> -> memref<1x10112xi32, #tpu.memory_space<vmem>>
        %dma_start3A_220 = tpu.memref_squeeze %dma_start3A_219 : memref<1x10112xi32, #tpu.memory_space<vmem>> -> memref<10112xi32, #tpu.memory_space<vmem>>
        %dma_start3A_221 = tpu.memref_slice %dma_start3A_220[%add3A_217] : memref<10112xi32, #tpu.memory_space<vmem>> -> memref<40xi32, #tpu.memory_space<vmem>>
        %dma_start3A_222 = arith.constant 0 : i32
        %dma_start3A_223 = arith.constant 0 : i32
        %dma_start3A_224 = tpu.memref_slice %arg2[%dma_start3A_222, %dma_start3A_223] : memref<10000x128xf32, #tpu.memory_space<hbm>> -> memref<10000x128xf32, #tpu.memory_space<hbm>>
        tpu.enqueue_indirect_dma source(%dma_start3A_224 : memref<10000x128xf32, #tpu.memory_space<hbm>>) target(%arg10 : memref<40x128xf32, #tpu.memory_space<vmem>>) offsets(%dma_start3A_221 : memref<40xi32, #tpu.memory_space<vmem>>) semaphore(%arg15 : memref<!tpu.dma_semaphore, #tpu.memory_space<semaphore_mem>>)
      } else {
      }
      %add3A_191 = arith.constant 4 : i32
      %add3A_192 = arith.addi %add3A_104, %add3A_191 : i32
      %mul3A_193 = arith.constant 40 : i32
      %mul3A_194 = arith.muli %add3A_192, %mul3A_193 : i32
      %add3A_195 = arith.addi %sub3A_21, %mul3A_194 : i32
      %dma_wait3A_196 = arith.constant 0 : i32
      %dma_wait3A_197 = tpu.memref_slice %arg6[%scan3A_87, %dma_wait3A_196] : memref<2x10112xi32, #tpu.memory_space<vmem>> -> memref<1x10112xi32, #tpu.memory_space<vmem>>
      %dma_wait3A_198 = tpu.memref_squeeze %dma_wait3A_197 : memref<1x10112xi32, #tpu.memory_space<vmem>> -> memref<10112xi32, #tpu.memory_space<vmem>>
      %dma_wait3A_199 = tpu.memref_slice %dma_wait3A_198[%add3A_195] : memref<10112xi32, #tpu.memory_space<vmem>> -> memref<40xi32, #tpu.memory_space<vmem>>
      %dma_wait3A_200 = arith.constant 0 : i32
      %dma_wait3A_201 = arith.constant 0 : i32
      %dma_wait3A_202 = tpu.memref_slice %arg2[%dma_wait3A_200, %dma_wait3A_201] : memref<10000x128xf32, #tpu.memory_space<hbm>> -> memref<10000x128xf32, #tpu.memory_space<hbm>>
      tpu.wait_indirect_dma semaphore(%arg16 : memref<!tpu.dma_semaphore, #tpu.memory_space<semaphore_mem>>) src(%dma_wait3A_202 : memref<10000x128xf32, #tpu.memory_space<hbm>>) dst(%arg11 : memref<40x128xf32, #tpu.memory_space<vmem>>)
      %mul3A_203 = arith.constant 40 : i32
      %mul3A_204 = arith.muli %add3A_192, %mul3A_203 : i32
      %add3A_205 = arith.addi %sub3A_21, %mul3A_204 : i32
      "tpu.region"() ({
        %run_scoped3A = tpu.sem_alloc : memref<!tpu.dma_semaphore, #tpu.memory_space<semaphore_mem>>
        %dma_start3A_213 = arith.constant 0 : i32
        %dma_start3A_214 = tpu.memref_slice %arg6[%scan3A_88, %dma_start3A_213] : memref<2x10112xi32, #tpu.memory_space<vmem>> -> memref<1x10112xi32, #tpu.memory_space<vmem>>
        %dma_start3A_215 = tpu.memref_squeeze %dma_start3A_214 : memref<1x10112xi32, #tpu.memory_space<vmem>> -> memref<10112xi32, #tpu.memory_space<vmem>>
        %dma_start3A_216 = tpu.memref_slice %dma_start3A_215[%add3A_205] : memref<10112xi32, #tpu.memory_space<vmem>> -> memref<40xi32, #tpu.memory_space<vmem>>
        %dma_start3A_217 = arith.constant 0 : i32
        %dma_start3A_218 = arith.constant 0 : i32
        %dma_start3A_219 = tpu.memref_slice %arg5[%dma_start3A_217, %dma_start3A_218] : memref<10000x128xf32, #tpu.memory_space<vmem_shared>> -> memref<10000x128xf32, #tpu.memory_space<vmem_shared>>
        tpu.enqueue_indirect_dma source(%arg11 : memref<40x128xf32, #tpu.memory_space<vmem>>) target(%dma_start3A_219 : memref<10000x128xf32, #tpu.memory_space<vmem_shared>>) offsets(%dma_start3A_216 : memref<40xi32, #tpu.memory_space<vmem>>) semaphore(%run_scoped3A : memref<!tpu.dma_semaphore, #tpu.memory_space<semaphore_mem>>) {add = true}
        %dma_wait3A_220 = arith.constant 0 : i32
        %dma_wait3A_221 = tpu.memref_slice %arg6[%scan3A_88, %dma_wait3A_220] : memref<2x10112xi32, #tpu.memory_space<vmem>> -> memref<1x10112xi32, #tpu.memory_space<vmem>>
        %dma_wait3A_222 = tpu.memref_squeeze %dma_wait3A_221 : memref<1x10112xi32, #tpu.memory_space<vmem>> -> memref<10112xi32, #tpu.memory_space<vmem>>
        %dma_wait3A_223 = tpu.memref_slice %dma_wait3A_222[%add3A_205] : memref<10112xi32, #tpu.memory_space<vmem>> -> memref<40xi32, #tpu.memory_space<vmem>>
        %dma_wait3A_224 = arith.constant 0 : i32
        %dma_wait3A_225 = arith.constant 0 : i32
        %dma_wait3A_226 = tpu.memref_slice %arg5[%dma_wait3A_224, %dma_wait3A_225] : memref<10000x128xf32, #tpu.memory_space<vmem_shared>> -> memref<10000x128xf32, #tpu.memory_space<vmem_shared>>
        tpu.wait_indirect_dma semaphore(%run_scoped3A : memref<!tpu.dma_semaphore, #tpu.memory_space<semaphore_mem>>) src(%arg11 : memref<40x128xf32, #tpu.memory_space<vmem>>) dst(%dma_wait3A_226 : memref<10000x128xf32, #tpu.memory_space<vmem_shared>>)
        tpu.yield
      }) : () -> ()
      %add3A_206 = arith.constant 5 : i32
      %add3A_207 = arith.addi %add3A_192, %add3A_206 : i32
      %lt3A_208 = arith.constant 250 : i32
      %lt3A_209 = arith.cmpi slt, %add3A_207, %lt3A_208 : i32
      %convert_element_type3A_210 = arith.extui %lt3A_209 : i1 to i32
      %cond3A_211 = arith.constant 0 : i32
      %cond3A_212 = arith.cmpi ne, %convert_element_type3A_210, %cond3A_211 : i32
      scf.if %cond3A_212 {
        %add3A_213 = arith.constant 5 : i32
        %add3A_214 = arith.addi %add3A_192, %add3A_213 : i32
        %mul3A_215 = arith.constant 40 : i32
        %mul3A_216 = arith.muli %add3A_214, %mul3A_215 : i32
        %add3A_217 = arith.addi %sub3A_21, %mul3A_216 : i32
        %dma_start3A_218 = arith.constant 0 : i32
        %dma_start3A_219 = tpu.memref_slice %arg6[%scan3A_87, %dma_start3A_218] : memref<2x10112xi32, #tpu.memory_space<vmem>> -> memref<1x10112xi32, #tpu.memory_space<vmem>>
        %dma_start3A_220 = tpu.memref_squeeze %dma_start3A_219 : memref<1x10112xi32, #tpu.memory_space<vmem>> -> memref<10112xi32, #tpu.memory_space<vmem>>
        %dma_start3A_221 = tpu.memref_slice %dma_start3A_220[%add3A_217] : memref<10112xi32, #tpu.memory_space<vmem>> -> memref<40xi32, #tpu.memory_space<vmem>>
        %dma_start3A_222 = arith.constant 0 : i32
        %dma_start3A_223 = arith.constant 0 : i32
        %dma_start3A_224 = tpu.memref_slice %arg2[%dma_start3A_222, %dma_start3A_223] : memref<10000x128xf32, #tpu.memory_space<hbm>> -> memref<10000x128xf32, #tpu.memory_space<hbm>>
        tpu.enqueue_indirect_dma source(%dma_start3A_224 : memref<10000x128xf32, #tpu.memory_space<hbm>>) target(%arg11 : memref<40x128xf32, #tpu.memory_space<vmem>>) offsets(%dma_start3A_221 : memref<40xi32, #tpu.memory_space<vmem>>) semaphore(%arg16 : memref<!tpu.dma_semaphore, #tpu.memory_space<semaphore_mem>>)
      } else {
      }
    }
    %scan3A_93 = arith.constant 50 : i32
    %barrier3A_94 = arith.constant 0 : index
    tpu.barrier barrier_id(%barrier3A_94)
    "tpu.region"() ({
      %run_scoped3A = tpu.sem_alloc : memref<!tpu.dma_semaphore, #tpu.memory_space<semaphore_mem>>
      %dma_start3A_100 = arith.constant 0 : i32
      %dma_start3A_101 = tpu.memref_slice %arg4[%arg0, %mul3A_28, %dma_start3A_100] : memref<2x10000x128xf32, #tpu.memory_space<hbm>> -> memref<1x624x128xf32, #tpu.memory_space<hbm>>
      %dma_start3A_102 = tpu.memref_squeeze %dma_start3A_101 : memref<1x624x128xf32, #tpu.memory_space<hbm>> -> memref<624x128xf32, #tpu.memory_space<hbm>>
      %dma_start3A_103 = arith.constant 0 : i32
      %dma_start3A_104 = tpu.memref_slice %arg5[%mul3A_28, %dma_start3A_103] : memref<10000x128xf32, #tpu.memory_space<vmem_shared>> -> memref<624x128xf32, #tpu.memory_space<vmem_shared>>
      tpu.enqueue_dma source(%dma_start3A_104 : memref<624x128xf32, #tpu.memory_space<vmem_shared>>) target(%dma_start3A_102 : memref<624x128xf32, #tpu.memory_space<hbm>>) target_semaphore(%run_scoped3A : memref<!tpu.dma_semaphore, #tpu.memory_space<semaphore_mem>>)
      %dma_wait3A = arith.constant 0 : i32
      %dma_wait3A_105 = tpu.memref_slice %arg4[%arg0, %mul3A_28, %dma_wait3A] : memref<2x10000x128xf32, #tpu.memory_space<hbm>> -> memref<1x624x128xf32, #tpu.memory_space<hbm>>
      %dma_wait3A_106 = tpu.memref_squeeze %dma_wait3A_105 : memref<1x624x128xf32, #tpu.memory_space<hbm>> -> memref<624x128xf32, #tpu.memory_space<hbm>>
      %dma_wait3A_107 = arith.constant 0 : i32
      %dma_wait3A_108 = tpu.memref_slice %arg5[%mul3A_28, %dma_wait3A_107] : memref<10000x128xf32, #tpu.memory_space<vmem_shared>> -> memref<624x128xf32, #tpu.memory_space<vmem_shared>>
      tpu.wait_dma2 semaphore(%run_scoped3A : memref<!tpu.dma_semaphore, #tpu.memory_space<semaphore_mem>>) src(%dma_wait3A_108 : memref<624x128xf32, #tpu.memory_space<vmem_shared>>) dst(%dma_wait3A_106 : memref<624x128xf32, #tpu.memory_space<hbm>>)
      tpu.yield
    }) : () -> ()
    %eq3A_95 = arith.constant 15 : i32
    %eq3A_96 = arith.cmpi eq, %arg1, %eq3A_95 : i32
    %convert_element_type3A_97 = arith.extui %eq3A_96 : i1 to i32
    %cond3A_98 = arith.constant 0 : i32
    %cond3A_99 = arith.cmpi ne, %convert_element_type3A_97, %cond3A_98 : i32
    scf.if %cond3A_99 {
      "tpu.region"() ({
        %run_scoped3A = tpu.sem_alloc : memref<!tpu.dma_semaphore, #tpu.memory_space<semaphore_mem>>
        %dma_start3A_100 = arith.constant 9984 : i32
        %dma_start3A_101 = arith.constant 0 : i32
        %dma_start3A_102 = tpu.memref_slice %arg4[%arg0, %dma_start3A_100, %dma_start3A_101] : memref<2x10000x128xf32, #tpu.memory_space<hbm>> -> memref<1x16x128xf32, #tpu.memory_space<hbm>>
        %dma_start3A_103 = tpu.memref_squeeze %dma_start3A_102 : memref<1x16x128xf32, #tpu.memory_space<hbm>> -> memref<16x128xf32, #tpu.memory_space<hbm>>
        %dma_start3A_104 = arith.constant 9984 : i32
        %dma_start3A_105 = arith.constant 0 : i32
        %dma_start3A_106 = tpu.memref_slice %arg5[%dma_start3A_104, %dma_start3A_105] : memref<10000x128xf32, #tpu.memory_space<vmem_shared>> -> memref<16x128xf32, #tpu.memory_space<vmem_shared>>
        tpu.enqueue_dma source(%dma_start3A_106 : memref<16x128xf32, #tpu.memory_space<vmem_shared>>) target(%dma_start3A_103 : memref<16x128xf32, #tpu.memory_space<hbm>>) target_semaphore(%run_scoped3A : memref<!tpu.dma_semaphore, #tpu.memory_space<semaphore_mem>>)
        %dma_wait3A = arith.constant 9984 : i32
        %dma_wait3A_107 = arith.constant 0 : i32
        %dma_wait3A_108 = tpu.memref_slice %arg4[%arg0, %dma_wait3A, %dma_wait3A_107] : memref<2x10000x128xf32, #tpu.memory_space<hbm>> -> memref<1x16x128xf32, #tpu.memory_space<hbm>>
        %dma_wait3A_109 = tpu.memref_squeeze %dma_wait3A_108 : memref<1x16x128xf32, #tpu.memory_space<hbm>> -> memref<16x128xf32, #tpu.memory_space<hbm>>
        %dma_wait3A_110 = arith.constant 9984 : i32
        %dma_wait3A_111 = arith.constant 0 : i32
        %dma_wait3A_112 = tpu.memref_slice %arg5[%dma_wait3A_110, %dma_wait3A_111] : memref<10000x128xf32, #tpu.memory_space<vmem_shared>> -> memref<16x128xf32, #tpu.memory_space<vmem_shared>>
        tpu.wait_dma2 semaphore(%run_scoped3A : memref<!tpu.dma_semaphore, #tpu.memory_space<semaphore_mem>>) src(%dma_wait3A_112 : memref<16x128xf32, #tpu.memory_space<vmem_shared>>) dst(%dma_wait3A_109 : memref<16x128xf32, #tpu.memory_space<hbm>>)
        tpu.yield
      }) : () -> ()
    } else {
    }
    return
  }
}

module attributes {stable_mosaic.version = 14 : i64} {
  func.func @_mid_body(%arg0: i32, %arg1: memref<2x2000x128xf32, #tpu.memory_space<vmem>>, %arg2: memref<2000x128xf32, #tpu.memory_space<vmem>>, %arg3: memref<2000x1xf32, #tpu.memory_space<vmem>>, %arg4: memref<1x128xf32, #tpu.memory_space<vmem>>, %arg5: memref<128x128xf32, #tpu.memory_space<vmem>>, %arg6: memref<2000x128xf32, #tpu.memory_space<vmem>>) attributes {dimension_semantics = [#tpu.dimension_semantics<arbitrary>], iteration_bounds = array<i64: 5>, scalar_prefetch = 0 : i64, scratch_operands = 0 : i64, tpu.core_type = #tpu.core_type<tc>, window_params = [{transform_indices = @transform_0, window_bounds = array<i64: 2, 2000, 128>}, {transform_indices = @transform_1, window_bounds = array<i64: 2000, 128>}, {transform_indices = @transform_2, window_bounds = array<i64: 2000, 1>}, {pipeline_mode = #tpu.pipeline_mode<synchronous>, transform_indices = @transform_3, window_bounds = array<i64: 1, 128>}, {pipeline_mode = #tpu.pipeline_mode<synchronous>, transform_indices = @transform_4, window_bounds = array<i64: 128, 128>}, {transform_indices = @transform_5, window_bounds = array<i64: 2000, 128>}]} {
    %get3A = arith.constant 0 : index
    %get3A_0 = arith.constant 0 : index
    %get3A_1 = vector.load %arg3[%get3A, %get3A_0] : memref<2000x1xf32, #tpu.memory_space<vmem>>, vector<2000x1xf32>
    %get3A_2 = arith.constant 0 : index
    %get3A_3 = arith.constant 0 : index
    %get3A_4 = arith.constant 0 : index
    %get3A_5 = vector.load %arg1[%get3A_2, %get3A_3, %get3A_4] : memref<2x2000x128xf32, #tpu.memory_space<vmem>>, vector<1x2000x128xf32>
    %get3A_6 = vector.shape_cast %get3A_5 : vector<1x2000x128xf32> to vector<2000x128xf32>
    %get3A_7 = arith.constant 1 : index
    %get3A_8 = arith.constant 0 : index
    %get3A_9 = arith.constant 0 : index
    %get3A_10 = vector.load %arg1[%get3A_7, %get3A_8, %get3A_9] : memref<2x2000x128xf32, #tpu.memory_space<vmem>>, vector<1x2000x128xf32>
    %get3A_11 = vector.shape_cast %get3A_10 : vector<1x2000x128xf32> to vector<2000x128xf32>
    %add3A = arith.addf %get3A_6, %get3A_11 : vector<2000x128xf32>
    %get3A_12 = arith.constant 0 : index
    %get3A_13 = arith.constant 0 : index
    %get3A_14 = vector.load %arg2[%get3A_12, %get3A_13] : memref<2000x128xf32, #tpu.memory_space<vmem>>, vector<2000x128xf32>
    %add3A_15 = arith.addf %add3A, %get3A_14 : vector<2000x128xf32>
    %mul3A = vector.broadcast %get3A_1 : vector<2000x1xf32> to vector<2000x128xf32>
    %mul3A_16 = arith.mulf %mul3A, %add3A_15 : vector<2000x128xf32>
    %get3A_17 = arith.constant 0 : index
    %get3A_18 = arith.constant 0 : index
    %get3A_19 = vector.load %arg4[%get3A_17, %get3A_18] : memref<1x128xf32, #tpu.memory_space<vmem>>, vector<1x128xf32>
    %add3A_20 = vector.broadcast %get3A_19 : vector<1x128xf32> to vector<2000x128xf32>
    %add3A_21 = arith.addf %mul3A_16, %add3A_20 : vector<2000x128xf32>
    %max3A = arith.constant 0.000000e+00 : f32
    %max3A_22 = vector.broadcast %max3A : f32 to vector<2000x128xf32>
    %max3A_23 = arith.maximumf %add3A_21, %max3A_22 : vector<2000x128xf32>
    %get3A_24 = arith.constant 0 : index
    %get3A_25 = arith.constant 0 : index
    %get3A_26 = vector.load %arg5[%get3A_24, %get3A_25] : memref<128x128xf32, #tpu.memory_space<vmem>>, vector<128x128xf32>
    %dot_general3A = arith.constant dense<0.000000e+00> : vector<2000x128xf32>
    %dot_general3A_27 = tpu.matmul %max3A_23, %get3A_26, %dot_general3A {dimension_numbers = #tpu.dot_dimension_numbers<[1], [0], [0], [1], [0, 0, 1, 1], [], []>, transpose_lhs_hint = false} : vector<2000x128xf32>, vector<128x128xf32>, vector<2000x128xf32> -> vector<2000x128xf32>
    %mul3A_28 = vector.broadcast %get3A_1 : vector<2000x1xf32> to vector<2000x128xf32>
    %mul3A_29 = arith.mulf %mul3A_28, %dot_general3A_27 : vector<2000x128xf32>
    %swap3A = arith.constant 0 : index
    %swap3A_30 = arith.constant 0 : index
    %swap3A_31 = vector.load %arg6[%swap3A, %swap3A_30] : memref<2000x128xf32, #tpu.memory_space<vmem>>, vector<2000x128xf32>
    tpu.vector_store %arg6[%swap3A, %swap3A_30], %mul3A_29 {strides = array<i32>} : memref<2000x128xf32, #tpu.memory_space<vmem>>, vector<2000x128xf32>,
    return
  }
  func.func @transform_0(%arg0: i32) -> (i32, i32, i32) {
    %c0_i32 = arith.constant 0 : i32
    %c0_i32_0 = arith.constant 0 : i32
    %c0_i32_1 = arith.constant 0 : i32
    return %c0_i32, %arg0, %c0_i32_0 : i32, i32, i32
  }
  func.func @transform_1(%arg0: i32) -> (i32, i32) {
    %c0_i32 = arith.constant 0 : i32
    %c0_i32_0 = arith.constant 0 : i32
    return %arg0, %c0_i32 : i32, i32
  }
  func.func @transform_2(%arg0: i32) -> (i32, i32) {
    %c0_i32 = arith.constant 0 : i32
    %c0_i32_0 = arith.constant 0 : i32
    return %arg0, %c0_i32 : i32, i32
  }
  func.func @transform_3(%arg0: i32) -> (i32, i32) {
    %c0_i32 = arith.constant 0 : i32
    %c0_i32_0 = arith.constant 0 : i32
    %c0_i32_1 = arith.constant 0 : i32
    return %c0_i32, %c0_i32_0 : i32, i32
  }
  func.func @transform_4(%arg0: i32) -> (i32, i32) {
    %c0_i32 = arith.constant 0 : i32
    %c0_i32_0 = arith.constant 0 : i32
    %c0_i32_1 = arith.constant 0 : i32
    return %c0_i32, %c0_i32_0 : i32, i32
  }
  func.func @transform_5(%arg0: i32) -> (i32, i32) {
    %c0_i32 = arith.constant 0 : i32
    %c0_i32_0 = arith.constant 0 : i32
    return %arg0, %c0_i32 : i32, i32
  }
}

module attributes {stable_mosaic.version = 14 : i64} {
  func.func @_mm0_body(%arg0: i32, %arg1: memref<2000x128xf32, #tpu.memory_space<vmem>>, %arg2: memref<128x128xf32, #tpu.memory_space<vmem>>, %arg3: memref<2000x128xf32, #tpu.memory_space<vmem>>) attributes {dimension_semantics = [#tpu.dimension_semantics<arbitrary>], iteration_bounds = array<i64: 5>, scalar_prefetch = 0 : i64, scratch_operands = 0 : i64, tpu.core_type = #tpu.core_type<tc>, window_params = [{transform_indices = @transform_0, window_bounds = array<i64: 2000, 128>}, {pipeline_mode = #tpu.pipeline_mode<synchronous>, transform_indices = @transform_1, window_bounds = array<i64: 128, 128>}, {transform_indices = @transform_2, window_bounds = array<i64: 2000, 128>}]} {
    %get3A = arith.constant 0 : index
    %get3A_0 = arith.constant 0 : index
    %get3A_1 = vector.load %arg1[%get3A, %get3A_0] : memref<2000x128xf32, #tpu.memory_space<vmem>>, vector<2000x128xf32>
    %get3A_2 = arith.constant 0 : index
    %get3A_3 = arith.constant 0 : index
    %get3A_4 = vector.load %arg2[%get3A_2, %get3A_3] : memref<128x128xf32, #tpu.memory_space<vmem>>, vector<128x128xf32>
    %dot_general3A = arith.constant dense<0.000000e+00> : vector<2000x128xf32>
    %dot_general3A_5 = tpu.matmul %get3A_1, %get3A_4, %dot_general3A {dimension_numbers = #tpu.dot_dimension_numbers<[1], [0], [0], [1], [0, 0, 1, 1], [], []>, transpose_lhs_hint = false} : vector<2000x128xf32>, vector<128x128xf32>, vector<2000x128xf32> -> vector<2000x128xf32>
    %swap3A = arith.constant 0 : index
    %swap3A_6 = arith.constant 0 : index
    %swap3A_7 = vector.load %arg3[%swap3A, %swap3A_6] : memref<2000x128xf32, #tpu.memory_space<vmem>>, vector<2000x128xf32>
    tpu.vector_store %arg3[%swap3A, %swap3A_6], %dot_general3A_5 {strides = array<i32>} : memref<2000x128xf32, #tpu.memory_space<vmem>>, vector<2000x128xf32>,
    return
  }
  func.func @transform_0(%arg0: i32) -> (i32, i32) {
    %c0_i32 = arith.constant 0 : i32
    %c0_i32_0 = arith.constant 0 : i32
    return %arg0, %c0_i32 : i32, i32
  }
  func.func @transform_1(%arg0: i32) -> (i32, i32) {
    %c0_i32 = arith.constant 0 : i32
    %c0_i32_0 = arith.constant 0 : i32
    %c0_i32_1 = arith.constant 0 : i32
    return %c0_i32, %c0_i32_0 : i32, i32
  }
  func.func @transform_2(%arg0: i32) -> (i32, i32) {
    %c0_i32 = arith.constant 0 : i32
    %c0_i32_0 = arith.constant 0 : i32
    return %arg0, %c0_i32 : i32, i32
  }
}

module attributes {stable_mosaic.version = 14 : i64} {
  func.func @_scale_body(%arg0: memref<32x10000xf32, #tpu.memory_space<vmem>>, %arg1: memref<10000x128xf32, #tpu.memory_space<vmem>>, %arg2: memref<10000x1xf32, #tpu.memory_space<vmem>>, %arg3: memref<10000x128xf32, #tpu.memory_space<vmem>>) attributes {dimension_semantics = [], scalar_prefetch = 0 : i64, scratch_operands = 0 : i64, tpu.core_type = #tpu.core_type<tc>} {
    %get3A = arith.constant 0 : index
    %get3A_0 = arith.constant 0 : index
    %get3A_1 = vector.load %arg0[%get3A, %get3A_0] : memref<32x10000xf32, #tpu.memory_space<vmem>>, vector<32x10000xf32>
    %reduce_sum3A = arith.constant dense<0.000000e+00> : vector<10000xf32>
    %reduce_sum3A_2 = vector.multi_reduction <add>, %get3A_1, %reduce_sum3A [0] : vector<32x10000xf32> to vector<10000xf32>
    %add3A = arith.constant 1.000000e+00 : f32
    %add3A_3 = vector.broadcast %add3A : f32 to vector<10000xf32>
    %add3A_4 = arith.addf %add3A_3, %reduce_sum3A_2 : vector<10000xf32>
    %rsqrt3A = math.rsqrt %add3A_4 : vector<10000xf32>
    %broadcast_in_dim3A = vector.shape_cast %rsqrt3A : vector<10000xf32> to vector<10000x1xf32>
    %swap3A = arith.constant 0 : index
    %swap3A_5 = arith.constant 0 : index
    %swap3A_6 = vector.load %arg2[%swap3A, %swap3A_5] : memref<10000x1xf32, #tpu.memory_space<vmem>>, vector<10000x1xf32>
    tpu.vector_store %arg2[%swap3A, %swap3A_5], %broadcast_in_dim3A {strides = array<i32>} : memref<10000x1xf32, #tpu.memory_space<vmem>>, vector<10000x1xf32>,
    %get3A_7 = arith.constant 0 : index
    %get3A_8 = arith.constant 0 : index
    %get3A_9 = vector.load %arg1[%get3A_7, %get3A_8] : memref<10000x128xf32, #tpu.memory_space<vmem>>, vector<10000x128xf32>
    %mul3A = vector.broadcast %broadcast_in_dim3A : vector<10000x1xf32> to vector<10000x128xf32>
    %mul3A_10 = arith.mulf %mul3A, %get3A_9 : vector<10000x128xf32>
    %swap3A_11 = arith.constant 0 : index
    %swap3A_12 = arith.constant 0 : index
    %swap3A_13 = vector.load %arg3[%swap3A_11, %swap3A_12] : memref<10000x128xf32, #tpu.memory_space<vmem>>, vector<10000x128xf32>
    tpu.vector_store %arg3[%swap3A_11, %swap3A_12], %mul3A_10 {strides = array<i32>} : memref<10000x128xf32, #tpu.memory_space<vmem>>, vector<10000x128xf32>,
    return
  }
}

module attributes {stable_mosaic.version = 14 : i64} {
  func.func @_final_body(%arg0: i32, %arg1: memref<2x2000x128xf32, #tpu.memory_space<vmem>>, %arg2: memref<2000x128xf32, #tpu.memory_space<vmem>>, %arg3: memref<2000x1xf32, #tpu.memory_space<vmem>>, %arg4: memref<1x128xf32, #tpu.memory_space<vmem>>, %arg5: memref<2000x128xf32, #tpu.memory_space<vmem>>) attributes {dimension_semantics = [#tpu.dimension_semantics<arbitrary>], iteration_bounds = array<i64: 5>, scalar_prefetch = 0 : i64, scratch_operands = 0 : i64, tpu.core_type = #tpu.core_type<tc>, window_params = [{transform_indices = @transform_0, window_bounds = array<i64: 2, 2000, 128>}, {transform_indices = @transform_1, window_bounds = array<i64: 2000, 128>}, {transform_indices = @transform_2, window_bounds = array<i64: 2000, 1>}, {pipeline_mode = #tpu.pipeline_mode<synchronous>, transform_indices = @transform_3, window_bounds = array<i64: 1, 128>}, {transform_indices = @transform_4, window_bounds = array<i64: 2000, 128>}]} {
    %get3A = arith.constant 0 : index
    %get3A_0 = arith.constant 0 : index
    %get3A_1 = vector.load %arg3[%get3A, %get3A_0] : memref<2000x1xf32, #tpu.memory_space<vmem>>, vector<2000x1xf32>
    %get3A_2 = arith.constant 0 : index
    %get3A_3 = arith.constant 0 : index
    %get3A_4 = arith.constant 0 : index
    %get3A_5 = vector.load %arg1[%get3A_2, %get3A_3, %get3A_4] : memref<2x2000x128xf32, #tpu.memory_space<vmem>>, vector<1x2000x128xf32>
    %get3A_6 = vector.shape_cast %get3A_5 : vector<1x2000x128xf32> to vector<2000x128xf32>
    %get3A_7 = arith.constant 1 : index
    %get3A_8 = arith.constant 0 : index
    %get3A_9 = arith.constant 0 : index
    %get3A_10 = vector.load %arg1[%get3A_7, %get3A_8, %get3A_9] : memref<2x2000x128xf32, #tpu.memory_space<vmem>>, vector<1x2000x128xf32>
    %get3A_11 = vector.shape_cast %get3A_10 : vector<1x2000x128xf32> to vector<2000x128xf32>
    %add3A = arith.addf %get3A_6, %get3A_11 : vector<2000x128xf32>
    %get3A_12 = arith.constant 0 : index
    %get3A_13 = arith.constant 0 : index
    %get3A_14 = vector.load %arg2[%get3A_12, %get3A_13] : memref<2000x128xf32, #tpu.memory_space<vmem>>, vector<2000x128xf32>
    %add3A_15 = arith.addf %add3A, %get3A_14 : vector<2000x128xf32>
    %mul3A = vector.broadcast %get3A_1 : vector<2000x1xf32> to vector<2000x128xf32>
    %mul3A_16 = arith.mulf %mul3A, %add3A_15 : vector<2000x128xf32>
    %get3A_17 = arith.constant 0 : index
    %get3A_18 = arith.constant 0 : index
    %get3A_19 = vector.load %arg4[%get3A_17, %get3A_18] : memref<1x128xf32, #tpu.memory_space<vmem>>, vector<1x128xf32>
    %add3A_20 = vector.broadcast %get3A_19 : vector<1x128xf32> to vector<2000x128xf32>
    %add3A_21 = arith.addf %mul3A_16, %add3A_20 : vector<2000x128xf32>
    %swap3A = arith.constant 0 : index
    %swap3A_22 = arith.constant 0 : index
    %swap3A_23 = vector.load %arg5[%swap3A, %swap3A_22] : memref<2000x128xf32, #tpu.memory_space<vmem>>, vector<2000x128xf32>
    tpu.vector_store %arg5[%swap3A, %swap3A_22], %add3A_21 {strides = array<i32>} : memref<2000x128xf32, #tpu.memory_space<vmem>>, vector<2000x128xf32>,
    return
  }
  func.func @transform_0(%arg0: i32) -> (i32, i32, i32) {
    %c0_i32 = arith.constant 0 : i32
    %c0_i32_0 = arith.constant 0 : i32
    %c0_i32_1 = arith.constant 0 : i32
    return %c0_i32, %arg0, %c0_i32_0 : i32, i32, i32
  }
  func.func @transform_1(%arg0: i32) -> (i32, i32) {
    %c0_i32 = arith.constant 0 : i32
    %c0_i32_0 = arith.constant 0 : i32
    return %arg0, %c0_i32 : i32, i32
  }
  func.func @transform_2(%arg0: i32) -> (i32, i32) {
    %c0_i32 = arith.constant 0 : i32
    %c0_i32_0 = arith.constant 0 : i32
    return %arg0, %c0_i32 : i32, i32
  }
  func.func @transform_3(%arg0: i32) -> (i32, i32) {
    %c0_i32 = arith.constant 0 : i32
    %c0_i32_0 = arith.constant 0 : i32
    %c0_i32_1 = arith.constant 0 : i32
    return %c0_i32, %c0_i32_0 : i32, i32
  }
  func.func @transform_4(%arg0: i32) -> (i32, i32) {
    %c0_i32 = arith.constant 0 : i32
    %c0_i32_0 = arith.constant 0 : i32
    return %arg0, %c0_i32 : i32, i32
  }
}

</mosaic_0001>

<sc_bundles>
// kernel: kernel.15.cloned.1.call-start
scs
__scs_entry_jumppad:
0x0: {  	(pc) =	sbr.rel $0x88, $3  }
0x1: {  	(tag) =	ssettag $0x0;
	lr =	simm.s32 $0x1  }
0x2: {  	[smem:$0x3F95] =	sst lr;
	_ =	strace $0xD0000000  }
0x3: {  	_ = 	snop  }
0x4: {  	_ = 	snop  }
0x5: {  	_ = 	snop  }
0x6: {  	_ = 	snop  }
0x7: {  	_ = 	snop  }
__scs_overlays_trampoline_lowered:
0x8: {  	[smem:$0x3FA4] =	sst s0  }
0x9: {  	[smem:$0x3FA5] =	sst s1  }
0xa: {  	[smem:$0x3FA6] =	sst s2  }
0xb: {  	[smem:$0x3FA7] =	sst s3  }
0xc: {  	[smem:$0x3FA8] =	sst s4  }
0xd: {  	[smem:$0x3FA9] =	sst s5  }
0xe: {  	[smem:$0x3FAA] =	sst s6  }
0xf: {  	[smem:$0x3FAB] =	sst s7  }
0x10: {  	[smem:$0x3FAC] =	sst s8  }
0x11: {  	[smem:$0x3FAD] =	sst s9;
	s0 =	simm.s32 @!p0 $0x0  }
0x12: {  	s1 =	sld [smem:$0x3F93];
	s0 =	simm.s32 @p0 $0x1  }
0x13: {  	[smem:$0x3FAE] =	sst s0;
	s0 =	simm.s32 @!p1 $0x0  }
0x14: {  	s2 =	sld [smem:$0x3F92];
	s0 =	simm.s32 @p1 $0x1  }
0x15: {  	[smem:$0x3FAF] =	sst s0;
	s0 =	simm.s32 @!p2 $0x0  }
0x16: {  	s3 =	sld [smem:$0x3FDB];
	s0 =	simm.s32 @p2 $0x1  }
0x17: {  	s4 =	simm.s32 $0x1BF5;
	[smem:$0x3FB1] =	sst s0  }
0x18: {  	s0 =	sld [smem:$0x3F94];
	_ =	swait.ge [sflag:s4], $0x0  }
0x19: {  	s7 =	sld [smem:$0x3F95]  }
0x1a: {  	s8 =	sadd.s32 $0xFFFFE003, lr  }
0x1b: {  	s9 =	sadd.s32 $0xFFFFFEF7, lr;
	s5 =	simm.s32 $0xFFFFFFFF;
	p2 =	slt.u32 s8, $0xFFFFF086  }
0x1c: {  	p1 =	slt.u32 s9, $0xF7A;
	s5 =	simm.s32 @!p2 $0x0  }
0x1d: {  	s5 =	simm.s32 @p1 $0x1;
	p0 =	seq.s32 s7, s2  }
0x1e: {  	s7 =	smul.u32 @!p0 $0xF7A, s2;
	p2 =	seq.s32 @!p0 s5, $0x0  }
0x1f: {  	s9 =	smul.u32 $0xF7A, s1;
	s8 =	simm.s32 @!p0 $0x1BF5;
	p2 =	por !p2, p0  }
0x20: {  	[sflag:s8] =	ssyncset.s32 @!p0 $0xFFFFF086;
	s6 =	sadd.s32 @!p0 s3, s7;
	s7 =	simm.s32 @!p0 $0x108  }
0x21: {  	s3 =	sadd.s32 s3, s9;
	s6 =	sadd.s32 @!p0 $0x88, s6;
	s7 =	simm.s32 @p2 $0x1082  }
0x22: {  	[simem:s7], [sflag:s8] =	dma.local @!p0 [hbm:s6], $0xF7A  }
0x23: {  	s9 =	sor.u32 $0xD0000000, s2;
	s6 =	simm.s32 $0x108;
	_ =	swait.ge @!p0 [sflag:s8], $0x0  }
0x24: {  	s3 =	sadd.s32 $0x88, s3;
	s6 =	simm.s32 @!p1 $0x1082;
	[sflag:s4] =	ssyncset.s32 $0xFFFFF086  }
0x25: {  	[simem:s6], [sflag:s4] =	dma.local [hbm:s3], $0xF7A  }
0x26: {  	[smem:$0x3F95] =	sst s1;
	(tag) =	ssettag s2;
	_ =	strace s9  }
0x27: {  	s1 =	sld [smem:$0x3FA5]  }
0x28: {  	s2 =	sld [smem:$0x3FA6]  }
0x29: {  	s4 =	sld [smem:$0x3FA8]  }
0x2a: {  	p0 =	seq.s32 s5, $0x0;
	s5 =	sld [smem:$0x3FA9]  }
0x2b: {  	s6 =	sld [smem:$0x3FAA]  }
0x2c: {  	s7 =	sld [smem:$0x3FAB]  }
0x2d: {  	s3 =	simm.s32 $0x108;
	s8 =	sld [smem:$0x3FAC]  }
0x2e: {  	s3 =	simm.s32 @!p0 $0x1082;
	s9 =	sld [smem:$0x3FAD]  }
0x2f: {  	lr =	sadd.s32 s0, s3;
	s0 =	sld [smem:$0x3FA4]  }
0x30: {  	s3 =	sld [smem:$0x3FA7]  }
0x31: {  	[smem:$0x3FB0] =	sst s10  }
0x32: {  	s10 =	sld [smem:$0x3FAE];
	_ =	sdelay $0x3  }
0x33: {  	p0 =	seq.s32 s10, $0x1;
	s10 =	sld [smem:$0x3FB0];
	_ =	sdelay $0x3  }
0x34: {  	[smem:$0x3FB0] =	sst s10  }
0x35: {  	s10 =	sld [smem:$0x3FAF];
	_ =	sdelay $0x3  }
0x36: {  	p1 =	seq.s32 s10, $0x1;
	s10 =	sld [smem:$0x3FB0];
	_ =	sdelay $0x3  }
0x37: {  	[smem:$0x3FB0] =	sst s10  }
0x38: {  	s10 =	sld [smem:$0x3FB1]  }
0x39: {  	_ = 	snop;
	(pc) =	sbr.ind lr, $3  }
0x3a: {  	_ = 	snop  }
0x3b: {  	_ = 	snop  }
0x3c: {  	p2 =	seq.s32 s10, $0x1;
	s10 =	sld [smem:$0x3FB0]  }
0x3d: {  	_ =	shalt  }
0x3e: {  	_ =	shalt  }
0x3f: {  	_ =	shalt  }
0x40: {  	_ =	shalt  }
0x41: {  	_ =	shalt  }
0x42: {  	_ =	shalt  }
0x43: {  	_ =	shalt  }
0x44: {  	_ =	shalt  }
0x45: {  	_ =	shalt  }
0x46: {  	_ =	shalt  }
0x47: {  	_ =	shalt  }
0x48: {  	_ =	shalt  }
0x49: {  	_ =	shalt  }
0x4a: {  	_ =	shalt  }
0x4b: {  	_ =	shalt  }
0x4c: {  	_ =	shalt  }
0x4d: {  	_ =	shalt  }
0x4e: {  	_ =	shalt  }
0x4f: {  	_ =	shalt  }
0x50: {  	_ =	shalt  }
0x51: {  	_ =	shalt  }
0x52: {  	_ =	shalt  }
0x53: {  	_ =	shalt  }
0x54: {  	_ =	shalt  }
0x55: {  	_ =	shalt  }
0x56: {  	_ =	shalt  }
0x57: {  	_ =	shalt  }
0x58: {  	_ =	shalt  }
0x59: {  	_ =	shalt  }
0x5a: {  	_ =	shalt  }
0x5b: {  	_ =	shalt  }
0x5c: {  	_ =	shalt  }
0x5d: {  	_ =	shalt  }
0x5e: {  	_ =	shalt  }
0x5f: {  	_ =	shalt  }
0x60: {  	_ =	shalt  }
0x61: {  	_ =	shalt  }
0x62: {  	_ =	shalt  }
0x63: {  	_ =	shalt  }
0x64: {  	_ =	shalt  }
0x65: {  	_ =	shalt  }
0x66: {  	_ =	shalt  }
0x67: {  	_ =	shalt  }
0x68: {  	_ =	shalt  }
0x69: {  	_ =	shalt  }
0x6a: {  	_ =	shalt  }
0x6b: {  	_ =	shalt  }
0x6c: {  	_ =	shalt  }
0x6d: {  	_ =	shalt  }
0x6e: {  	_ =	shalt  }
0x6f: {  	_ =	shalt  }
0x70: {  	_ =	shalt  }
0x71: {  	_ =	shalt  }
0x72: {  	_ =	shalt  }
0x73: {  	_ =	shalt  }
0x74: {  	_ =	shalt  }
0x75: {  	_ =	shalt  }
0x76: {  	_ =	shalt  }
0x77: {  	_ =	shalt  }
0x78: {  	_ =	shalt  }
0x79: {  	_ =	shalt  }
0x7a: {  	_ =	shalt  }
0x7b: {  	_ =	shalt  }
0x7c: {  	_ =	shalt  }
0x7d: {  	_ =	shalt  }
0x7e: {  	_ =	shalt  }
0x7f: {  	_ =	shalt  }
0x80: {  	_ =	shalt  }
0x81: {  	_ =	shalt  }
0x82: {  	_ =	shalt  }
0x83: {  	_ =	shalt  }
0x84: {  	_ =	shalt  }
0x85: {  	_ =	shalt  }
0x86: {  	_ =	shalt  }
0x87: {  	_ =	shalt  }
.Lfunc_end0:
.L_simem_size_0:
called_computation_lowered:
.L_overlay_start_0:
0x88: {  	s2 =	sld [smem:$0x3FD9]  }
0x89: {  	s3 =	sld [smem:$0x3FFE];
	_ =	sdelay $0x1  }
0x8a: {  	s1 =	srdreg.scid  }
0x8b: {  	s0 =	sand.u32 $0x1, s1  }
0x8c: {  	s18 =	sshll.u32 s0, $0xA;
	s2 =	sadd.s32 s3, s2  }
0x8d: {  	s2 =	sadd.s32 s2, s18  }
0x8e: {  	[smem:$0x3FBC] =	sst s2  }
0x8f: {  	_ = 	snop  }
0x90: {  	s2 =	sld [smem:$0x3FC8]  }
0x91: {  	s19 =	sld [smem:$0x3FD0];
	(tm) =	ssettm $0x1  }
0x92: {  	s4 =	sld [smem:$0x3FFB];
	_ =	sdelay $0x3  }
0x93: {  	_ =	strace s4  }
0x94: {  	s4 =	sld [smem:$0x3FFC];
	_ =	sdelay $0x3  }
0x95: {  	_ =	strace s4  }
0x96: {  	s4 =	sld [smem:$0x3FFD];
	_ =	sdelay $0x3  }
0x97: {  	_ =	strace s4  }
0x98: {  	_ =	strace $0x8FFFFFFF  }
0x99: {  	s20 =	sld [smem:$0x3FDB];
	_ =	sdelay $0x1  }
0x9a: {  	s5 =	simm.s32 $_scs_section_size  }
0x9b: {  	s6 =	simm.s32 $_size__tile_overlayer_lowered;
	s7 =	simm.s32 $_tile_overlayer_lowered  }
0x9c: {  	s23 =	simm.s32 $0x1BFF;
	s22 =	sshll.u32 s7, $0x1;
	s4 =	sadd.s32 s5, s20  }
0x9d: {  	s8 =	simm.s32 $0x0;
	s21 =	sshll.u32 s6, $0x1;
	s6 =	sadd.s32 s22, s4  }
0x9e: {  	[timem:s8], [sflag:s23] =	dma.local [hbm:s6], s21  }
0x9f: {  	_ =	swait.ge [sflag:s23], s21  }
0xa0: {  	s5 =	ssub.s32 $0x0, s21;
	[sflag:s23] =	ssyncset.done $0x0  }
0xa1: {  	[sflag:s23] =	ssyncadd.s32 s5;
	_ =	sdelay $0x1  }
0xa2: {  	s24 =	simm.s32 $0x1B8B  }
0xa3: {  	_ =	swait.ge [sflag:s24], $0x1  }
0xa4: {  	[sflag:s24] =	ssyncset.done $0x0  }
0xa5: {  	s25 =	simm.s32 $0x1B8E;
	[sflag:s24] =	ssyncadd.s32 $0xFFFFFFFF  }
0xa6: {  	s26 =	simm.s32 $execute0_lowered;
	[smem:$0x3FD2] =	sst s25  }
0xa7: {  	s5 =	sshll.u32 s26, $0x1;
	_ =	strace $0x80000046;
	[dreg:$0x1] =	wrdreg $0xFFFFFFFF  }
0xa8: {  	s28 =	simm.s32 $_size_execute0_lowered;
	s4 =	sadd.s32 s4, s5;
	[dreg:$0x0] =	wrdreg $0x0  }
0xa9: {  	s5 =	sshll.u32 s28, $0x1;
	[dreg:$0x2] =	wrdreg s4  }
0xaa: {  	[dreg:$0x3] =	wrdreg s5  }
0xab: {  	[dreg:$0x4] =	wrdreg $0xC0  }
0xac: {  	_ =	task [dreg:s8], $0x5FFFF  }
0xad: {  	[dreg:$0x1] =	wrdreg $0xFFFFFFFF  }
0xae: {  	[dreg:$0x0] =	wrdreg $0x60  }
0xaf: {  	[dreg:$0x2] =	wrdreg s2  }
0xb0: {  	[dreg:$0x3] =	wrdreg s19  }
0xb1: {  	[dreg:$0x4] =	wrdreg $0x9  }
0xb2: {  	_ =	task.clear_ibuf [dreg:s8], $0x5FFFF;
	_ =	strace $0x90000046  }
0xb3: {  	s29 =	simm.s32 $0x9;
	_ =	strace $0x80000048  }
0xb4: {  	_ =	swait.ge [sflag:s29], $0x1  }
0xb5: {  	[sflag:s29] =	ssyncadd.s32 $0xFFFFFFFF  }
0xb6: {  	_ =	strace $0x90000048  }
0xb7: {  	_ =	sfence  }
0xb8: {  	s30 =	sld [smem:$0x0];
	_ =	sdelay $0x2  }
0xb9: {  	s31 =	sshll.u32 s1, $0xD;
	s1 =	sshrl.u32 s1, $0x2  }
0xba: {  	s3 =	sand.u32 $0x4000, s31;
	s1 =	sadd.s32 s1, s30  }
0xbb: {  	s0 =	sor.u32 s3, s0;
	s1 =	sshll.u32 s1, $0x11  }
0xbc: {  	s0 =	sor.u32 s1, s0  }
0xbd: {  	s0 =	sadd.s32 $0x8F2B, s0  }
0xbe: {  	[sflag:s0] =	ssyncadd.remote.s32 $0x1  }
0xbf: {  	_ =	sfence.sel $0xFFFF  }
0xc0: {  	[dreg:$0x0] =	wrdreg $0xFFFFFFFF;
	(pc) =	sbr.abs _section_cstart, $3  }
0xc1: {  	[dreg:$0x1] =	wrdreg $0xFFFFFFFF  }
0xc2: {  	_ =	task.clear_ibuf [dreg:s8], $0x2FFFF;
	_ =	strace $0x9FFFFFFF  }
0xc3: {  	(tm) =	ssettm $0x7FFFFFFF  }
tec
execute0_lowered:
.L_overlay_start_1:
0x0: {  	(tag) =	ssettag $0x1  }
0x1: {  	s3 =	rddreg [dreg:$0x0]  }
0x2: {  	s4 =	rddreg [dreg:$0x1]  }
0x3: {  	s1 =	srdreg.scid;
	s0 =	rddreg [dreg:$0x2]  }
0x4: {  	s2 =	simm.s32 $0x0;
	s11 =	simm.s32 $0x400;
	s12 =	simm.s32 $0x2  }
0x5: {  	s13 =	simm.s32 $0x0;
	s5 =	sand.u32 $0x1, s1;
	[smem:$0x7FF] =	sst s2  }
0x6: {  	s1 =	stileid.u32;
	s6 =	sshll.u32 s5, $0x4;
	_ =	strace $0x80000047  }
0x7: {  	s5 =	ssub.s32 $0x2, s5;
	s8 =	sshll.u32 s1, $0x7;
	s10 =	smul.u32 $0x2710, s1  }
0x8: {  	s6 =	sor.u32 s1, s6;
	s9 =	sshrl.u32 s5, $0x1;
	s8 =	sand.u32 $0x380, s8  }
0x9: {  	s7 =	smul.u32 $0x2710, s6;
	s6 =	sshrl.u32 s6, $0x3;
	s5 =	ssub.s32 s5, s9  }
0xa: {  	s30 =	sshrl.u32 s10, $0x4;
	s9 =	simm.s32 $0x4F00;
	s6 =	smul.u32 $0x13C00, s6  }
0xb: {  	s10 =	simm.s32 $0x80;
	s31 =	sand.u32 $0x7, s30;
	s7 =	sshrl.u32 s7, $0x2  }
0xc: {  	s5 =	smax.u32 s5, $0x1;
	s6 =	sor.u32 s8, s6;
	s7 =	sand.u32 $0x1FFE0, s7  }
0xd: {  	s8 =	simm.s32 $0x1;
	s6 =	sshrl.u32 s6, $0x3;
	s3 =	sadd.s32 s3, s7  }
0xe: {  	v0 =	vimm.f32 $0.0e+00;
	v1 =	vimm.f32 $1.000000000e+00;
	s7 =	sshll.u32 s31, $0x4;
	s4 =	sadd.s32 s4, s6;
	s6 =	sshll.u32 s31, $0x5  }
.LBB2_1:
0xf: {  	[tilespmem:s2], [sflag:$0x1] =	stream.linear.gather [hbm4b:s3+s2], $0x4F00, $0x38;
	[tilespmem:$0x7680] =	vst v63  }
0x10: {  	s14 =	simm.s32 $0x40;
	s15 =	simm.s32 $0x0  }
.LBB2_2:
0x11: {  	p0 =	sne.s32 s14, $0x9C00;
	[tilespmem:s15+$0x4F00] =	vst v0;
	s15 =	smov.u32 s14;
	s14 =	sadd.s32 $0x40, s14  }
.Ltmp0:
0x12: {  	(pc) =	sbr.rel @p0 .LBB2_2-.Ltmp0, $2  }
0x13: {  	_ =	sdelay $0x2  }
0x14: {  	s15 =	sshra.s32 s15, $0x2  }
0x15: {  	[tilespmem:s15+$0x4F00] =	vst v0  }
0x16: {  	s14 =	sadd.s32 $0x0, s7;
	_ =	swait.ge [sflag:s8], $0x4F00  }
0x17: {  	s31 =	sand.u32 $0xFF00, s6;
	s14 =	sand.u32 $0x70, s14;
	[sflag:s8] =	ssyncset.done $0x0  }
0x18: {  	s14 =	sor.u32 s14, s31;
	[sflag:s8] =	ssyncadd.s32 $0xFFFFB100  }
0x19: {  	v2 =	vld [tilespmem:s14+$0x80];
	_ =	sdelay $0x5  }
0x1a: {  	s16 =	sadd.s32 $0x10, s7;
	s15 =	simm.s32 $0x20;
	s14 =	sadd.s32 $0x20, s6  }
.LBB2_4:
0x1b: {  	p0 =	sne.s32 s15, $0x2700;
	s16 =	sand.u32 $0x70, s16;
	s17 =	sand.u32 $0xFF00, s14  }
0x1c: {  	s16 =	sor.u32 s16, s17;
	[tilespmem:v2+s9+$0x0] =	vst.idx.add.f32.msk $0xffff, v1  }
0x1d: {  	v2 =	vld [tilespmem:s16+$0x80];
	_ =	sdelay $0x1  }
.Ltmp1:
0x1e: {  	(pc) =	sbr.rel @p0 .LBB2_4-.Ltmp1, $2  }
0x1f: {  	_ =	sdelay $0x2  }
0x20: {  	s14 =	sadd.s32 $0x20, s14;
	s16 =	sadd.s32 s15, s7;
	s15 =	sadd.s32 $0x10, s15  }
0x21: {  	_ =	sdelay $0x2  }
0x22: {  	s15 =	sand.u32 $0x70, s16;
	s14 =	sand.u32 $0xFF00, s14  }
0x23: {  	[tilespmem:v2+s9+$0x0] =	vst.idx.add.f32.msk $0xffff, v1;
	s14 =	sor.u32 s15, s14  }
0x24: {  	v2 =	vld [tilespmem:s14+$0x80];
	_ =	sdelay $0x5  }
0x25: {  	s13 =	sadd.s32 $0x1, s13  }
0x26: {  	p0 =	sne.s32 s13, s5  }
.Ltmp2:
0x27: {  	[tilespmem:v2+s9+$0x0] =	vst.idx.add.f32.msk $0xffff, v1;
	(pc) =	sbr.rel @p0 .LBB2_1-.Ltmp2, $4  }
0x28: {  	[hbm4b:s4+s10] =	stream.strided.scatter [tilespmem:s9], [sflag:$0x2], $0x2780, s11, s10, $0x38;
	[tilespmem:$0x7680] =	vst v63  }
0x29: {  	_ =	swait.ge [sflag:s12], $0x2780  }
0x2a: {  	[sflag:s12] =	ssyncset.done $0x0  }
0x2b: {  	[sflag:s12] =	ssyncadd.s32 $0xFFFFD880  }
0x2c: {  	_ =	sfence.sel $0x180000  }
0x2d: {  	[bflag:$0x0] =	sbarrier.arrive $0xFFFF  }
0x2e: {  	p0 =	sne.s32 s1, $0x0;
	_ =	strace $0x90000047  }
0x2f: {  	s0 =	sadd.s32 @!p0 $0x100000, s0;
	[bflag:$0x2] =	sbarrier.arrive $0xFFFF  }
0x30: {  	[sflag:s0] =	ssyncadd.tile.s32 @!p0 $0x1;
	_ =	shalt  }
.Lfunc_end2:
_tile_overlayer_lowered:
.L_overlay_start_2:
0x31: {  	(tag) =	ssettag $0x2  }
0x32: {  	s0 =	rddreg [dreg:$0x0];
	s2 =	stileid.u32  }
0x33: {  	s1 =	rddreg [dreg:$0x1];
	p0 =	sne.s32 s2, $0x0  }
0x34: {  	s3 =	rddreg [dreg:$0x2];
	[bflag:$0x3] =	sbarrier.arrive $0xFFFF;
	s2 =	simm.s32 @!p0 $0x1C02  }
0x35: {  	[timem:s3], [sflag:s2] =	dma.local @!p0 [hbm:s0], s1  }
0x36: {  	s0 =	simm.s32 @!p0 $0x2  }
0x37: {  	_ =	swait.ge @!p0 [sflag:s0], s1  }
0x38: {  	s1 =	ssub.s32 @!p0 $0x0, s1;
	[sflag:s0] =	ssyncset.done @!p0 $0x0  }
0x39: {  	[sflag:s0] =	ssyncadd.s32 @!p0 s1  }
0x3a: {  	[bflag:$0x3] =	sbarrier.arrive $0xFFFF  }
0x3b: {  	_ =	shalt  }

// kernel: kernel.18.cloned.1.call-start
scs
__scs_entry_jumppad:
0x0: {  	(pc) =	sbr.rel $0x88, $3  }
0x1: {  	(tag) =	ssettag $0x0;
	lr =	simm.s32 $0x1  }
0x2: {  	[smem:$0x3F95] =	sst lr;
	_ =	strace $0xD0000000  }
0x3: {  	_ = 	snop  }
0x4: {  	_ = 	snop  }
0x5: {  	_ = 	snop  }
0x6: {  	_ = 	snop  }
0x7: {  	_ = 	snop  }
__scs_overlays_trampoline_lowered:
0x8: {  	[smem:$0x3FA4] =	sst s0  }
0x9: {  	[smem:$0x3FA5] =	sst s1  }
0xa: {  	[smem:$0x3FA6] =	sst s2  }
0xb: {  	[smem:$0x3FA7] =	sst s3  }
0xc: {  	[smem:$0x3FA8] =	sst s4  }
0xd: {  	[smem:$0x3FA9] =	sst s5  }
0xe: {  	[smem:$0x3FAA] =	sst s6  }
0xf: {  	[smem:$0x3FAB] =	sst s7  }
0x10: {  	[smem:$0x3FAC] =	sst s8  }
0x11: {  	[smem:$0x3FAD] =	sst s9;
	s0 =	simm.s32 @!p0 $0x0  }
0x12: {  	s1 =	sld [smem:$0x3F93];
	s0 =	simm.s32 @p0 $0x1  }
0x13: {  	[smem:$0x3FAE] =	sst s0;
	s0 =	simm.s32 @!p1 $0x0  }
0x14: {  	s2 =	sld [smem:$0x3F92];
	s0 =	simm.s32 @p1 $0x1  }
0x15: {  	[smem:$0x3FAF] =	sst s0;
	s0 =	simm.s32 @!p2 $0x0  }
0x16: {  	s3 =	sld [smem:$0x3FDB];
	s0 =	simm.s32 @p2 $0x1  }
0x17: {  	s4 =	simm.s32 $0x1BF5;
	[smem:$0x3FB1] =	sst s0  }
0x18: {  	s0 =	sld [smem:$0x3F94];
	_ =	swait.ge [sflag:s4], $0x0  }
0x19: {  	s7 =	sld [smem:$0x3F95]  }
0x1a: {  	s8 =	sadd.s32 $0xFFFFE003, lr  }
0x1b: {  	s9 =	sadd.s32 $0xFFFFFEF7, lr;
	s5 =	simm.s32 $0xFFFFFFFF;
	p2 =	slt.u32 s8, $0xFFFFF086  }
0x1c: {  	p1 =	slt.u32 s9, $0xF7A;
	s5 =	simm.s32 @!p2 $0x0  }
0x1d: {  	s5 =	simm.s32 @p1 $0x1;
	p0 =	seq.s32 s7, s2  }
0x1e: {  	s7 =	smul.u32 @!p0 $0xF7A, s2;
	p2 =	seq.s32 @!p0 s5, $0x0  }
0x1f: {  	s9 =	smul.u32 $0xF7A, s1;
	s8 =	simm.s32 @!p0 $0x1BF5;
	p2 =	por !p2, p0  }
0x20: {  	[sflag:s8] =	ssyncset.s32 @!p0 $0xFFFFF086;
	s6 =	sadd.s32 @!p0 s3, s7;
	s7 =	simm.s32 @!p0 $0x108  }
0x21: {  	s3 =	sadd.s32 s3, s9;
	s6 =	sadd.s32 @!p0 $0x88, s6;
	s7 =	simm.s32 @p2 $0x1082  }
0x22: {  	[simem:s7], [sflag:s8] =	dma.local @!p0 [hbm:s6], $0xF7A  }
0x23: {  	s9 =	sor.u32 $0xD0000000, s2;
	s6 =	simm.s32 $0x108;
	_ =	swait.ge @!p0 [sflag:s8], $0x0  }
0x24: {  	s3 =	sadd.s32 $0x88, s3;
	s6 =	simm.s32 @!p1 $0x1082;
	[sflag:s4] =	ssyncset.s32 $0xFFFFF086  }
0x25: {  	[simem:s6], [sflag:s4] =	dma.local [hbm:s3], $0xF7A  }
0x26: {  	[smem:$0x3F95] =	sst s1;
	(tag) =	ssettag s2;
	_ =	strace s9  }
0x27: {  	s1 =	sld [smem:$0x3FA5]  }
0x28: {  	s2 =	sld [smem:$0x3FA6]  }
0x29: {  	s4 =	sld [smem:$0x3FA8]  }
0x2a: {  	p0 =	seq.s32 s5, $0x0;
	s5 =	sld [smem:$0x3FA9]  }
0x2b: {  	s6 =	sld [smem:$0x3FAA]  }
0x2c: {  	s7 =	sld [smem:$0x3FAB]  }
0x2d: {  	s3 =	simm.s32 $0x108;
	s8 =	sld [smem:$0x3FAC]  }
0x2e: {  	s3 =	simm.s32 @!p0 $0x1082;
	s9 =	sld [smem:$0x3FAD]  }
0x2f: {  	lr =	sadd.s32 s0, s3;
	s0 =	sld [smem:$0x3FA4]  }
0x30: {  	s3 =	sld [smem:$0x3FA7]  }
0x31: {  	[smem:$0x3FB0] =	sst s10  }
0x32: {  	s10 =	sld [smem:$0x3FAE];
	_ =	sdelay $0x3  }
0x33: {  	p0 =	seq.s32 s10, $0x1;
	s10 =	sld [smem:$0x3FB0];
	_ =	sdelay $0x3  }
0x34: {  	[smem:$0x3FB0] =	sst s10  }
0x35: {  	s10 =	sld [smem:$0x3FAF];
	_ =	sdelay $0x3  }
0x36: {  	p1 =	seq.s32 s10, $0x1;
	s10 =	sld [smem:$0x3FB0];
	_ =	sdelay $0x3  }
0x37: {  	[smem:$0x3FB0] =	sst s10  }
0x38: {  	s10 =	sld [smem:$0x3FB1]  }
0x39: {  	_ = 	snop;
	(pc) =	sbr.ind lr, $3  }
0x3a: {  	_ = 	snop  }
0x3b: {  	_ = 	snop  }
0x3c: {  	p2 =	seq.s32 s10, $0x1;
	s10 =	sld [smem:$0x3FB0]  }
0x3d: {  	_ =	shalt  }
0x3e: {  	_ =	shalt  }
0x3f: {  	_ =	shalt  }
0x40: {  	_ =	shalt  }
0x41: {  	_ =	shalt  }
0x42: {  	_ =	shalt  }
0x43: {  	_ =	shalt  }
0x44: {  	_ =	shalt  }
0x45: {  	_ =	shalt  }
0x46: {  	_ =	shalt  }
0x47: {  	_ =	shalt  }
0x48: {  	_ =	shalt  }
0x49: {  	_ =	shalt  }
0x4a: {  	_ =	shalt  }
0x4b: {  	_ =	shalt  }
0x4c: {  	_ =	shalt  }
0x4d: {  	_ =	shalt  }
0x4e: {  	_ =	shalt  }
0x4f: {  	_ =	shalt  }
0x50: {  	_ =	shalt  }
0x51: {  	_ =	shalt  }
0x52: {  	_ =	shalt  }
0x53: {  	_ =	shalt  }
0x54: {  	_ =	shalt  }
0x55: {  	_ =	shalt  }
0x56: {  	_ =	shalt  }
0x57: {  	_ =	shalt  }
0x58: {  	_ =	shalt  }
0x59: {  	_ =	shalt  }
0x5a: {  	_ =	shalt  }
0x5b: {  	_ =	shalt  }
0x5c: {  	_ =	shalt  }
0x5d: {  	_ =	shalt  }
0x5e: {  	_ =	shalt  }
0x5f: {  	_ =	shalt  }
0x60: {  	_ =	shalt  }
0x61: {  	_ =	shalt  }
0x62: {  	_ =	shalt  }
0x63: {  	_ =	shalt  }
0x64: {  	_ =	shalt  }
0x65: {  	_ =	shalt  }
0x66: {  	_ =	shalt  }
0x67: {  	_ =	shalt  }
0x68: {  	_ =	shalt  }
0x69: {  	_ =	shalt  }
0x6a: {  	_ =	shalt  }
0x6b: {  	_ =	shalt  }
0x6c: {  	_ =	shalt  }
0x6d: {  	_ =	shalt  }
0x6e: {  	_ =	shalt  }
0x6f: {  	_ =	shalt  }
0x70: {  	_ =	shalt  }
0x71: {  	_ =	shalt  }
0x72: {  	_ =	shalt  }
0x73: {  	_ =	shalt  }
0x74: {  	_ =	shalt  }
0x75: {  	_ =	shalt  }
0x76: {  	_ =	shalt  }
0x77: {  	_ =	shalt  }
0x78: {  	_ =	shalt  }
0x79: {  	_ =	shalt  }
0x7a: {  	_ =	shalt  }
0x7b: {  	_ =	shalt  }
0x7c: {  	_ =	shalt  }
0x7d: {  	_ =	shalt  }
0x7e: {  	_ =	shalt  }
0x7f: {  	_ =	shalt  }
0x80: {  	_ =	shalt  }
0x81: {  	_ =	shalt  }
0x82: {  	_ =	shalt  }
0x83: {  	_ =	shalt  }
0x84: {  	_ =	shalt  }
0x85: {  	_ =	shalt  }
0x86: {  	_ =	shalt  }
0x87: {  	_ =	shalt  }
.Lfunc_end0:
.L_simem_size_0:
called_computation.1_lowered:
.L_overlay_start_0:
0x88: {  	s2 =	sld [smem:$0x3FD9]  }
0x89: {  	s3 =	sld [smem:$0x3FFE];
	_ =	sdelay $0x1  }
0x8a: {  	s1 =	srdreg.scid  }
0x8b: {  	s0 =	sand.u32 $0x1, s1  }
0x8c: {  	s17 =	sshll.u32 s0, $0xA;
	s2 =	sadd.s32 s3, s2  }
0x8d: {  	s2 =	sadd.s32 s2, s17  }
0x8e: {  	[smem:$0x3FBC] =	sst s2  }
0x8f: {  	_ = 	snop  }
0x90: {  	s2 =	sld [smem:$0x3FD0];
	(tm) =	ssettm $0x1  }
0x91: {  	s18 =	sld [smem:$0x3FFB];
	_ =	sdelay $0x3  }
0x92: {  	_ =	strace s18  }
0x93: {  	s3 =	sld [smem:$0x3FFC];
	_ =	sdelay $0x3  }
0x94: {  	_ =	strace s3  }
0x95: {  	s3 =	sld [smem:$0x3FFD];
	_ =	sdelay $0x3  }
0x96: {  	_ =	strace s3  }
0x97: {  	_ =	strace $0x8FFFFFFF  }
0x98: {  	s19 =	sld [smem:$0x3FDB];
	_ =	sdelay $0x1  }
0x99: {  	s4 =	simm.s32 $_scs_section_size  }
0x9a: {  	s5 =	simm.s32 $_size__tile_overlayer_lowered;
	s6 =	simm.s32 $_tile_overlayer_lowered  }
0x9b: {  	s22 =	simm.s32 $0x1BFF;
	s21 =	sshll.u32 s6, $0x1;
	s3 =	sadd.s32 s4, s19  }
0x9c: {  	s7 =	simm.s32 $0x0;
	s20 =	sshll.u32 s5, $0x1;
	s5 =	sadd.s32 s21, s3  }
0x9d: {  	[timem:s7], [sflag:s22] =	dma.local [hbm:s5], s20  }
0x9e: {  	_ =	swait.ge [sflag:s22], s20  }
0x9f: {  	s4 =	ssub.s32 $0x0, s20;
	[sflag:s22] =	ssyncset.done $0x0  }
0xa0: {  	[sflag:s22] =	ssyncadd.s32 s4;
	_ =	sdelay $0x1  }
0xa1: {  	s23 =	simm.s32 $0x1B8B  }
0xa2: {  	_ =	swait.ge [sflag:s23], $0x1  }
0xa3: {  	[sflag:s23] =	ssyncset.done $0x0  }
0xa4: {  	s25 =	simm.s32 $0x1B8E;
	s24 =	sld [smem:$0x3FFE];
	[sflag:s23] =	ssyncadd.s32 $0xFFFFFFFF  }
0xa5: {  	s26 =	simm.s32 $execute0_lowered;
	[smem:$0x3FD2] =	sst s25  }
0xa6: {  	s5 =	sshll.u32 s26, $0x1;
	_ =	strace $0x80000049;
	[dreg:$0x1] =	wrdreg $0xFFFFFFFF  }
0xa7: {  	s28 =	simm.s32 $_size_execute0_lowered;
	s3 =	sadd.s32 s3, s5;
	[dreg:$0x0] =	wrdreg $0x0  }
0xa8: {  	s5 =	sshll.u32 s28, $0x1;
	[dreg:$0x2] =	wrdreg s3  }
0xa9: {  	[dreg:$0x3] =	wrdreg s5  }
0xaa: {  	[dreg:$0x4] =	wrdreg $0xC0  }
0xab: {  	_ =	task [dreg:s7], $0x5FFFF  }
0xac: {  	[dreg:$0x1] =	wrdreg $0xFFFFFFFF  }
0xad: {  	[dreg:$0x0] =	wrdreg $0x60  }
0xae: {  	[dreg:$0x2] =	wrdreg s2  }
0xaf: {  	[dreg:$0x3] =	wrdreg s24  }
0xb0: {  	[dreg:$0x4] =	wrdreg $0x0  }
0xb1: {  	[dreg:$0x5] =	wrdreg $0x9  }
0xb2: {  	_ =	task.clear_ibuf [dreg:s7], $0x6FFFF;
	_ =	strace $0x90000049  }
0xb3: {  	s29 =	simm.s32 $0x9;
	_ =	strace $0x8000004B  }
0xb4: {  	_ =	swait.ge [sflag:s29], $0x1  }
0xb5: {  	[sflag:s29] =	ssyncadd.s32 $0xFFFFFFFF  }
0xb6: {  	_ =	strace $0x9000004B  }
0xb7: {  	_ =	sfence  }
0xb8: {  	s30 =	sld [smem:$0x0];
	_ =	sdelay $0x2  }
0xb9: {  	s31 =	sshll.u32 s1, $0xD;
	s1 =	sshrl.u32 s1, $0x2  }
0xba: {  	s3 =	sand.u32 $0x4000, s31;
	s1 =	sadd.s32 s1, s30  }
0xbb: {  	s0 =	sor.u32 s3, s0;
	s1 =	sshll.u32 s1, $0x11  }
0xbc: {  	s0 =	sor.u32 s1, s0  }
0xbd: {  	s0 =	sadd.s32 $0x8F2B, s0  }
0xbe: {  	[sflag:s0] =	ssyncadd.remote.s32 $0x1  }
0xbf: {  	_ =	sfence.sel $0xFFFF  }
0xc0: {  	[dreg:$0x0] =	wrdreg $0xFFFFFFFF;
	(pc) =	sbr.abs _section_cstart, $3  }
0xc1: {  	[dreg:$0x1] =	wrdreg $0xFFFFFFFF  }
0xc2: {  	_ =	task.clear_ibuf [dreg:s7], $0x2FFFF;
	_ =	strace $0x9FFFFFFF  }
0xc3: {  	(tm) =	ssettm $0x7FFFFFFF  }
tec
execute0_lowered:
.L_overlay_start_1:
0x0: {  	(tag) =	ssettag $0x1  }
0x1: {  	s1 =	rddreg [dreg:$0x0]  }
0x2: {  	s0 =	srdreg.scid;
	s2 =	rddreg [dreg:$0x1]  }
0x3: {  	s11 =	stileid.u32;
	s3 =	rddreg [dreg:$0x2];
	s0 =	sand.u32 $0x1, s0  }
0x4: {  	s29 =	simm.s32 $0x13880;
	s9 =	smul.u32 $0x4E000, s11;
	s4 =	sshll.u32 s0, $0x4  }
0x5: {  	s24 =	smul.u32 $0x13800, s11;
	s7 =	ssub.s32 $0x2, s0;
	s5 =	sor.u32 s11, s4  }
0x6: {  	s4 =	simm.s32 $0x0;
	s8 =	sshrl.u32 s7, $0x1;
	s5 =	smul.u32 $0x2710, s5  }
0x7: {  	s18 =	smul.u32 $0x2710, s11;
	[smem:$0x7FF] =	sst s4;
	s7 =	ssub.s32 s7, s8  }
0x8: {  	s15 =	smax.u32 s7, $0x1;
	s6 =	sshrl.u32 s5, $0x3;
	s5 =	sand.u32 $0x70, s5  }
0x9: {  	_ =	strace $0x8000004A;
	[dreg:$0xd] =	wrdreg s15;
	s10 =	sor.u32 $0x13880, s5  }
0xa: {  	p0 =	sne.s32 s11, $0xF;
	s25 =	sadd.s32 $0x138A8, s5;
	[dreg:$0x6] =	wrdreg s10  }
0xb: {  	s0 =	smul.u32 $0x138800, s0;
	s26 =	sadd.s32 $0x138D0, s5;
	[dreg:$0x7] =	wrdreg s25  }
0xc: {  	s23 =	sshrl.u32 s9, $0x2;
	s12 =	sadd.s32 $0x138F8, s5;
	[dreg:$0x8] =	wrdreg s26  }
0xd: {  	s14 =	sadd.s32 s24, s3;
	s13 =	sadd.s32 $0x13920, s5;
	[dreg:$0x9] =	wrdreg s12  }
0xe: {  	s28 =	sadd.s32 s24, s0;
	s19 =	sadd.s32 $0x18648, s5;
	[dreg:$0xa] =	wrdreg s13  }
0xf: {  	s0 =	sshrl.u32 s0, $0x3;
	s20 =	sadd.s32 $0x18670, s5;
	[dreg:$0x10] =	wrdreg s19  }
0x10: {  	s15 =	simm.s32 $0x19B80;
	s21 =	sadd.s32 $0x18698, s5;
	[dreg:$0x11] =	wrdreg s20  }
0x11: {  	s6 =	sand.u32 $0xFFF0, s6;
	s22 =	sadd.s32 $0x186C0, s5;
	[dreg:$0x12] =	wrdreg s21  }
0x12: {  	s5 =	sadd.s32 $0x186E8, s5;
	s6 =	sadd.s32 s6, s2;
	[dreg:$0x13] =	wrdreg s22  }
0x13: {  	s2 =	sadd.s32 $0x18400, s2;
	s10 =	sshrl.u32 s28, $0x3;
	[dreg:$0x14] =	wrdreg s5  }
0x14: {  	s12 =	simm.s32 $0x6;
	s13 =	simm.s32 $0x18780;
	s19 =	simm.s32 $0x1  }
0x15: {  	s20 =	simm.s32 $0x2;
	s21 =	simm.s32 $0x3;
	s6 =	sadd.s32 $0x4A00, s6  }
0x16: {  	s22 =	simm.s32 $0x4;
	s10 =	sadd.s32 s2, s10;
	[dreg:$0x4] =	wrdreg s6  }
0x17: {  	s0 =	sadd.s32 s2, s0;
	s6 =	sadd.s32 s23, s3;
	[dreg:$0xb] =	wrdreg s10  }
0x18: {  	s0 =	sadd.s32 $0x27000, s0;
	s23 =	sshrl.u32 s14, $0x3;
	s14 =	simm.s32 $0x28  }
0x19: {  	s8 =	sadd.s32 $0x12C00, s6;
	[dreg:$0xc] =	wrdreg s0;
	s16 =	sadd.s32 $0x1400, s6  }
0x1a: {  	s17 =	sadd.s32 $0x2800, s6;
	s0 =	sand.u32 $0x70, s18;
	[dreg:$0x15] =	wrdreg s23  }
0x1b: {  	s25 =	sadd.s32 $0x3C00, s6;
	s26 =	sadd.s32 $0x5000, s6;
	s28 =	sadd.s32 $0x6400, s6  }
0x1c: {  	s30 =	sadd.s32 $0x7800, s6;
	s31 =	sadd.s32 $0x8C00, s6;
	[dreg:$0x5] =	wrdreg s8  }
0x1d: {  	s2 =	sadd.s32 $0xA000, s6;
	s5 =	sadd.s32 $0xC800, s6;
	[dreg:$0xe] =	wrdreg s16  }
0x1e: {  	s7 =	sadd.s32 $0xDC00, s6;
	s9 =	sadd.s32 $0xF000, s6;
	[dreg:$0xf] =	wrdreg s17  }
0x1f: {  	s10 =	sadd.s32 $0x10400, s6;
	s11 =	sadd.s32 $0x11800, s6;
	[dreg:$0x16] =	wrdreg s25  }
0x20: {  	s18 =	simm.s32 $0x1D780;
	s23 =	simm.s32 $0x5;
	[dreg:$0x17] =	wrdreg s26  }
0x21: {  	s8 =	sadd.s32 $0x138000, s3;
	s24 =	sor.u32 $0x13880, s0;
	[dreg:$0x18] =	wrdreg s28  }
0x22: {  	v0 =	vimm.f32 $0.0e+00;
	s0 =	sadd.s32 $0xB400, s6;
	s16 =	simm.s32 $0x1AF80;
	s17 =	simm.s32 $0x1C380  }
.LBB2_1:
0x23: {  	s25 =	rddreg [dreg:$0x4];
	s26 =	simm.s32 $0x2780;
	s28 =	simm.s32 $0x4E200  }
0x24: {  	[tilespmem:s29], [sflag:$0x6] =	stream.strided.gather [hbm4b:s25+s26], $0x4F00, s28, s26, $0x38;
	[tilespmem:$0x1EB80] =	vst v63  }
0x25: {  	_ =	swait.ge [sflag:s12], $0x4F00  }
0x26: {  	[sflag:s12] =	ssyncset.done $0x0  }
0x27: {  	s25 =	simm.s32 $0x0;
	s26 =	simm.s32 $0x200;
	[sflag:s12] =	ssyncadd.s32 $0xFFFFB100  }
.LBB2_2:
0x28: {  	p1 =	sne.s32 s26, $0x4E00;
	[tilespmem:s25+$0x187F0] =	vst v0  }
0x29: {  	[tilespmem:s25+$0x18780] =	vst v0  }
0x2a: {  	[tilespmem:s25+$0x18790] =	vst v0  }
.Ltmp0:
0x2b: {  	[tilespmem:s25+$0x187A0] =	vst v0;
	(pc) =	sbr.rel @p1 .LBB2_2-.Ltmp0, $4  }
0x2c: {  	[tilespmem:s25+$0x187B0] =	vst v0  }
0x2d: {  	[tilespmem:s25+$0x187C0] =	vst v0  }
0x2e: {  	[tilespmem:s25+$0x187D0] =	vst v0  }
0x2f: {  	[tilespmem:s25+$0x187E0] =	vst v0;
	s25 =	sshra.s32 s26, $0x2;
	s26 =	sadd.s32 $0x200, s26  }
0x30: {  	[tilespmem:s25+$0x187F0] =	vst v0  }
0x31: {  	[tilespmem:s25+$0x18780] =	vst v0  }
0x32: {  	[tilespmem:s25+$0x18790] =	vst v0  }
0x33: {  	[tilespmem:s25+$0x187A0] =	vst v0  }
0x34: {  	[tilespmem:s25+$0x187B0] =	vst v0  }
0x35: {  	[tilespmem:s25+$0x187C0] =	vst v0  }
0x36: {  	[tilespmem:s25+$0x187D0] =	vst v0  }
0x37: {  	[tilespmem:s25+$0x187E0] =	vst v0  }
0x38: {  	[spmem:s6] =	stream.linear.scatter [tilespmem:s13], [sflag:$0x6], $0x1400, $0x38;
	[tilespmem:$0x1EB80] =	vst v63  }
0x39: {  	_ =	swait.ge [sflag:s12], $0x1400  }
0x3a: {  	[sflag:s12] =	ssyncset.done $0x0  }
0x3b: {  	s26 =	rddreg [dreg:$0xe];
	[sflag:s12] =	ssyncadd.s32 $0xFFFFEC00  }
0x3c: {  	[spmem:s26] =	stream.linear.scatter [tilespmem:s13], [sflag:$0x6], $0x1400, $0x38;
	[tilespmem:$0x1EB80] =	vst v63  }
0x3d: {  	_ =	swait.ge [sflag:s12], $0x1400  }
0x3e: {  	[sflag:s12] =	ssyncset.done $0x0  }
0x3f: {  	s28 =	rddreg [dreg:$0xf];
	[sflag:s12] =	ssyncadd.s32 $0xFFFFEC00  }
0x40: {  	[spmem:s28] =	stream.linear.scatter [tilespmem:s13], [sflag:$0x6], $0x1400, $0x38;
	[tilespmem:$0x1EB80] =	vst v63  }
0x41: {  	_ =	swait.ge [sflag:s12], $0x1400  }
0x42: {  	[sflag:s12] =	ssyncset.done $0x0  }
0x43: {  	s26 =	rddreg [dreg:$0x16];
	[sflag:s12] =	ssyncadd.s32 $0xFFFFEC00  }
0x44: {  	[spmem:s26] =	stream.linear.scatter [tilespmem:s13], [sflag:$0x6], $0x1400, $0x38;
	[tilespmem:$0x1EB80] =	vst v63  }
0x45: {  	_ =	swait.ge [sflag:s12], $0x1400  }
0x46: {  	[sflag:s12] =	ssyncset.done $0x0  }
0x47: {  	s28 =	rddreg [dreg:$0x17];
	[sflag:s12] =	ssyncadd.s32 $0xFFFFEC00  }
0x48: {  	[spmem:s28] =	stream.linear.scatter [tilespmem:s13], [sflag:$0x6], $0x1400, $0x38;
	[tilespmem:$0x1EB80] =	vst v63  }
0x49: {  	_ =	swait.ge [sflag:s12], $0x1400  }
0x4a: {  	[sflag:s12] =	ssyncset.done $0x0  }
0x4b: {  	s26 =	rddreg [dreg:$0x18];
	[sflag:s12] =	ssyncadd.s32 $0xFFFFEC00  }
0x4c: {  	[spmem:s26] =	stream.linear.scatter [tilespmem:s13], [sflag:$0x6], $0x1400, $0x38;
	[tilespmem:$0x1EB80] =	vst v63  }
0x4d: {  	_ =	swait.ge [sflag:s12], $0x1400  }
0x4e: {  	[sflag:s12] =	ssyncset.done $0x0  }
0x4f: {  	[sflag:s12] =	ssyncadd.s32 $0xFFFFEC00  }
0x50: {  	[spmem:s30] =	stream.linear.scatter [tilespmem:s13], [sflag:$0x6], $0x1400, $0x38;
	[tilespmem:$0x1EB80] =	vst v63  }
0x51: {  	_ =	swait.ge [sflag:s12], $0x1400  }
0x52: {  	[sflag:s12] =	ssyncset.done $0x0  }
0x53: {  	[sflag:s12] =	ssyncadd.s32 $0xFFFFEC00  }
0x54: {  	[spmem:s31] =	stream.linear.scatter [tilespmem:s13], [sflag:$0x6], $0x1400, $0x38;
	[tilespmem:$0x1EB80] =	vst v63  }
0x55: {  	_ =	swait.ge [sflag:s12], $0x1400  }
0x56: {  	[sflag:s12] =	ssyncset.done $0x0  }
0x57: {  	[sflag:s12] =	ssyncadd.s32 $0xFFFFEC00  }
0x58: {  	[spmem:s2] =	stream.linear.scatter [tilespmem:s13], [sflag:$0x6], $0x1400, $0x38;
	[tilespmem:$0x1EB80] =	vst v63  }
0x59: {  	_ =	swait.ge [sflag:s12], $0x1400  }
0x5a: {  	[sflag:s12] =	ssyncset.done $0x0  }
0x5b: {  	[sflag:s12] =	ssyncadd.s32 $0xFFFFEC00  }
0x5c: {  	[spmem:s0] =	stream.linear.scatter [tilespmem:s13], [sflag:$0x6], $0x1400, $0x38;
	[tilespmem:$0x1EB80] =	vst v63  }
0x5d: {  	_ =	swait.ge [sflag:s12], $0x1400  }
0x5e: {  	[sflag:s12] =	ssyncset.done $0x0  }
0x5f: {  	[sflag:s12] =	ssyncadd.s32 $0xFFFFEC00  }
0x60: {  	[spmem:s5] =	stream.linear.scatter [tilespmem:s13], [sflag:$0x6], $0x1400, $0x38;
	[tilespmem:$0x1EB80] =	vst v63  }
0x61: {  	_ =	swait.ge [sflag:s12], $0x1400  }
0x62: {  	[sflag:s12] =	ssyncset.done $0x0  }
0x63: {  	[sflag:s12] =	ssyncadd.s32 $0xFFFFEC00  }
0x64: {  	[spmem:s7] =	stream.linear.scatter [tilespmem:s13], [sflag:$0x6], $0x1400, $0x38;
	[tilespmem:$0x1EB80] =	vst v63  }
0x65: {  	_ =	swait.ge [sflag:s12], $0x1400  }
0x66: {  	[sflag:s12] =	ssyncset.done $0x0  }
0x67: {  	[sflag:s12] =	ssyncadd.s32 $0xFFFFEC00  }
0x68: {  	[spmem:s9] =	stream.linear.scatter [tilespmem:s13], [sflag:$0x6], $0x1400, $0x38;
	[tilespmem:$0x1EB80] =	vst v63  }
0x69: {  	_ =	swait.ge [sflag:s12], $0x1400  }
0x6a: {  	[sflag:s12] =	ssyncset.done $0x0  }
0x6b: {  	[sflag:s12] =	ssyncadd.s32 $0xFFFFEC00  }
0x6c: {  	[spmem:s10] =	stream.linear.scatter [tilespmem:s13], [sflag:$0x6], $0x1400, $0x38;
	[tilespmem:$0x1EB80] =	vst v63  }
0x6d: {  	_ =	swait.ge [sflag:s12], $0x1400  }
0x6e: {  	[sflag:s12] =	ssyncset.done $0x0  }
0x6f: {  	[sflag:s12] =	ssyncadd.s32 $0xFFFFEC00  }
0x70: {  	[spmem:s11] =	stream.linear.scatter [tilespmem:s13], [sflag:$0x6], $0x1400, $0x38;
	[tilespmem:$0x1EB80] =	vst v63  }
0x71: {  	_ =	swait.ge [sflag:s12], $0x1400  }
0x72: {  	[sflag:s12] =	ssyncset.done $0x0  }
0x73: {  	s28 =	rddreg [dreg:$0x5];
	[sflag:s12] =	ssyncadd.s32 $0xFFFFEC00  }
0x74: {  	[spmem:s28] =	stream.linear.scatter [tilespmem:s13], [sflag:$0x6], $0xC00, $0x38;
	[tilespmem:$0x1EB80] =	vst v63  }
0x75: {  	_ =	swait.ge [sflag:s12], $0xC00  }
0x76: {  	[sflag:s12] =	ssyncset.done $0x0  }
0x77: {  	s25 =	simm.s32 @!p0 $0x18780;
	[sflag:s12] =	ssyncadd.s32 $0xFFFFF400  }
0x78: {  	[spmem:s8] =	stream.linear.scatter @!p0 [tilespmem:s25], [sflag:$0x6], $0x800, $0x38;
	[tilespmem:$0x1EB80] =	vst v63  }
0x79: {  	s25 =	simm.s32 @!p0 $0x6  }
0x7a: {  	_ =	swait.ge @!p0 [sflag:s25], $0x800  }
0x7b: {  	[sflag:s25] =	ssyncset.done @!p0 $0x0  }
0x7c: {  	s26 =	rddreg [dreg:$0x6];
	[sflag:s25] =	ssyncadd.s32 @!p0 $0xFFFFF800  }
0x7d: {  	[tilespmem:s13], [sflag:$0x1] =	stream.indirect.gather [hbm4b:s1+s14], $0x80, s26, s14, $0xb8;
	[tilespmem:$0x1EB80] =	vst v63  }
0x7e: {  	s28 =	rddreg [dreg:$0x7]  }
0x7f: {  	[tilespmem:s15], [sflag:$0x2] =	stream.indirect.gather [hbm4b:s1+s14], $0x80, s28, s14, $0xb8;
	[tilespmem:$0x1EB80] =	vst v63  }
0x80: {  	s26 =	rddreg [dreg:$0x8]  }
0x81: {  	[tilespmem:s16], [sflag:$0x3] =	stream.indirect.gather [hbm4b:s1+s14], $0x80, s26, s14, $0xb8;
	[tilespmem:$0x1EB80] =	vst v63  }
0x82: {  	s28 =	rddreg [dreg:$0x9]  }
0x83: {  	[tilespmem:s17], [sflag:$0x4] =	stream.indirect.gather [hbm4b:s1+s14], $0x80, s28, s14, $0xb8;
	[tilespmem:$0x1EB80] =	vst v63  }
0x84: {  	s26 =	rddreg [dreg:$0xa]  }
0x85: {  	[tilespmem:s18], [sflag:$0x5] =	stream.indirect.gather [hbm4b:s1+s14], $0x80, s26, s14, $0xb8;
	[tilespmem:$0x1EB80] =	vst v63  }
0x86: {  	[bflag:$0x0] =	sbarrier.arrive $0xFFFF  }
0x87: {  	_ =	swait.ge [sflag:s19], $0x1400  }
0x88: {  	s26 =	sadd.s32 $0x0, s24;
	[sflag:s19] =	ssyncset.done $0x0  }
0x89: {  	s28 =	sadd.s32 $0x2780, s26;
	[sflag:s19] =	ssyncadd.s32 $0xFFFFEC00  }
0x8a: {  	[spmem:s3] =	stream.indirect.scatter.add.f32 [tilespmem:s13], [sflag:$0x6], $0x80, s28, s14, $0xb8;
	[tilespmem:$0x1EB80] =	vst v63  }
0x8b: {  	_ =	swait.ge [sflag:s12], $0x1400  }
0x8c: {  	[sflag:s12] =	ssyncset.done $0x0  }
0x8d: {  	s28 =	sadd.s32 $0xC8, s26;
	[sflag:s12] =	ssyncadd.s32 $0xFFFFEC00  }
0x8e: {  	[tilespmem:s13], [sflag:$0x1] =	stream.indirect.gather [hbm4b:s1+s14], $0x80, s28, s14, $0xb8;
	[tilespmem:$0x1EB80] =	vst v63  }
0x8f: {  	_ =	swait.ge [sflag:s20], $0x1400  }
0x90: {  	[sflag:s20] =	ssyncset.done $0x0  }
0x91: {  	s28 =	sadd.s32 $0x27A8, s26;
	[sflag:s20] =	ssyncadd.s32 $0xFFFFEC00  }
0x92: {  	[spmem:s3] =	stream.indirect.scatter.add.f32 [tilespmem:s15], [sflag:$0x6], $0x80, s28, s14, $0xb8;
	[tilespmem:$0x1EB80] =	vst v63  }
0x93: {  	_ =	swait.ge [sflag:s12], $0x1400  }
0x94: {  	[sflag:s12] =	ssyncset.done $0x0  }
0x95: {  	s28 =	sadd.s32 $0xF0, s26;
	[sflag:s12] =	ssyncadd.s32 $0xFFFFEC00  }
0x96: {  	[tilespmem:s15], [sflag:$0x2] =	stream.indirect.gather [hbm4b:s1+s14], $0x80, s28, s14, $0xb8;
	[tilespmem:$0x1EB80] =	vst v63  }
0x97: {  	_ =	swait.ge [sflag:s21], $0x1400  }
0x98: {  	[sflag:s21] =	ssyncset.done $0x0  }
0x99: {  	s28 =	sadd.s32 $0x27D0, s26;
	[sflag:s21] =	ssyncadd.s32 $0xFFFFEC00  }
0x9a: {  	[spmem:s3] =	stream.indirect.scatter.add.f32 [tilespmem:s16], [sflag:$0x6], $0x80, s28, s14, $0xb8;
	[tilespmem:$0x1EB80] =	vst v63  }
0x9b: {  	_ =	swait.ge [sflag:s12], $0x1400  }
0x9c: {  	[sflag:s12] =	ssyncset.done $0x0  }
0x9d: {  	s28 =	sadd.s32 $0x118, s26;
	[sflag:s12] =	ssyncadd.s32 $0xFFFFEC00  }
0x9e: {  	[tilespmem:s16], [sflag:$0x3] =	stream.indirect.gather [hbm4b:s1+s14], $0x80, s28, s14, $0xb8;
	[tilespmem:$0x1EB80] =	vst v63  }
0x9f: {  	_ =	swait.ge [sflag:s22], $0x1400  }
0xa0: {  	[sflag:s22] =	ssyncset.done $0x0  }
0xa1: {  	s28 =	sadd.s32 $0x27F8, s26;
	[sflag:s22] =	ssyncadd.s32 $0xFFFFEC00  }
0xa2: {  	[spmem:s3] =	stream.indirect.scatter.add.f32 [tilespmem:s17], [sflag:$0x6], $0x80, s28, s14, $0xb8;
	[tilespmem:$0x1EB80] =	vst v63  }
0xa3: {  	_ =	swait.ge [sflag:s12], $0x1400  }
0xa4: {  	[sflag:s12] =	ssyncset.done $0x0  }
0xa5: {  	s28 =	sadd.s32 $0x140, s26;
	[sflag:s12] =	ssyncadd.s32 $0xFFFFEC00  }
0xa6: {  	[tilespmem:s17], [sflag:$0x4] =	stream.indirect.gather [hbm4b:s1+s14], $0x80, s28, s14, $0xb8;
	[tilespmem:$0x1EB80] =	vst v63  }
0xa7: {  	_ =	swait.ge [sflag:s23], $0x1400  }
0xa8: {  	[sflag:s23] =	ssyncset.done $0x0  }
0xa9: {  	s28 =	sadd.s32 $0x2820, s26;
	[sflag:s23] =	ssyncadd.s32 $0xFFFFEC00  }
0xaa: {  	[spmem:s3] =	stream.indirect.scatter.add.f32 [tilespmem:s18], [sflag:$0x6], $0x80, s28, s14, $0xb8;
	[tilespmem:$0x1EB80] =	vst v63  }
0xab: {  	_ =	swait.ge [sflag:s12], $0x1400  }
0xac: {  	[sflag:s12] =	ssyncset.done $0x0  }
0xad: {  	s25 =	simm.s32 $0x320;
	s26 =	sadd.s32 $0x168, s26;
	[sflag:s12] =	ssyncadd.s32 $0xFFFFEC00  }
.LBB2_4:
0xae: {  	[tilespmem:s18], [sflag:$0x5] =	stream.indirect.gather [hbm4b:s1+s14], $0x80, s26, s14, $0xb8;
	[tilespmem:$0x1EB80] =	vst v63  }
0xaf: {  	s26 =	sshra.s32 s25, $0x2;
	p1 =	sne.s32 s25, $0x9600;
	_ =	swait.ge [sflag:s19], $0x1400  }
0xb0: {  	s25 =	sadd.s32 $0x320, s25;
	s26 =	sadd.s32 s26, s24;
	[sflag:s19] =	ssyncset.done $0x0  }
0xb1: {  	s28 =	sadd.s32 $0x2780, s26;
	[sflag:s19] =	ssyncadd.s32 $0xFFFFEC00  }
0xb2: {  	[spmem:s3] =	stream.indirect.scatter.add.f32 [tilespmem:s13], [sflag:$0x6], $0x80, s28, s14, $0xb8;
	[tilespmem:$0x1EB80] =	vst v63  }
0xb3: {  	_ =	swait.ge [sflag:s12], $0x1400  }
0xb4: {  	[sflag:s12] =	ssyncset.done $0x0  }
0xb5: {  	s28 =	sadd.s32 $0xC8, s26;
	[sflag:s12] =	ssyncadd.s32 $0xFFFFEC00  }
0xb6: {  	[tilespmem:s13], [sflag:$0x1] =	stream.indirect.gather [hbm4b:s1+s14], $0x80, s28, s14, $0xb8;
	[tilespmem:$0x1EB80] =	vst v63  }
0xb7: {  	_ =	swait.ge [sflag:s20], $0x1400  }
0xb8: {  	[sflag:s20] =	ssyncset.done $0x0  }
0xb9: {  	s28 =	sadd.s32 $0x27A8, s26;
	[sflag:s20] =	ssyncadd.s32 $0xFFFFEC00  }
0xba: {  	[spmem:s3] =	stream.indirect.scatter.add.f32 [tilespmem:s15], [sflag:$0x6], $0x80, s28, s14, $0xb8;
	[tilespmem:$0x1EB80] =	vst v63  }
0xbb: {  	_ =	swait.ge [sflag:s12], $0x1400  }
0xbc: {  	[sflag:s12] =	ssyncset.done $0x0  }
0xbd: {  	s28 =	sadd.s32 $0xF0, s26;
	[sflag:s12] =	ssyncadd.s32 $0xFFFFEC00  }
0xbe: {  	[tilespmem:s15], [sflag:$0x2] =	stream.indirect.gather [hbm4b:s1+s14], $0x80, s28, s14, $0xb8;
	[tilespmem:$0x1EB80] =	vst v63  }
0xbf: {  	_ =	swait.ge [sflag:s21], $0x1400  }
0xc0: {  	[sflag:s21] =	ssyncset.done $0x0  }
0xc1: {  	s28 =	sadd.s32 $0x27D0, s26;
	[sflag:s21] =	ssyncadd.s32 $0xFFFFEC00  }
0xc2: {  	[spmem:s3] =	stream.indirect.scatter.add.f32 [tilespmem:s16], [sflag:$0x6], $0x80, s28, s14, $0xb8;
	[tilespmem:$0x1EB80] =	vst v63  }
0xc3: {  	_ =	swait.ge [sflag:s12], $0x1400  }
0xc4: {  	[sflag:s12] =	ssyncset.done $0x0  }
0xc5: {  	s28 =	sadd.s32 $0x118, s26;
	[sflag:s12] =	ssyncadd.s32 $0xFFFFEC00  }
0xc6: {  	[tilespmem:s16], [sflag:$0x3] =	stream.indirect.gather [hbm4b:s1+s14], $0x80, s28, s14, $0xb8;
	[tilespmem:$0x1EB80] =	vst v63  }
0xc7: {  	_ =	swait.ge [sflag:s22], $0x1400  }
0xc8: {  	[sflag:s22] =	ssyncset.done $0x0  }
0xc9: {  	s28 =	sadd.s32 $0x27F8, s26;
	[sflag:s22] =	ssyncadd.s32 $0xFFFFEC00  }
0xca: {  	[spmem:s3] =	stream.indirect.scatter.add.f32 [tilespmem:s17], [sflag:$0x6], $0x80, s28, s14, $0xb8;
	[tilespmem:$0x1EB80] =	vst v63  }
0xcb: {  	_ =	swait.ge [sflag:s12], $0x1400  }
0xcc: {  	[sflag:s12] =	ssyncset.done $0x0  }
0xcd: {  	s28 =	sadd.s32 $0x140, s26;
	[sflag:s12] =	ssyncadd.s32 $0xFFFFEC00  }
0xce: {  	[tilespmem:s17], [sflag:$0x4] =	stream.indirect.gather [hbm4b:s1+s14], $0x80, s28, s14, $0xb8;
	[tilespmem:$0x1EB80] =	vst v63  }
0xcf: {  	_ =	swait.ge [sflag:s23], $0x1400  }
0xd0: {  	[sflag:s23] =	ssyncset.done $0x0  }
.Ltmp1:
0xd1: {  	s28 =	sadd.s32 $0x2820, s26;
	[sflag:s23] =	ssyncadd.s32 $0xFFFFEC00;
	(pc) =	sbr.rel @p1 .LBB2_4-.Ltmp1, $4  }
0xd2: {  	[spmem:s3] =	stream.indirect.scatter.add.f32 [tilespmem:s18], [sflag:$0x6], $0x80, s28, s14, $0xb8;
	[tilespmem:$0x1EB80] =	vst v63  }
0xd3: {  	_ =	swait.ge [sflag:s12], $0x1400  }
0xd4: {  	[sflag:s12] =	ssyncset.done $0x0  }
0xd5: {  	s26 =	sadd.s32 $0x168, s26;
	[sflag:s12] =	ssyncadd.s32 $0xFFFFEC00  }
0xd6: {  	[tilespmem:s18], [sflag:$0x5] =	stream.indirect.gather [hbm4b:s1+s14], $0x80, s26, s14, $0xb8;
	[tilespmem:$0x1EB80] =	vst v63  }
0xd7: {  	_ =	swait.ge [sflag:s19], $0x1400  }
0xd8: {  	[sflag:s19] =	ssyncset.done $0x0  }
0xd9: {  	s25 =	rddreg [dreg:$0x10];
	[sflag:s19] =	ssyncadd.s32 $0xFFFFEC00  }
0xda: {  	[spmem:s3] =	stream.indirect.scatter.add.f32 [tilespmem:s13], [sflag:$0x6], $0x80, s25, s14, $0xb8;
	[tilespmem:$0x1EB80] =	vst v63  }
0xdb: {  	_ =	swait.ge [sflag:s12], $0x1400  }
0xdc: {  	[sflag:s12] =	ssyncset.done $0x0  }
0xdd: {  	[sflag:s12] =	ssyncadd.s32 $0xFFFFEC00  }
0xde: {  	_ =	swait.ge [sflag:s20], $0x1400  }
0xdf: {  	[sflag:s20] =	ssyncset.done $0x0  }
0xe0: {  	s26 =	rddreg [dreg:$0x11];
	[sflag:s20] =	ssyncadd.s32 $0xFFFFEC00  }
0xe1: {  	[spmem:s3] =	stream.indirect.scatter.add.f32 [tilespmem:s15], [sflag:$0x6], $0x80, s26, s14, $0xb8;
	[tilespmem:$0x1EB80] =	vst v63  }
0xe2: {  	_ =	swait.ge [sflag:s12], $0x1400  }
0xe3: {  	[sflag:s12] =	ssyncset.done $0x0  }
0xe4: {  	[sflag:s12] =	ssyncadd.s32 $0xFFFFEC00  }
0xe5: {  	_ =	swait.ge [sflag:s21], $0x1400  }
0xe6: {  	[sflag:s21] =	ssyncset.done $0x0  }
0xe7: {  	s28 =	rddreg [dreg:$0x12];
	[sflag:s21] =	ssyncadd.s32 $0xFFFFEC00  }
0xe8: {  	[spmem:s3] =	stream.indirect.scatter.add.f32 [tilespmem:s16], [sflag:$0x6], $0x80, s28, s14, $0xb8;
	[tilespmem:$0x1EB80] =	vst v63  }
0xe9: {  	_ =	swait.ge [sflag:s12], $0x1400  }
0xea: {  	[sflag:s12] =	ssyncset.done $0x0  }
0xeb: {  	[sflag:s12] =	ssyncadd.s32 $0xFFFFEC00  }
0xec: {  	_ =	swait.ge [sflag:s22], $0x1400  }
0xed: {  	[sflag:s22] =	ssyncset.done $0x0  }
0xee: {  	s26 =	rddreg [dreg:$0x13];
	[sflag:s22] =	ssyncadd.s32 $0xFFFFEC00  }
0xef: {  	[spmem:s3] =	stream.indirect.scatter.add.f32 [tilespmem:s17], [sflag:$0x6], $0x80, s26, s14, $0xb8;
	[tilespmem:$0x1EB80] =	vst v63  }
0xf0: {  	_ =	swait.ge [sflag:s12], $0x1400  }
0xf1: {  	[sflag:s12] =	ssyncset.done $0x0  }
0xf2: {  	[sflag:s12] =	ssyncadd.s32 $0xFFFFEC00  }
0xf3: {  	_ =	swait.ge [sflag:s23], $0x1400  }
0xf4: {  	[sflag:s23] =	ssyncset.done $0x0  }
0xf5: {  	s28 =	rddreg [dreg:$0x14];
	[sflag:s23] =	ssyncadd.s32 $0xFFFFEC00  }
0xf6: {  	[spmem:s3] =	stream.indirect.scatter.add.f32 [tilespmem:s18], [sflag:$0x6], $0x80, s28, s14, $0xb8;
	[tilespmem:$0x1EB80] =	vst v63  }
0xf7: {  	_ =	swait.ge [sflag:s12], $0x1400  }
0xf8: {  	[sflag:s12] =	ssyncset.done $0x0  }
0xf9: {  	[sflag:s12] =	ssyncadd.s32 $0xFFFFEC00  }
0xfa: {  	s26 =	stileid.u32;
	[bflag:$0x0] =	sbarrier.arrive $0xFFFF  }
0xfb: {  	s25 =	sshll.u32 s26, $0x6;
	s26 =	rddreg [dreg:$0xb]  }
0xfc: {  	s25 =	sor.u32 $0x1C06, s25;
	s28 =	rddreg [dreg:$0x15]  }
0xfd: {  	[hbm:s26], [sflag:s25] =	dma.local [spmem:s28], $0x2700  }
0xfe: {  	_ =	swait.ge [sflag:s12], $0x2700  }
0xff: {  	[sflag:s12] =	ssyncset.done $0x0  }
0x100: {  	s26 =	sshrl.u32 @!p0 s8, $0x3;
	s28 =	rddreg [dreg:$0xc];
	[sflag:s12] =	ssyncadd.s32 $0xFFFFD900  }
0x101: {  	[hbm:s28], [sflag:s25] =	dma.local @!p0 [spmem:s26], $0x100  }
0x102: {  	s25 =	simm.s32 @!p0 $0x6  }
0x103: {  	_ =	swait.ge @!p0 [sflag:s25], $0x100  }
0x104: {  	s4 =	sadd.s32 $0x1, s4;
	s28 =	rddreg [dreg:$0xd]  }
0x105: {  	p1 =	sne.s32 s4, s28  }
.Ltmp2:
0x106: {  	_ = 	snop;
	(pc) =	sbr.rel @p1 .LBB2_1-.Ltmp2, $3  }
0x107: {  	_ =	sdelay $0x1  }
0x108: {  	[sflag:s25] =	ssyncset.done @!p0 $0x0  }
0x109: {  	[sflag:s25] =	ssyncadd.s32 @!p0 $0xFFFFFF00  }
0x10a: {  	_ =	sfence.sel $0x180000  }
0x10b: {  	[bflag:$0x0] =	sbarrier.arrive $0xFFFF  }
0x10c: {  	_ =	strace $0x9000004A  }
0x10d: {  	s0 =	stileid.u32;
	[bflag:$0x2] =	sbarrier.arrive $0xFFFF  }
0x10e: {  	p0 =	sne.s32 s0, $0x0;
	s0 =	rddreg [dreg:$0x3]  }
0x10f: {  	s0 =	sadd.s32 @!p0 $0x100000, s0  }
0x110: {  	[sflag:s0] =	ssyncadd.tile.s32 @!p0 $0x1;
	_ =	shalt  }
.Lfunc_end2:
_tile_overlayer_lowered:
.L_overlay_start_2:
0x111: {  	(tag) =	ssettag $0x2  }
0x112: {  	s0 =	rddreg [dreg:$0x0];
	s2 =	stileid.u32  }
0x113: {  	s1 =	rddreg [dreg:$0x1];
	p0 =	sne.s32 s2, $0x0  }
0x114: {  	s3 =	rddreg [dreg:$0x2];
	[bflag:$0x3] =	sbarrier.arrive $0xFFFF;
	s2 =	simm.s32 @!p0 $0x1C06  }
0x115: {  	[timem:s3], [sflag:s2] =	dma.local @!p0 [hbm:s0], s1  }
0x116: {  	s0 =	simm.s32 @!p0 $0x6  }
0x117: {  	_ =	swait.ge @!p0 [sflag:s0], s1  }
0x118: {  	s1 =	ssub.s32 @!p0 $0x0, s1;
	[sflag:s0] =	ssyncset.done @!p0 $0x0  }
0x119: {  	[sflag:s0] =	ssyncadd.s32 @!p0 s1  }
0x11a: {  	[bflag:$0x3] =	sbarrier.arrive $0xFFFF  }
0x11b: {  	_ =	shalt  }

// kernel: kernel.21.cloned.1.call-start
scs
__scs_entry_jumppad:
0x0: {  	(pc) =	sbr.rel $0x88, $3  }
0x1: {  	(tag) =	ssettag $0x0;
	lr =	simm.s32 $0x1  }
0x2: {  	[smem:$0x3F95] =	sst lr;
	_ =	strace $0xD0000000  }
0x3: {  	_ = 	snop  }
0x4: {  	_ = 	snop  }
0x5: {  	_ = 	snop  }
0x6: {  	_ = 	snop  }
0x7: {  	_ = 	snop  }
__scs_overlays_trampoline_lowered:
0x8: {  	[smem:$0x3FA4] =	sst s0  }
0x9: {  	[smem:$0x3FA5] =	sst s1  }
0xa: {  	[smem:$0x3FA6] =	sst s2  }
0xb: {  	[smem:$0x3FA7] =	sst s3  }
0xc: {  	[smem:$0x3FA8] =	sst s4  }
0xd: {  	[smem:$0x3FA9] =	sst s5  }
0xe: {  	[smem:$0x3FAA] =	sst s6  }
0xf: {  	[smem:$0x3FAB] =	sst s7  }
0x10: {  	[smem:$0x3FAC] =	sst s8  }
0x11: {  	[smem:$0x3FAD] =	sst s9;
	s0 =	simm.s32 @!p0 $0x0  }
0x12: {  	s1 =	sld [smem:$0x3F93];
	s0 =	simm.s32 @p0 $0x1  }
0x13: {  	[smem:$0x3FAE] =	sst s0;
	s0 =	simm.s32 @!p1 $0x0  }
0x14: {  	s2 =	sld [smem:$0x3F92];
	s0 =	simm.s32 @p1 $0x1  }
0x15: {  	[smem:$0x3FAF] =	sst s0;
	s0 =	simm.s32 @!p2 $0x0  }
0x16: {  	s3 =	sld [smem:$0x3FDB];
	s0 =	simm.s32 @p2 $0x1  }
0x17: {  	s4 =	simm.s32 $0x1BF5;
	[smem:$0x3FB1] =	sst s0  }
0x18: {  	s0 =	sld [smem:$0x3F94];
	_ =	swait.ge [sflag:s4], $0x0  }
0x19: {  	s7 =	sld [smem:$0x3F95]  }
0x1a: {  	s8 =	sadd.s32 $0xFFFFE003, lr  }
0x1b: {  	s9 =	sadd.s32 $0xFFFFFEF7, lr;
	s5 =	simm.s32 $0xFFFFFFFF;
	p2 =	slt.u32 s8, $0xFFFFF086  }
0x1c: {  	p1 =	slt.u32 s9, $0xF7A;
	s5 =	simm.s32 @!p2 $0x0  }
0x1d: {  	s5 =	simm.s32 @p1 $0x1;
	p0 =	seq.s32 s7, s2  }
0x1e: {  	s7 =	smul.u32 @!p0 $0xF7A, s2;
	p2 =	seq.s32 @!p0 s5, $0x0  }
0x1f: {  	s9 =	smul.u32 $0xF7A, s1;
	s8 =	simm.s32 @!p0 $0x1BF5;
	p2 =	por !p2, p0  }
0x20: {  	[sflag:s8] =	ssyncset.s32 @!p0 $0xFFFFF086;
	s6 =	sadd.s32 @!p0 s3, s7;
	s7 =	simm.s32 @!p0 $0x108  }
0x21: {  	s3 =	sadd.s32 s3, s9;
	s6 =	sadd.s32 @!p0 $0x88, s6;
	s7 =	simm.s32 @p2 $0x1082  }
0x22: {  	[simem:s7], [sflag:s8] =	dma.local @!p0 [hbm:s6], $0xF7A  }
0x23: {  	s9 =	sor.u32 $0xD0000000, s2;
	s6 =	simm.s32 $0x108;
	_ =	swait.ge @!p0 [sflag:s8], $0x0  }
0x24: {  	s3 =	sadd.s32 $0x88, s3;
	s6 =	simm.s32 @!p1 $0x1082;
	[sflag:s4] =	ssyncset.s32 $0xFFFFF086  }
0x25: {  	[simem:s6], [sflag:s4] =	dma.local [hbm:s3], $0xF7A  }
0x26: {  	[smem:$0x3F95] =	sst s1;
	(tag) =	ssettag s2;
	_ =	strace s9  }
0x27: {  	s1 =	sld [smem:$0x3FA5]  }
0x28: {  	s2 =	sld [smem:$0x3FA6]  }
0x29: {  	s4 =	sld [smem:$0x3FA8]  }
0x2a: {  	p0 =	seq.s32 s5, $0x0;
	s5 =	sld [smem:$0x3FA9]  }
0x2b: {  	s6 =	sld [smem:$0x3FAA]  }
0x2c: {  	s7 =	sld [smem:$0x3FAB]  }
0x2d: {  	s3 =	simm.s32 $0x108;
	s8 =	sld [smem:$0x3FAC]  }
0x2e: {  	s3 =	simm.s32 @!p0 $0x1082;
	s9 =	sld [smem:$0x3FAD]  }
0x2f: {  	lr =	sadd.s32 s0, s3;
	s0 =	sld [smem:$0x3FA4]  }
0x30: {  	s3 =	sld [smem:$0x3FA7]  }
0x31: {  	[smem:$0x3FB0] =	sst s10  }
0x32: {  	s10 =	sld [smem:$0x3FAE];
	_ =	sdelay $0x3  }
0x33: {  	p0 =	seq.s32 s10, $0x1;
	s10 =	sld [smem:$0x3FB0];
	_ =	sdelay $0x3  }
0x34: {  	[smem:$0x3FB0] =	sst s10  }
0x35: {  	s10 =	sld [smem:$0x3FAF];
	_ =	sdelay $0x3  }
0x36: {  	p1 =	seq.s32 s10, $0x1;
	s10 =	sld [smem:$0x3FB0];
	_ =	sdelay $0x3  }
0x37: {  	[smem:$0x3FB0] =	sst s10  }
0x38: {  	s10 =	sld [smem:$0x3FB1]  }
0x39: {  	_ = 	snop;
	(pc) =	sbr.ind lr, $3  }
0x3a: {  	_ = 	snop  }
0x3b: {  	_ = 	snop  }
0x3c: {  	p2 =	seq.s32 s10, $0x1;
	s10 =	sld [smem:$0x3FB0]  }
0x3d: {  	_ =	shalt  }
0x3e: {  	_ =	shalt  }
0x3f: {  	_ =	shalt  }
0x40: {  	_ =	shalt  }
0x41: {  	_ =	shalt  }
0x42: {  	_ =	shalt  }
0x43: {  	_ =	shalt  }
0x44: {  	_ =	shalt  }
0x45: {  	_ =	shalt  }
0x46: {  	_ =	shalt  }
0x47: {  	_ =	shalt  }
0x48: {  	_ =	shalt  }
0x49: {  	_ =	shalt  }
0x4a: {  	_ =	shalt  }
0x4b: {  	_ =	shalt  }
0x4c: {  	_ =	shalt  }
0x4d: {  	_ =	shalt  }
0x4e: {  	_ =	shalt  }
0x4f: {  	_ =	shalt  }
0x50: {  	_ =	shalt  }
0x51: {  	_ =	shalt  }
0x52: {  	_ =	shalt  }
0x53: {  	_ =	shalt  }
0x54: {  	_ =	shalt  }
0x55: {  	_ =	shalt  }
0x56: {  	_ =	shalt  }
0x57: {  	_ =	shalt  }
0x58: {  	_ =	shalt  }
0x59: {  	_ =	shalt  }
0x5a: {  	_ =	shalt  }
0x5b: {  	_ =	shalt  }
0x5c: {  	_ =	shalt  }
0x5d: {  	_ =	shalt  }
0x5e: {  	_ =	shalt  }
0x5f: {  	_ =	shalt  }
0x60: {  	_ =	shalt  }
0x61: {  	_ =	shalt  }
0x62: {  	_ =	shalt  }
0x63: {  	_ =	shalt  }
0x64: {  	_ =	shalt  }
0x65: {  	_ =	shalt  }
0x66: {  	_ =	shalt  }
0x67: {  	_ =	shalt  }
0x68: {  	_ =	shalt  }
0x69: {  	_ =	shalt  }
0x6a: {  	_ =	shalt  }
0x6b: {  	_ =	shalt  }
0x6c: {  	_ =	shalt  }
0x6d: {  	_ =	shalt  }
0x6e: {  	_ =	shalt  }
0x6f: {  	_ =	shalt  }
0x70: {  	_ =	shalt  }
0x71: {  	_ =	shalt  }
0x72: {  	_ =	shalt  }
0x73: {  	_ =	shalt  }
0x74: {  	_ =	shalt  }
0x75: {  	_ =	shalt  }
0x76: {  	_ =	shalt  }
0x77: {  	_ =	shalt  }
0x78: {  	_ =	shalt  }
0x79: {  	_ =	shalt  }
0x7a: {  	_ =	shalt  }
0x7b: {  	_ =	shalt  }
0x7c: {  	_ =	shalt  }
0x7d: {  	_ =	shalt  }
0x7e: {  	_ =	shalt  }
0x7f: {  	_ =	shalt  }
0x80: {  	_ =	shalt  }
0x81: {  	_ =	shalt  }
0x82: {  	_ =	shalt  }
0x83: {  	_ =	shalt  }
0x84: {  	_ =	shalt  }
0x85: {  	_ =	shalt  }
0x86: {  	_ =	shalt  }
0x87: {  	_ =	shalt  }
.Lfunc_end0:
.L_simem_size_0:
called_computation.2_lowered:
.L_overlay_start_0:
0x88: {  	s2 =	sld [smem:$0x3FD9]  }
0x89: {  	s3 =	sld [smem:$0x3FFE];
	_ =	sdelay $0x1  }
0x8a: {  	s1 =	srdreg.scid  }
0x8b: {  	s0 =	sand.u32 $0x1, s1  }
0x8c: {  	s17 =	sshll.u32 s0, $0xA;
	s2 =	sadd.s32 s3, s2  }
0x8d: {  	s2 =	sadd.s32 s2, s17  }
0x8e: {  	[smem:$0x3FBC] =	sst s2  }
0x8f: {  	_ = 	snop  }
0x90: {  	s2 =	sld [smem:$0x3FD0];
	(tm) =	ssettm $0x1  }
0x91: {  	s18 =	sld [smem:$0x3FFB];
	_ =	sdelay $0x3  }
0x92: {  	_ =	strace s18  }
0x93: {  	s3 =	sld [smem:$0x3FFC];
	_ =	sdelay $0x3  }
0x94: {  	_ =	strace s3  }
0x95: {  	s3 =	sld [smem:$0x3FFD];
	_ =	sdelay $0x3  }
0x96: {  	_ =	strace s3  }
0x97: {  	_ =	strace $0x8FFFFFFF  }
0x98: {  	s19 =	sld [smem:$0x3FDB];
	_ =	sdelay $0x1  }
0x99: {  	s4 =	simm.s32 $_scs_section_size  }
0x9a: {  	s5 =	simm.s32 $_size__tile_overlayer_lowered;
	s6 =	simm.s32 $_tile_overlayer_lowered  }
0x9b: {  	s22 =	simm.s32 $0x1BFF;
	s21 =	sshll.u32 s6, $0x1;
	s3 =	sadd.s32 s4, s19  }
0x9c: {  	s7 =	simm.s32 $0x0;
	s20 =	sshll.u32 s5, $0x1;
	s5 =	sadd.s32 s21, s3  }
0x9d: {  	[timem:s7], [sflag:s22] =	dma.local [hbm:s5], s20  }
0x9e: {  	_ =	swait.ge [sflag:s22], s20  }
0x9f: {  	s4 =	ssub.s32 $0x0, s20;
	[sflag:s22] =	ssyncset.done $0x0  }
0xa0: {  	[sflag:s22] =	ssyncadd.s32 s4;
	_ =	sdelay $0x1  }
0xa1: {  	s23 =	simm.s32 $0x1B8B  }
0xa2: {  	_ =	swait.ge [sflag:s23], $0x1  }
0xa3: {  	[sflag:s23] =	ssyncset.done $0x0  }
0xa4: {  	s25 =	simm.s32 $0x1B8E;
	s24 =	sld [smem:$0x3FFE];
	[sflag:s23] =	ssyncadd.s32 $0xFFFFFFFF  }
0xa5: {  	s26 =	simm.s32 $execute0_lowered;
	[smem:$0x3FD2] =	sst s25  }
0xa6: {  	s5 =	sshll.u32 s26, $0x1;
	_ =	strace $0x8000004C;
	[dreg:$0x1] =	wrdreg $0xFFFFFFFF  }
0xa7: {  	s28 =	simm.s32 $_size_execute0_lowered;
	s3 =	sadd.s32 s3, s5;
	[dreg:$0x0] =	wrdreg $0x0  }
0xa8: {  	s5 =	sshll.u32 s28, $0x1;
	[dreg:$0x2] =	wrdreg s3  }
0xa9: {  	[dreg:$0x3] =	wrdreg s5  }
0xaa: {  	[dreg:$0x4] =	wrdreg $0xC0  }
0xab: {  	_ =	task [dreg:s7], $0x5FFFF  }
0xac: {  	[dreg:$0x1] =	wrdreg $0xFFFFFFFF  }
0xad: {  	[dreg:$0x0] =	wrdreg $0x60  }
0xae: {  	[dreg:$0x2] =	wrdreg s2  }
0xaf: {  	[dreg:$0x3] =	wrdreg s24  }
0xb0: {  	[dreg:$0x4] =	wrdreg $0x0  }
0xb1: {  	[dreg:$0x5] =	wrdreg $0x9  }
0xb2: {  	_ =	task.clear_ibuf [dreg:s7], $0x6FFFF;
	_ =	strace $0x9000004C  }
0xb3: {  	s29 =	simm.s32 $0x9;
	_ =	strace $0x8000004E  }
0xb4: {  	_ =	swait.ge [sflag:s29], $0x1  }
0xb5: {  	[sflag:s29] =	ssyncadd.s32 $0xFFFFFFFF  }
0xb6: {  	_ =	strace $0x9000004E  }
0xb7: {  	_ =	sfence  }
0xb8: {  	s30 =	sld [smem:$0x0];
	_ =	sdelay $0x2  }
0xb9: {  	s31 =	sshll.u32 s1, $0xD;
	s1 =	sshrl.u32 s1, $0x2  }
0xba: {  	s3 =	sand.u32 $0x4000, s31;
	s1 =	sadd.s32 s1, s30  }
0xbb: {  	s0 =	sor.u32 s3, s0;
	s1 =	sshll.u32 s1, $0x11  }
0xbc: {  	s0 =	sor.u32 s1, s0  }
0xbd: {  	s0 =	sadd.s32 $0x8F2B, s0  }
0xbe: {  	[sflag:s0] =	ssyncadd.remote.s32 $0x1  }
0xbf: {  	_ =	sfence.sel $0xFFFF  }
0xc0: {  	[dreg:$0x0] =	wrdreg $0xFFFFFFFF;
	(pc) =	sbr.abs _section_cstart, $3  }
0xc1: {  	[dreg:$0x1] =	wrdreg $0xFFFFFFFF  }
0xc2: {  	_ =	task.clear_ibuf [dreg:s7], $0x2FFFF;
	_ =	strace $0x9FFFFFFF  }
0xc3: {  	(tm) =	ssettm $0x7FFFFFFF  }
tec
execute0_lowered:
.L_overlay_start_1:
0x0: {  	(tag) =	ssettag $0x1  }
0x1: {  	s1 =	rddreg [dreg:$0x0]  }
0x2: {  	s0 =	srdreg.scid;
	s2 =	rddreg [dreg:$0x1]  }
0x3: {  	s11 =	stileid.u32;
	s3 =	rddreg [dreg:$0x2];
	s0 =	sand.u32 $0x1, s0  }
0x4: {  	s29 =	simm.s32 $0x13880;
	s9 =	smul.u32 $0x4E000, s11;
	s4 =	sshll.u32 s0, $0x4  }
0x5: {  	s24 =	smul.u32 $0x13800, s11;
	s7 =	ssub.s32 $0x2, s0;
	s5 =	sor.u32 s11, s4  }
0x6: {  	s4 =	simm.s32 $0x0;
	s8 =	sshrl.u32 s7, $0x1;
	s5 =	smul.u32 $0x2710, s5  }
0x7: {  	s18 =	smul.u32 $0x2710, s11;
	[smem:$0x7FF] =	sst s4;
	s7 =	ssub.s32 s7, s8  }
0x8: {  	s15 =	smax.u32 s7, $0x1;
	s6 =	sshrl.u32 s5, $0x3;
	s5 =	sand.u32 $0x70, s5  }
0x9: {  	_ =	strace $0x8000004D;
	[dreg:$0xd] =	wrdreg s15;
	s10 =	sor.u32 $0x13880, s5  }
0xa: {  	p0 =	sne.s32 s11, $0xF;
	s25 =	sadd.s32 $0x138A8, s5;
	[dreg:$0x6] =	wrdreg s10  }
0xb: {  	s0 =	smul.u32 $0x138800, s0;
	s26 =	sadd.s32 $0x138D0, s5;
	[dreg:$0x7] =	wrdreg s25  }
0xc: {  	s23 =	sshrl.u32 s9, $0x2;
	s12 =	sadd.s32 $0x138F8, s5;
	[dreg:$0x8] =	wrdreg s26  }
0xd: {  	s14 =	sadd.s32 s24, s3;
	s13 =	sadd.s32 $0x13920, s5;
	[dreg:$0x9] =	wrdreg s12  }
0xe: {  	s28 =	sadd.s32 s24, s0;
	s19 =	sadd.s32 $0x18648, s5;
	[dreg:$0xa] =	wrdreg s13  }
0xf: {  	s0 =	sshrl.u32 s0, $0x3;
	s20 =	sadd.s32 $0x18670, s5;
	[dreg:$0x10] =	wrdreg s19  }
0x10: {  	s15 =	simm.s32 $0x19B80;
	s21 =	sadd.s32 $0x18698, s5;
	[dreg:$0x11] =	wrdreg s20  }
0x11: {  	s6 =	sand.u32 $0xFFF0, s6;
	s22 =	sadd.s32 $0x186C0, s5;
	[dreg:$0x12] =	wrdreg s21  }
0x12: {  	s5 =	sadd.s32 $0x186E8, s5;
	s6 =	sadd.s32 s6, s2;
	[dreg:$0x13] =	wrdreg s22  }
0x13: {  	s2 =	sadd.s32 $0x18400, s2;
	s10 =	sshrl.u32 s28, $0x3;
	[dreg:$0x14] =	wrdreg s5  }
0x14: {  	s12 =	simm.s32 $0x6;
	s13 =	simm.s32 $0x18780;
	s19 =	simm.s32 $0x1  }
0x15: {  	s20 =	simm.s32 $0x2;
	s21 =	simm.s32 $0x3;
	s6 =	sadd.s32 $0x4A00, s6  }
0x16: {  	s22 =	simm.s32 $0x4;
	s10 =	sadd.s32 s2, s10;
	[dreg:$0x4] =	wrdreg s6  }
0x17: {  	s0 =	sadd.s32 s2, s0;
	s6 =	sadd.s32 s23, s3;
	[dreg:$0xb] =	wrdreg s10  }
0x18: {  	s0 =	sadd.s32 $0x27000, s0;
	s23 =	sshrl.u32 s14, $0x3;
	s14 =	simm.s32 $0x28  }
0x19: {  	s8 =	sadd.s32 $0x12C00, s6;
	[dreg:$0xc] =	wrdreg s0;
	s16 =	sadd.s32 $0x1400, s6  }
0x1a: {  	s17 =	sadd.s32 $0x2800, s6;
	s0 =	sand.u32 $0x70, s18;
	[dreg:$0x15] =	wrdreg s23  }
0x1b: {  	s25 =	sadd.s32 $0x3C00, s6;
	s26 =	sadd.s32 $0x5000, s6;
	s28 =	sadd.s32 $0x6400, s6  }
0x1c: {  	s30 =	sadd.s32 $0x7800, s6;
	s31 =	sadd.s32 $0x8C00, s6;
	[dreg:$0x5] =	wrdreg s8  }
0x1d: {  	s2 =	sadd.s32 $0xA000, s6;
	s5 =	sadd.s32 $0xC800, s6;
	[dreg:$0xe] =	wrdreg s16  }
0x1e: {  	s7 =	sadd.s32 $0xDC00, s6;
	s9 =	sadd.s32 $0xF000, s6;
	[dreg:$0xf] =	wrdreg s17  }
0x1f: {  	s10 =	sadd.s32 $0x10400, s6;
	s11 =	sadd.s32 $0x11800, s6;
	[dreg:$0x16] =	wrdreg s25  }
0x20: {  	s18 =	simm.s32 $0x1D780;
	s23 =	simm.s32 $0x5;
	[dreg:$0x17] =	wrdreg s26  }
0x21: {  	s8 =	sadd.s32 $0x138000, s3;
	s24 =	sor.u32 $0x13880, s0;
	[dreg:$0x18] =	wrdreg s28  }
0x22: {  	v0 =	vimm.f32 $0.0e+00;
	s0 =	sadd.s32 $0xB400, s6;
	s16 =	simm.s32 $0x1AF80;
	s17 =	simm.s32 $0x1C380  }
.LBB2_1:
0x23: {  	s25 =	rddreg [dreg:$0x4];
	s26 =	simm.s32 $0x2780;
	s28 =	simm.s32 $0x4E200  }
0x24: {  	[tilespmem:s29], [sflag:$0x6] =	stream.strided.gather [hbm4b:s25+s26], $0x4F00, s28, s26, $0x38;
	[tilespmem:$0x1EB80] =	vst v63  }
0x25: {  	_ =	swait.ge [sflag:s12], $0x4F00  }
0x26: {  	[sflag:s12] =	ssyncset.done $0x0  }
0x27: {  	s25 =	simm.s32 $0x0;
	s26 =	simm.s32 $0x200;
	[sflag:s12] =	ssyncadd.s32 $0xFFFFB100  }
.LBB2_2:
0x28: {  	p1 =	sne.s32 s26, $0x4E00;
	[tilespmem:s25+$0x187F0] =	vst v0  }
0x29: {  	[tilespmem:s25+$0x18780] =	vst v0  }
0x2a: {  	[tilespmem:s25+$0x18790] =	vst v0  }
.Ltmp0:
0x2b: {  	[tilespmem:s25+$0x187A0] =	vst v0;
	(pc) =	sbr.rel @p1 .LBB2_2-.Ltmp0, $4  }
0x2c: {  	[tilespmem:s25+$0x187B0] =	vst v0  }
0x2d: {  	[tilespmem:s25+$0x187C0] =	vst v0  }
0x2e: {  	[tilespmem:s25+$0x187D0] =	vst v0  }
0x2f: {  	[tilespmem:s25+$0x187E0] =	vst v0;
	s25 =	sshra.s32 s26, $0x2;
	s26 =	sadd.s32 $0x200, s26  }
0x30: {  	[tilespmem:s25+$0x187F0] =	vst v0  }
0x31: {  	[tilespmem:s25+$0x18780] =	vst v0  }
0x32: {  	[tilespmem:s25+$0x18790] =	vst v0  }
0x33: {  	[tilespmem:s25+$0x187A0] =	vst v0  }
0x34: {  	[tilespmem:s25+$0x187B0] =	vst v0  }
0x35: {  	[tilespmem:s25+$0x187C0] =	vst v0  }
0x36: {  	[tilespmem:s25+$0x187D0] =	vst v0  }
0x37: {  	[tilespmem:s25+$0x187E0] =	vst v0  }
0x38: {  	[spmem:s6] =	stream.linear.scatter [tilespmem:s13], [sflag:$0x6], $0x1400, $0x38;
	[tilespmem:$0x1EB80] =	vst v63  }
0x39: {  	_ =	swait.ge [sflag:s12], $0x1400  }
0x3a: {  	[sflag:s12] =	ssyncset.done $0x0  }
0x3b: {  	s26 =	rddreg [dreg:$0xe];
	[sflag:s12] =	ssyncadd.s32 $0xFFFFEC00  }
0x3c: {  	[spmem:s26] =	stream.linear.scatter [tilespmem:s13], [sflag:$0x6], $0x1400, $0x38;
	[tilespmem:$0x1EB80] =	vst v63  }
0x3d: {  	_ =	swait.ge [sflag:s12], $0x1400  }
0x3e: {  	[sflag:s12] =	ssyncset.done $0x0  }
0x3f: {  	s28 =	rddreg [dreg:$0xf];
	[sflag:s12] =	ssyncadd.s32 $0xFFFFEC00  }
0x40: {  	[spmem:s28] =	stream.linear.scatter [tilespmem:s13], [sflag:$0x6], $0x1400, $0x38;
	[tilespmem:$0x1EB80] =	vst v63  }
0x41: {  	_ =	swait.ge [sflag:s12], $0x1400  }
0x42: {  	[sflag:s12] =	ssyncset.done $0x0  }
0x43: {  	s26 =	rddreg [dreg:$0x16];
	[sflag:s12] =	ssyncadd.s32 $0xFFFFEC00  }
0x44: {  	[spmem:s26] =	stream.linear.scatter [tilespmem:s13], [sflag:$0x6], $0x1400, $0x38;
	[tilespmem:$0x1EB80] =	vst v63  }
0x45: {  	_ =	swait.ge [sflag:s12], $0x1400  }
0x46: {  	[sflag:s12] =	ssyncset.done $0x0  }
0x47: {  	s28 =	rddreg [dreg:$0x17];
	[sflag:s12] =	ssyncadd.s32 $0xFFFFEC00  }
0x48: {  	[spmem:s28] =	stream.linear.scatter [tilespmem:s13], [sflag:$0x6], $0x1400, $0x38;
	[tilespmem:$0x1EB80] =	vst v63  }
0x49: {  	_ =	swait.ge [sflag:s12], $0x1400  }
0x4a: {  	[sflag:s12] =	ssyncset.done $0x0  }
0x4b: {  	s26 =	rddreg [dreg:$0x18];
	[sflag:s12] =	ssyncadd.s32 $0xFFFFEC00  }
0x4c: {  	[spmem:s26] =	stream.linear.scatter [tilespmem:s13], [sflag:$0x6], $0x1400, $0x38;
	[tilespmem:$0x1EB80] =	vst v63  }
0x4d: {  	_ =	swait.ge [sflag:s12], $0x1400  }
0x4e: {  	[sflag:s12] =	ssyncset.done $0x0  }
0x4f: {  	[sflag:s12] =	ssyncadd.s32 $0xFFFFEC00  }
0x50: {  	[spmem:s30] =	stream.linear.scatter [tilespmem:s13], [sflag:$0x6], $0x1400, $0x38;
	[tilespmem:$0x1EB80] =	vst v63  }
0x51: {  	_ =	swait.ge [sflag:s12], $0x1400  }
0x52: {  	[sflag:s12] =	ssyncset.done $0x0  }
0x53: {  	[sflag:s12] =	ssyncadd.s32 $0xFFFFEC00  }
0x54: {  	[spmem:s31] =	stream.linear.scatter [tilespmem:s13], [sflag:$0x6], $0x1400, $0x38;
	[tilespmem:$0x1EB80] =	vst v63  }
0x55: {  	_ =	swait.ge [sflag:s12], $0x1400  }
0x56: {  	[sflag:s12] =	ssyncset.done $0x0  }
0x57: {  	[sflag:s12] =	ssyncadd.s32 $0xFFFFEC00  }
0x58: {  	[spmem:s2] =	stream.linear.scatter [tilespmem:s13], [sflag:$0x6], $0x1400, $0x38;
	[tilespmem:$0x1EB80] =	vst v63  }
0x59: {  	_ =	swait.ge [sflag:s12], $0x1400  }
0x5a: {  	[sflag:s12] =	ssyncset.done $0x0  }
0x5b: {  	[sflag:s12] =	ssyncadd.s32 $0xFFFFEC00  }
0x5c: {  	[spmem:s0] =	stream.linear.scatter [tilespmem:s13], [sflag:$0x6], $0x1400, $0x38;
	[tilespmem:$0x1EB80] =	vst v63  }
0x5d: {  	_ =	swait.ge [sflag:s12], $0x1400  }
0x5e: {  	[sflag:s12] =	ssyncset.done $0x0  }
0x5f: {  	[sflag:s12] =	ssyncadd.s32 $0xFFFFEC00  }
0x60: {  	[spmem:s5] =	stream.linear.scatter [tilespmem:s13], [sflag:$0x6], $0x1400, $0x38;
	[tilespmem:$0x1EB80] =	vst v63  }
0x61: {  	_ =	swait.ge [sflag:s12], $0x1400  }
0x62: {  	[sflag:s12] =	ssyncset.done $0x0  }
0x63: {  	[sflag:s12] =	ssyncadd.s32 $0xFFFFEC00  }
0x64: {  	[spmem:s7] =	stream.linear.scatter [tilespmem:s13], [sflag:$0x6], $0x1400, $0x38;
	[tilespmem:$0x1EB80] =	vst v63  }
0x65: {  	_ =	swait.ge [sflag:s12], $0x1400  }
0x66: {  	[sflag:s12] =	ssyncset.done $0x0  }
0x67: {  	[sflag:s12] =	ssyncadd.s32 $0xFFFFEC00  }
0x68: {  	[spmem:s9] =	stream.linear.scatter [tilespmem:s13], [sflag:$0x6], $0x1400, $0x38;
	[tilespmem:$0x1EB80] =	vst v63  }
0x69: {  	_ =	swait.ge [sflag:s12], $0x1400  }
0x6a: {  	[sflag:s12] =	ssyncset.done $0x0  }
0x6b: {  	[sflag:s12] =	ssyncadd.s32 $0xFFFFEC00  }
0x6c: {  	[spmem:s10] =	stream.linear.scatter [tilespmem:s13], [sflag:$0x6], $0x1400, $0x38;
	[tilespmem:$0x1EB80] =	vst v63  }
0x6d: {  	_ =	swait.ge [sflag:s12], $0x1400  }
0x6e: {  	[sflag:s12] =	ssyncset.done $0x0  }
0x6f: {  	[sflag:s12] =	ssyncadd.s32 $0xFFFFEC00  }
0x70: {  	[spmem:s11] =	stream.linear.scatter [tilespmem:s13], [sflag:$0x6], $0x1400, $0x38;
	[tilespmem:$0x1EB80] =	vst v63  }
0x71: {  	_ =	swait.ge [sflag:s12], $0x1400  }
0x72: {  	[sflag:s12] =	ssyncset.done $0x0  }
0x73: {  	s28 =	rddreg [dreg:$0x5];
	[sflag:s12] =	ssyncadd.s32 $0xFFFFEC00  }
0x74: {  	[spmem:s28] =	stream.linear.scatter [tilespmem:s13], [sflag:$0x6], $0xC00, $0x38;
	[tilespmem:$0x1EB80] =	vst v63  }
0x75: {  	_ =	swait.ge [sflag:s12], $0xC00  }
0x76: {  	[sflag:s12] =	ssyncset.done $0x0  }
0x77: {  	s25 =	simm.s32 @!p0 $0x18780;
	[sflag:s12] =	ssyncadd.s32 $0xFFFFF400  }
0x78: {  	[spmem:s8] =	stream.linear.scatter @!p0 [tilespmem:s25], [sflag:$0x6], $0x800, $0x38;
	[tilespmem:$0x1EB80] =	vst v63  }
0x79: {  	s25 =	simm.s32 @!p0 $0x6  }
0x7a: {  	_ =	swait.ge @!p0 [sflag:s25], $0x800  }
0x7b: {  	[sflag:s25] =	ssyncset.done @!p0 $0x0  }
0x7c: {  	s26 =	rddreg [dreg:$0x6];
	[sflag:s25] =	ssyncadd.s32 @!p0 $0xFFFFF800  }
0x7d: {  	[tilespmem:s13], [sflag:$0x1] =	stream.indirect.gather [hbm4b:s1+s14], $0x80, s26, s14, $0xb8;
	[tilespmem:$0x1EB80] =	vst v63  }
0x7e: {  	s28 =	rddreg [dreg:$0x7]  }
0x7f: {  	[tilespmem:s15], [sflag:$0x2] =	stream.indirect.gather [hbm4b:s1+s14], $0x80, s28, s14, $0xb8;
	[tilespmem:$0x1EB80] =	vst v63  }
0x80: {  	s26 =	rddreg [dreg:$0x8]  }
0x81: {  	[tilespmem:s16], [sflag:$0x3] =	stream.indirect.gather [hbm4b:s1+s14], $0x80, s26, s14, $0xb8;
	[tilespmem:$0x1EB80] =	vst v63  }
0x82: {  	s28 =	rddreg [dreg:$0x9]  }
0x83: {  	[tilespmem:s17], [sflag:$0x4] =	stream.indirect.gather [hbm4b:s1+s14], $0x80, s28, s14, $0xb8;
	[tilespmem:$0x1EB80] =	vst v63  }
0x84: {  	s26 =	rddreg [dreg:$0xa]  }
0x85: {  	[tilespmem:s18], [sflag:$0x5] =	stream.indirect.gather [hbm4b:s1+s14], $0x80, s26, s14, $0xb8;
	[tilespmem:$0x1EB80] =	vst v63  }
0x86: {  	[bflag:$0x0] =	sbarrier.arrive $0xFFFF  }
0x87: {  	_ =	swait.ge [sflag:s19], $0x1400  }
0x88: {  	s26 =	sadd.s32 $0x0, s24;
	[sflag:s19] =	ssyncset.done $0x0  }
0x89: {  	s28 =	sadd.s32 $0x2780, s26;
	[sflag:s19] =	ssyncadd.s32 $0xFFFFEC00  }
0x8a: {  	[spmem:s3] =	stream.indirect.scatter.add.f32 [tilespmem:s13], [sflag:$0x6], $0x80, s28, s14, $0xb8;
	[tilespmem:$0x1EB80] =	vst v63  }
0x8b: {  	_ =	swait.ge [sflag:s12], $0x1400  }
0x8c: {  	[sflag:s12] =	ssyncset.done $0x0  }
0x8d: {  	s28 =	sadd.s32 $0xC8, s26;
	[sflag:s12] =	ssyncadd.s32 $0xFFFFEC00  }
0x8e: {  	[tilespmem:s13], [sflag:$0x1] =	stream.indirect.gather [hbm4b:s1+s14], $0x80, s28, s14, $0xb8;
	[tilespmem:$0x1EB80] =	vst v63  }
0x8f: {  	_ =	swait.ge [sflag:s20], $0x1400  }
0x90: {  	[sflag:s20] =	ssyncset.done $0x0  }
0x91: {  	s28 =	sadd.s32 $0x27A8, s26;
	[sflag:s20] =	ssyncadd.s32 $0xFFFFEC00  }
0x92: {  	[spmem:s3] =	stream.indirect.scatter.add.f32 [tilespmem:s15], [sflag:$0x6], $0x80, s28, s14, $0xb8;
	[tilespmem:$0x1EB80] =	vst v63  }
0x93: {  	_ =	swait.ge [sflag:s12], $0x1400  }
0x94: {  	[sflag:s12] =	ssyncset.done $0x0  }
0x95: {  	s28 =	sadd.s32 $0xF0, s26;
	[sflag:s12] =	ssyncadd.s32 $0xFFFFEC00  }
0x96: {  	[tilespmem:s15], [sflag:$0x2] =	stream.indirect.gather [hbm4b:s1+s14], $0x80, s28, s14, $0xb8;
	[tilespmem:$0x1EB80] =	vst v63  }
0x97: {  	_ =	swait.ge [sflag:s21], $0x1400  }
0x98: {  	[sflag:s21] =	ssyncset.done $0x0  }
0x99: {  	s28 =	sadd.s32 $0x27D0, s26;
	[sflag:s21] =	ssyncadd.s32 $0xFFFFEC00  }
0x9a: {  	[spmem:s3] =	stream.indirect.scatter.add.f32 [tilespmem:s16], [sflag:$0x6], $0x80, s28, s14, $0xb8;
	[tilespmem:$0x1EB80] =	vst v63  }
0x9b: {  	_ =	swait.ge [sflag:s12], $0x1400  }
0x9c: {  	[sflag:s12] =	ssyncset.done $0x0  }
0x9d: {  	s28 =	sadd.s32 $0x118, s26;
	[sflag:s12] =	ssyncadd.s32 $0xFFFFEC00  }
0x9e: {  	[tilespmem:s16], [sflag:$0x3] =	stream.indirect.gather [hbm4b:s1+s14], $0x80, s28, s14, $0xb8;
	[tilespmem:$0x1EB80] =	vst v63  }
0x9f: {  	_ =	swait.ge [sflag:s22], $0x1400  }
0xa0: {  	[sflag:s22] =	ssyncset.done $0x0  }
0xa1: {  	s28 =	sadd.s32 $0x27F8, s26;
	[sflag:s22] =	ssyncadd.s32 $0xFFFFEC00  }
0xa2: {  	[spmem:s3] =	stream.indirect.scatter.add.f32 [tilespmem:s17], [sflag:$0x6], $0x80, s28, s14, $0xb8;
	[tilespmem:$0x1EB80] =	vst v63  }
0xa3: {  	_ =	swait.ge [sflag:s12], $0x1400  }
0xa4: {  	[sflag:s12] =	ssyncset.done $0x0  }
0xa5: {  	s28 =	sadd.s32 $0x140, s26;
	[sflag:s12] =	ssyncadd.s32 $0xFFFFEC00  }
0xa6: {  	[tilespmem:s17], [sflag:$0x4] =	stream.indirect.gather [hbm4b:s1+s14], $0x80, s28, s14, $0xb8;
	[tilespmem:$0x1EB80] =	vst v63  }
0xa7: {  	_ =	swait.ge [sflag:s23], $0x1400  }
0xa8: {  	[sflag:s23] =	ssyncset.done $0x0  }
0xa9: {  	s28 =	sadd.s32 $0x2820, s26;
	[sflag:s23] =	ssyncadd.s32 $0xFFFFEC00  }
0xaa: {  	[spmem:s3] =	stream.indirect.scatter.add.f32 [tilespmem:s18], [sflag:$0x6], $0x80, s28, s14, $0xb8;
	[tilespmem:$0x1EB80] =	vst v63  }
0xab: {  	_ =	swait.ge [sflag:s12], $0x1400  }
0xac: {  	[sflag:s12] =	ssyncset.done $0x0  }
0xad: {  	s25 =	simm.s32 $0x320;
	s26 =	sadd.s32 $0x168, s26;
	[sflag:s12] =	ssyncadd.s32 $0xFFFFEC00  }
.LBB2_4:
0xae: {  	[tilespmem:s18], [sflag:$0x5] =	stream.indirect.gather [hbm4b:s1+s14], $0x80, s26, s14, $0xb8;
	[tilespmem:$0x1EB80] =	vst v63  }
0xaf: {  	s26 =	sshra.s32 s25, $0x2;
	p1 =	sne.s32 s25, $0x9600;
	_ =	swait.ge [sflag:s19], $0x1400  }
0xb0: {  	s25 =	sadd.s32 $0x320, s25;
	s26 =	sadd.s32 s26, s24;
	[sflag:s19] =	ssyncset.done $0x0  }
0xb1: {  	s28 =	sadd.s32 $0x2780, s26;
	[sflag:s19] =	ssyncadd.s32 $0xFFFFEC00  }
0xb2: {  	[spmem:s3] =	stream.indirect.scatter.add.f32 [tilespmem:s13], [sflag:$0x6], $0x80, s28, s14, $0xb8;
	[tilespmem:$0x1EB80] =	vst v63  }
0xb3: {  	_ =	swait.ge [sflag:s12], $0x1400  }
0xb4: {  	[sflag:s12] =	ssyncset.done $0x0  }
0xb5: {  	s28 =	sadd.s32 $0xC8, s26;
	[sflag:s12] =	ssyncadd.s32 $0xFFFFEC00  }
0xb6: {  	[tilespmem:s13], [sflag:$0x1] =	stream.indirect.gather [hbm4b:s1+s14], $0x80, s28, s14, $0xb8;
	[tilespmem:$0x1EB80] =	vst v63  }
0xb7: {  	_ =	swait.ge [sflag:s20], $0x1400  }
0xb8: {  	[sflag:s20] =	ssyncset.done $0x0  }
0xb9: {  	s28 =	sadd.s32 $0x27A8, s26;
	[sflag:s20] =	ssyncadd.s32 $0xFFFFEC00  }
0xba: {  	[spmem:s3] =	stream.indirect.scatter.add.f32 [tilespmem:s15], [sflag:$0x6], $0x80, s28, s14, $0xb8;
	[tilespmem:$0x1EB80] =	vst v63  }
0xbb: {  	_ =	swait.ge [sflag:s12], $0x1400  }
0xbc: {  	[sflag:s12] =	ssyncset.done $0x0  }
0xbd: {  	s28 =	sadd.s32 $0xF0, s26;
	[sflag:s12] =	ssyncadd.s32 $0xFFFFEC00  }
0xbe: {  	[tilespmem:s15], [sflag:$0x2] =	stream.indirect.gather [hbm4b:s1+s14], $0x80, s28, s14, $0xb8;
	[tilespmem:$0x1EB80] =	vst v63  }
0xbf: {  	_ =	swait.ge [sflag:s21], $0x1400  }
0xc0: {  	[sflag:s21] =	ssyncset.done $0x0  }
0xc1: {  	s28 =	sadd.s32 $0x27D0, s26;
	[sflag:s21] =	ssyncadd.s32 $0xFFFFEC00  }
0xc2: {  	[spmem:s3] =	stream.indirect.scatter.add.f32 [tilespmem:s16], [sflag:$0x6], $0x80, s28, s14, $0xb8;
	[tilespmem:$0x1EB80] =	vst v63  }
0xc3: {  	_ =	swait.ge [sflag:s12], $0x1400  }
0xc4: {  	[sflag:s12] =	ssyncset.done $0x0  }
0xc5: {  	s28 =	sadd.s32 $0x118, s26;
	[sflag:s12] =	ssyncadd.s32 $0xFFFFEC00  }
0xc6: {  	[tilespmem:s16], [sflag:$0x3] =	stream.indirect.gather [hbm4b:s1+s14], $0x80, s28, s14, $0xb8;
	[tilespmem:$0x1EB80] =	vst v63  }
0xc7: {  	_ =	swait.ge [sflag:s22], $0x1400  }
0xc8: {  	[sflag:s22] =	ssyncset.done $0x0  }
0xc9: {  	s28 =	sadd.s32 $0x27F8, s26;
	[sflag:s22] =	ssyncadd.s32 $0xFFFFEC00  }
0xca: {  	[spmem:s3] =	stream.indirect.scatter.add.f32 [tilespmem:s17], [sflag:$0x6], $0x80, s28, s14, $0xb8;
	[tilespmem:$0x1EB80] =	vst v63  }
0xcb: {  	_ =	swait.ge [sflag:s12], $0x1400  }
0xcc: {  	[sflag:s12] =	ssyncset.done $0x0  }
0xcd: {  	s28 =	sadd.s32 $0x140, s26;
	[sflag:s12] =	ssyncadd.s32 $0xFFFFEC00  }
0xce: {  	[tilespmem:s17], [sflag:$0x4] =	stream.indirect.gather [hbm4b:s1+s14], $0x80, s28, s14, $0xb8;
	[tilespmem:$0x1EB80] =	vst v63  }
0xcf: {  	_ =	swait.ge [sflag:s23], $0x1400  }
0xd0: {  	[sflag:s23] =	ssyncset.done $0x0  }
.Ltmp1:
0xd1: {  	s28 =	sadd.s32 $0x2820, s26;
	[sflag:s23] =	ssyncadd.s32 $0xFFFFEC00;
	(pc) =	sbr.rel @p1 .LBB2_4-.Ltmp1, $4  }
0xd2: {  	[spmem:s3] =	stream.indirect.scatter.add.f32 [tilespmem:s18], [sflag:$0x6], $0x80, s28, s14, $0xb8;
	[tilespmem:$0x1EB80] =	vst v63  }
0xd3: {  	_ =	swait.ge [sflag:s12], $0x1400  }
0xd4: {  	[sflag:s12] =	ssyncset.done $0x0  }
0xd5: {  	s26 =	sadd.s32 $0x168, s26;
	[sflag:s12] =	ssyncadd.s32 $0xFFFFEC00  }
0xd6: {  	[tilespmem:s18], [sflag:$0x5] =	stream.indirect.gather [hbm4b:s1+s14], $0x80, s26, s14, $0xb8;
	[tilespmem:$0x1EB80] =	vst v63  }
0xd7: {  	_ =	swait.ge [sflag:s19], $0x1400  }
0xd8: {  	[sflag:s19] =	ssyncset.done $0x0  }
0xd9: {  	s25 =	rddreg [dreg:$0x10];
	[sflag:s19] =	ssyncadd.s32 $0xFFFFEC00  }
0xda: {  	[spmem:s3] =	stream.indirect.scatter.add.f32 [tilespmem:s13], [sflag:$0x6], $0x80, s25, s14, $0xb8;
	[tilespmem:$0x1EB80] =	vst v63  }
0xdb: {  	_ =	swait.ge [sflag:s12], $0x1400  }
0xdc: {  	[sflag:s12] =	ssyncset.done $0x0  }
0xdd: {  	[sflag:s12] =	ssyncadd.s32 $0xFFFFEC00  }
0xde: {  	_ =	swait.ge [sflag:s20], $0x1400  }
0xdf: {  	[sflag:s20] =	ssyncset.done $0x0  }
0xe0: {  	s26 =	rddreg [dreg:$0x11];
	[sflag:s20] =	ssyncadd.s32 $0xFFFFEC00  }
0xe1: {  	[spmem:s3] =	stream.indirect.scatter.add.f32 [tilespmem:s15], [sflag:$0x6], $0x80, s26, s14, $0xb8;
	[tilespmem:$0x1EB80] =	vst v63  }
0xe2: {  	_ =	swait.ge [sflag:s12], $0x1400  }
0xe3: {  	[sflag:s12] =	ssyncset.done $0x0  }
0xe4: {  	[sflag:s12] =	ssyncadd.s32 $0xFFFFEC00  }
0xe5: {  	_ =	swait.ge [sflag:s21], $0x1400  }
0xe6: {  	[sflag:s21] =	ssyncset.done $0x0  }
0xe7: {  	s28 =	rddreg [dreg:$0x12];
	[sflag:s21] =	ssyncadd.s32 $0xFFFFEC00  }
0xe8: {  	[spmem:s3] =	stream.indirect.scatter.add.f32 [tilespmem:s16], [sflag:$0x6], $0x80, s28, s14, $0xb8;
	[tilespmem:$0x1EB80] =	vst v63  }
0xe9: {  	_ =	swait.ge [sflag:s12], $0x1400  }
0xea: {  	[sflag:s12] =	ssyncset.done $0x0  }
0xeb: {  	[sflag:s12] =	ssyncadd.s32 $0xFFFFEC00  }
0xec: {  	_ =	swait.ge [sflag:s22], $0x1400  }
0xed: {  	[sflag:s22] =	ssyncset.done $0x0  }
0xee: {  	s26 =	rddreg [dreg:$0x13];
	[sflag:s22] =	ssyncadd.s32 $0xFFFFEC00  }
0xef: {  	[spmem:s3] =	stream.indirect.scatter.add.f32 [tilespmem:s17], [sflag:$0x6], $0x80, s26, s14, $0xb8;
	[tilespmem:$0x1EB80] =	vst v63  }
0xf0: {  	_ =	swait.ge [sflag:s12], $0x1400  }
0xf1: {  	[sflag:s12] =	ssyncset.done $0x0  }
0xf2: {  	[sflag:s12] =	ssyncadd.s32 $0xFFFFEC00  }
0xf3: {  	_ =	swait.ge [sflag:s23], $0x1400  }
0xf4: {  	[sflag:s23] =	ssyncset.done $0x0  }
0xf5: {  	s28 =	rddreg [dreg:$0x14];
	[sflag:s23] =	ssyncadd.s32 $0xFFFFEC00  }
0xf6: {  	[spmem:s3] =	stream.indirect.scatter.add.f32 [tilespmem:s18], [sflag:$0x6], $0x80, s28, s14, $0xb8;
	[tilespmem:$0x1EB80] =	vst v63  }
0xf7: {  	_ =	swait.ge [sflag:s12], $0x1400  }
0xf8: {  	[sflag:s12] =	ssyncset.done $0x0  }
0xf9: {  	[sflag:s12] =	ssyncadd.s32 $0xFFFFEC00  }
0xfa: {  	s26 =	stileid.u32;
	[bflag:$0x0] =	sbarrier.arrive $0xFFFF  }
0xfb: {  	s25 =	sshll.u32 s26, $0x6;
	s26 =	rddreg [dreg:$0xb]  }
0xfc: {  	s25 =	sor.u32 $0x1C06, s25;
	s28 =	rddreg [dreg:$0x15]  }
0xfd: {  	[hbm:s26], [sflag:s25] =	dma.local [spmem:s28], $0x2700  }
0xfe: {  	_ =	swait.ge [sflag:s12], $0x2700  }
0xff: {  	[sflag:s12] =	ssyncset.done $0x0  }
0x100: {  	s26 =	sshrl.u32 @!p0 s8, $0x3;
	s28 =	rddreg [dreg:$0xc];
	[sflag:s12] =	ssyncadd.s32 $0xFFFFD900  }
0x101: {  	[hbm:s28], [sflag:s25] =	dma.local @!p0 [spmem:s26], $0x100  }
0x102: {  	s25 =	simm.s32 @!p0 $0x6  }
0x103: {  	_ =	swait.ge @!p0 [sflag:s25], $0x100  }
0x104: {  	s4 =	sadd.s32 $0x1, s4;
	s28 =	rddreg [dreg:$0xd]  }
0x105: {  	p1 =	sne.s32 s4, s28  }
.Ltmp2:
0x106: {  	_ = 	snop;
	(pc) =	sbr.rel @p1 .LBB2_1-.Ltmp2, $3  }
0x107: {  	_ =	sdelay $0x1  }
0x108: {  	[sflag:s25] =	ssyncset.done @!p0 $0x0  }
0x109: {  	[sflag:s25] =	ssyncadd.s32 @!p0 $0xFFFFFF00  }
0x10a: {  	_ =	sfence.sel $0x180000  }
0x10b: {  	[bflag:$0x0] =	sbarrier.arrive $0xFFFF  }
0x10c: {  	_ =	strace $0x9000004D  }
0x10d: {  	s0 =	stileid.u32;
	[bflag:$0x2] =	sbarrier.arrive $0xFFFF  }
0x10e: {  	p0 =	sne.s32 s0, $0x0;
	s0 =	rddreg [dreg:$0x3]  }
0x10f: {  	s0 =	sadd.s32 @!p0 $0x100000, s0  }
0x110: {  	[sflag:s0] =	ssyncadd.tile.s32 @!p0 $0x1;
	_ =	shalt  }
.Lfunc_end2:
_tile_overlayer_lowered:
.L_overlay_start_2:
0x111: {  	(tag) =	ssettag $0x2  }
0x112: {  	s0 =	rddreg [dreg:$0x0];
	s2 =	stileid.u32  }
0x113: {  	s1 =	rddreg [dreg:$0x1];
	p0 =	sne.s32 s2, $0x0  }
0x114: {  	s3 =	rddreg [dreg:$0x2];
	[bflag:$0x3] =	sbarrier.arrive $0xFFFF;
	s2 =	simm.s32 @!p0 $0x1C06  }
0x115: {  	[timem:s3], [sflag:s2] =	dma.local @!p0 [hbm:s0], s1  }
0x116: {  	s0 =	simm.s32 @!p0 $0x6  }
0x117: {  	_ =	swait.ge @!p0 [sflag:s0], s1  }
0x118: {  	s1 =	ssub.s32 @!p0 $0x0, s1;
	[sflag:s0] =	ssyncset.done @!p0 $0x0  }
0x119: {  	[sflag:s0] =	ssyncadd.s32 @!p0 s1  }
0x11a: {  	[bflag:$0x3] =	sbarrier.arrive $0xFFFF  }
0x11b: {  	_ =	shalt  }

// kernel: kernel.24.cloned.1.call-start
scs
__scs_entry_jumppad:
0x0: {  	(pc) =	sbr.rel $0x88, $3  }
0x1: {  	(tag) =	ssettag $0x0;
	lr =	simm.s32 $0x1  }
0x2: {  	[smem:$0x3F95] =	sst lr;
	_ =	strace $0xD0000000  }
0x3: {  	_ = 	snop  }
0x4: {  	_ = 	snop  }
0x5: {  	_ = 	snop  }
0x6: {  	_ = 	snop  }
0x7: {  	_ = 	snop  }
__scs_overlays_trampoline_lowered:
0x8: {  	[smem:$0x3FA4] =	sst s0  }
0x9: {  	[smem:$0x3FA5] =	sst s1  }
0xa: {  	[smem:$0x3FA6] =	sst s2  }
0xb: {  	[smem:$0x3FA7] =	sst s3  }
0xc: {  	[smem:$0x3FA8] =	sst s4  }
0xd: {  	[smem:$0x3FA9] =	sst s5  }
0xe: {  	[smem:$0x3FAA] =	sst s6  }
0xf: {  	[smem:$0x3FAB] =	sst s7  }
0x10: {  	[smem:$0x3FAC] =	sst s8  }
0x11: {  	[smem:$0x3FAD] =	sst s9;
	s0 =	simm.s32 @!p0 $0x0  }
0x12: {  	s1 =	sld [smem:$0x3F93];
	s0 =	simm.s32 @p0 $0x1  }
0x13: {  	[smem:$0x3FAE] =	sst s0;
	s0 =	simm.s32 @!p1 $0x0  }
0x14: {  	s2 =	sld [smem:$0x3F92];
	s0 =	simm.s32 @p1 $0x1  }
0x15: {  	[smem:$0x3FAF] =	sst s0;
	s0 =	simm.s32 @!p2 $0x0  }
0x16: {  	s3 =	sld [smem:$0x3FDB];
	s0 =	simm.s32 @p2 $0x1  }
0x17: {  	s4 =	simm.s32 $0x1BF5;
	[smem:$0x3FB1] =	sst s0  }
0x18: {  	s0 =	sld [smem:$0x3F94];
	_ =	swait.ge [sflag:s4], $0x0  }
0x19: {  	s7 =	sld [smem:$0x3F95]  }
0x1a: {  	s8 =	sadd.s32 $0xFFFFE003, lr  }
0x1b: {  	s9 =	sadd.s32 $0xFFFFFEF7, lr;
	s5 =	simm.s32 $0xFFFFFFFF;
	p2 =	slt.u32 s8, $0xFFFFF086  }
0x1c: {  	p1 =	slt.u32 s9, $0xF7A;
	s5 =	simm.s32 @!p2 $0x0  }
0x1d: {  	s5 =	simm.s32 @p1 $0x1;
	p0 =	seq.s32 s7, s2  }
0x1e: {  	s7 =	smul.u32 @!p0 $0xF7A, s2;
	p2 =	seq.s32 @!p0 s5, $0x0  }
0x1f: {  	s9 =	smul.u32 $0xF7A, s1;
	s8 =	simm.s32 @!p0 $0x1BF5;
	p2 =	por !p2, p0  }
0x20: {  	[sflag:s8] =	ssyncset.s32 @!p0 $0xFFFFF086;
	s6 =	sadd.s32 @!p0 s3, s7;
	s7 =	simm.s32 @!p0 $0x108  }
0x21: {  	s3 =	sadd.s32 s3, s9;
	s6 =	sadd.s32 @!p0 $0x88, s6;
	s7 =	simm.s32 @p2 $0x1082  }
0x22: {  	[simem:s7], [sflag:s8] =	dma.local @!p0 [hbm:s6], $0xF7A  }
0x23: {  	s9 =	sor.u32 $0xD0000000, s2;
	s6 =	simm.s32 $0x108;
	_ =	swait.ge @!p0 [sflag:s8], $0x0  }
0x24: {  	s3 =	sadd.s32 $0x88, s3;
	s6 =	simm.s32 @!p1 $0x1082;
	[sflag:s4] =	ssyncset.s32 $0xFFFFF086  }
0x25: {  	[simem:s6], [sflag:s4] =	dma.local [hbm:s3], $0xF7A  }
0x26: {  	[smem:$0x3F95] =	sst s1;
	(tag) =	ssettag s2;
	_ =	strace s9  }
0x27: {  	s1 =	sld [smem:$0x3FA5]  }
0x28: {  	s2 =	sld [smem:$0x3FA6]  }
0x29: {  	s4 =	sld [smem:$0x3FA8]  }
0x2a: {  	p0 =	seq.s32 s5, $0x0;
	s5 =	sld [smem:$0x3FA9]  }
0x2b: {  	s6 =	sld [smem:$0x3FAA]  }
0x2c: {  	s7 =	sld [smem:$0x3FAB]  }
0x2d: {  	s3 =	simm.s32 $0x108;
	s8 =	sld [smem:$0x3FAC]  }
0x2e: {  	s3 =	simm.s32 @!p0 $0x1082;
	s9 =	sld [smem:$0x3FAD]  }
0x2f: {  	lr =	sadd.s32 s0, s3;
	s0 =	sld [smem:$0x3FA4]  }
0x30: {  	s3 =	sld [smem:$0x3FA7]  }
0x31: {  	[smem:$0x3FB0] =	sst s10  }
0x32: {  	s10 =	sld [smem:$0x3FAE];
	_ =	sdelay $0x3  }
0x33: {  	p0 =	seq.s32 s10, $0x1;
	s10 =	sld [smem:$0x3FB0];
	_ =	sdelay $0x3  }
0x34: {  	[smem:$0x3FB0] =	sst s10  }
0x35: {  	s10 =	sld [smem:$0x3FAF];
	_ =	sdelay $0x3  }
0x36: {  	p1 =	seq.s32 s10, $0x1;
	s10 =	sld [smem:$0x3FB0];
	_ =	sdelay $0x3  }
0x37: {  	[smem:$0x3FB0] =	sst s10  }
0x38: {  	s10 =	sld [smem:$0x3FB1]  }
0x39: {  	_ = 	snop;
	(pc) =	sbr.ind lr, $3  }
0x3a: {  	_ = 	snop  }
0x3b: {  	_ = 	snop  }
0x3c: {  	p2 =	seq.s32 s10, $0x1;
	s10 =	sld [smem:$0x3FB0]  }
0x3d: {  	_ =	shalt  }
0x3e: {  	_ =	shalt  }
0x3f: {  	_ =	shalt  }
0x40: {  	_ =	shalt  }
0x41: {  	_ =	shalt  }
0x42: {  	_ =	shalt  }
0x43: {  	_ =	shalt  }
0x44: {  	_ =	shalt  }
0x45: {  	_ =	shalt  }
0x46: {  	_ =	shalt  }
0x47: {  	_ =	shalt  }
0x48: {  	_ =	shalt  }
0x49: {  	_ =	shalt  }
0x4a: {  	_ =	shalt  }
0x4b: {  	_ =	shalt  }
0x4c: {  	_ =	shalt  }
0x4d: {  	_ =	shalt  }
0x4e: {  	_ =	shalt  }
0x4f: {  	_ =	shalt  }
0x50: {  	_ =	shalt  }
0x51: {  	_ =	shalt  }
0x52: {  	_ =	shalt  }
0x53: {  	_ =	shalt  }
0x54: {  	_ =	shalt  }
0x55: {  	_ =	shalt  }
0x56: {  	_ =	shalt  }
0x57: {  	_ =	shalt  }
0x58: {  	_ =	shalt  }
0x59: {  	_ =	shalt  }
0x5a: {  	_ =	shalt  }
0x5b: {  	_ =	shalt  }
0x5c: {  	_ =	shalt  }
0x5d: {  	_ =	shalt  }
0x5e: {  	_ =	shalt  }
0x5f: {  	_ =	shalt  }
0x60: {  	_ =	shalt  }
0x61: {  	_ =	shalt  }
0x62: {  	_ =	shalt  }
0x63: {  	_ =	shalt  }
0x64: {  	_ =	shalt  }
0x65: {  	_ =	shalt  }
0x66: {  	_ =	shalt  }
0x67: {  	_ =	shalt  }
0x68: {  	_ =	shalt  }
0x69: {  	_ =	shalt  }
0x6a: {  	_ =	shalt  }
0x6b: {  	_ =	shalt  }
0x6c: {  	_ =	shalt  }
0x6d: {  	_ =	shalt  }
0x6e: {  	_ =	shalt  }
0x6f: {  	_ =	shalt  }
0x70: {  	_ =	shalt  }
0x71: {  	_ =	shalt  }
0x72: {  	_ =	shalt  }
0x73: {  	_ =	shalt  }
0x74: {  	_ =	shalt  }
0x75: {  	_ =	shalt  }
0x76: {  	_ =	shalt  }
0x77: {  	_ =	shalt  }
0x78: {  	_ =	shalt  }
0x79: {  	_ =	shalt  }
0x7a: {  	_ =	shalt  }
0x7b: {  	_ =	shalt  }
0x7c: {  	_ =	shalt  }
0x7d: {  	_ =	shalt  }
0x7e: {  	_ =	shalt  }
0x7f: {  	_ =	shalt  }
0x80: {  	_ =	shalt  }
0x81: {  	_ =	shalt  }
0x82: {  	_ =	shalt  }
0x83: {  	_ =	shalt  }
0x84: {  	_ =	shalt  }
0x85: {  	_ =	shalt  }
0x86: {  	_ =	shalt  }
0x87: {  	_ =	shalt  }
.Lfunc_end0:
.L_simem_size_0:
called_computation.3_lowered:
.L_overlay_start_0:
0x88: {  	s2 =	sld [smem:$0x3FD9]  }
0x89: {  	s3 =	sld [smem:$0x3FFE];
	_ =	sdelay $0x1  }
0x8a: {  	s1 =	srdreg.scid  }
0x8b: {  	s0 =	sand.u32 $0x1, s1  }
0x8c: {  	s17 =	sshll.u32 s0, $0xA;
	s2 =	sadd.s32 s3, s2  }
0x8d: {  	s2 =	sadd.s32 s2, s17  }
0x8e: {  	[smem:$0x3FBC] =	sst s2  }
0x8f: {  	_ = 	snop  }
0x90: {  	s2 =	sld [smem:$0x3FD0];
	(tm) =	ssettm $0x1  }
0x91: {  	s18 =	sld [smem:$0x3FFB];
	_ =	sdelay $0x3  }
0x92: {  	_ =	strace s18  }
0x93: {  	s3 =	sld [smem:$0x3FFC];
	_ =	sdelay $0x3  }
0x94: {  	_ =	strace s3  }
0x95: {  	s3 =	sld [smem:$0x3FFD];
	_ =	sdelay $0x3  }
0x96: {  	_ =	strace s3  }
0x97: {  	_ =	strace $0x8FFFFFFF  }
0x98: {  	s19 =	sld [smem:$0x3FDB];
	_ =	sdelay $0x1  }
0x99: {  	s4 =	simm.s32 $_scs_section_size  }
0x9a: {  	s5 =	simm.s32 $_size__tile_overlayer_lowered;
	s6 =	simm.s32 $_tile_overlayer_lowered  }
0x9b: {  	s22 =	simm.s32 $0x1BFF;
	s21 =	sshll.u32 s6, $0x1;
	s3 =	sadd.s32 s4, s19  }
0x9c: {  	s7 =	simm.s32 $0x0;
	s20 =	sshll.u32 s5, $0x1;
	s5 =	sadd.s32 s21, s3  }
0x9d: {  	[timem:s7], [sflag:s22] =	dma.local [hbm:s5], s20  }
0x9e: {  	_ =	swait.ge [sflag:s22], s20  }
0x9f: {  	s4 =	ssub.s32 $0x0, s20;
	[sflag:s22] =	ssyncset.done $0x0  }
0xa0: {  	[sflag:s22] =	ssyncadd.s32 s4;
	_ =	sdelay $0x1  }
0xa1: {  	s23 =	simm.s32 $0x1B8B  }
0xa2: {  	_ =	swait.ge [sflag:s23], $0x1  }
0xa3: {  	[sflag:s23] =	ssyncset.done $0x0  }
0xa4: {  	s25 =	simm.s32 $0x1B8E;
	s24 =	sld [smem:$0x3FFE];
	[sflag:s23] =	ssyncadd.s32 $0xFFFFFFFF  }
0xa5: {  	s26 =	simm.s32 $execute0_lowered;
	[smem:$0x3FD2] =	sst s25  }
0xa6: {  	s5 =	sshll.u32 s26, $0x1;
	_ =	strace $0x8000004F;
	[dreg:$0x1] =	wrdreg $0xFFFFFFFF  }
0xa7: {  	s28 =	simm.s32 $_size_execute0_lowered;
	s3 =	sadd.s32 s3, s5;
	[dreg:$0x0] =	wrdreg $0x0  }
0xa8: {  	s5 =	sshll.u32 s28, $0x1;
	[dreg:$0x2] =	wrdreg s3  }
0xa9: {  	[dreg:$0x3] =	wrdreg s5  }
0xaa: {  	[dreg:$0x4] =	wrdreg $0xC0  }
0xab: {  	_ =	task [dreg:s7], $0x5FFFF  }
0xac: {  	[dreg:$0x1] =	wrdreg $0xFFFFFFFF  }
0xad: {  	[dreg:$0x0] =	wrdreg $0x60  }
0xae: {  	[dreg:$0x2] =	wrdreg s2  }
0xaf: {  	[dreg:$0x3] =	wrdreg s24  }
0xb0: {  	[dreg:$0x4] =	wrdreg $0x0  }
0xb1: {  	[dreg:$0x5] =	wrdreg $0x9  }
0xb2: {  	_ =	task.clear_ibuf [dreg:s7], $0x6FFFF;
	_ =	strace $0x9000004F  }
0xb3: {  	s29 =	simm.s32 $0x9;
	_ =	strace $0x80000051  }
0xb4: {  	_ =	swait.ge [sflag:s29], $0x1  }
0xb5: {  	[sflag:s29] =	ssyncadd.s32 $0xFFFFFFFF  }
0xb6: {  	_ =	strace $0x90000051  }
0xb7: {  	_ =	sfence  }
0xb8: {  	s30 =	sld [smem:$0x0];
	_ =	sdelay $0x2  }
0xb9: {  	s31 =	sshll.u32 s1, $0xD;
	s1 =	sshrl.u32 s1, $0x2  }
0xba: {  	s3 =	sand.u32 $0x4000, s31;
	s1 =	sadd.s32 s1, s30  }
0xbb: {  	s0 =	sor.u32 s3, s0;
	s1 =	sshll.u32 s1, $0x11  }
0xbc: {  	s0 =	sor.u32 s1, s0  }
0xbd: {  	s0 =	sadd.s32 $0x8F2B, s0  }
0xbe: {  	[sflag:s0] =	ssyncadd.remote.s32 $0x1  }
0xbf: {  	_ =	sfence.sel $0xFFFF  }
0xc0: {  	[dreg:$0x0] =	wrdreg $0xFFFFFFFF;
	(pc) =	sbr.abs _section_cstart, $3  }
0xc1: {  	[dreg:$0x1] =	wrdreg $0xFFFFFFFF  }
0xc2: {  	_ =	task.clear_ibuf [dreg:s7], $0x2FFFF;
	_ =	strace $0x9FFFFFFF  }
0xc3: {  	(tm) =	ssettm $0x7FFFFFFF  }
tec
execute0_lowered:
.L_overlay_start_1:
0x0: {  	(tag) =	ssettag $0x1  }
0x1: {  	s1 =	rddreg [dreg:$0x0]  }
0x2: {  	s0 =	srdreg.scid;
	s2 =	rddreg [dreg:$0x1]  }
0x3: {  	s11 =	stileid.u32;
	s3 =	rddreg [dreg:$0x2];
	s0 =	sand.u32 $0x1, s0  }
0x4: {  	s29 =	simm.s32 $0x13880;
	s9 =	smul.u32 $0x4E000, s11;
	s4 =	sshll.u32 s0, $0x4  }
0x5: {  	s24 =	smul.u32 $0x13800, s11;
	s7 =	ssub.s32 $0x2, s0;
	s5 =	sor.u32 s11, s4  }
0x6: {  	s4 =	simm.s32 $0x0;
	s8 =	sshrl.u32 s7, $0x1;
	s5 =	smul.u32 $0x2710, s5  }
0x7: {  	s18 =	smul.u32 $0x2710, s11;
	[smem:$0x7FF] =	sst s4;
	s7 =	ssub.s32 s7, s8  }
0x8: {  	s15 =	smax.u32 s7, $0x1;
	s6 =	sshrl.u32 s5, $0x3;
	s5 =	sand.u32 $0x70, s5  }
0x9: {  	_ =	strace $0x80000050;
	[dreg:$0xd] =	wrdreg s15;
	s10 =	sor.u32 $0x13880, s5  }
0xa: {  	p0 =	sne.s32 s11, $0xF;
	s25 =	sadd.s32 $0x138A8, s5;
	[dreg:$0x6] =	wrdreg s10  }
0xb: {  	s0 =	smul.u32 $0x138800, s0;
	s26 =	sadd.s32 $0x138D0, s5;
	[dreg:$0x7] =	wrdreg s25  }
0xc: {  	s23 =	sshrl.u32 s9, $0x2;
	s12 =	sadd.s32 $0x138F8, s5;
	[dreg:$0x8] =	wrdreg s26  }
0xd: {  	s14 =	sadd.s32 s24, s3;
	s13 =	sadd.s32 $0x13920, s5;
	[dreg:$0x9] =	wrdreg s12  }
0xe: {  	s28 =	sadd.s32 s24, s0;
	s19 =	sadd.s32 $0x18648, s5;
	[dreg:$0xa] =	wrdreg s13  }
0xf: {  	s0 =	sshrl.u32 s0, $0x3;
	s20 =	sadd.s32 $0x18670, s5;
	[dreg:$0x10] =	wrdreg s19  }
0x10: {  	s15 =	simm.s32 $0x19B80;
	s21 =	sadd.s32 $0x18698, s5;
	[dreg:$0x11] =	wrdreg s20  }
0x11: {  	s6 =	sand.u32 $0xFFF0, s6;
	s22 =	sadd.s32 $0x186C0, s5;
	[dreg:$0x12] =	wrdreg s21  }
0x12: {  	s5 =	sadd.s32 $0x186E8, s5;
	s6 =	sadd.s32 s6, s2;
	[dreg:$0x13] =	wrdreg s22  }
0x13: {  	s2 =	sadd.s32 $0x18400, s2;
	s10 =	sshrl.u32 s28, $0x3;
	[dreg:$0x14] =	wrdreg s5  }
0x14: {  	s12 =	simm.s32 $0x6;
	s13 =	simm.s32 $0x18780;
	s19 =	simm.s32 $0x1  }
0x15: {  	s20 =	simm.s32 $0x2;
	s21 =	simm.s32 $0x3;
	s6 =	sadd.s32 $0x4A00, s6  }
0x16: {  	s22 =	simm.s32 $0x4;
	s10 =	sadd.s32 s2, s10;
	[dreg:$0x4] =	wrdreg s6  }
0x17: {  	s0 =	sadd.s32 s2, s0;
	s6 =	sadd.s32 s23, s3;
	[dreg:$0xb] =	wrdreg s10  }
0x18: {  	s0 =	sadd.s32 $0x27000, s0;
	s23 =	sshrl.u32 s14, $0x3;
	s14 =	simm.s32 $0x28  }
0x19: {  	s8 =	sadd.s32 $0x12C00, s6;
	[dreg:$0xc] =	wrdreg s0;
	s16 =	sadd.s32 $0x1400, s6  }
0x1a: {  	s17 =	sadd.s32 $0x2800, s6;
	s0 =	sand.u32 $0x70, s18;
	[dreg:$0x15] =	wrdreg s23  }
0x1b: {  	s25 =	sadd.s32 $0x3C00, s6;
	s26 =	sadd.s32 $0x5000, s6;
	s28 =	sadd.s32 $0x6400, s6  }
0x1c: {  	s30 =	sadd.s32 $0x7800, s6;
	s31 =	sadd.s32 $0x8C00, s6;
	[dreg:$0x5] =	wrdreg s8  }
0x1d: {  	s2 =	sadd.s32 $0xA000, s6;
	s5 =	sadd.s32 $0xC800, s6;
	[dreg:$0xe] =	wrdreg s16  }
0x1e: {  	s7 =	sadd.s32 $0xDC00, s6;
	s9 =	sadd.s32 $0xF000, s6;
	[dreg:$0xf] =	wrdreg s17  }
0x1f: {  	s10 =	sadd.s32 $0x10400, s6;
	s11 =	sadd.s32 $0x11800, s6;
	[dreg:$0x16] =	wrdreg s25  }
0x20: {  	s18 =	simm.s32 $0x1D780;
	s23 =	simm.s32 $0x5;
	[dreg:$0x17] =	wrdreg s26  }
0x21: {  	s8 =	sadd.s32 $0x138000, s3;
	s24 =	sor.u32 $0x13880, s0;
	[dreg:$0x18] =	wrdreg s28  }
0x22: {  	v0 =	vimm.f32 $0.0e+00;
	s0 =	sadd.s32 $0xB400, s6;
	s16 =	simm.s32 $0x1AF80;
	s17 =	simm.s32 $0x1C380  }
.LBB2_1:
0x23: {  	s25 =	rddreg [dreg:$0x4];
	s26 =	simm.s32 $0x2780;
	s28 =	simm.s32 $0x4E200  }
0x24: {  	[tilespmem:s29], [sflag:$0x6] =	stream.strided.gather [hbm4b:s25+s26], $0x4F00, s28, s26, $0x38;
	[tilespmem:$0x1EB80] =	vst v63  }
0x25: {  	_ =	swait.ge [sflag:s12], $0x4F00  }
0x26: {  	[sflag:s12] =	ssyncset.done $0x0  }
0x27: {  	s25 =	simm.s32 $0x0;
	s26 =	simm.s32 $0x200;
	[sflag:s12] =	ssyncadd.s32 $0xFFFFB100  }
.LBB2_2:
0x28: {  	p1 =	sne.s32 s26, $0x4E00;
	[tilespmem:s25+$0x187F0] =	vst v0  }
0x29: {  	[tilespmem:s25+$0x18780] =	vst v0  }
0x2a: {  	[tilespmem:s25+$0x18790] =	vst v0  }
.Ltmp0:
0x2b: {  	[tilespmem:s25+$0x187A0] =	vst v0;
	(pc) =	sbr.rel @p1 .LBB2_2-.Ltmp0, $4  }
0x2c: {  	[tilespmem:s25+$0x187B0] =	vst v0  }
0x2d: {  	[tilespmem:s25+$0x187C0] =	vst v0  }
0x2e: {  	[tilespmem:s25+$0x187D0] =	vst v0  }
0x2f: {  	[tilespmem:s25+$0x187E0] =	vst v0;
	s25 =	sshra.s32 s26, $0x2;
	s26 =	sadd.s32 $0x200, s26  }
0x30: {  	[tilespmem:s25+$0x187F0] =	vst v0  }
0x31: {  	[tilespmem:s25+$0x18780] =	vst v0  }
0x32: {  	[tilespmem:s25+$0x18790] =	vst v0  }
0x33: {  	[tilespmem:s25+$0x187A0] =	vst v0  }
0x34: {  	[tilespmem:s25+$0x187B0] =	vst v0  }
0x35: {  	[tilespmem:s25+$0x187C0] =	vst v0  }
0x36: {  	[tilespmem:s25+$0x187D0] =	vst v0  }
0x37: {  	[tilespmem:s25+$0x187E0] =	vst v0  }
0x38: {  	[spmem:s6] =	stream.linear.scatter [tilespmem:s13], [sflag:$0x6], $0x1400, $0x38;
	[tilespmem:$0x1EB80] =	vst v63  }
0x39: {  	_ =	swait.ge [sflag:s12], $0x1400  }
0x3a: {  	[sflag:s12] =	ssyncset.done $0x0  }
0x3b: {  	s26 =	rddreg [dreg:$0xe];
	[sflag:s12] =	ssyncadd.s32 $0xFFFFEC00  }
0x3c: {  	[spmem:s26] =	stream.linear.scatter [tilespmem:s13], [sflag:$0x6], $0x1400, $0x38;
	[tilespmem:$0x1EB80] =	vst v63  }
0x3d: {  	_ =	swait.ge [sflag:s12], $0x1400  }
0x3e: {  	[sflag:s12] =	ssyncset.done $0x0  }
0x3f: {  	s28 =	rddreg [dreg:$0xf];
	[sflag:s12] =	ssyncadd.s32 $0xFFFFEC00  }
0x40: {  	[spmem:s28] =	stream.linear.scatter [tilespmem:s13], [sflag:$0x6], $0x1400, $0x38;
	[tilespmem:$0x1EB80] =	vst v63  }
0x41: {  	_ =	swait.ge [sflag:s12], $0x1400  }
0x42: {  	[sflag:s12] =	ssyncset.done $0x0  }
0x43: {  	s26 =	rddreg [dreg:$0x16];
	[sflag:s12] =	ssyncadd.s32 $0xFFFFEC00  }
0x44: {  	[spmem:s26] =	stream.linear.scatter [tilespmem:s13], [sflag:$0x6], $0x1400, $0x38;
	[tilespmem:$0x1EB80] =	vst v63  }
0x45: {  	_ =	swait.ge [sflag:s12], $0x1400  }
0x46: {  	[sflag:s12] =	ssyncset.done $0x0  }
0x47: {  	s28 =	rddreg [dreg:$0x17];
	[sflag:s12] =	ssyncadd.s32 $0xFFFFEC00  }
0x48: {  	[spmem:s28] =	stream.linear.scatter [tilespmem:s13], [sflag:$0x6], $0x1400, $0x38;
	[tilespmem:$0x1EB80] =	vst v63  }
0x49: {  	_ =	swait.ge [sflag:s12], $0x1400  }
0x4a: {  	[sflag:s12] =	ssyncset.done $0x0  }
0x4b: {  	s26 =	rddreg [dreg:$0x18];
	[sflag:s12] =	ssyncadd.s32 $0xFFFFEC00  }
0x4c: {  	[spmem:s26] =	stream.linear.scatter [tilespmem:s13], [sflag:$0x6], $0x1400, $0x38;
	[tilespmem:$0x1EB80] =	vst v63  }
0x4d: {  	_ =	swait.ge [sflag:s12], $0x1400  }
0x4e: {  	[sflag:s12] =	ssyncset.done $0x0  }
0x4f: {  	[sflag:s12] =	ssyncadd.s32 $0xFFFFEC00  }
0x50: {  	[spmem:s30] =	stream.linear.scatter [tilespmem:s13], [sflag:$0x6], $0x1400, $0x38;
	[tilespmem:$0x1EB80] =	vst v63  }
0x51: {  	_ =	swait.ge [sflag:s12], $0x1400  }
0x52: {  	[sflag:s12] =	ssyncset.done $0x0  }
0x53: {  	[sflag:s12] =	ssyncadd.s32 $0xFFFFEC00  }
0x54: {  	[spmem:s31] =	stream.linear.scatter [tilespmem:s13], [sflag:$0x6], $0x1400, $0x38;
	[tilespmem:$0x1EB80] =	vst v63  }
0x55: {  	_ =	swait.ge [sflag:s12], $0x1400  }
0x56: {  	[sflag:s12] =	ssyncset.done $0x0  }
0x57: {  	[sflag:s12] =	ssyncadd.s32 $0xFFFFEC00  }
0x58: {  	[spmem:s2] =	stream.linear.scatter [tilespmem:s13], [sflag:$0x6], $0x1400, $0x38;
	[tilespmem:$0x1EB80] =	vst v63  }
0x59: {  	_ =	swait.ge [sflag:s12], $0x1400  }
0x5a: {  	[sflag:s12] =	ssyncset.done $0x0  }
0x5b: {  	[sflag:s12] =	ssyncadd.s32 $0xFFFFEC00  }
0x5c: {  	[spmem:s0] =	stream.linear.scatter [tilespmem:s13], [sflag:$0x6], $0x1400, $0x38;
	[tilespmem:$0x1EB80] =	vst v63  }
0x5d: {  	_ =	swait.ge [sflag:s12], $0x1400  }
0x5e: {  	[sflag:s12] =	ssyncset.done $0x0  }
0x5f: {  	[sflag:s12] =	ssyncadd.s32 $0xFFFFEC00  }
0x60: {  	[spmem:s5] =	stream.linear.scatter [tilespmem:s13], [sflag:$0x6], $0x1400, $0x38;
	[tilespmem:$0x1EB80] =	vst v63  }
0x61: {  	_ =	swait.ge [sflag:s12], $0x1400  }
0x62: {  	[sflag:s12] =	ssyncset.done $0x0  }
0x63: {  	[sflag:s12] =	ssyncadd.s32 $0xFFFFEC00  }
0x64: {  	[spmem:s7] =	stream.linear.scatter [tilespmem:s13], [sflag:$0x6], $0x1400, $0x38;
	[tilespmem:$0x1EB80] =	vst v63  }
0x65: {  	_ =	swait.ge [sflag:s12], $0x1400  }
0x66: {  	[sflag:s12] =	ssyncset.done $0x0  }
0x67: {  	[sflag:s12] =	ssyncadd.s32 $0xFFFFEC00  }
0x68: {  	[spmem:s9] =	stream.linear.scatter [tilespmem:s13], [sflag:$0x6], $0x1400, $0x38;
	[tilespmem:$0x1EB80] =	vst v63  }
0x69: {  	_ =	swait.ge [sflag:s12], $0x1400  }
0x6a: {  	[sflag:s12] =	ssyncset.done $0x0  }
0x6b: {  	[sflag:s12] =	ssyncadd.s32 $0xFFFFEC00  }
0x6c: {  	[spmem:s10] =	stream.linear.scatter [tilespmem:s13], [sflag:$0x6], $0x1400, $0x38;
	[tilespmem:$0x1EB80] =	vst v63  }
0x6d: {  	_ =	swait.ge [sflag:s12], $0x1400  }
0x6e: {  	[sflag:s12] =	ssyncset.done $0x0  }
0x6f: {  	[sflag:s12] =	ssyncadd.s32 $0xFFFFEC00  }
0x70: {  	[spmem:s11] =	stream.linear.scatter [tilespmem:s13], [sflag:$0x6], $0x1400, $0x38;
	[tilespmem:$0x1EB80] =	vst v63  }
0x71: {  	_ =	swait.ge [sflag:s12], $0x1400  }
0x72: {  	[sflag:s12] =	ssyncset.done $0x0  }
0x73: {  	s28 =	rddreg [dreg:$0x5];
	[sflag:s12] =	ssyncadd.s32 $0xFFFFEC00  }
0x74: {  	[spmem:s28] =	stream.linear.scatter [tilespmem:s13], [sflag:$0x6], $0xC00, $0x38;
	[tilespmem:$0x1EB80] =	vst v63  }
0x75: {  	_ =	swait.ge [sflag:s12], $0xC00  }
0x76: {  	[sflag:s12] =	ssyncset.done $0x0  }
0x77: {  	s25 =	simm.s32 @!p0 $0x18780;
	[sflag:s12] =	ssyncadd.s32 $0xFFFFF400  }
0x78: {  	[spmem:s8] =	stream.linear.scatter @!p0 [tilespmem:s25], [sflag:$0x6], $0x800, $0x38;
	[tilespmem:$0x1EB80] =	vst v63  }
0x79: {  	s25 =	simm.s32 @!p0 $0x6  }
0x7a: {  	_ =	swait.ge @!p0 [sflag:s25], $0x800  }
0x7b: {  	[sflag:s25] =	ssyncset.done @!p0 $0x0  }
0x7c: {  	s26 =	rddreg [dreg:$0x6];
	[sflag:s25] =	ssyncadd.s32 @!p0 $0xFFFFF800  }
0x7d: {  	[tilespmem:s13], [sflag:$0x1] =	stream.indirect.gather [hbm4b:s1+s14], $0x80, s26, s14, $0xb8;
	[tilespmem:$0x1EB80] =	vst v63  }
0x7e: {  	s28 =	rddreg [dreg:$0x7]  }
0x7f: {  	[tilespmem:s15], [sflag:$0x2] =	stream.indirect.gather [hbm4b:s1+s14], $0x80, s28, s14, $0xb8;
	[tilespmem:$0x1EB80] =	vst v63  }
0x80: {  	s26 =	rddreg [dreg:$0x8]  }
0x81: {  	[tilespmem:s16], [sflag:$0x3] =	stream.indirect.gather [hbm4b:s1+s14], $0x80, s26, s14, $0xb8;
	[tilespmem:$0x1EB80] =	vst v63  }
0x82: {  	s28 =	rddreg [dreg:$0x9]  }
0x83: {  	[tilespmem:s17], [sflag:$0x4] =	stream.indirect.gather [hbm4b:s1+s14], $0x80, s28, s14, $0xb8;
	[tilespmem:$0x1EB80] =	vst v63  }
0x84: {  	s26 =	rddreg [dreg:$0xa]  }
0x85: {  	[tilespmem:s18], [sflag:$0x5] =	stream.indirect.gather [hbm4b:s1+s14], $0x80, s26, s14, $0xb8;
	[tilespmem:$0x1EB80] =	vst v63  }
0x86: {  	[bflag:$0x0] =	sbarrier.arrive $0xFFFF  }
0x87: {  	_ =	swait.ge [sflag:s19], $0x1400  }
0x88: {  	s26 =	sadd.s32 $0x0, s24;
	[sflag:s19] =	ssyncset.done $0x0  }
0x89: {  	s28 =	sadd.s32 $0x2780, s26;
	[sflag:s19] =	ssyncadd.s32 $0xFFFFEC00  }
0x8a: {  	[spmem:s3] =	stream.indirect.scatter.add.f32 [tilespmem:s13], [sflag:$0x6], $0x80, s28, s14, $0xb8;
	[tilespmem:$0x1EB80] =	vst v63  }
0x8b: {  	_ =	swait.ge [sflag:s12], $0x1400  }
0x8c: {  	[sflag:s12] =	ssyncset.done $0x0  }
0x8d: {  	s28 =	sadd.s32 $0xC8, s26;
	[sflag:s12] =	ssyncadd.s32 $0xFFFFEC00  }
0x8e: {  	[tilespmem:s13], [sflag:$0x1] =	stream.indirect.gather [hbm4b:s1+s14], $0x80, s28, s14, $0xb8;
	[tilespmem:$0x1EB80] =	vst v63  }
0x8f: {  	_ =	swait.ge [sflag:s20], $0x1400  }
0x90: {  	[sflag:s20] =	ssyncset.done $0x0  }
0x91: {  	s28 =	sadd.s32 $0x27A8, s26;
	[sflag:s20] =	ssyncadd.s32 $0xFFFFEC00  }
0x92: {  	[spmem:s3] =	stream.indirect.scatter.add.f32 [tilespmem:s15], [sflag:$0x6], $0x80, s28, s14, $0xb8;
	[tilespmem:$0x1EB80] =	vst v63  }
0x93: {  	_ =	swait.ge [sflag:s12], $0x1400  }
0x94: {  	[sflag:s12] =	ssyncset.done $0x0  }
0x95: {  	s28 =	sadd.s32 $0xF0, s26;
	[sflag:s12] =	ssyncadd.s32 $0xFFFFEC00  }
0x96: {  	[tilespmem:s15], [sflag:$0x2] =	stream.indirect.gather [hbm4b:s1+s14], $0x80, s28, s14, $0xb8;
	[tilespmem:$0x1EB80] =	vst v63  }
0x97: {  	_ =	swait.ge [sflag:s21], $0x1400  }
0x98: {  	[sflag:s21] =	ssyncset.done $0x0  }
0x99: {  	s28 =	sadd.s32 $0x27D0, s26;
	[sflag:s21] =	ssyncadd.s32 $0xFFFFEC00  }
0x9a: {  	[spmem:s3] =	stream.indirect.scatter.add.f32 [tilespmem:s16], [sflag:$0x6], $0x80, s28, s14, $0xb8;
	[tilespmem:$0x1EB80] =	vst v63  }
0x9b: {  	_ =	swait.ge [sflag:s12], $0x1400  }
0x9c: {  	[sflag:s12] =	ssyncset.done $0x0  }
0x9d: {  	s28 =	sadd.s32 $0x118, s26;
	[sflag:s12] =	ssyncadd.s32 $0xFFFFEC00  }
0x9e: {  	[tilespmem:s16], [sflag:$0x3] =	stream.indirect.gather [hbm4b:s1+s14], $0x80, s28, s14, $0xb8;
	[tilespmem:$0x1EB80] =	vst v63  }
0x9f: {  	_ =	swait.ge [sflag:s22], $0x1400  }
0xa0: {  	[sflag:s22] =	ssyncset.done $0x0  }
0xa1: {  	s28 =	sadd.s32 $0x27F8, s26;
	[sflag:s22] =	ssyncadd.s32 $0xFFFFEC00  }
0xa2: {  	[spmem:s3] =	stream.indirect.scatter.add.f32 [tilespmem:s17], [sflag:$0x6], $0x80, s28, s14, $0xb8;
	[tilespmem:$0x1EB80] =	vst v63  }
0xa3: {  	_ =	swait.ge [sflag:s12], $0x1400  }
0xa4: {  	[sflag:s12] =	ssyncset.done $0x0  }
0xa5: {  	s28 =	sadd.s32 $0x140, s26;
	[sflag:s12] =	ssyncadd.s32 $0xFFFFEC00  }
0xa6: {  	[tilespmem:s17], [sflag:$0x4] =	stream.indirect.gather [hbm4b:s1+s14], $0x80, s28, s14, $0xb8;
	[tilespmem:$0x1EB80] =	vst v63  }
0xa7: {  	_ =	swait.ge [sflag:s23], $0x1400  }
0xa8: {  	[sflag:s23] =	ssyncset.done $0x0  }
0xa9: {  	s28 =	sadd.s32 $0x2820, s26;
	[sflag:s23] =	ssyncadd.s32 $0xFFFFEC00  }
0xaa: {  	[spmem:s3] =	stream.indirect.scatter.add.f32 [tilespmem:s18], [sflag:$0x6], $0x80, s28, s14, $0xb8;
	[tilespmem:$0x1EB80] =	vst v63  }
0xab: {  	_ =	swait.ge [sflag:s12], $0x1400  }
0xac: {  	[sflag:s12] =	ssyncset.done $0x0  }
0xad: {  	s25 =	simm.s32 $0x320;
	s26 =	sadd.s32 $0x168, s26;
	[sflag:s12] =	ssyncadd.s32 $0xFFFFEC00  }
.LBB2_4:
0xae: {  	[tilespmem:s18], [sflag:$0x5] =	stream.indirect.gather [hbm4b:s1+s14], $0x80, s26, s14, $0xb8;
	[tilespmem:$0x1EB80] =	vst v63  }
0xaf: {  	s26 =	sshra.s32 s25, $0x2;
	p1 =	sne.s32 s25, $0x9600;
	_ =	swait.ge [sflag:s19], $0x1400  }
0xb0: {  	s25 =	sadd.s32 $0x320, s25;
	s26 =	sadd.s32 s26, s24;
	[sflag:s19] =	ssyncset.done $0x0  }
0xb1: {  	s28 =	sadd.s32 $0x2780, s26;
	[sflag:s19] =	ssyncadd.s32 $0xFFFFEC00  }
0xb2: {  	[spmem:s3] =	stream.indirect.scatter.add.f32 [tilespmem:s13], [sflag:$0x6], $0x80, s28, s14, $0xb8;
	[tilespmem:$0x1EB80] =	vst v63  }
0xb3: {  	_ =	swait.ge [sflag:s12], $0x1400  }
0xb4: {  	[sflag:s12] =	ssyncset.done $0x0  }
0xb5: {  	s28 =	sadd.s32 $0xC8, s26;
	[sflag:s12] =	ssyncadd.s32 $0xFFFFEC00  }
0xb6: {  	[tilespmem:s13], [sflag:$0x1] =	stream.indirect.gather [hbm4b:s1+s14], $0x80, s28, s14, $0xb8;
	[tilespmem:$0x1EB80] =	vst v63  }
0xb7: {  	_ =	swait.ge [sflag:s20], $0x1400  }
0xb8: {  	[sflag:s20] =	ssyncset.done $0x0  }
0xb9: {  	s28 =	sadd.s32 $0x27A8, s26;
	[sflag:s20] =	ssyncadd.s32 $0xFFFFEC00  }
0xba: {  	[spmem:s3] =	stream.indirect.scatter.add.f32 [tilespmem:s15], [sflag:$0x6], $0x80, s28, s14, $0xb8;
	[tilespmem:$0x1EB80] =	vst v63  }
0xbb: {  	_ =	swait.ge [sflag:s12], $0x1400  }
0xbc: {  	[sflag:s12] =	ssyncset.done $0x0  }
0xbd: {  	s28 =	sadd.s32 $0xF0, s26;
	[sflag:s12] =	ssyncadd.s32 $0xFFFFEC00  }
0xbe: {  	[tilespmem:s15], [sflag:$0x2] =	stream.indirect.gather [hbm4b:s1+s14], $0x80, s28, s14, $0xb8;
	[tilespmem:$0x1EB80] =	vst v63  }
0xbf: {  	_ =	swait.ge [sflag:s21], $0x1400  }
0xc0: {  	[sflag:s21] =	ssyncset.done $0x0  }
0xc1: {  	s28 =	sadd.s32 $0x27D0, s26;
	[sflag:s21] =	ssyncadd.s32 $0xFFFFEC00  }
0xc2: {  	[spmem:s3] =	stream.indirect.scatter.add.f32 [tilespmem:s16], [sflag:$0x6], $0x80, s28, s14, $0xb8;
	[tilespmem:$0x1EB80] =	vst v63  }
0xc3: {  	_ =	swait.ge [sflag:s12], $0x1400  }
0xc4: {  	[sflag:s12] =	ssyncset.done $0x0  }
0xc5: {  	s28 =	sadd.s32 $0x118, s26;
	[sflag:s12] =	ssyncadd.s32 $0xFFFFEC00  }
0xc6: {  	[tilespmem:s16], [sflag:$0x3] =	stream.indirect.gather [hbm4b:s1+s14], $0x80, s28, s14, $0xb8;
	[tilespmem:$0x1EB80] =	vst v63  }
0xc7: {  	_ =	swait.ge [sflag:s22], $0x1400  }
0xc8: {  	[sflag:s22] =	ssyncset.done $0x0  }
0xc9: {  	s28 =	sadd.s32 $0x27F8, s26;
	[sflag:s22] =	ssyncadd.s32 $0xFFFFEC00  }
0xca: {  	[spmem:s3] =	stream.indirect.scatter.add.f32 [tilespmem:s17], [sflag:$0x6], $0x80, s28, s14, $0xb8;
	[tilespmem:$0x1EB80] =	vst v63  }
0xcb: {  	_ =	swait.ge [sflag:s12], $0x1400  }
0xcc: {  	[sflag:s12] =	ssyncset.done $0x0  }
0xcd: {  	s28 =	sadd.s32 $0x140, s26;
	[sflag:s12] =	ssyncadd.s32 $0xFFFFEC00  }
0xce: {  	[tilespmem:s17], [sflag:$0x4] =	stream.indirect.gather [hbm4b:s1+s14], $0x80, s28, s14, $0xb8;
	[tilespmem:$0x1EB80] =	vst v63  }
0xcf: {  	_ =	swait.ge [sflag:s23], $0x1400  }
0xd0: {  	[sflag:s23] =	ssyncset.done $0x0  }
.Ltmp1:
0xd1: {  	s28 =	sadd.s32 $0x2820, s26;
	[sflag:s23] =	ssyncadd.s32 $0xFFFFEC00;
	(pc) =	sbr.rel @p1 .LBB2_4-.Ltmp1, $4  }
0xd2: {  	[spmem:s3] =	stream.indirect.scatter.add.f32 [tilespmem:s18], [sflag:$0x6], $0x80, s28, s14, $0xb8;
	[tilespmem:$0x1EB80] =	vst v63  }
0xd3: {  	_ =	swait.ge [sflag:s12], $0x1400  }
0xd4: {  	[sflag:s12] =	ssyncset.done $0x0  }
0xd5: {  	s26 =	sadd.s32 $0x168, s26;
	[sflag:s12] =	ssyncadd.s32 $0xFFFFEC00  }
0xd6: {  	[tilespmem:s18], [sflag:$0x5] =	stream.indirect.gather [hbm4b:s1+s14], $0x80, s26, s14, $0xb8;
	[tilespmem:$0x1EB80] =	vst v63  }
0xd7: {  	_ =	swait.ge [sflag:s19], $0x1400  }
0xd8: {  	[sflag:s19] =	ssyncset.done $0x0  }
0xd9: {  	s25 =	rddreg [dreg:$0x10];
	[sflag:s19] =	ssyncadd.s32 $0xFFFFEC00  }
0xda: {  	[spmem:s3] =	stream.indirect.scatter.add.f32 [tilespmem:s13], [sflag:$0x6], $0x80, s25, s14, $0xb8;
	[tilespmem:$0x1EB80] =	vst v63  }
0xdb: {  	_ =	swait.ge [sflag:s12], $0x1400  }
0xdc: {  	[sflag:s12] =	ssyncset.done $0x0  }
0xdd: {  	[sflag:s12] =	ssyncadd.s32 $0xFFFFEC00  }
0xde: {  	_ =	swait.ge [sflag:s20], $0x1400  }
0xdf: {  	[sflag:s20] =	ssyncset.done $0x0  }
0xe0: {  	s26 =	rddreg [dreg:$0x11];
	[sflag:s20] =	ssyncadd.s32 $0xFFFFEC00  }
0xe1: {  	[spmem:s3] =	stream.indirect.scatter.add.f32 [tilespmem:s15], [sflag:$0x6], $0x80, s26, s14, $0xb8;
	[tilespmem:$0x1EB80] =	vst v63  }
0xe2: {  	_ =	swait.ge [sflag:s12], $0x1400  }
0xe3: {  	[sflag:s12] =	ssyncset.done $0x0  }
0xe4: {  	[sflag:s12] =	ssyncadd.s32 $0xFFFFEC00  }
0xe5: {  	_ =	swait.ge [sflag:s21], $0x1400  }
0xe6: {  	[sflag:s21] =	ssyncset.done $0x0  }
0xe7: {  	s28 =	rddreg [dreg:$0x12];
	[sflag:s21] =	ssyncadd.s32 $0xFFFFEC00  }
0xe8: {  	[spmem:s3] =	stream.indirect.scatter.add.f32 [tilespmem:s16], [sflag:$0x6], $0x80, s28, s14, $0xb8;
	[tilespmem:$0x1EB80] =	vst v63  }
0xe9: {  	_ =	swait.ge [sflag:s12], $0x1400  }
0xea: {  	[sflag:s12] =	ssyncset.done $0x0  }
0xeb: {  	[sflag:s12] =	ssyncadd.s32 $0xFFFFEC00  }
0xec: {  	_ =	swait.ge [sflag:s22], $0x1400  }
0xed: {  	[sflag:s22] =	ssyncset.done $0x0  }
0xee: {  	s26 =	rddreg [dreg:$0x13];
	[sflag:s22] =	ssyncadd.s32 $0xFFFFEC00  }
0xef: {  	[spmem:s3] =	stream.indirect.scatter.add.f32 [tilespmem:s17], [sflag:$0x6], $0x80, s26, s14, $0xb8;
	[tilespmem:$0x1EB80] =	vst v63  }
0xf0: {  	_ =	swait.ge [sflag:s12], $0x1400  }
0xf1: {  	[sflag:s12] =	ssyncset.done $0x0  }
0xf2: {  	[sflag:s12] =	ssyncadd.s32 $0xFFFFEC00  }
0xf3: {  	_ =	swait.ge [sflag:s23], $0x1400  }
0xf4: {  	[sflag:s23] =	ssyncset.done $0x0  }
0xf5: {  	s28 =	rddreg [dreg:$0x14];
	[sflag:s23] =	ssyncadd.s32 $0xFFFFEC00  }
0xf6: {  	[spmem:s3] =	stream.indirect.scatter.add.f32 [tilespmem:s18], [sflag:$0x6], $0x80, s28, s14, $0xb8;
	[tilespmem:$0x1EB80] =	vst v63  }
0xf7: {  	_ =	swait.ge [sflag:s12], $0x1400  }
0xf8: {  	[sflag:s12] =	ssyncset.done $0x0  }
0xf9: {  	[sflag:s12] =	ssyncadd.s32 $0xFFFFEC00  }
0xfa: {  	s26 =	stileid.u32;
	[bflag:$0x0] =	sbarrier.arrive $0xFFFF  }
0xfb: {  	s25 =	sshll.u32 s26, $0x6;
	s26 =	rddreg [dreg:$0xb]  }
0xfc: {  	s25 =	sor.u32 $0x1C06, s25;
	s28 =	rddreg [dreg:$0x15]  }
0xfd: {  	[hbm:s26], [sflag:s25] =	dma.local [spmem:s28], $0x2700  }
0xfe: {  	_ =	swait.ge [sflag:s12], $0x2700  }
0xff: {  	[sflag:s12] =	ssyncset.done $0x0  }
0x100: {  	s26 =	sshrl.u32 @!p0 s8, $0x3;
	s28 =	rddreg [dreg:$0xc];
	[sflag:s12] =	ssyncadd.s32 $0xFFFFD900  }
0x101: {  	[hbm:s28], [sflag:s25] =	dma.local @!p0 [spmem:s26], $0x100  }
0x102: {  	s25 =	simm.s32 @!p0 $0x6  }
0x103: {  	_ =	swait.ge @!p0 [sflag:s25], $0x100  }
0x104: {  	s4 =	sadd.s32 $0x1, s4;
	s28 =	rddreg [dreg:$0xd]  }
0x105: {  	p1 =	sne.s32 s4, s28  }
.Ltmp2:
0x106: {  	_ = 	snop;
	(pc) =	sbr.rel @p1 .LBB2_1-.Ltmp2, $3  }
0x107: {  	_ =	sdelay $0x1  }
0x108: {  	[sflag:s25] =	ssyncset.done @!p0 $0x0  }
0x109: {  	[sflag:s25] =	ssyncadd.s32 @!p0 $0xFFFFFF00  }
0x10a: {  	_ =	sfence.sel $0x180000  }
0x10b: {  	[bflag:$0x0] =	sbarrier.arrive $0xFFFF  }
0x10c: {  	_ =	strace $0x90000050  }
0x10d: {  	s0 =	stileid.u32;
	[bflag:$0x2] =	sbarrier.arrive $0xFFFF  }
0x10e: {  	p0 =	sne.s32 s0, $0x0;
	s0 =	rddreg [dreg:$0x3]  }
0x10f: {  	s0 =	sadd.s32 @!p0 $0x100000, s0  }
0x110: {  	[sflag:s0] =	ssyncadd.tile.s32 @!p0 $0x1;
	_ =	shalt  }
.Lfunc_end2:
_tile_overlayer_lowered:
.L_overlay_start_2:
0x111: {  	(tag) =	ssettag $0x2  }
0x112: {  	s0 =	rddreg [dreg:$0x0];
	s2 =	stileid.u32  }
0x113: {  	s1 =	rddreg [dreg:$0x1];
	p0 =	sne.s32 s2, $0x0  }
0x114: {  	s3 =	rddreg [dreg:$0x2];
	[bflag:$0x3] =	sbarrier.arrive $0xFFFF;
	s2 =	simm.s32 @!p0 $0x1C06  }
0x115: {  	[timem:s3], [sflag:s2] =	dma.local @!p0 [hbm:s0], s1  }
0x116: {  	s0 =	simm.s32 @!p0 $0x6  }
0x117: {  	_ =	swait.ge @!p0 [sflag:s0], s1  }
0x118: {  	s1 =	ssub.s32 @!p0 $0x0, s1;
	[sflag:s0] =	ssyncset.done @!p0 $0x0  }
0x119: {  	[sflag:s0] =	ssyncadd.s32 @!p0 s1  }
0x11a: {  	[bflag:$0x3] =	sbarrier.arrive $0xFFFF  }
0x11b: {  	_ =	shalt  }

// kernel: kernel.27.cloned.1.call-start
scs
__scs_entry_jumppad:
0x0: {  	(pc) =	sbr.rel $0x88, $3  }
0x1: {  	(tag) =	ssettag $0x0;
	lr =	simm.s32 $0x1  }
0x2: {  	[smem:$0x3F95] =	sst lr;
	_ =	strace $0xD0000000  }
0x3: {  	_ = 	snop  }
0x4: {  	_ = 	snop  }
0x5: {  	_ = 	snop  }
0x6: {  	_ = 	snop  }
0x7: {  	_ = 	snop  }
__scs_overlays_trampoline_lowered:
0x8: {  	[smem:$0x3FA4] =	sst s0  }
0x9: {  	[smem:$0x3FA5] =	sst s1  }
0xa: {  	[smem:$0x3FA6] =	sst s2  }
0xb: {  	[smem:$0x3FA7] =	sst s3  }
0xc: {  	[smem:$0x3FA8] =	sst s4  }
0xd: {  	[smem:$0x3FA9] =	sst s5  }
0xe: {  	[smem:$0x3FAA] =	sst s6  }
0xf: {  	[smem:$0x3FAB] =	sst s7  }
0x10: {  	[smem:$0x3FAC] =	sst s8  }
0x11: {  	[smem:$0x3FAD] =	sst s9;
	s0 =	simm.s32 @!p0 $0x0  }
0x12: {  	s1 =	sld [smem:$0x3F93];
	s0 =	simm.s32 @p0 $0x1  }
0x13: {  	[smem:$0x3FAE] =	sst s0;
	s0 =	simm.s32 @!p1 $0x0  }
0x14: {  	s2 =	sld [smem:$0x3F92];
	s0 =	simm.s32 @p1 $0x1  }
0x15: {  	[smem:$0x3FAF] =	sst s0;
	s0 =	simm.s32 @!p2 $0x0  }
0x16: {  	s3 =	sld [smem:$0x3FDB];
	s0 =	simm.s32 @p2 $0x1  }
0x17: {  	s4 =	simm.s32 $0x1BF5;
	[smem:$0x3FB1] =	sst s0  }
0x18: {  	s0 =	sld [smem:$0x3F94];
	_ =	swait.ge [sflag:s4], $0x0  }
0x19: {  	s7 =	sld [smem:$0x3F95]  }
0x1a: {  	s8 =	sadd.s32 $0xFFFFE003, lr  }
0x1b: {  	s9 =	sadd.s32 $0xFFFFFEF7, lr;
	s5 =	simm.s32 $0xFFFFFFFF;
	p2 =	slt.u32 s8, $0xFFFFF086  }
0x1c: {  	p1 =	slt.u32 s9, $0xF7A;
	s5 =	simm.s32 @!p2 $0x0  }
0x1d: {  	s5 =	simm.s32 @p1 $0x1;
	p0 =	seq.s32 s7, s2  }
0x1e: {  	s7 =	smul.u32 @!p0 $0xF7A, s2;
	p2 =	seq.s32 @!p0 s5, $0x0  }
0x1f: {  	s9 =	smul.u32 $0xF7A, s1;
	s8 =	simm.s32 @!p0 $0x1BF5;
	p2 =	por !p2, p0  }
0x20: {  	[sflag:s8] =	ssyncset.s32 @!p0 $0xFFFFF086;
	s6 =	sadd.s32 @!p0 s3, s7;
	s7 =	simm.s32 @!p0 $0x108  }
0x21: {  	s3 =	sadd.s32 s3, s9;
	s6 =	sadd.s32 @!p0 $0x88, s6;
	s7 =	simm.s32 @p2 $0x1082  }
0x22: {  	[simem:s7], [sflag:s8] =	dma.local @!p0 [hbm:s6], $0xF7A  }
0x23: {  	s9 =	sor.u32 $0xD0000000, s2;
	s6 =	simm.s32 $0x108;
	_ =	swait.ge @!p0 [sflag:s8], $0x0  }
0x24: {  	s3 =	sadd.s32 $0x88, s3;
	s6 =	simm.s32 @!p1 $0x1082;
	[sflag:s4] =	ssyncset.s32 $0xFFFFF086  }
0x25: {  	[simem:s6], [sflag:s4] =	dma.local [hbm:s3], $0xF7A  }
0x26: {  	[smem:$0x3F95] =	sst s1;
	(tag) =	ssettag s2;
	_ =	strace s9  }
0x27: {  	s1 =	sld [smem:$0x3FA5]  }
0x28: {  	s2 =	sld [smem:$0x3FA6]  }
0x29: {  	s4 =	sld [smem:$0x3FA8]  }
0x2a: {  	p0 =	seq.s32 s5, $0x0;
	s5 =	sld [smem:$0x3FA9]  }
0x2b: {  	s6 =	sld [smem:$0x3FAA]  }
0x2c: {  	s7 =	sld [smem:$0x3FAB]  }
0x2d: {  	s3 =	simm.s32 $0x108;
	s8 =	sld [smem:$0x3FAC]  }
0x2e: {  	s3 =	simm.s32 @!p0 $0x1082;
	s9 =	sld [smem:$0x3FAD]  }
0x2f: {  	lr =	sadd.s32 s0, s3;
	s0 =	sld [smem:$0x3FA4]  }
0x30: {  	s3 =	sld [smem:$0x3FA7]  }
0x31: {  	[smem:$0x3FB0] =	sst s10  }
0x32: {  	s10 =	sld [smem:$0x3FAE];
	_ =	sdelay $0x3  }
0x33: {  	p0 =	seq.s32 s10, $0x1;
	s10 =	sld [smem:$0x3FB0];
	_ =	sdelay $0x3  }
0x34: {  	[smem:$0x3FB0] =	sst s10  }
0x35: {  	s10 =	sld [smem:$0x3FAF];
	_ =	sdelay $0x3  }
0x36: {  	p1 =	seq.s32 s10, $0x1;
	s10 =	sld [smem:$0x3FB0];
	_ =	sdelay $0x3  }
0x37: {  	[smem:$0x3FB0] =	sst s10  }
0x38: {  	s10 =	sld [smem:$0x3FB1]  }
0x39: {  	_ = 	snop;
	(pc) =	sbr.ind lr, $3  }
0x3a: {  	_ = 	snop  }
0x3b: {  	_ = 	snop  }
0x3c: {  	p2 =	seq.s32 s10, $0x1;
	s10 =	sld [smem:$0x3FB0]  }
0x3d: {  	_ =	shalt  }
0x3e: {  	_ =	shalt  }
0x3f: {  	_ =	shalt  }
0x40: {  	_ =	shalt  }
0x41: {  	_ =	shalt  }
0x42: {  	_ =	shalt  }
0x43: {  	_ =	shalt  }
0x44: {  	_ =	shalt  }
0x45: {  	_ =	shalt  }
0x46: {  	_ =	shalt  }
0x47: {  	_ =	shalt  }
0x48: {  	_ =	shalt  }
0x49: {  	_ =	shalt  }
0x4a: {  	_ =	shalt  }
0x4b: {  	_ =	shalt  }
0x4c: {  	_ =	shalt  }
0x4d: {  	_ =	shalt  }
0x4e: {  	_ =	shalt  }
0x4f: {  	_ =	shalt  }
0x50: {  	_ =	shalt  }
0x51: {  	_ =	shalt  }
0x52: {  	_ =	shalt  }
0x53: {  	_ =	shalt  }
0x54: {  	_ =	shalt  }
0x55: {  	_ =	shalt  }
0x56: {  	_ =	shalt  }
0x57: {  	_ =	shalt  }
0x58: {  	_ =	shalt  }
0x59: {  	_ =	shalt  }
0x5a: {  	_ =	shalt  }
0x5b: {  	_ =	shalt  }
0x5c: {  	_ =	shalt  }
0x5d: {  	_ =	shalt  }
0x5e: {  	_ =	shalt  }
0x5f: {  	_ =	shalt  }
0x60: {  	_ =	shalt  }
0x61: {  	_ =	shalt  }
0x62: {  	_ =	shalt  }
0x63: {  	_ =	shalt  }
0x64: {  	_ =	shalt  }
0x65: {  	_ =	shalt  }
0x66: {  	_ =	shalt  }
0x67: {  	_ =	shalt  }
0x68: {  	_ =	shalt  }
0x69: {  	_ =	shalt  }
0x6a: {  	_ =	shalt  }
0x6b: {  	_ =	shalt  }
0x6c: {  	_ =	shalt  }
0x6d: {  	_ =	shalt  }
0x6e: {  	_ =	shalt  }
0x6f: {  	_ =	shalt  }
0x70: {  	_ =	shalt  }
0x71: {  	_ =	shalt  }
0x72: {  	_ =	shalt  }
0x73: {  	_ =	shalt  }
0x74: {  	_ =	shalt  }
0x75: {  	_ =	shalt  }
0x76: {  	_ =	shalt  }
0x77: {  	_ =	shalt  }
0x78: {  	_ =	shalt  }
0x79: {  	_ =	shalt  }
0x7a: {  	_ =	shalt  }
0x7b: {  	_ =	shalt  }
0x7c: {  	_ =	shalt  }
0x7d: {  	_ =	shalt  }
0x7e: {  	_ =	shalt  }
0x7f: {  	_ =	shalt  }
0x80: {  	_ =	shalt  }
0x81: {  	_ =	shalt  }
0x82: {  	_ =	shalt  }
0x83: {  	_ =	shalt  }
0x84: {  	_ =	shalt  }
0x85: {  	_ =	shalt  }
0x86: {  	_ =	shalt  }
0x87: {  	_ =	shalt  }
.Lfunc_end0:
.L_simem_size_0:
called_computation.4_lowered:
.L_overlay_start_0:
0x88: {  	s2 =	sld [smem:$0x3FD9]  }
0x89: {  	s3 =	sld [smem:$0x3FFE];
	_ =	sdelay $0x1  }
0x8a: {  	s1 =	srdreg.scid  }
0x8b: {  	s0 =	sand.u32 $0x1, s1  }
0x8c: {  	s17 =	sshll.u32 s0, $0xA;
	s2 =	sadd.s32 s3, s2  }
0x8d: {  	s2 =	sadd.s32 s2, s17  }
0x8e: {  	[smem:$0x3FBC] =	sst s2  }
0x8f: {  	_ = 	snop  }
0x90: {  	s2 =	sld [smem:$0x3FD0];
	(tm) =	ssettm $0x1  }
0x91: {  	s18 =	sld [smem:$0x3FFB];
	_ =	sdelay $0x3  }
0x92: {  	_ =	strace s18  }
0x93: {  	s3 =	sld [smem:$0x3FFC];
	_ =	sdelay $0x3  }
0x94: {  	_ =	strace s3  }
0x95: {  	s3 =	sld [smem:$0x3FFD];
	_ =	sdelay $0x3  }
0x96: {  	_ =	strace s3  }
0x97: {  	_ =	strace $0x8FFFFFFF  }
0x98: {  	s19 =	sld [smem:$0x3FDB];
	_ =	sdelay $0x1  }
0x99: {  	s4 =	simm.s32 $_scs_section_size  }
0x9a: {  	s5 =	simm.s32 $_size__tile_overlayer_lowered;
	s6 =	simm.s32 $_tile_overlayer_lowered  }
0x9b: {  	s22 =	simm.s32 $0x1BFF;
	s21 =	sshll.u32 s6, $0x1;
	s3 =	sadd.s32 s4, s19  }
0x9c: {  	s7 =	simm.s32 $0x0;
	s20 =	sshll.u32 s5, $0x1;
	s5 =	sadd.s32 s21, s3  }
0x9d: {  	[timem:s7], [sflag:s22] =	dma.local [hbm:s5], s20  }
0x9e: {  	_ =	swait.ge [sflag:s22], s20  }
0x9f: {  	s4 =	ssub.s32 $0x0, s20;
	[sflag:s22] =	ssyncset.done $0x0  }
0xa0: {  	[sflag:s22] =	ssyncadd.s32 s4;
	_ =	sdelay $0x1  }
0xa1: {  	s23 =	simm.s32 $0x1B8B  }
0xa2: {  	_ =	swait.ge [sflag:s23], $0x1  }
0xa3: {  	[sflag:s23] =	ssyncset.done $0x0  }
0xa4: {  	s25 =	simm.s32 $0x1B8E;
	s24 =	sld [smem:$0x3FFE];
	[sflag:s23] =	ssyncadd.s32 $0xFFFFFFFF  }
0xa5: {  	s26 =	simm.s32 $execute0_lowered;
	[smem:$0x3FD2] =	sst s25  }
0xa6: {  	s5 =	sshll.u32 s26, $0x1;
	_ =	strace $0x80000052;
	[dreg:$0x1] =	wrdreg $0xFFFFFFFF  }
0xa7: {  	s28 =	simm.s32 $_size_execute0_lowered;
	s3 =	sadd.s32 s3, s5;
	[dreg:$0x0] =	wrdreg $0x0  }
0xa8: {  	s5 =	sshll.u32 s28, $0x1;
	[dreg:$0x2] =	wrdreg s3  }
0xa9: {  	[dreg:$0x3] =	wrdreg s5  }
0xaa: {  	[dreg:$0x4] =	wrdreg $0xC0  }
0xab: {  	_ =	task [dreg:s7], $0x5FFFF  }
0xac: {  	[dreg:$0x1] =	wrdreg $0xFFFFFFFF  }
0xad: {  	[dreg:$0x0] =	wrdreg $0x60  }
0xae: {  	[dreg:$0x2] =	wrdreg s2  }
0xaf: {  	[dreg:$0x3] =	wrdreg s24  }
0xb0: {  	[dreg:$0x4] =	wrdreg $0x0  }
0xb1: {  	[dreg:$0x5] =	wrdreg $0x9  }
0xb2: {  	_ =	task.clear_ibuf [dreg:s7], $0x6FFFF;
	_ =	strace $0x90000052  }
0xb3: {  	s29 =	simm.s32 $0x9;
	_ =	strace $0x80000054  }
0xb4: {  	_ =	swait.ge [sflag:s29], $0x1  }
0xb5: {  	[sflag:s29] =	ssyncadd.s32 $0xFFFFFFFF  }
0xb6: {  	_ =	strace $0x90000054  }
0xb7: {  	_ =	sfence  }
0xb8: {  	s30 =	sld [smem:$0x0];
	_ =	sdelay $0x2  }
0xb9: {  	s31 =	sshll.u32 s1, $0xD;
	s1 =	sshrl.u32 s1, $0x2  }
0xba: {  	s3 =	sand.u32 $0x4000, s31;
	s1 =	sadd.s32 s1, s30  }
0xbb: {  	s0 =	sor.u32 s3, s0;
	s1 =	sshll.u32 s1, $0x11  }
0xbc: {  	s0 =	sor.u32 s1, s0  }
0xbd: {  	s0 =	sadd.s32 $0x8F2B, s0  }
0xbe: {  	[sflag:s0] =	ssyncadd.remote.s32 $0x1  }
0xbf: {  	_ =	sfence.sel $0xFFFF  }
0xc0: {  	[dreg:$0x0] =	wrdreg $0xFFFFFFFF;
	(pc) =	sbr.abs _section_cstart, $3  }
0xc1: {  	[dreg:$0x1] =	wrdreg $0xFFFFFFFF  }
0xc2: {  	_ =	task.clear_ibuf [dreg:s7], $0x2FFFF;
	_ =	strace $0x9FFFFFFF  }
0xc3: {  	(tm) =	ssettm $0x7FFFFFFF  }
tec
execute0_lowered:
.L_overlay_start_1:
0x0: {  	(tag) =	ssettag $0x1  }
0x1: {  	s1 =	rddreg [dreg:$0x0]  }
0x2: {  	s0 =	srdreg.scid;
	s2 =	rddreg [dreg:$0x1]  }
0x3: {  	s11 =	stileid.u32;
	s3 =	rddreg [dreg:$0x2];
	s0 =	sand.u32 $0x1, s0  }
0x4: {  	s29 =	simm.s32 $0x13880;
	s9 =	smul.u32 $0x4E000, s11;
	s4 =	sshll.u32 s0, $0x4  }
0x5: {  	s24 =	smul.u32 $0x13800, s11;
	s7 =	ssub.s32 $0x2, s0;
	s5 =	sor.u32 s11, s4  }
0x6: {  	s4 =	simm.s32 $0x0;
	s8 =	sshrl.u32 s7, $0x1;
	s5 =	smul.u32 $0x2710, s5  }
0x7: {  	s18 =	smul.u32 $0x2710, s11;
	[smem:$0x7FF] =	sst s4;
	s7 =	ssub.s32 s7, s8  }
0x8: {  	s15 =	smax.u32 s7, $0x1;
	s6 =	sshrl.u32 s5, $0x3;
	s5 =	sand.u32 $0x70, s5  }
0x9: {  	_ =	strace $0x80000053;
	[dreg:$0xd] =	wrdreg s15;
	s10 =	sor.u32 $0x13880, s5  }
0xa: {  	p0 =	sne.s32 s11, $0xF;
	s25 =	sadd.s32 $0x138A8, s5;
	[dreg:$0x6] =	wrdreg s10  }
0xb: {  	s0 =	smul.u32 $0x138800, s0;
	s26 =	sadd.s32 $0x138D0, s5;
	[dreg:$0x7] =	wrdreg s25  }
0xc: {  	s23 =	sshrl.u32 s9, $0x2;
	s12 =	sadd.s32 $0x138F8, s5;
	[dreg:$0x8] =	wrdreg s26  }
0xd: {  	s14 =	sadd.s32 s24, s3;
	s13 =	sadd.s32 $0x13920, s5;
	[dreg:$0x9] =	wrdreg s12  }
0xe: {  	s28 =	sadd.s32 s24, s0;
	s19 =	sadd.s32 $0x18648, s5;
	[dreg:$0xa] =	wrdreg s13  }
0xf: {  	s0 =	sshrl.u32 s0, $0x3;
	s20 =	sadd.s32 $0x18670, s5;
	[dreg:$0x10] =	wrdreg s19  }
0x10: {  	s15 =	simm.s32 $0x19B80;
	s21 =	sadd.s32 $0x18698, s5;
	[dreg:$0x11] =	wrdreg s20  }
0x11: {  	s6 =	sand.u32 $0xFFF0, s6;
	s22 =	sadd.s32 $0x186C0, s5;
	[dreg:$0x12] =	wrdreg s21  }
0x12: {  	s5 =	sadd.s32 $0x186E8, s5;
	s6 =	sadd.s32 s6, s2;
	[dreg:$0x13] =	wrdreg s22  }
0x13: {  	s2 =	sadd.s32 $0x18400, s2;
	s10 =	sshrl.u32 s28, $0x3;
	[dreg:$0x14] =	wrdreg s5  }
0x14: {  	s12 =	simm.s32 $0x6;
	s13 =	simm.s32 $0x18780;
	s19 =	simm.s32 $0x1  }
0x15: {  	s20 =	simm.s32 $0x2;
	s21 =	simm.s32 $0x3;
	s6 =	sadd.s32 $0x4A00, s6  }
0x16: {  	s22 =	simm.s32 $0x4;
	s10 =	sadd.s32 s2, s10;
	[dreg:$0x4] =	wrdreg s6  }
0x17: {  	s0 =	sadd.s32 s2, s0;
	s6 =	sadd.s32 s23, s3;
	[dreg:$0xb] =	wrdreg s10  }
0x18: {  	s0 =	sadd.s32 $0x27000, s0;
	s23 =	sshrl.u32 s14, $0x3;
	s14 =	simm.s32 $0x28  }
0x19: {  	s8 =	sadd.s32 $0x12C00, s6;
	[dreg:$0xc] =	wrdreg s0;
	s16 =	sadd.s32 $0x1400, s6  }
0x1a: {  	s17 =	sadd.s32 $0x2800, s6;
	s0 =	sand.u32 $0x70, s18;
	[dreg:$0x15] =	wrdreg s23  }
0x1b: {  	s25 =	sadd.s32 $0x3C00, s6;
	s26 =	sadd.s32 $0x5000, s6;
	s28 =	sadd.s32 $0x6400, s6  }
0x1c: {  	s30 =	sadd.s32 $0x7800, s6;
	s31 =	sadd.s32 $0x8C00, s6;
	[dreg:$0x5] =	wrdreg s8  }
0x1d: {  	s2 =	sadd.s32 $0xA000, s6;
	s5 =	sadd.s32 $0xC800, s6;
	[dreg:$0xe] =	wrdreg s16  }
0x1e: {  	s7 =	sadd.s32 $0xDC00, s6;
	s9 =	sadd.s32 $0xF000, s6;
	[dreg:$0xf] =	wrdreg s17  }
0x1f: {  	s10 =	sadd.s32 $0x10400, s6;
	s11 =	sadd.s32 $0x11800, s6;
	[dreg:$0x16] =	wrdreg s25  }
0x20: {  	s18 =	simm.s32 $0x1D780;
	s23 =	simm.s32 $0x5;
	[dreg:$0x17] =	wrdreg s26  }
0x21: {  	s8 =	sadd.s32 $0x138000, s3;
	s24 =	sor.u32 $0x13880, s0;
	[dreg:$0x18] =	wrdreg s28  }
0x22: {  	v0 =	vimm.f32 $0.0e+00;
	s0 =	sadd.s32 $0xB400, s6;
	s16 =	simm.s32 $0x1AF80;
	s17 =	simm.s32 $0x1C380  }
.LBB2_1:
0x23: {  	s25 =	rddreg [dreg:$0x4];
	s26 =	simm.s32 $0x2780;
	s28 =	simm.s32 $0x4E200  }
0x24: {  	[tilespmem:s29], [sflag:$0x6] =	stream.strided.gather [hbm4b:s25+s26], $0x4F00, s28, s26, $0x38;
	[tilespmem:$0x1EB80] =	vst v63  }
0x25: {  	_ =	swait.ge [sflag:s12], $0x4F00  }
0x26: {  	[sflag:s12] =	ssyncset.done $0x0  }
0x27: {  	s25 =	simm.s32 $0x0;
	s26 =	simm.s32 $0x200;
	[sflag:s12] =	ssyncadd.s32 $0xFFFFB100  }
.LBB2_2:
0x28: {  	p1 =	sne.s32 s26, $0x4E00;
	[tilespmem:s25+$0x187F0] =	vst v0  }
0x29: {  	[tilespmem:s25+$0x18780] =	vst v0  }
0x2a: {  	[tilespmem:s25+$0x18790] =	vst v0  }
.Ltmp0:
0x2b: {  	[tilespmem:s25+$0x187A0] =	vst v0;
	(pc) =	sbr.rel @p1 .LBB2_2-.Ltmp0, $4  }
0x2c: {  	[tilespmem:s25+$0x187B0] =	vst v0  }
0x2d: {  	[tilespmem:s25+$0x187C0] =	vst v0  }
0x2e: {  	[tilespmem:s25+$0x187D0] =	vst v0  }
0x2f: {  	[tilespmem:s25+$0x187E0] =	vst v0;
	s25 =	sshra.s32 s26, $0x2;
	s26 =	sadd.s32 $0x200, s26  }
0x30: {  	[tilespmem:s25+$0x187F0] =	vst v0  }
0x31: {  	[tilespmem:s25+$0x18780] =	vst v0  }
0x32: {  	[tilespmem:s25+$0x18790] =	vst v0  }
0x33: {  	[tilespmem:s25+$0x187A0] =	vst v0  }
0x34: {  	[tilespmem:s25+$0x187B0] =	vst v0  }
0x35: {  	[tilespmem:s25+$0x187C0] =	vst v0  }
0x36: {  	[tilespmem:s25+$0x187D0] =	vst v0  }
0x37: {  	[tilespmem:s25+$0x187E0] =	vst v0  }
0x38: {  	[spmem:s6] =	stream.linear.scatter [tilespmem:s13], [sflag:$0x6], $0x1400, $0x38;
	[tilespmem:$0x1EB80] =	vst v63  }
0x39: {  	_ =	swait.ge [sflag:s12], $0x1400  }
0x3a: {  	[sflag:s12] =	ssyncset.done $0x0  }
0x3b: {  	s26 =	rddreg [dreg:$0xe];
	[sflag:s12] =	ssyncadd.s32 $0xFFFFEC00  }
0x3c: {  	[spmem:s26] =	stream.linear.scatter [tilespmem:s13], [sflag:$0x6], $0x1400, $0x38;
	[tilespmem:$0x1EB80] =	vst v63  }
0x3d: {  	_ =	swait.ge [sflag:s12], $0x1400  }
0x3e: {  	[sflag:s12] =	ssyncset.done $0x0  }
0x3f: {  	s28 =	rddreg [dreg:$0xf];
	[sflag:s12] =	ssyncadd.s32 $0xFFFFEC00  }
0x40: {  	[spmem:s28] =	stream.linear.scatter [tilespmem:s13], [sflag:$0x6], $0x1400, $0x38;
	[tilespmem:$0x1EB80] =	vst v63  }
0x41: {  	_ =	swait.ge [sflag:s12], $0x1400  }
0x42: {  	[sflag:s12] =	ssyncset.done $0x0  }
0x43: {  	s26 =	rddreg [dreg:$0x16];
	[sflag:s12] =	ssyncadd.s32 $0xFFFFEC00  }
0x44: {  	[spmem:s26] =	stream.linear.scatter [tilespmem:s13], [sflag:$0x6], $0x1400, $0x38;
	[tilespmem:$0x1EB80] =	vst v63  }
0x45: {  	_ =	swait.ge [sflag:s12], $0x1400  }
0x46: {  	[sflag:s12] =	ssyncset.done $0x0  }
0x47: {  	s28 =	rddreg [dreg:$0x17];
	[sflag:s12] =	ssyncadd.s32 $0xFFFFEC00  }
0x48: {  	[spmem:s28] =	stream.linear.scatter [tilespmem:s13], [sflag:$0x6], $0x1400, $0x38;
	[tilespmem:$0x1EB80] =	vst v63  }
0x49: {  	_ =	swait.ge [sflag:s12], $0x1400  }
0x4a: {  	[sflag:s12] =	ssyncset.done $0x0  }
0x4b: {  	s26 =	rddreg [dreg:$0x18];
	[sflag:s12] =	ssyncadd.s32 $0xFFFFEC00  }
0x4c: {  	[spmem:s26] =	stream.linear.scatter [tilespmem:s13], [sflag:$0x6], $0x1400, $0x38;
	[tilespmem:$0x1EB80] =	vst v63  }
0x4d: {  	_ =	swait.ge [sflag:s12], $0x1400  }
0x4e: {  	[sflag:s12] =	ssyncset.done $0x0  }
0x4f: {  	[sflag:s12] =	ssyncadd.s32 $0xFFFFEC00  }
0x50: {  	[spmem:s30] =	stream.linear.scatter [tilespmem:s13], [sflag:$0x6], $0x1400, $0x38;
	[tilespmem:$0x1EB80] =	vst v63  }
0x51: {  	_ =	swait.ge [sflag:s12], $0x1400  }
0x52: {  	[sflag:s12] =	ssyncset.done $0x0  }
0x53: {  	[sflag:s12] =	ssyncadd.s32 $0xFFFFEC00  }
0x54: {  	[spmem:s31] =	stream.linear.scatter [tilespmem:s13], [sflag:$0x6], $0x1400, $0x38;
	[tilespmem:$0x1EB80] =	vst v63  }
0x55: {  	_ =	swait.ge [sflag:s12], $0x1400  }
0x56: {  	[sflag:s12] =	ssyncset.done $0x0  }
0x57: {  	[sflag:s12] =	ssyncadd.s32 $0xFFFFEC00  }
0x58: {  	[spmem:s2] =	stream.linear.scatter [tilespmem:s13], [sflag:$0x6], $0x1400, $0x38;
	[tilespmem:$0x1EB80] =	vst v63  }
0x59: {  	_ =	swait.ge [sflag:s12], $0x1400  }
0x5a: {  	[sflag:s12] =	ssyncset.done $0x0  }
0x5b: {  	[sflag:s12] =	ssyncadd.s32 $0xFFFFEC00  }
0x5c: {  	[spmem:s0] =	stream.linear.scatter [tilespmem:s13], [sflag:$0x6], $0x1400, $0x38;
	[tilespmem:$0x1EB80] =	vst v63  }
0x5d: {  	_ =	swait.ge [sflag:s12], $0x1400  }
0x5e: {  	[sflag:s12] =	ssyncset.done $0x0  }
0x5f: {  	[sflag:s12] =	ssyncadd.s32 $0xFFFFEC00  }
0x60: {  	[spmem:s5] =	stream.linear.scatter [tilespmem:s13], [sflag:$0x6], $0x1400, $0x38;
	[tilespmem:$0x1EB80] =	vst v63  }
0x61: {  	_ =	swait.ge [sflag:s12], $0x1400  }
0x62: {  	[sflag:s12] =	ssyncset.done $0x0  }
0x63: {  	[sflag:s12] =	ssyncadd.s32 $0xFFFFEC00  }
0x64: {  	[spmem:s7] =	stream.linear.scatter [tilespmem:s13], [sflag:$0x6], $0x1400, $0x38;
	[tilespmem:$0x1EB80] =	vst v63  }
0x65: {  	_ =	swait.ge [sflag:s12], $0x1400  }
0x66: {  	[sflag:s12] =	ssyncset.done $0x0  }
0x67: {  	[sflag:s12] =	ssyncadd.s32 $0xFFFFEC00  }
0x68: {  	[spmem:s9] =	stream.linear.scatter [tilespmem:s13], [sflag:$0x6], $0x1400, $0x38;
	[tilespmem:$0x1EB80] =	vst v63  }
0x69: {  	_ =	swait.ge [sflag:s12], $0x1400  }
0x6a: {  	[sflag:s12] =	ssyncset.done $0x0  }
0x6b: {  	[sflag:s12] =	ssyncadd.s32 $0xFFFFEC00  }
0x6c: {  	[spmem:s10] =	stream.linear.scatter [tilespmem:s13], [sflag:$0x6], $0x1400, $0x38;
	[tilespmem:$0x1EB80] =	vst v63  }
0x6d: {  	_ =	swait.ge [sflag:s12], $0x1400  }
0x6e: {  	[sflag:s12] =	ssyncset.done $0x0  }
0x6f: {  	[sflag:s12] =	ssyncadd.s32 $0xFFFFEC00  }
0x70: {  	[spmem:s11] =	stream.linear.scatter [tilespmem:s13], [sflag:$0x6], $0x1400, $0x38;
	[tilespmem:$0x1EB80] =	vst v63  }
0x71: {  	_ =	swait.ge [sflag:s12], $0x1400  }
0x72: {  	[sflag:s12] =	ssyncset.done $0x0  }
0x73: {  	s28 =	rddreg [dreg:$0x5];
	[sflag:s12] =	ssyncadd.s32 $0xFFFFEC00  }
0x74: {  	[spmem:s28] =	stream.linear.scatter [tilespmem:s13], [sflag:$0x6], $0xC00, $0x38;
	[tilespmem:$0x1EB80] =	vst v63  }
0x75: {  	_ =	swait.ge [sflag:s12], $0xC00  }
0x76: {  	[sflag:s12] =	ssyncset.done $0x0  }
0x77: {  	s25 =	simm.s32 @!p0 $0x18780;
	[sflag:s12] =	ssyncadd.s32 $0xFFFFF400  }
0x78: {  	[spmem:s8] =	stream.linear.scatter @!p0 [tilespmem:s25], [sflag:$0x6], $0x800, $0x38;
	[tilespmem:$0x1EB80] =	vst v63  }
0x79: {  	s25 =	simm.s32 @!p0 $0x6  }
0x7a: {  	_ =	swait.ge @!p0 [sflag:s25], $0x800  }
0x7b: {  	[sflag:s25] =	ssyncset.done @!p0 $0x0  }
0x7c: {  	s26 =	rddreg [dreg:$0x6];
	[sflag:s25] =	ssyncadd.s32 @!p0 $0xFFFFF800  }
0x7d: {  	[tilespmem:s13], [sflag:$0x1] =	stream.indirect.gather [hbm4b:s1+s14], $0x80, s26, s14, $0xb8;
	[tilespmem:$0x1EB80] =	vst v63  }
0x7e: {  	s28 =	rddreg [dreg:$0x7]  }
0x7f: {  	[tilespmem:s15], [sflag:$0x2] =	stream.indirect.gather [hbm4b:s1+s14], $0x80, s28, s14, $0xb8;
	[tilespmem:$0x1EB80] =	vst v63  }
0x80: {  	s26 =	rddreg [dreg:$0x8]  }
0x81: {  	[tilespmem:s16], [sflag:$0x3] =	stream.indirect.gather [hbm4b:s1+s14], $0x80, s26, s14, $0xb8;
	[tilespmem:$0x1EB80] =	vst v63  }
0x82: {  	s28 =	rddreg [dreg:$0x9]  }
0x83: {  	[tilespmem:s17], [sflag:$0x4] =	stream.indirect.gather [hbm4b:s1+s14], $0x80, s28, s14, $0xb8;
	[tilespmem:$0x1EB80] =	vst v63  }
0x84: {  	s26 =	rddreg [dreg:$0xa]  }
0x85: {  	[tilespmem:s18], [sflag:$0x5] =	stream.indirect.gather [hbm4b:s1+s14], $0x80, s26, s14, $0xb8;
	[tilespmem:$0x1EB80] =	vst v63  }
0x86: {  	[bflag:$0x0] =	sbarrier.arrive $0xFFFF  }
0x87: {  	_ =	swait.ge [sflag:s19], $0x1400  }
0x88: {  	s26 =	sadd.s32 $0x0, s24;
	[sflag:s19] =	ssyncset.done $0x0  }
0x89: {  	s28 =	sadd.s32 $0x2780, s26;
	[sflag:s19] =	ssyncadd.s32 $0xFFFFEC00  }
0x8a: {  	[spmem:s3] =	stream.indirect.scatter.add.f32 [tilespmem:s13], [sflag:$0x6], $0x80, s28, s14, $0xb8;
	[tilespmem:$0x1EB80] =	vst v63  }
0x8b: {  	_ =	swait.ge [sflag:s12], $0x1400  }
0x8c: {  	[sflag:s12] =	ssyncset.done $0x0  }
0x8d: {  	s28 =	sadd.s32 $0xC8, s26;
	[sflag:s12] =	ssyncadd.s32 $0xFFFFEC00  }
0x8e: {  	[tilespmem:s13], [sflag:$0x1] =	stream.indirect.gather [hbm4b:s1+s14], $0x80, s28, s14, $0xb8;
	[tilespmem:$0x1EB80] =	vst v63  }
0x8f: {  	_ =	swait.ge [sflag:s20], $0x1400  }
0x90: {  	[sflag:s20] =	ssyncset.done $0x0  }
0x91: {  	s28 =	sadd.s32 $0x27A8, s26;
	[sflag:s20] =	ssyncadd.s32 $0xFFFFEC00  }
0x92: {  	[spmem:s3] =	stream.indirect.scatter.add.f32 [tilespmem:s15], [sflag:$0x6], $0x80, s28, s14, $0xb8;
	[tilespmem:$0x1EB80] =	vst v63  }
0x93: {  	_ =	swait.ge [sflag:s12], $0x1400  }
0x94: {  	[sflag:s12] =	ssyncset.done $0x0  }
0x95: {  	s28 =	sadd.s32 $0xF0, s26;
	[sflag:s12] =	ssyncadd.s32 $0xFFFFEC00  }
0x96: {  	[tilespmem:s15], [sflag:$0x2] =	stream.indirect.gather [hbm4b:s1+s14], $0x80, s28, s14, $0xb8;
	[tilespmem:$0x1EB80] =	vst v63  }
0x97: {  	_ =	swait.ge [sflag:s21], $0x1400  }
0x98: {  	[sflag:s21] =	ssyncset.done $0x0  }
0x99: {  	s28 =	sadd.s32 $0x27D0, s26;
	[sflag:s21] =	ssyncadd.s32 $0xFFFFEC00  }
0x9a: {  	[spmem:s3] =	stream.indirect.scatter.add.f32 [tilespmem:s16], [sflag:$0x6], $0x80, s28, s14, $0xb8;
	[tilespmem:$0x1EB80] =	vst v63  }
0x9b: {  	_ =	swait.ge [sflag:s12], $0x1400  }
0x9c: {  	[sflag:s12] =	ssyncset.done $0x0  }
0x9d: {  	s28 =	sadd.s32 $0x118, s26;
	[sflag:s12] =	ssyncadd.s32 $0xFFFFEC00  }
0x9e: {  	[tilespmem:s16], [sflag:$0x3] =	stream.indirect.gather [hbm4b:s1+s14], $0x80, s28, s14, $0xb8;
	[tilespmem:$0x1EB80] =	vst v63  }
0x9f: {  	_ =	swait.ge [sflag:s22], $0x1400  }
0xa0: {  	[sflag:s22] =	ssyncset.done $0x0  }
0xa1: {  	s28 =	sadd.s32 $0x27F8, s26;
	[sflag:s22] =	ssyncadd.s32 $0xFFFFEC00  }
0xa2: {  	[spmem:s3] =	stream.indirect.scatter.add.f32 [tilespmem:s17], [sflag:$0x6], $0x80, s28, s14, $0xb8;
	[tilespmem:$0x1EB80] =	vst v63  }
0xa3: {  	_ =	swait.ge [sflag:s12], $0x1400  }
0xa4: {  	[sflag:s12] =	ssyncset.done $0x0  }
0xa5: {  	s28 =	sadd.s32 $0x140, s26;
	[sflag:s12] =	ssyncadd.s32 $0xFFFFEC00  }
0xa6: {  	[tilespmem:s17], [sflag:$0x4] =	stream.indirect.gather [hbm4b:s1+s14], $0x80, s28, s14, $0xb8;
	[tilespmem:$0x1EB80] =	vst v63  }
0xa7: {  	_ =	swait.ge [sflag:s23], $0x1400  }
0xa8: {  	[sflag:s23] =	ssyncset.done $0x0  }
0xa9: {  	s28 =	sadd.s32 $0x2820, s26;
	[sflag:s23] =	ssyncadd.s32 $0xFFFFEC00  }
0xaa: {  	[spmem:s3] =	stream.indirect.scatter.add.f32 [tilespmem:s18], [sflag:$0x6], $0x80, s28, s14, $0xb8;
	[tilespmem:$0x1EB80] =	vst v63  }
0xab: {  	_ =	swait.ge [sflag:s12], $0x1400  }
0xac: {  	[sflag:s12] =	ssyncset.done $0x0  }
0xad: {  	s25 =	simm.s32 $0x320;
	s26 =	sadd.s32 $0x168, s26;
	[sflag:s12] =	ssyncadd.s32 $0xFFFFEC00  }
.LBB2_4:
0xae: {  	[tilespmem:s18], [sflag:$0x5] =	stream.indirect.gather [hbm4b:s1+s14], $0x80, s26, s14, $0xb8;
	[tilespmem:$0x1EB80] =	vst v63  }
0xaf: {  	s26 =	sshra.s32 s25, $0x2;
	p1 =	sne.s32 s25, $0x9600;
	_ =	swait.ge [sflag:s19], $0x1400  }
0xb0: {  	s25 =	sadd.s32 $0x320, s25;
	s26 =	sadd.s32 s26, s24;
	[sflag:s19] =	ssyncset.done $0x0  }
0xb1: {  	s28 =	sadd.s32 $0x2780, s26;
	[sflag:s19] =	ssyncadd.s32 $0xFFFFEC00  }
0xb2: {  	[spmem:s3] =	stream.indirect.scatter.add.f32 [tilespmem:s13], [sflag:$0x6], $0x80, s28, s14, $0xb8;
	[tilespmem:$0x1EB80] =	vst v63  }
0xb3: {  	_ =	swait.ge [sflag:s12], $0x1400  }
0xb4: {  	[sflag:s12] =	ssyncset.done $0x0  }
0xb5: {  	s28 =	sadd.s32 $0xC8, s26;
	[sflag:s12] =	ssyncadd.s32 $0xFFFFEC00  }
0xb6: {  	[tilespmem:s13], [sflag:$0x1] =	stream.indirect.gather [hbm4b:s1+s14], $0x80, s28, s14, $0xb8;
	[tilespmem:$0x1EB80] =	vst v63  }
0xb7: {  	_ =	swait.ge [sflag:s20], $0x1400  }
0xb8: {  	[sflag:s20] =	ssyncset.done $0x0  }
0xb9: {  	s28 =	sadd.s32 $0x27A8, s26;
	[sflag:s20] =	ssyncadd.s32 $0xFFFFEC00  }
0xba: {  	[spmem:s3] =	stream.indirect.scatter.add.f32 [tilespmem:s15], [sflag:$0x6], $0x80, s28, s14, $0xb8;
	[tilespmem:$0x1EB80] =	vst v63  }
0xbb: {  	_ =	swait.ge [sflag:s12], $0x1400  }
0xbc: {  	[sflag:s12] =	ssyncset.done $0x0  }
0xbd: {  	s28 =	sadd.s32 $0xF0, s26;
	[sflag:s12] =	ssyncadd.s32 $0xFFFFEC00  }
0xbe: {  	[tilespmem:s15], [sflag:$0x2] =	stream.indirect.gather [hbm4b:s1+s14], $0x80, s28, s14, $0xb8;
	[tilespmem:$0x1EB80] =	vst v63  }
0xbf: {  	_ =	swait.ge [sflag:s21], $0x1400  }
0xc0: {  	[sflag:s21] =	ssyncset.done $0x0  }
0xc1: {  	s28 =	sadd.s32 $0x27D0, s26;
	[sflag:s21] =	ssyncadd.s32 $0xFFFFEC00  }
0xc2: {  	[spmem:s3] =	stream.indirect.scatter.add.f32 [tilespmem:s16], [sflag:$0x6], $0x80, s28, s14, $0xb8;
	[tilespmem:$0x1EB80] =	vst v63  }
0xc3: {  	_ =	swait.ge [sflag:s12], $0x1400  }
0xc4: {  	[sflag:s12] =	ssyncset.done $0x0  }
0xc5: {  	s28 =	sadd.s32 $0x118, s26;
	[sflag:s12] =	ssyncadd.s32 $0xFFFFEC00  }
0xc6: {  	[tilespmem:s16], [sflag:$0x3] =	stream.indirect.gather [hbm4b:s1+s14], $0x80, s28, s14, $0xb8;
	[tilespmem:$0x1EB80] =	vst v63  }
0xc7: {  	_ =	swait.ge [sflag:s22], $0x1400  }
0xc8: {  	[sflag:s22] =	ssyncset.done $0x0  }
0xc9: {  	s28 =	sadd.s32 $0x27F8, s26;
	[sflag:s22] =	ssyncadd.s32 $0xFFFFEC00  }
0xca: {  	[spmem:s3] =	stream.indirect.scatter.add.f32 [tilespmem:s17], [sflag:$0x6], $0x80, s28, s14, $0xb8;
	[tilespmem:$0x1EB80] =	vst v63  }
0xcb: {  	_ =	swait.ge [sflag:s12], $0x1400  }
0xcc: {  	[sflag:s12] =	ssyncset.done $0x0  }
0xcd: {  	s28 =	sadd.s32 $0x140, s26;
	[sflag:s12] =	ssyncadd.s32 $0xFFFFEC00  }
0xce: {  	[tilespmem:s17], [sflag:$0x4] =	stream.indirect.gather [hbm4b:s1+s14], $0x80, s28, s14, $0xb8;
	[tilespmem:$0x1EB80] =	vst v63  }
0xcf: {  	_ =	swait.ge [sflag:s23], $0x1400  }
0xd0: {  	[sflag:s23] =	ssyncset.done $0x0  }
.Ltmp1:
0xd1: {  	s28 =	sadd.s32 $0x2820, s26;
	[sflag:s23] =	ssyncadd.s32 $0xFFFFEC00;
	(pc) =	sbr.rel @p1 .LBB2_4-.Ltmp1, $4  }
0xd2: {  	[spmem:s3] =	stream.indirect.scatter.add.f32 [tilespmem:s18], [sflag:$0x6], $0x80, s28, s14, $0xb8;
	[tilespmem:$0x1EB80] =	vst v63  }
0xd3: {  	_ =	swait.ge [sflag:s12], $0x1400  }
0xd4: {  	[sflag:s12] =	ssyncset.done $0x0  }
0xd5: {  	s26 =	sadd.s32 $0x168, s26;
	[sflag:s12] =	ssyncadd.s32 $0xFFFFEC00  }
0xd6: {  	[tilespmem:s18], [sflag:$0x5] =	stream.indirect.gather [hbm4b:s1+s14], $0x80, s26, s14, $0xb8;
	[tilespmem:$0x1EB80] =	vst v63  }
0xd7: {  	_ =	swait.ge [sflag:s19], $0x1400  }
0xd8: {  	[sflag:s19] =	ssyncset.done $0x0  }
0xd9: {  	s25 =	rddreg [dreg:$0x10];
	[sflag:s19] =	ssyncadd.s32 $0xFFFFEC00  }
0xda: {  	[spmem:s3] =	stream.indirect.scatter.add.f32 [tilespmem:s13], [sflag:$0x6], $0x80, s25, s14, $0xb8;
	[tilespmem:$0x1EB80] =	vst v63  }
0xdb: {  	_ =	swait.ge [sflag:s12], $0x1400  }
0xdc: {  	[sflag:s12] =	ssyncset.done $0x0  }
0xdd: {  	[sflag:s12] =	ssyncadd.s32 $0xFFFFEC00  }
0xde: {  	_ =	swait.ge [sflag:s20], $0x1400  }
0xdf: {  	[sflag:s20] =	ssyncset.done $0x0  }
0xe0: {  	s26 =	rddreg [dreg:$0x11];
	[sflag:s20] =	ssyncadd.s32 $0xFFFFEC00  }
0xe1: {  	[spmem:s3] =	stream.indirect.scatter.add.f32 [tilespmem:s15], [sflag:$0x6], $0x80, s26, s14, $0xb8;
	[tilespmem:$0x1EB80] =	vst v63  }
0xe2: {  	_ =	swait.ge [sflag:s12], $0x1400  }
0xe3: {  	[sflag:s12] =	ssyncset.done $0x0  }
0xe4: {  	[sflag:s12] =	ssyncadd.s32 $0xFFFFEC00  }
0xe5: {  	_ =	swait.ge [sflag:s21], $0x1400  }
0xe6: {  	[sflag:s21] =	ssyncset.done $0x0  }
0xe7: {  	s28 =	rddreg [dreg:$0x12];
	[sflag:s21] =	ssyncadd.s32 $0xFFFFEC00  }
0xe8: {  	[spmem:s3] =	stream.indirect.scatter.add.f32 [tilespmem:s16], [sflag:$0x6], $0x80, s28, s14, $0xb8;
	[tilespmem:$0x1EB80] =	vst v63  }
0xe9: {  	_ =	swait.ge [sflag:s12], $0x1400  }
0xea: {  	[sflag:s12] =	ssyncset.done $0x0  }
0xeb: {  	[sflag:s12] =	ssyncadd.s32 $0xFFFFEC00  }
0xec: {  	_ =	swait.ge [sflag:s22], $0x1400  }
0xed: {  	[sflag:s22] =	ssyncset.done $0x0  }
0xee: {  	s26 =	rddreg [dreg:$0x13];
	[sflag:s22] =	ssyncadd.s32 $0xFFFFEC00  }
0xef: {  	[spmem:s3] =	stream.indirect.scatter.add.f32 [tilespmem:s17], [sflag:$0x6], $0x80, s26, s14, $0xb8;
	[tilespmem:$0x1EB80] =	vst v63  }
0xf0: {  	_ =	swait.ge [sflag:s12], $0x1400  }
0xf1: {  	[sflag:s12] =	ssyncset.done $0x0  }
0xf2: {  	[sflag:s12] =	ssyncadd.s32 $0xFFFFEC00  }
0xf3: {  	_ =	swait.ge [sflag:s23], $0x1400  }
0xf4: {  	[sflag:s23] =	ssyncset.done $0x0  }
0xf5: {  	s28 =	rddreg [dreg:$0x14];
	[sflag:s23] =	ssyncadd.s32 $0xFFFFEC00  }
0xf6: {  	[spmem:s3] =	stream.indirect.scatter.add.f32 [tilespmem:s18], [sflag:$0x6], $0x80, s28, s14, $0xb8;
	[tilespmem:$0x1EB80] =	vst v63  }
0xf7: {  	_ =	swait.ge [sflag:s12], $0x1400  }
0xf8: {  	[sflag:s12] =	ssyncset.done $0x0  }
0xf9: {  	[sflag:s12] =	ssyncadd.s32 $0xFFFFEC00  }
0xfa: {  	s26 =	stileid.u32;
	[bflag:$0x0] =	sbarrier.arrive $0xFFFF  }
0xfb: {  	s25 =	sshll.u32 s26, $0x6;
	s26 =	rddreg [dreg:$0xb]  }
0xfc: {  	s25 =	sor.u32 $0x1C06, s25;
	s28 =	rddreg [dreg:$0x15]  }
0xfd: {  	[hbm:s26], [sflag:s25] =	dma.local [spmem:s28], $0x2700  }
0xfe: {  	_ =	swait.ge [sflag:s12], $0x2700  }
0xff: {  	[sflag:s12] =	ssyncset.done $0x0  }
0x100: {  	s26 =	sshrl.u32 @!p0 s8, $0x3;
	s28 =	rddreg [dreg:$0xc];
	[sflag:s12] =	ssyncadd.s32 $0xFFFFD900  }
0x101: {  	[hbm:s28], [sflag:s25] =	dma.local @!p0 [spmem:s26], $0x100  }
0x102: {  	s25 =	simm.s32 @!p0 $0x6  }
0x103: {  	_ =	swait.ge @!p0 [sflag:s25], $0x100  }
0x104: {  	s4 =	sadd.s32 $0x1, s4;
	s28 =	rddreg [dreg:$0xd]  }
0x105: {  	p1 =	sne.s32 s4, s28  }
.Ltmp2:
0x106: {  	_ = 	snop;
	(pc) =	sbr.rel @p1 .LBB2_1-.Ltmp2, $3  }
0x107: {  	_ =	sdelay $0x1  }
0x108: {  	[sflag:s25] =	ssyncset.done @!p0 $0x0  }
0x109: {  	[sflag:s25] =	ssyncadd.s32 @!p0 $0xFFFFFF00  }
0x10a: {  	_ =	sfence.sel $0x180000  }
0x10b: {  	[bflag:$0x0] =	sbarrier.arrive $0xFFFF  }
0x10c: {  	_ =	strace $0x90000053  }
0x10d: {  	s0 =	stileid.u32;
	[bflag:$0x2] =	sbarrier.arrive $0xFFFF  }
0x10e: {  	p0 =	sne.s32 s0, $0x0;
	s0 =	rddreg [dreg:$0x3]  }
0x10f: {  	s0 =	sadd.s32 @!p0 $0x100000, s0  }
0x110: {  	[sflag:s0] =	ssyncadd.tile.s32 @!p0 $0x1;
	_ =	shalt  }
.Lfunc_end2:
_tile_overlayer_lowered:
.L_overlay_start_2:
0x111: {  	(tag) =	ssettag $0x2  }
0x112: {  	s0 =	rddreg [dreg:$0x0];
	s2 =	stileid.u32  }
0x113: {  	s1 =	rddreg [dreg:$0x1];
	p0 =	sne.s32 s2, $0x0  }
0x114: {  	s3 =	rddreg [dreg:$0x2];
	[bflag:$0x3] =	sbarrier.arrive $0xFFFF;
	s2 =	simm.s32 @!p0 $0x1C06  }
0x115: {  	[timem:s3], [sflag:s2] =	dma.local @!p0 [hbm:s0], s1  }
0x116: {  	s0 =	simm.s32 @!p0 $0x6  }
0x117: {  	_ =	swait.ge @!p0 [sflag:s0], s1  }
0x118: {  	s1 =	ssub.s32 @!p0 $0x0, s1;
	[sflag:s0] =	ssyncset.done @!p0 $0x0  }
0x119: {  	[sflag:s0] =	ssyncadd.s32 @!p0 s1  }
0x11a: {  	[bflag:$0x3] =	sbarrier.arrive $0xFFFF  }
0x11b: {  	_ =	shalt  }

// kernel: kernel.30.cloned.1.call-start
scs
__scs_entry_jumppad:
0x0: {  	(pc) =	sbr.rel $0x88, $3  }
0x1: {  	(tag) =	ssettag $0x0;
	lr =	simm.s32 $0x1  }
0x2: {  	[smem:$0x3F95] =	sst lr;
	_ =	strace $0xD0000000  }
0x3: {  	_ = 	snop  }
0x4: {  	_ = 	snop  }
0x5: {  	_ = 	snop  }
0x6: {  	_ = 	snop  }
0x7: {  	_ = 	snop  }
__scs_overlays_trampoline_lowered:
0x8: {  	[smem:$0x3FA4] =	sst s0  }
0x9: {  	[smem:$0x3FA5] =	sst s1  }
0xa: {  	[smem:$0x3FA6] =	sst s2  }
0xb: {  	[smem:$0x3FA7] =	sst s3  }
0xc: {  	[smem:$0x3FA8] =	sst s4  }
0xd: {  	[smem:$0x3FA9] =	sst s5  }
0xe: {  	[smem:$0x3FAA] =	sst s6  }
0xf: {  	[smem:$0x3FAB] =	sst s7  }
0x10: {  	[smem:$0x3FAC] =	sst s8  }
0x11: {  	[smem:$0x3FAD] =	sst s9;
	s0 =	simm.s32 @!p0 $0x0  }
0x12: {  	s1 =	sld [smem:$0x3F93];
	s0 =	simm.s32 @p0 $0x1  }
0x13: {  	[smem:$0x3FAE] =	sst s0;
	s0 =	simm.s32 @!p1 $0x0  }
0x14: {  	s2 =	sld [smem:$0x3F92];
	s0 =	simm.s32 @p1 $0x1  }
0x15: {  	[smem:$0x3FAF] =	sst s0;
	s0 =	simm.s32 @!p2 $0x0  }
0x16: {  	s3 =	sld [smem:$0x3FDB];
	s0 =	simm.s32 @p2 $0x1  }
0x17: {  	s4 =	simm.s32 $0x1BF5;
	[smem:$0x3FB1] =	sst s0  }
0x18: {  	s0 =	sld [smem:$0x3F94];
	_ =	swait.ge [sflag:s4], $0x0  }
0x19: {  	s7 =	sld [smem:$0x3F95]  }
0x1a: {  	s8 =	sadd.s32 $0xFFFFE003, lr  }
0x1b: {  	s9 =	sadd.s32 $0xFFFFFEF7, lr;
	s5 =	simm.s32 $0xFFFFFFFF;
	p2 =	slt.u32 s8, $0xFFFFF086  }
0x1c: {  	p1 =	slt.u32 s9, $0xF7A;
	s5 =	simm.s32 @!p2 $0x0  }
0x1d: {  	s5 =	simm.s32 @p1 $0x1;
	p0 =	seq.s32 s7, s2  }
0x1e: {  	s7 =	smul.u32 @!p0 $0xF7A, s2;
	p2 =	seq.s32 @!p0 s5, $0x0  }
0x1f: {  	s9 =	smul.u32 $0xF7A, s1;
	s8 =	simm.s32 @!p0 $0x1BF5;
	p2 =	por !p2, p0  }
0x20: {  	[sflag:s8] =	ssyncset.s32 @!p0 $0xFFFFF086;
	s6 =	sadd.s32 @!p0 s3, s7;
	s7 =	simm.s32 @!p0 $0x108  }
0x21: {  	s3 =	sadd.s32 s3, s9;
	s6 =	sadd.s32 @!p0 $0x88, s6;
	s7 =	simm.s32 @p2 $0x1082  }
0x22: {  	[simem:s7], [sflag:s8] =	dma.local @!p0 [hbm:s6], $0xF7A  }
0x23: {  	s9 =	sor.u32 $0xD0000000, s2;
	s6 =	simm.s32 $0x108;
	_ =	swait.ge @!p0 [sflag:s8], $0x0  }
0x24: {  	s3 =	sadd.s32 $0x88, s3;
	s6 =	simm.s32 @!p1 $0x1082;
	[sflag:s4] =	ssyncset.s32 $0xFFFFF086  }
0x25: {  	[simem:s6], [sflag:s4] =	dma.local [hbm:s3], $0xF7A  }
0x26: {  	[smem:$0x3F95] =	sst s1;
	(tag) =	ssettag s2;
	_ =	strace s9  }
0x27: {  	s1 =	sld [smem:$0x3FA5]  }
0x28: {  	s2 =	sld [smem:$0x3FA6]  }
0x29: {  	s4 =	sld [smem:$0x3FA8]  }
0x2a: {  	p0 =	seq.s32 s5, $0x0;
	s5 =	sld [smem:$0x3FA9]  }
0x2b: {  	s6 =	sld [smem:$0x3FAA]  }
0x2c: {  	s7 =	sld [smem:$0x3FAB]  }
0x2d: {  	s3 =	simm.s32 $0x108;
	s8 =	sld [smem:$0x3FAC]  }
0x2e: {  	s3 =	simm.s32 @!p0 $0x1082;
	s9 =	sld [smem:$0x3FAD]  }
0x2f: {  	lr =	sadd.s32 s0, s3;
	s0 =	sld [smem:$0x3FA4]  }
0x30: {  	s3 =	sld [smem:$0x3FA7]  }
0x31: {  	[smem:$0x3FB0] =	sst s10  }
0x32: {  	s10 =	sld [smem:$0x3FAE];
	_ =	sdelay $0x3  }
0x33: {  	p0 =	seq.s32 s10, $0x1;
	s10 =	sld [smem:$0x3FB0];
	_ =	sdelay $0x3  }
0x34: {  	[smem:$0x3FB0] =	sst s10  }
0x35: {  	s10 =	sld [smem:$0x3FAF];
	_ =	sdelay $0x3  }
0x36: {  	p1 =	seq.s32 s10, $0x1;
	s10 =	sld [smem:$0x3FB0];
	_ =	sdelay $0x3  }
0x37: {  	[smem:$0x3FB0] =	sst s10  }
0x38: {  	s10 =	sld [smem:$0x3FB1]  }
0x39: {  	_ = 	snop;
	(pc) =	sbr.ind lr, $3  }
0x3a: {  	_ = 	snop  }
0x3b: {  	_ = 	snop  }
0x3c: {  	p2 =	seq.s32 s10, $0x1;
	s10 =	sld [smem:$0x3FB0]  }
0x3d: {  	_ =	shalt  }
0x3e: {  	_ =	shalt  }
0x3f: {  	_ =	shalt  }
0x40: {  	_ =	shalt  }
0x41: {  	_ =	shalt  }
0x42: {  	_ =	shalt  }
0x43: {  	_ =	shalt  }
0x44: {  	_ =	shalt  }
0x45: {  	_ =	shalt  }
0x46: {  	_ =	shalt  }
0x47: {  	_ =	shalt  }
0x48: {  	_ =	shalt  }
0x49: {  	_ =	shalt  }
0x4a: {  	_ =	shalt  }
0x4b: {  	_ =	shalt  }
0x4c: {  	_ =	shalt  }
0x4d: {  	_ =	shalt  }
0x4e: {  	_ =	shalt  }
0x4f: {  	_ =	shalt  }
0x50: {  	_ =	shalt  }
0x51: {  	_ =	shalt  }
0x52: {  	_ =	shalt  }
0x53: {  	_ =	shalt  }
0x54: {  	_ =	shalt  }
0x55: {  	_ =	shalt  }
0x56: {  	_ =	shalt  }
0x57: {  	_ =	shalt  }
0x58: {  	_ =	shalt  }
0x59: {  	_ =	shalt  }
0x5a: {  	_ =	shalt  }
0x5b: {  	_ =	shalt  }
0x5c: {  	_ =	shalt  }
0x5d: {  	_ =	shalt  }
0x5e: {  	_ =	shalt  }
0x5f: {  	_ =	shalt  }
0x60: {  	_ =	shalt  }
0x61: {  	_ =	shalt  }
0x62: {  	_ =	shalt  }
0x63: {  	_ =	shalt  }
0x64: {  	_ =	shalt  }
0x65: {  	_ =	shalt  }
0x66: {  	_ =	shalt  }
0x67: {  	_ =	shalt  }
0x68: {  	_ =	shalt  }
0x69: {  	_ =	shalt  }
0x6a: {  	_ =	shalt  }
0x6b: {  	_ =	shalt  }
0x6c: {  	_ =	shalt  }
0x6d: {  	_ =	shalt  }
0x6e: {  	_ =	shalt  }
0x6f: {  	_ =	shalt  }
0x70: {  	_ =	shalt  }
0x71: {  	_ =	shalt  }
0x72: {  	_ =	shalt  }
0x73: {  	_ =	shalt  }
0x74: {  	_ =	shalt  }
0x75: {  	_ =	shalt  }
0x76: {  	_ =	shalt  }
0x77: {  	_ =	shalt  }
0x78: {  	_ =	shalt  }
0x79: {  	_ =	shalt  }
0x7a: {  	_ =	shalt  }
0x7b: {  	_ =	shalt  }
0x7c: {  	_ =	shalt  }
0x7d: {  	_ =	shalt  }
0x7e: {  	_ =	shalt  }
0x7f: {  	_ =	shalt  }
0x80: {  	_ =	shalt  }
0x81: {  	_ =	shalt  }
0x82: {  	_ =	shalt  }
0x83: {  	_ =	shalt  }
0x84: {  	_ =	shalt  }
0x85: {  	_ =	shalt  }
0x86: {  	_ =	shalt  }
0x87: {  	_ =	shalt  }
.Lfunc_end0:
.L_simem_size_0:
called_computation.5_lowered:
.L_overlay_start_0:
0x88: {  	s2 =	sld [smem:$0x3FD9]  }
0x89: {  	s3 =	sld [smem:$0x3FFE];
	_ =	sdelay $0x1  }
0x8a: {  	s1 =	srdreg.scid  }
0x8b: {  	s0 =	sand.u32 $0x1, s1  }
0x8c: {  	s17 =	sshll.u32 s0, $0xA;
	s2 =	sadd.s32 s3, s2  }
0x8d: {  	s2 =	sadd.s32 s2, s17  }
0x8e: {  	[smem:$0x3FBC] =	sst s2  }
0x8f: {  	_ = 	snop  }
0x90: {  	s2 =	sld [smem:$0x3FD0];
	(tm) =	ssettm $0x1  }
0x91: {  	s18 =	sld [smem:$0x3FFB];
	_ =	sdelay $0x3  }
0x92: {  	_ =	strace s18  }
0x93: {  	s3 =	sld [smem:$0x3FFC];
	_ =	sdelay $0x3  }
0x94: {  	_ =	strace s3  }
0x95: {  	s3 =	sld [smem:$0x3FFD];
	_ =	sdelay $0x3  }
0x96: {  	_ =	strace s3  }
0x97: {  	_ =	strace $0x8FFFFFFF  }
0x98: {  	s19 =	sld [smem:$0x3FDB];
	_ =	sdelay $0x1  }
0x99: {  	s4 =	simm.s32 $_scs_section_size  }
0x9a: {  	s5 =	simm.s32 $_size__tile_overlayer_lowered;
	s6 =	simm.s32 $_tile_overlayer_lowered  }
0x9b: {  	s22 =	simm.s32 $0x1BFF;
	s21 =	sshll.u32 s6, $0x1;
	s3 =	sadd.s32 s4, s19  }
0x9c: {  	s7 =	simm.s32 $0x0;
	s20 =	sshll.u32 s5, $0x1;
	s5 =	sadd.s32 s21, s3  }
0x9d: {  	[timem:s7], [sflag:s22] =	dma.local [hbm:s5], s20  }
0x9e: {  	_ =	swait.ge [sflag:s22], s20  }
0x9f: {  	s4 =	ssub.s32 $0x0, s20;
	[sflag:s22] =	ssyncset.done $0x0  }
0xa0: {  	[sflag:s22] =	ssyncadd.s32 s4;
	_ =	sdelay $0x1  }
0xa1: {  	s23 =	simm.s32 $0x1B8B  }
0xa2: {  	_ =	swait.ge [sflag:s23], $0x1  }
0xa3: {  	[sflag:s23] =	ssyncset.done $0x0  }
0xa4: {  	s25 =	simm.s32 $0x1B8E;
	s24 =	sld [smem:$0x3FFE];
	[sflag:s23] =	ssyncadd.s32 $0xFFFFFFFF  }
0xa5: {  	s26 =	simm.s32 $execute0_lowered;
	[smem:$0x3FD2] =	sst s25  }
0xa6: {  	s5 =	sshll.u32 s26, $0x1;
	_ =	strace $0x80000055;
	[dreg:$0x1] =	wrdreg $0xFFFFFFFF  }
0xa7: {  	s28 =	simm.s32 $_size_execute0_lowered;
	s3 =	sadd.s32 s3, s5;
	[dreg:$0x0] =	wrdreg $0x0  }
0xa8: {  	s5 =	sshll.u32 s28, $0x1;
	[dreg:$0x2] =	wrdreg s3  }
0xa9: {  	[dreg:$0x3] =	wrdreg s5  }
0xaa: {  	[dreg:$0x4] =	wrdreg $0xC0  }
0xab: {  	_ =	task [dreg:s7], $0x5FFFF  }
0xac: {  	[dreg:$0x1] =	wrdreg $0xFFFFFFFF  }
0xad: {  	[dreg:$0x0] =	wrdreg $0x60  }
0xae: {  	[dreg:$0x2] =	wrdreg s2  }
0xaf: {  	[dreg:$0x3] =	wrdreg s24  }
0xb0: {  	[dreg:$0x4] =	wrdreg $0x0  }
0xb1: {  	[dreg:$0x5] =	wrdreg $0x9  }
0xb2: {  	_ =	task.clear_ibuf [dreg:s7], $0x6FFFF;
	_ =	strace $0x90000055  }
0xb3: {  	s29 =	simm.s32 $0x9;
	_ =	strace $0x80000057  }
0xb4: {  	_ =	swait.ge [sflag:s29], $0x1  }
0xb5: {  	[sflag:s29] =	ssyncadd.s32 $0xFFFFFFFF  }
0xb6: {  	_ =	strace $0x90000057  }
0xb7: {  	_ =	sfence  }
0xb8: {  	s30 =	sld [smem:$0x0];
	_ =	sdelay $0x2  }
0xb9: {  	s31 =	sshll.u32 s1, $0xD;
	s1 =	sshrl.u32 s1, $0x2  }
0xba: {  	s3 =	sand.u32 $0x4000, s31;
	s1 =	sadd.s32 s1, s30  }
0xbb: {  	s0 =	sor.u32 s3, s0;
	s1 =	sshll.u32 s1, $0x11  }
0xbc: {  	s0 =	sor.u32 s1, s0  }
0xbd: {  	s0 =	sadd.s32 $0x8F2B, s0  }
0xbe: {  	[sflag:s0] =	ssyncadd.remote.s32 $0x1  }
0xbf: {  	_ =	sfence.sel $0xFFFF  }
0xc0: {  	[dreg:$0x0] =	wrdreg $0xFFFFFFFF;
	(pc) =	sbr.abs _section_cstart, $3  }
0xc1: {  	[dreg:$0x1] =	wrdreg $0xFFFFFFFF  }
0xc2: {  	_ =	task.clear_ibuf [dreg:s7], $0x2FFFF;
	_ =	strace $0x9FFFFFFF  }
0xc3: {  	(tm) =	ssettm $0x7FFFFFFF  }
tec
execute0_lowered:
.L_overlay_start_1:
0x0: {  	(tag) =	ssettag $0x1  }
0x1: {  	s1 =	rddreg [dreg:$0x0]  }
0x2: {  	s0 =	srdreg.scid;
	s2 =	rddreg [dreg:$0x1]  }
0x3: {  	s11 =	stileid.u32;
	s3 =	rddreg [dreg:$0x2];
	s0 =	sand.u32 $0x1, s0  }
0x4: {  	s29 =	simm.s32 $0x13880;
	s9 =	smul.u32 $0x4E000, s11;
	s4 =	sshll.u32 s0, $0x4  }
0x5: {  	s24 =	smul.u32 $0x13800, s11;
	s7 =	ssub.s32 $0x2, s0;
	s5 =	sor.u32 s11, s4  }
0x6: {  	s4 =	simm.s32 $0x0;
	s8 =	sshrl.u32 s7, $0x1;
	s5 =	smul.u32 $0x2710, s5  }
0x7: {  	s18 =	smul.u32 $0x2710, s11;
	[smem:$0x7FF] =	sst s4;
	s7 =	ssub.s32 s7, s8  }
0x8: {  	s15 =	smax.u32 s7, $0x1;
	s6 =	sshrl.u32 s5, $0x3;
	s5 =	sand.u32 $0x70, s5  }
0x9: {  	_ =	strace $0x80000056;
	[dreg:$0xd] =	wrdreg s15;
	s10 =	sor.u32 $0x13880, s5  }
0xa: {  	p0 =	sne.s32 s11, $0xF;
	s25 =	sadd.s32 $0x138A8, s5;
	[dreg:$0x6] =	wrdreg s10  }
0xb: {  	s0 =	smul.u32 $0x138800, s0;
	s26 =	sadd.s32 $0x138D0, s5;
	[dreg:$0x7] =	wrdreg s25  }
0xc: {  	s23 =	sshrl.u32 s9, $0x2;
	s12 =	sadd.s32 $0x138F8, s5;
	[dreg:$0x8] =	wrdreg s26  }
0xd: {  	s14 =	sadd.s32 s24, s3;
	s13 =	sadd.s32 $0x13920, s5;
	[dreg:$0x9] =	wrdreg s12  }
0xe: {  	s28 =	sadd.s32 s24, s0;
	s19 =	sadd.s32 $0x18648, s5;
	[dreg:$0xa] =	wrdreg s13  }
0xf: {  	s0 =	sshrl.u32 s0, $0x3;
	s20 =	sadd.s32 $0x18670, s5;
	[dreg:$0x10] =	wrdreg s19  }
0x10: {  	s15 =	simm.s32 $0x19B80;
	s21 =	sadd.s32 $0x18698, s5;
	[dreg:$0x11] =	wrdreg s20  }
0x11: {  	s6 =	sand.u32 $0xFFF0, s6;
	s22 =	sadd.s32 $0x186C0, s5;
	[dreg:$0x12] =	wrdreg s21  }
0x12: {  	s5 =	sadd.s32 $0x186E8, s5;
	s6 =	sadd.s32 s6, s2;
	[dreg:$0x13] =	wrdreg s22  }
0x13: {  	s2 =	sadd.s32 $0x18400, s2;
	s10 =	sshrl.u32 s28, $0x3;
	[dreg:$0x14] =	wrdreg s5  }
0x14: {  	s12 =	simm.s32 $0x6;
	s13 =	simm.s32 $0x18780;
	s19 =	simm.s32 $0x1  }
0x15: {  	s20 =	simm.s32 $0x2;
	s21 =	simm.s32 $0x3;
	s6 =	sadd.s32 $0x4A00, s6  }
0x16: {  	s22 =	simm.s32 $0x4;
	s10 =	sadd.s32 s2, s10;
	[dreg:$0x4] =	wrdreg s6  }
0x17: {  	s0 =	sadd.s32 s2, s0;
	s6 =	sadd.s32 s23, s3;
	[dreg:$0xb] =	wrdreg s10  }
0x18: {  	s0 =	sadd.s32 $0x27000, s0;
	s23 =	sshrl.u32 s14, $0x3;
	s14 =	simm.s32 $0x28  }
0x19: {  	s8 =	sadd.s32 $0x12C00, s6;
	[dreg:$0xc] =	wrdreg s0;
	s16 =	sadd.s32 $0x1400, s6  }
0x1a: {  	s17 =	sadd.s32 $0x2800, s6;
	s0 =	sand.u32 $0x70, s18;
	[dreg:$0x15] =	wrdreg s23  }
0x1b: {  	s25 =	sadd.s32 $0x3C00, s6;
	s26 =	sadd.s32 $0x5000, s6;
	s28 =	sadd.s32 $0x6400, s6  }
0x1c: {  	s30 =	sadd.s32 $0x7800, s6;
	s31 =	sadd.s32 $0x8C00, s6;
	[dreg:$0x5] =	wrdreg s8  }
0x1d: {  	s2 =	sadd.s32 $0xA000, s6;
	s5 =	sadd.s32 $0xC800, s6;
	[dreg:$0xe] =	wrdreg s16  }
0x1e: {  	s7 =	sadd.s32 $0xDC00, s6;
	s9 =	sadd.s32 $0xF000, s6;
	[dreg:$0xf] =	wrdreg s17  }
0x1f: {  	s10 =	sadd.s32 $0x10400, s6;
	s11 =	sadd.s32 $0x11800, s6;
	[dreg:$0x16] =	wrdreg s25  }
0x20: {  	s18 =	simm.s32 $0x1D780;
	s23 =	simm.s32 $0x5;
	[dreg:$0x17] =	wrdreg s26  }
0x21: {  	s8 =	sadd.s32 $0x138000, s3;
	s24 =	sor.u32 $0x13880, s0;
	[dreg:$0x18] =	wrdreg s28  }
0x22: {  	v0 =	vimm.f32 $0.0e+00;
	s0 =	sadd.s32 $0xB400, s6;
	s16 =	simm.s32 $0x1AF80;
	s17 =	simm.s32 $0x1C380  }
.LBB2_1:
0x23: {  	s25 =	rddreg [dreg:$0x4];
	s26 =	simm.s32 $0x2780;
	s28 =	simm.s32 $0x4E200  }
0x24: {  	[tilespmem:s29], [sflag:$0x6] =	stream.strided.gather [hbm4b:s25+s26], $0x4F00, s28, s26, $0x38;
	[tilespmem:$0x1EB80] =	vst v63  }
0x25: {  	_ =	swait.ge [sflag:s12], $0x4F00  }
0x26: {  	[sflag:s12] =	ssyncset.done $0x0  }
0x27: {  	s25 =	simm.s32 $0x0;
	s26 =	simm.s32 $0x200;
	[sflag:s12] =	ssyncadd.s32 $0xFFFFB100  }
.LBB2_2:
0x28: {  	p1 =	sne.s32 s26, $0x4E00;
	[tilespmem:s25+$0x187F0] =	vst v0  }
0x29: {  	[tilespmem:s25+$0x18780] =	vst v0  }
0x2a: {  	[tilespmem:s25+$0x18790] =	vst v0  }
.Ltmp0:
0x2b: {  	[tilespmem:s25+$0x187A0] =	vst v0;
	(pc) =	sbr.rel @p1 .LBB2_2-.Ltmp0, $4  }
0x2c: {  	[tilespmem:s25+$0x187B0] =	vst v0  }
0x2d: {  	[tilespmem:s25+$0x187C0] =	vst v0  }
0x2e: {  	[tilespmem:s25+$0x187D0] =	vst v0  }
0x2f: {  	[tilespmem:s25+$0x187E0] =	vst v0;
	s25 =	sshra.s32 s26, $0x2;
	s26 =	sadd.s32 $0x200, s26  }
0x30: {  	[tilespmem:s25+$0x187F0] =	vst v0  }
0x31: {  	[tilespmem:s25+$0x18780] =	vst v0  }
0x32: {  	[tilespmem:s25+$0x18790] =	vst v0  }
0x33: {  	[tilespmem:s25+$0x187A0] =	vst v0  }
0x34: {  	[tilespmem:s25+$0x187B0] =	vst v0  }
0x35: {  	[tilespmem:s25+$0x187C0] =	vst v0  }
0x36: {  	[tilespmem:s25+$0x187D0] =	vst v0  }
0x37: {  	[tilespmem:s25+$0x187E0] =	vst v0  }
0x38: {  	[spmem:s6] =	stream.linear.scatter [tilespmem:s13], [sflag:$0x6], $0x1400, $0x38;
	[tilespmem:$0x1EB80] =	vst v63  }
0x39: {  	_ =	swait.ge [sflag:s12], $0x1400  }
0x3a: {  	[sflag:s12] =	ssyncset.done $0x0  }
0x3b: {  	s26 =	rddreg [dreg:$0xe];
	[sflag:s12] =	ssyncadd.s32 $0xFFFFEC00  }
0x3c: {  	[spmem:s26] =	stream.linear.scatter [tilespmem:s13], [sflag:$0x6], $0x1400, $0x38;
	[tilespmem:$0x1EB80] =	vst v63  }
0x3d: {  	_ =	swait.ge [sflag:s12], $0x1400  }
0x3e: {  	[sflag:s12] =	ssyncset.done $0x0  }
0x3f: {  	s28 =	rddreg [dreg:$0xf];
	[sflag:s12] =	ssyncadd.s32 $0xFFFFEC00  }
0x40: {  	[spmem:s28] =	stream.linear.scatter [tilespmem:s13], [sflag:$0x6], $0x1400, $0x38;
	[tilespmem:$0x1EB80] =	vst v63  }
0x41: {  	_ =	swait.ge [sflag:s12], $0x1400  }
0x42: {  	[sflag:s12] =	ssyncset.done $0x0  }
0x43: {  	s26 =	rddreg [dreg:$0x16];
	[sflag:s12] =	ssyncadd.s32 $0xFFFFEC00  }
0x44: {  	[spmem:s26] =	stream.linear.scatter [tilespmem:s13], [sflag:$0x6], $0x1400, $0x38;
	[tilespmem:$0x1EB80] =	vst v63  }
0x45: {  	_ =	swait.ge [sflag:s12], $0x1400  }
0x46: {  	[sflag:s12] =	ssyncset.done $0x0  }
0x47: {  	s28 =	rddreg [dreg:$0x17];
	[sflag:s12] =	ssyncadd.s32 $0xFFFFEC00  }
0x48: {  	[spmem:s28] =	stream.linear.scatter [tilespmem:s13], [sflag:$0x6], $0x1400, $0x38;
	[tilespmem:$0x1EB80] =	vst v63  }
0x49: {  	_ =	swait.ge [sflag:s12], $0x1400  }
0x4a: {  	[sflag:s12] =	ssyncset.done $0x0  }
0x4b: {  	s26 =	rddreg [dreg:$0x18];
	[sflag:s12] =	ssyncadd.s32 $0xFFFFEC00  }
0x4c: {  	[spmem:s26] =	stream.linear.scatter [tilespmem:s13], [sflag:$0x6], $0x1400, $0x38;
	[tilespmem:$0x1EB80] =	vst v63  }
0x4d: {  	_ =	swait.ge [sflag:s12], $0x1400  }
0x4e: {  	[sflag:s12] =	ssyncset.done $0x0  }
0x4f: {  	[sflag:s12] =	ssyncadd.s32 $0xFFFFEC00  }
0x50: {  	[spmem:s30] =	stream.linear.scatter [tilespmem:s13], [sflag:$0x6], $0x1400, $0x38;
	[tilespmem:$0x1EB80] =	vst v63  }
0x51: {  	_ =	swait.ge [sflag:s12], $0x1400  }
0x52: {  	[sflag:s12] =	ssyncset.done $0x0  }
0x53: {  	[sflag:s12] =	ssyncadd.s32 $0xFFFFEC00  }
0x54: {  	[spmem:s31] =	stream.linear.scatter [tilespmem:s13], [sflag:$0x6], $0x1400, $0x38;
	[tilespmem:$0x1EB80] =	vst v63  }
0x55: {  	_ =	swait.ge [sflag:s12], $0x1400  }
0x56: {  	[sflag:s12] =	ssyncset.done $0x0  }
0x57: {  	[sflag:s12] =	ssyncadd.s32 $0xFFFFEC00  }
0x58: {  	[spmem:s2] =	stream.linear.scatter [tilespmem:s13], [sflag:$0x6], $0x1400, $0x38;
	[tilespmem:$0x1EB80] =	vst v63  }
0x59: {  	_ =	swait.ge [sflag:s12], $0x1400  }
0x5a: {  	[sflag:s12] =	ssyncset.done $0x0  }
0x5b: {  	[sflag:s12] =	ssyncadd.s32 $0xFFFFEC00  }
0x5c: {  	[spmem:s0] =	stream.linear.scatter [tilespmem:s13], [sflag:$0x6], $0x1400, $0x38;
	[tilespmem:$0x1EB80] =	vst v63  }
0x5d: {  	_ =	swait.ge [sflag:s12], $0x1400  }
0x5e: {  	[sflag:s12] =	ssyncset.done $0x0  }
0x5f: {  	[sflag:s12] =	ssyncadd.s32 $0xFFFFEC00  }
0x60: {  	[spmem:s5] =	stream.linear.scatter [tilespmem:s13], [sflag:$0x6], $0x1400, $0x38;
	[tilespmem:$0x1EB80] =	vst v63  }
0x61: {  	_ =	swait.ge [sflag:s12], $0x1400  }
0x62: {  	[sflag:s12] =	ssyncset.done $0x0  }
0x63: {  	[sflag:s12] =	ssyncadd.s32 $0xFFFFEC00  }
0x64: {  	[spmem:s7] =	stream.linear.scatter [tilespmem:s13], [sflag:$0x6], $0x1400, $0x38;
	[tilespmem:$0x1EB80] =	vst v63  }
0x65: {  	_ =	swait.ge [sflag:s12], $0x1400  }
0x66: {  	[sflag:s12] =	ssyncset.done $0x0  }
0x67: {  	[sflag:s12] =	ssyncadd.s32 $0xFFFFEC00  }
0x68: {  	[spmem:s9] =	stream.linear.scatter [tilespmem:s13], [sflag:$0x6], $0x1400, $0x38;
	[tilespmem:$0x1EB80] =	vst v63  }
0x69: {  	_ =	swait.ge [sflag:s12], $0x1400  }
0x6a: {  	[sflag:s12] =	ssyncset.done $0x0  }
0x6b: {  	[sflag:s12] =	ssyncadd.s32 $0xFFFFEC00  }
0x6c: {  	[spmem:s10] =	stream.linear.scatter [tilespmem:s13], [sflag:$0x6], $0x1400, $0x38;
	[tilespmem:$0x1EB80] =	vst v63  }
0x6d: {  	_ =	swait.ge [sflag:s12], $0x1400  }
0x6e: {  	[sflag:s12] =	ssyncset.done $0x0  }
0x6f: {  	[sflag:s12] =	ssyncadd.s32 $0xFFFFEC00  }
0x70: {  	[spmem:s11] =	stream.linear.scatter [tilespmem:s13], [sflag:$0x6], $0x1400, $0x38;
	[tilespmem:$0x1EB80] =	vst v63  }
0x71: {  	_ =	swait.ge [sflag:s12], $0x1400  }
0x72: {  	[sflag:s12] =	ssyncset.done $0x0  }
0x73: {  	s28 =	rddreg [dreg:$0x5];
	[sflag:s12] =	ssyncadd.s32 $0xFFFFEC00  }
0x74: {  	[spmem:s28] =	stream.linear.scatter [tilespmem:s13], [sflag:$0x6], $0xC00, $0x38;
	[tilespmem:$0x1EB80] =	vst v63  }
0x75: {  	_ =	swait.ge [sflag:s12], $0xC00  }
0x76: {  	[sflag:s12] =	ssyncset.done $0x0  }
0x77: {  	s25 =	simm.s32 @!p0 $0x18780;
	[sflag:s12] =	ssyncadd.s32 $0xFFFFF400  }
0x78: {  	[spmem:s8] =	stream.linear.scatter @!p0 [tilespmem:s25], [sflag:$0x6], $0x800, $0x38;
	[tilespmem:$0x1EB80] =	vst v63  }
0x79: {  	s25 =	simm.s32 @!p0 $0x6  }
0x7a: {  	_ =	swait.ge @!p0 [sflag:s25], $0x800  }
0x7b: {  	[sflag:s25] =	ssyncset.done @!p0 $0x0  }
0x7c: {  	s26 =	rddreg [dreg:$0x6];
	[sflag:s25] =	ssyncadd.s32 @!p0 $0xFFFFF800  }
0x7d: {  	[tilespmem:s13], [sflag:$0x1] =	stream.indirect.gather [hbm4b:s1+s14], $0x80, s26, s14, $0xb8;
	[tilespmem:$0x1EB80] =	vst v63  }
0x7e: {  	s28 =	rddreg [dreg:$0x7]  }
0x7f: {  	[tilespmem:s15], [sflag:$0x2] =	stream.indirect.gather [hbm4b:s1+s14], $0x80, s28, s14, $0xb8;
	[tilespmem:$0x1EB80] =	vst v63  }
0x80: {  	s26 =	rddreg [dreg:$0x8]  }
0x81: {  	[tilespmem:s16], [sflag:$0x3] =	stream.indirect.gather [hbm4b:s1+s14], $0x80, s26, s14, $0xb8;
	[tilespmem:$0x1EB80] =	vst v63  }
0x82: {  	s28 =	rddreg [dreg:$0x9]  }
0x83: {  	[tilespmem:s17], [sflag:$0x4] =	stream.indirect.gather [hbm4b:s1+s14], $0x80, s28, s14, $0xb8;
	[tilespmem:$0x1EB80] =	vst v63  }
0x84: {  	s26 =	rddreg [dreg:$0xa]  }
0x85: {  	[tilespmem:s18], [sflag:$0x5] =	stream.indirect.gather [hbm4b:s1+s14], $0x80, s26, s14, $0xb8;
	[tilespmem:$0x1EB80] =	vst v63  }
0x86: {  	[bflag:$0x0] =	sbarrier.arrive $0xFFFF  }
0x87: {  	_ =	swait.ge [sflag:s19], $0x1400  }
0x88: {  	s26 =	sadd.s32 $0x0, s24;
	[sflag:s19] =	ssyncset.done $0x0  }
0x89: {  	s28 =	sadd.s32 $0x2780, s26;
	[sflag:s19] =	ssyncadd.s32 $0xFFFFEC00  }
0x8a: {  	[spmem:s3] =	stream.indirect.scatter.add.f32 [tilespmem:s13], [sflag:$0x6], $0x80, s28, s14, $0xb8;
	[tilespmem:$0x1EB80] =	vst v63  }
0x8b: {  	_ =	swait.ge [sflag:s12], $0x1400  }
0x8c: {  	[sflag:s12] =	ssyncset.done $0x0  }
0x8d: {  	s28 =	sadd.s32 $0xC8, s26;
	[sflag:s12] =	ssyncadd.s32 $0xFFFFEC00  }
0x8e: {  	[tilespmem:s13], [sflag:$0x1] =	stream.indirect.gather [hbm4b:s1+s14], $0x80, s28, s14, $0xb8;
	[tilespmem:$0x1EB80] =	vst v63  }
0x8f: {  	_ =	swait.ge [sflag:s20], $0x1400  }
0x90: {  	[sflag:s20] =	ssyncset.done $0x0  }
0x91: {  	s28 =	sadd.s32 $0x27A8, s26;
	[sflag:s20] =	ssyncadd.s32 $0xFFFFEC00  }
0x92: {  	[spmem:s3] =	stream.indirect.scatter.add.f32 [tilespmem:s15], [sflag:$0x6], $0x80, s28, s14, $0xb8;
	[tilespmem:$0x1EB80] =	vst v63  }
0x93: {  	_ =	swait.ge [sflag:s12], $0x1400  }
0x94: {  	[sflag:s12] =	ssyncset.done $0x0  }
0x95: {  	s28 =	sadd.s32 $0xF0, s26;
	[sflag:s12] =	ssyncadd.s32 $0xFFFFEC00  }
0x96: {  	[tilespmem:s15], [sflag:$0x2] =	stream.indirect.gather [hbm4b:s1+s14], $0x80, s28, s14, $0xb8;
	[tilespmem:$0x1EB80] =	vst v63  }
0x97: {  	_ =	swait.ge [sflag:s21], $0x1400  }
0x98: {  	[sflag:s21] =	ssyncset.done $0x0  }
0x99: {  	s28 =	sadd.s32 $0x27D0, s26;
	[sflag:s21] =	ssyncadd.s32 $0xFFFFEC00  }
0x9a: {  	[spmem:s3] =	stream.indirect.scatter.add.f32 [tilespmem:s16], [sflag:$0x6], $0x80, s28, s14, $0xb8;
	[tilespmem:$0x1EB80] =	vst v63  }
0x9b: {  	_ =	swait.ge [sflag:s12], $0x1400  }
0x9c: {  	[sflag:s12] =	ssyncset.done $0x0  }
0x9d: {  	s28 =	sadd.s32 $0x118, s26;
	[sflag:s12] =	ssyncadd.s32 $0xFFFFEC00  }
0x9e: {  	[tilespmem:s16], [sflag:$0x3] =	stream.indirect.gather [hbm4b:s1+s14], $0x80, s28, s14, $0xb8;
	[tilespmem:$0x1EB80] =	vst v63  }
0x9f: {  	_ =	swait.ge [sflag:s22], $0x1400  }
0xa0: {  	[sflag:s22] =	ssyncset.done $0x0  }
0xa1: {  	s28 =	sadd.s32 $0x27F8, s26;
	[sflag:s22] =	ssyncadd.s32 $0xFFFFEC00  }
0xa2: {  	[spmem:s3] =	stream.indirect.scatter.add.f32 [tilespmem:s17], [sflag:$0x6], $0x80, s28, s14, $0xb8;
	[tilespmem:$0x1EB80] =	vst v63  }
0xa3: {  	_ =	swait.ge [sflag:s12], $0x1400  }
0xa4: {  	[sflag:s12] =	ssyncset.done $0x0  }
0xa5: {  	s28 =	sadd.s32 $0x140, s26;
	[sflag:s12] =	ssyncadd.s32 $0xFFFFEC00  }
0xa6: {  	[tilespmem:s17], [sflag:$0x4] =	stream.indirect.gather [hbm4b:s1+s14], $0x80, s28, s14, $0xb8;
	[tilespmem:$0x1EB80] =	vst v63  }
0xa7: {  	_ =	swait.ge [sflag:s23], $0x1400  }
0xa8: {  	[sflag:s23] =	ssyncset.done $0x0  }
0xa9: {  	s28 =	sadd.s32 $0x2820, s26;
	[sflag:s23] =	ssyncadd.s32 $0xFFFFEC00  }
0xaa: {  	[spmem:s3] =	stream.indirect.scatter.add.f32 [tilespmem:s18], [sflag:$0x6], $0x80, s28, s14, $0xb8;
	[tilespmem:$0x1EB80] =	vst v63  }
0xab: {  	_ =	swait.ge [sflag:s12], $0x1400  }
0xac: {  	[sflag:s12] =	ssyncset.done $0x0  }
0xad: {  	s25 =	simm.s32 $0x320;
	s26 =	sadd.s32 $0x168, s26;
	[sflag:s12] =	ssyncadd.s32 $0xFFFFEC00  }
.LBB2_4:
0xae: {  	[tilespmem:s18], [sflag:$0x5] =	stream.indirect.gather [hbm4b:s1+s14], $0x80, s26, s14, $0xb8;
	[tilespmem:$0x1EB80] =	vst v63  }
0xaf: {  	s26 =	sshra.s32 s25, $0x2;
	p1 =	sne.s32 s25, $0x9600;
	_ =	swait.ge [sflag:s19], $0x1400  }
0xb0: {  	s25 =	sadd.s32 $0x320, s25;
	s26 =	sadd.s32 s26, s24;
	[sflag:s19] =	ssyncset.done $0x0  }
0xb1: {  	s28 =	sadd.s32 $0x2780, s26;
	[sflag:s19] =	ssyncadd.s32 $0xFFFFEC00  }
0xb2: {  	[spmem:s3] =	stream.indirect.scatter.add.f32 [tilespmem:s13], [sflag:$0x6], $0x80, s28, s14, $0xb8;
	[tilespmem:$0x1EB80] =	vst v63  }
0xb3: {  	_ =	swait.ge [sflag:s12], $0x1400  }
0xb4: {  	[sflag:s12] =	ssyncset.done $0x0  }
0xb5: {  	s28 =	sadd.s32 $0xC8, s26;
	[sflag:s12] =	ssyncadd.s32 $0xFFFFEC00  }
0xb6: {  	[tilespmem:s13], [sflag:$0x1] =	stream.indirect.gather [hbm4b:s1+s14], $0x80, s28, s14, $0xb8;
	[tilespmem:$0x1EB80] =	vst v63  }
0xb7: {  	_ =	swait.ge [sflag:s20], $0x1400  }
0xb8: {  	[sflag:s20] =	ssyncset.done $0x0  }
0xb9: {  	s28 =	sadd.s32 $0x27A8, s26;
	[sflag:s20] =	ssyncadd.s32 $0xFFFFEC00  }
0xba: {  	[spmem:s3] =	stream.indirect.scatter.add.f32 [tilespmem:s15], [sflag:$0x6], $0x80, s28, s14, $0xb8;
	[tilespmem:$0x1EB80] =	vst v63  }
0xbb: {  	_ =	swait.ge [sflag:s12], $0x1400  }
0xbc: {  	[sflag:s12] =	ssyncset.done $0x0  }
0xbd: {  	s28 =	sadd.s32 $0xF0, s26;
	[sflag:s12] =	ssyncadd.s32 $0xFFFFEC00  }
0xbe: {  	[tilespmem:s15], [sflag:$0x2] =	stream.indirect.gather [hbm4b:s1+s14], $0x80, s28, s14, $0xb8;
	[tilespmem:$0x1EB80] =	vst v63  }
0xbf: {  	_ =	swait.ge [sflag:s21], $0x1400  }
0xc0: {  	[sflag:s21] =	ssyncset.done $0x0  }
0xc1: {  	s28 =	sadd.s32 $0x27D0, s26;
	[sflag:s21] =	ssyncadd.s32 $0xFFFFEC00  }
0xc2: {  	[spmem:s3] =	stream.indirect.scatter.add.f32 [tilespmem:s16], [sflag:$0x6], $0x80, s28, s14, $0xb8;
	[tilespmem:$0x1EB80] =	vst v63  }
0xc3: {  	_ =	swait.ge [sflag:s12], $0x1400  }
0xc4: {  	[sflag:s12] =	ssyncset.done $0x0  }
0xc5: {  	s28 =	sadd.s32 $0x118, s26;
	[sflag:s12] =	ssyncadd.s32 $0xFFFFEC00  }
0xc6: {  	[tilespmem:s16], [sflag:$0x3] =	stream.indirect.gather [hbm4b:s1+s14], $0x80, s28, s14, $0xb8;
	[tilespmem:$0x1EB80] =	vst v63  }
0xc7: {  	_ =	swait.ge [sflag:s22], $0x1400  }
0xc8: {  	[sflag:s22] =	ssyncset.done $0x0  }
0xc9: {  	s28 =	sadd.s32 $0x27F8, s26;
	[sflag:s22] =	ssyncadd.s32 $0xFFFFEC00  }
0xca: {  	[spmem:s3] =	stream.indirect.scatter.add.f32 [tilespmem:s17], [sflag:$0x6], $0x80, s28, s14, $0xb8;
	[tilespmem:$0x1EB80] =	vst v63  }
0xcb: {  	_ =	swait.ge [sflag:s12], $0x1400  }
0xcc: {  	[sflag:s12] =	ssyncset.done $0x0  }
0xcd: {  	s28 =	sadd.s32 $0x140, s26;
	[sflag:s12] =	ssyncadd.s32 $0xFFFFEC00  }
0xce: {  	[tilespmem:s17], [sflag:$0x4] =	stream.indirect.gather [hbm4b:s1+s14], $0x80, s28, s14, $0xb8;
	[tilespmem:$0x1EB80] =	vst v63  }
0xcf: {  	_ =	swait.ge [sflag:s23], $0x1400  }
0xd0: {  	[sflag:s23] =	ssyncset.done $0x0  }
.Ltmp1:
0xd1: {  	s28 =	sadd.s32 $0x2820, s26;
	[sflag:s23] =	ssyncadd.s32 $0xFFFFEC00;
	(pc) =	sbr.rel @p1 .LBB2_4-.Ltmp1, $4  }
0xd2: {  	[spmem:s3] =	stream.indirect.scatter.add.f32 [tilespmem:s18], [sflag:$0x6], $0x80, s28, s14, $0xb8;
	[tilespmem:$0x1EB80] =	vst v63  }
0xd3: {  	_ =	swait.ge [sflag:s12], $0x1400  }
0xd4: {  	[sflag:s12] =	ssyncset.done $0x0  }
0xd5: {  	s26 =	sadd.s32 $0x168, s26;
	[sflag:s12] =	ssyncadd.s32 $0xFFFFEC00  }
0xd6: {  	[tilespmem:s18], [sflag:$0x5] =	stream.indirect.gather [hbm4b:s1+s14], $0x80, s26, s14, $0xb8;
	[tilespmem:$0x1EB80] =	vst v63  }
0xd7: {  	_ =	swait.ge [sflag:s19], $0x1400  }
0xd8: {  	[sflag:s19] =	ssyncset.done $0x0  }
0xd9: {  	s25 =	rddreg [dreg:$0x10];
	[sflag:s19] =	ssyncadd.s32 $0xFFFFEC00  }
0xda: {  	[spmem:s3] =	stream.indirect.scatter.add.f32 [tilespmem:s13], [sflag:$0x6], $0x80, s25, s14, $0xb8;
	[tilespmem:$0x1EB80] =	vst v63  }
0xdb: {  	_ =	swait.ge [sflag:s12], $0x1400  }
0xdc: {  	[sflag:s12] =	ssyncset.done $0x0  }
0xdd: {  	[sflag:s12] =	ssyncadd.s32 $0xFFFFEC00  }
0xde: {  	_ =	swait.ge [sflag:s20], $0x1400  }
0xdf: {  	[sflag:s20] =	ssyncset.done $0x0  }
0xe0: {  	s26 =	rddreg [dreg:$0x11];
	[sflag:s20] =	ssyncadd.s32 $0xFFFFEC00  }
0xe1: {  	[spmem:s3] =	stream.indirect.scatter.add.f32 [tilespmem:s15], [sflag:$0x6], $0x80, s26, s14, $0xb8;
	[tilespmem:$0x1EB80] =	vst v63  }
0xe2: {  	_ =	swait.ge [sflag:s12], $0x1400  }
0xe3: {  	[sflag:s12] =	ssyncset.done $0x0  }
0xe4: {  	[sflag:s12] =	ssyncadd.s32 $0xFFFFEC00  }
0xe5: {  	_ =	swait.ge [sflag:s21], $0x1400  }
0xe6: {  	[sflag:s21] =	ssyncset.done $0x0  }
0xe7: {  	s28 =	rddreg [dreg:$0x12];
	[sflag:s21] =	ssyncadd.s32 $0xFFFFEC00  }
0xe8: {  	[spmem:s3] =	stream.indirect.scatter.add.f32 [tilespmem:s16], [sflag:$0x6], $0x80, s28, s14, $0xb8;
	[tilespmem:$0x1EB80] =	vst v63  }
0xe9: {  	_ =	swait.ge [sflag:s12], $0x1400  }
0xea: {  	[sflag:s12] =	ssyncset.done $0x0  }
0xeb: {  	[sflag:s12] =	ssyncadd.s32 $0xFFFFEC00  }
0xec: {  	_ =	swait.ge [sflag:s22], $0x1400  }
0xed: {  	[sflag:s22] =	ssyncset.done $0x0  }
0xee: {  	s26 =	rddreg [dreg:$0x13];
	[sflag:s22] =	ssyncadd.s32 $0xFFFFEC00  }
0xef: {  	[spmem:s3] =	stream.indirect.scatter.add.f32 [tilespmem:s17], [sflag:$0x6], $0x80, s26, s14, $0xb8;
	[tilespmem:$0x1EB80] =	vst v63  }
0xf0: {  	_ =	swait.ge [sflag:s12], $0x1400  }
0xf1: {  	[sflag:s12] =	ssyncset.done $0x0  }
0xf2: {  	[sflag:s12] =	ssyncadd.s32 $0xFFFFEC00  }
0xf3: {  	_ =	swait.ge [sflag:s23], $0x1400  }
0xf4: {  	[sflag:s23] =	ssyncset.done $0x0  }
0xf5: {  	s28 =	rddreg [dreg:$0x14];
	[sflag:s23] =	ssyncadd.s32 $0xFFFFEC00  }
0xf6: {  	[spmem:s3] =	stream.indirect.scatter.add.f32 [tilespmem:s18], [sflag:$0x6], $0x80, s28, s14, $0xb8;
	[tilespmem:$0x1EB80] =	vst v63  }
0xf7: {  	_ =	swait.ge [sflag:s12], $0x1400  }
0xf8: {  	[sflag:s12] =	ssyncset.done $0x0  }
0xf9: {  	[sflag:s12] =	ssyncadd.s32 $0xFFFFEC00  }
0xfa: {  	s26 =	stileid.u32;
	[bflag:$0x0] =	sbarrier.arrive $0xFFFF  }
0xfb: {  	s25 =	sshll.u32 s26, $0x6;
	s26 =	rddreg [dreg:$0xb]  }
0xfc: {  	s25 =	sor.u32 $0x1C06, s25;
	s28 =	rddreg [dreg:$0x15]  }
0xfd: {  	[hbm:s26], [sflag:s25] =	dma.local [spmem:s28], $0x2700  }
0xfe: {  	_ =	swait.ge [sflag:s12], $0x2700  }
0xff: {  	[sflag:s12] =	ssyncset.done $0x0  }
0x100: {  	s26 =	sshrl.u32 @!p0 s8, $0x3;
	s28 =	rddreg [dreg:$0xc];
	[sflag:s12] =	ssyncadd.s32 $0xFFFFD900  }
0x101: {  	[hbm:s28], [sflag:s25] =	dma.local @!p0 [spmem:s26], $0x100  }
0x102: {  	s25 =	simm.s32 @!p0 $0x6  }
0x103: {  	_ =	swait.ge @!p0 [sflag:s25], $0x100  }
0x104: {  	s4 =	sadd.s32 $0x1, s4;
	s28 =	rddreg [dreg:$0xd]  }
0x105: {  	p1 =	sne.s32 s4, s28  }
.Ltmp2:
0x106: {  	_ = 	snop;
	(pc) =	sbr.rel @p1 .LBB2_1-.Ltmp2, $3  }
0x107: {  	_ =	sdelay $0x1  }
0x108: {  	[sflag:s25] =	ssyncset.done @!p0 $0x0  }
0x109: {  	[sflag:s25] =	ssyncadd.s32 @!p0 $0xFFFFFF00  }
0x10a: {  	_ =	sfence.sel $0x180000  }
0x10b: {  	[bflag:$0x0] =	sbarrier.arrive $0xFFFF  }
0x10c: {  	_ =	strace $0x90000056  }
0x10d: {  	s0 =	stileid.u32;
	[bflag:$0x2] =	sbarrier.arrive $0xFFFF  }
0x10e: {  	p0 =	sne.s32 s0, $0x0;
	s0 =	rddreg [dreg:$0x3]  }
0x10f: {  	s0 =	sadd.s32 @!p0 $0x100000, s0  }
0x110: {  	[sflag:s0] =	ssyncadd.tile.s32 @!p0 $0x1;
	_ =	shalt  }
.Lfunc_end2:
_tile_overlayer_lowered:
.L_overlay_start_2:
0x111: {  	(tag) =	ssettag $0x2  }
0x112: {  	s0 =	rddreg [dreg:$0x0];
	s2 =	stileid.u32  }
0x113: {  	s1 =	rddreg [dreg:$0x1];
	p0 =	sne.s32 s2, $0x0  }
0x114: {  	s3 =	rddreg [dreg:$0x2];
	[bflag:$0x3] =	sbarrier.arrive $0xFFFF;
	s2 =	simm.s32 @!p0 $0x1C06  }
0x115: {  	[timem:s3], [sflag:s2] =	dma.local @!p0 [hbm:s0], s1  }
0x116: {  	s0 =	simm.s32 @!p0 $0x6  }
0x117: {  	_ =	swait.ge @!p0 [sflag:s0], s1  }
0x118: {  	s1 =	ssub.s32 @!p0 $0x0, s1;
	[sflag:s0] =	ssyncset.done @!p0 $0x0  }
0x119: {  	[sflag:s0] =	ssyncadd.s32 @!p0 s1  }
0x11a: {  	[bflag:$0x3] =	sbarrier.arrive $0xFFFF  }
0x11b: {  	_ =	shalt  }

</sc_bundles>
